<compile_context>
chip_gen: v7x
topology: tpu7x:2x2x1
jax: 0.10.2.dev20260603
libtpu: 0.0.44.dev20260713+nightly
codegen_flags: <defaults>
</compile_context>

<pallas_src>
import functools
import jax
import jax.numpy as jnp
from jax import lax
from jax.experimental import pallas as pl
from jax.experimental.pallas import tpu as pltpu
from jax.experimental.pallas import tpu_sc as plsc

NUM_TOKENS = 8192
NUM_EXPERTS = 64
CAPACITY = 160
BLK = 256
TPW = 256


def _sc_metadata(x_hbm, e_hbm, w_hbm, xv, ev, wv):
    wid = lax.axis_index("s") * 2 + lax.axis_index("c")
    base = wid * TPW
    pltpu.sync_copy(x_hbm.at[pl.ds(base * NUM_EXPERTS, TPW * NUM_EXPERTS)], xv)
    lane = lax.iota(jnp.int32, 16)

    perms = [
        jnp.bitwise_xor(lane, jnp.int32(sh)) for sh in (8, 4, 2, 1)
    ]

    def _bfly(v, op):
        for p in perms:
            v = op(v, v.at[p].get(mode="promise_in_bounds"))
        return v

    def group(g):
        acc_e = jnp.zeros((16,), jnp.int32)
        acc_w = jnp.zeros((16,), jnp.float32)
        for j in range(16):
            t = g * 16 + j
            off = t * NUM_EXPERTS
            c0 = xv[pl.ds(off, 16)]
            c1 = xv[pl.ds(off + 16, 16)]
            c2 = xv[pl.ds(off + 32, 16)]
            c3 = xv[pl.ds(off + 48, 16)]
            vmax = jnp.maximum(jnp.maximum(c0, c1), jnp.maximum(c2, c3))
            msp = _bfly(vmax, jnp.maximum)
            big = jnp.broadcast_to(jnp.int32(NUM_EXPERTS), (16,))
            cands = [
                jnp.where(c == msp, lane + 16 * k, big)
                for k, c in enumerate((c0, c1, c2, c3))
            ]
            vmin = jnp.minimum(
                jnp.minimum(cands[0], cands[1]), jnp.minimum(cands[2], cands[3])
            )
            esp = _bfly(vmin, jnp.minimum)
            ssum = (
                jnp.exp(c0 - msp)
                + jnp.exp(c1 - msp)
                + jnp.exp(c2 - msp)
                + jnp.exp(c3 - msp)
            )
            wsp = 1.0 / _bfly(ssum, jnp.add)
            sel = lane == j
            acc_e = jnp.where(sel, esp, acc_e)
            acc_w = jnp.where(sel, wsp, acc_w)
        ev[pl.ds(g * 16, 16)] = acc_e
        wv[pl.ds(g * 16, 16)] = acc_w

    pl.loop(0, 16)(group)
    pltpu.sync_copy(ev, e_hbm.at[pl.ds(base, TPW)])
    pltpu.sync_copy(wv, w_hbm.at[pl.ds(base, TPW)])


def _sc_call(x_flat):
    mesh = plsc.VectorSubcoreMesh(core_axis_name="c", subcore_axis_name="s")
    k = functools.partial(
        pl.kernel,
        mesh=mesh,
        out_type=[
            jax.ShapeDtypeStruct((NUM_TOKENS,), jnp.int32),
            jax.ShapeDtypeStruct((NUM_TOKENS,), jnp.float32),
        ],
        scratch_types=[
            pltpu.VMEM((TPW * NUM_EXPERTS,), jnp.float32),
            pltpu.VMEM((TPW,), jnp.int32),
            pltpu.VMEM((TPW,), jnp.float32),
        ],
    )(_sc_metadata)
    return k(x_flat)


def _tc_expand(e_ref, w_ref, combine_ref, aoh_ref, boh_ref, cnt_ref):
    step = pl.program_id(0)

    @pl.when(step == 0)
    def _():
        cnt_ref[...] = jnp.zeros_like(cnt_ref)

    e_row = e_ref[0]
    w_row = w_ref[0]

    e_iota = lax.broadcasted_iota(jnp.int32, (NUM_EXPERTS, BLK), 0)
    oh_msk = e_iota == e_row
    oh = oh_msk.astype(jnp.float32)

    r_iota = lax.broadcasted_iota(jnp.int32, (BLK, BLK), 0)
    c_iota = lax.broadcasted_iota(jnp.int32, (BLK, BLK), 1)
    triu = (r_iota < c_iota).astype(jnp.float32)
    ranks_excl = jnp.dot(oh, triu, preferred_element_type=jnp.float32)

    r_all = cnt_ref[...] + ranks_excl
    r_row = jnp.sum(oh * r_all, axis=0, keepdims=True)
    cnt_ref[...] = cnt_ref[...] + jnp.sum(oh, axis=1, keepdims=True)

    a_mat = oh * w_row
    cap_iota = lax.broadcasted_iota(jnp.int32, (CAPACITY, BLK), 0)
    b_msk = cap_iota == r_row.astype(jnp.int32)
    b_mat = b_msk.astype(jnp.float32)

    combine_ref[...] = a_mat[:, None, :] * b_mat[None, :, :]
    aoh_ref[...] = oh_msk.astype(jnp.int8)
    boh_ref[...] = b_msk.astype(jnp.int8)


def kernel(inputs):
    grid = NUM_TOKENS // BLK
    x_flat = inputs.astype(jnp.float32).reshape(-1)
    e_arr, w_arr = _sc_call(x_flat)
    e3 = e_arr.reshape(grid, 1, BLK)
    w3 = w_arr.reshape(grid, 1, BLK)
    combine_t, aoh_t, boh_t = pl.pallas_call(
        _tc_expand,
        grid=(grid,),
        in_specs=[
            pl.BlockSpec((1, 1, BLK), lambda i: (i, 0, 0)),
            pl.BlockSpec((1, 1, BLK), lambda i: (i, 0, 0)),
        ],
        out_specs=[
            pl.BlockSpec((NUM_EXPERTS, CAPACITY, BLK), lambda i: (0, 0, i)),
            pl.BlockSpec((NUM_EXPERTS, BLK), lambda i: (0, i)),
            pl.BlockSpec((CAPACITY, BLK), lambda i: (0, i)),
        ],
        out_shape=[
            jax.ShapeDtypeStruct((NUM_EXPERTS, CAPACITY, NUM_TOKENS), jnp.float32),
            jax.ShapeDtypeStruct((NUM_EXPERTS, NUM_TOKENS), jnp.int8),
            jax.ShapeDtypeStruct((CAPACITY, NUM_TOKENS), jnp.int8),
        ],
        scratch_shapes=[pltpu.VMEM((NUM_EXPERTS, 1), jnp.float32)],
    )(e3, w3)
    combine = jnp.transpose(combine_t, (2, 0, 1))
    a_bool = jnp.transpose(aoh_t, (1, 0)).view(jnp.bool_)
    b_bool = jnp.transpose(boh_t, (1, 0)).view(jnp.bool_)
    sec = a_bool[:, :, None] & b_bool[:, None, :]
    return (combine, sec)

# --- scband reference (transcript-rebuilt; emitter-appended) ---
"""Pipeline reference for scband-top1-router-71571335020916 (READ-ONLY COPY).

The authoritative reference and input builder live on the scoring server;
editing this copy changes nothing except your own understanding.
"""

import jax, jax.numpy as jnp
import numpy as np
import math

NUM_TOKENS = 8192
NUM_EXPERTS = 64
CAPACITY_FACTOR_TRAIN = 1.25
MIN_CAPACITY = 4

def get_capacity(num_tokens, num_experts):
    capacity = math.floor(CAPACITY_FACTOR_TRAIN * num_tokens / num_experts)
    capacity += capacity % 2
    capacity = max(capacity, MIN_CAPACITY)
    assert capacity > 0
    return capacity

def setup_inputs(seed: int = 0) -> dict:
    key = jax.random.key(seed)
    inputs = jax.random.normal(key, (NUM_TOKENS, NUM_EXPERTS), dtype=jnp.float32)
    return {"inputs": inputs}

def reference(inputs):
    # auto_cast_softmax: softmax in float32
    logits = jax.nn.softmax(inputs.astype(jnp.float32), axis=-1)
    num_experts = logits.shape[-1]
    num_tokens = logits.shape[-2]
    capacity = get_capacity(num_tokens, num_experts)  # = 160 here
    top1_idx = jnp.argmax(inputs, axis=-1)
    mask = jax.nn.one_hot(top1_idx, num_experts, dtype=jnp.int32)
    # training branch: aux load-balancing loss (side effect via ep_context.add_loss;
    # computed here for faithfulness but not returned, matching torch output)
    me = jnp.mean(logits, axis=0)
    ce = jnp.mean(mask.astype(jnp.float32), axis=0)
    l_aux = num_experts * jnp.sum(me * ce)
    del l_aux
    # select_policy == 'first'
    ranks = jnp.cumsum(mask, axis=0) - 1  # cum_sum_d0_minus_one
    mask = mask * (ranks < capacity).astype(jnp.int32)
    ranks = jnp.sum(mask * ranks, axis=-1)
    # non-kernel-optim path
    ranks_oh = jax.nn.one_hot(ranks, capacity, dtype=jnp.float32)
    weight = mask.astype(inputs.dtype) * logits.astype(inputs.dtype)
    combine_weights = weight[:, :, None] * ranks_oh[:, None, :]
    sec_mask = combine_weights.astype(bool)
    return (combine_weights, sec_mask)

if __name__ == "__main__":
    import jax
    _d = setup_inputs()
    print(jax.jit(kernel)(*tuple(_d.values())))

</pallas_src>

<mosaic_0001>
#map = affine_map<(d0, d1) -> (0)>
module attributes {stable_mosaic.version = 14 : i64} {
  func.func @_sc_metadata(%arg0: i32, %arg1: i32, %arg2: memref<524288xf32, #tpu.memory_space<hbm>>, %arg3: memref<8192xi32, #tpu.memory_space<hbm>>, %arg4: memref<8192xf32, #tpu.memory_space<hbm>>, %arg5: memref<16384xf32, #tpu.memory_space<vmem>>, %arg6: memref<256xi32, #tpu.memory_space<vmem>>, %arg7: memref<256xf32, #tpu.memory_space<vmem>>) attributes {dimension_semantics = [#tpu.dimension_semantics<core_parallel>, #tpu.dimension_semantics<subcore_parallel>], iteration_bounds = array<i64: 2, 16>, scalar_prefetch = 0 : i64, scratch_operands = 3 : i64, tpu.core_type = #tpu.core_type<sc_vector_subcore>, window_params = [{transform_indices = #map}, {transform_indices = #map}, {transform_indices = #map}]} {
    %mul3A = arith.constant 2 : i32
    %mul3A_0 = arith.muli %arg1, %mul3A : i32
    %add3A = arith.addi %mul3A_0, %arg0 : i32
    %mul3A_1 = arith.constant 256 : i32
    %mul3A_2 = arith.muli %add3A, %mul3A_1 : i32
    %mul3A_3 = arith.constant 64 : i32
    %mul3A_4 = arith.muli %mul3A_2, %mul3A_3 : i32
    "tpu.region"() ({
      %run_scoped3A = tpu.sem_alloc : memref<!tpu.dma_semaphore, #tpu.memory_space<semaphore_mem>>
      %dma_start3A = tpu.memref_slice %arg2[%mul3A_4] : memref<524288xf32, #tpu.memory_space<hbm>> -> memref<16384xf32, #tpu.memory_space<hbm>>
      %dma_start3A_20 = tpu.memref_slice %arg2[%mul3A_4] : memref<524288xf32, #tpu.memory_space<hbm>> -> memref<16384xf32, #tpu.memory_space<hbm>>
      tpu.enqueue_dma source(%dma_start3A_20 : memref<16384xf32, #tpu.memory_space<hbm>>) target(%arg5 : memref<16384xf32, #tpu.memory_space<vmem>>) target_semaphore(%run_scoped3A : memref<!tpu.dma_semaphore, #tpu.memory_space<semaphore_mem>>)
      %dma_wait3A = tpu.memref_slice %arg2[%mul3A_4] : memref<524288xf32, #tpu.memory_space<hbm>> -> memref<16384xf32, #tpu.memory_space<hbm>>
      %dma_wait3A_21 = tpu.memref_slice %arg2[%mul3A_4] : memref<524288xf32, #tpu.memory_space<hbm>> -> memref<16384xf32, #tpu.memory_space<hbm>>
      tpu.wait_dma2 semaphore(%run_scoped3A : memref<!tpu.dma_semaphore, #tpu.memory_space<semaphore_mem>>) src(%dma_wait3A_21 : memref<16384xf32, #tpu.memory_space<hbm>>) dst(%arg5 : memref<16384xf32, #tpu.memory_space<vmem>>)
      tpu.yield
    }) : () -> ()
    %iota3A = tpu.iota {dimensions = array<i32: 0>} : vector<16xi32>
    %xor3A = arith.constant 8 : i32
    %xor3A_5 = vector.broadcast %xor3A : i32 to vector<16xi32>
    %xor3A_6 = arith.xori %iota3A, %xor3A_5 : vector<16xi32>
    %xor3A_7 = arith.constant 4 : i32
    %xor3A_8 = vector.broadcast %xor3A_7 : i32 to vector<16xi32>
    %xor3A_9 = arith.xori %iota3A, %xor3A_8 : vector<16xi32>
    %xor3A_10 = arith.constant 2 : i32
    %xor3A_11 = vector.broadcast %xor3A_10 : i32 to vector<16xi32>
    %xor3A_12 = arith.xori %iota3A, %xor3A_11 : vector<16xi32>
    %xor3A_13 = arith.constant 1 : i32
    %xor3A_14 = vector.broadcast %xor3A_13 : i32 to vector<16xi32>
    %xor3A_15 = arith.xori %iota3A, %xor3A_14 : vector<16xi32>
    %scan3A = arith.constant 0 : i32
    %scan3A_16 = arith.constant 16 : i32
    %scan3A_17 = arith.addi %scan3A, %scan3A_16 : i32
    %scan3A_18 = arith.constant 1 : i32
    scf.for %scan3A_20 = %scan3A to %scan3A_17 step %scan3A_18  : i32 {
      %mul3A_21 = arith.constant 1 : i32
      %mul3A_22 = arith.muli %scan3A_20, %mul3A_21 : i32
      %add3A_23 = arith.constant 0 : i32
      %add3A_24 = arith.addi %add3A_23, %mul3A_22 : i32
      %broadcast_in_dim3A = arith.constant 0 : i32
      %broadcast_in_dim3A_25 = vector.broadcast %broadcast_in_dim3A : i32 to vector<16xi32>
      %broadcast_in_dim3A_26 = arith.constant 0.000000e+00 : f32
      %broadcast_in_dim3A_27 = vector.broadcast %broadcast_in_dim3A_26 : f32 to vector<16xf32>
      %mul3A_28 = arith.constant 16 : i32
      %mul3A_29 = arith.muli %add3A_24, %mul3A_28 : i32
      %add3A_30 = arith.constant 0 : i32
      %add3A_31 = arith.addi %mul3A_29, %add3A_30 : i32
      %mul3A_32 = arith.constant 64 : i32
      %mul3A_33 = arith.muli %add3A_31, %mul3A_32 : i32
      %get3A = arith.index_cast %mul3A_33 : i32 to index
      %get3A_34 = tpu.vector_load %arg5[%get3A] {strides = array<i32>} : memref<16384xf32, #tpu.memory_space<vmem>>, vector<16xf32>,
      %get3A_35 = vector.shape_cast %get3A_34 : vector<16xf32> to vector<16xf32>
      %add3A_36 = arith.constant 16 : i32
      %add3A_37 = arith.addi %mul3A_33, %add3A_36 : i32
      %get3A_38 = arith.index_cast %add3A_37 : i32 to index
      %get3A_39 = tpu.vector_load %arg5[%get3A_38] {strides = array<i32>} : memref<16384xf32, #tpu.memory_space<vmem>>, vector<16xf32>,
      %get3A_40 = vector.shape_cast %get3A_39 : vector<16xf32> to vector<16xf32>
      %add3A_41 = arith.constant 32 : i32
      %add3A_42 = arith.addi %mul3A_33, %add3A_41 : i32
      %get3A_43 = arith.index_cast %add3A_42 : i32 to index
      %get3A_44 = tpu.vector_load %arg5[%get3A_43] {strides = array<i32>} : memref<16384xf32, #tpu.memory_space<vmem>>, vector<16xf32>,
      %get3A_45 = vector.shape_cast %get3A_44 : vector<16xf32> to vector<16xf32>
      %add3A_46 = arith.constant 48 : i32
      %add3A_47 = arith.addi %mul3A_33, %add3A_46 : i32
      %get3A_48 = arith.index_cast %add3A_47 : i32 to index
      %get3A_49 = tpu.vector_load %arg5[%get3A_48] {strides = array<i32>} : memref<16384xf32, #tpu.memory_space<vmem>>, vector<16xf32>,
      %get3A_50 = vector.shape_cast %get3A_49 : vector<16xf32> to vector<16xf32>
      %max3A = arith.maximumf %get3A_35, %get3A_40 : vector<16xf32>
      %max3A_51 = arith.maximumf %get3A_45, %get3A_50 : vector<16xf32>
      %max3A_52 = arith.maximumf %max3A, %max3A_51 : vector<16xf32>
      %lt3A = arith.constant 0 : i32
      %lt3A_53 = vector.broadcast %lt3A : i32 to vector<16xi32>
      %lt3A_54 = arith.cmpi slt, %xor3A_6, %lt3A_53 : vector<16xi32>
      %add3A_55 = arith.constant 16 : i32
      %add3A_56 = vector.broadcast %add3A_55 : i32 to vector<16xi32>
      %add3A_57 = arith.addi %xor3A_6, %add3A_56 : vector<16xi32>
      %select_n3A = arith.select %lt3A_54, %add3A_57, %xor3A_6 : vector<16xi1>, vector<16xi32>
      %broadcast_in_dim3A_58 = vector.shape_cast %select_n3A : vector<16xi32> to vector<16x1xi32>
      %gather3A = vector.shape_cast %broadcast_in_dim3A_58 : vector<16x1xi32> to vector<16xi32>
      %gather3A_59 = tpu.dynamic_gather %max3A_52[%gather3A] in [0] : vector<16xf32>, vector<16xi32> -> vector<16xf32>
      %max3A_60 = arith.maximumf %max3A_52, %gather3A_59 : vector<16xf32>
      %lt3A_61 = arith.constant 0 : i32
      %lt3A_62 = vector.broadcast %lt3A_61 : i32 to vector<16xi32>
      %lt3A_63 = arith.cmpi slt, %xor3A_9, %lt3A_62 : vector<16xi32>
      %add3A_64 = arith.constant 16 : i32
      %add3A_65 = vector.broadcast %add3A_64 : i32 to vector<16xi32>
      %add3A_66 = arith.addi %xor3A_9, %add3A_65 : vector<16xi32>
      %select_n3A_67 = arith.select %lt3A_63, %add3A_66, %xor3A_9 : vector<16xi1>, vector<16xi32>
      %broadcast_in_dim3A_68 = vector.shape_cast %select_n3A_67 : vector<16xi32> to vector<16x1xi32>
      %gather3A_69 = vector.shape_cast %broadcast_in_dim3A_68 : vector<16x1xi32> to vector<16xi32>
      %gather3A_70 = tpu.dynamic_gather %max3A_60[%gather3A_69] in [0] : vector<16xf32>, vector<16xi32> -> vector<16xf32>
      %max3A_71 = arith.maximumf %max3A_60, %gather3A_70 : vector<16xf32>
      %lt3A_72 = arith.constant 0 : i32
      %lt3A_73 = vector.broadcast %lt3A_72 : i32 to vector<16xi32>
      %lt3A_74 = arith.cmpi slt, %xor3A_12, %lt3A_73 : vector<16xi32>
      %add3A_75 = arith.constant 16 : i32
      %add3A_76 = vector.broadcast %add3A_75 : i32 to vector<16xi32>
      %add3A_77 = arith.addi %xor3A_12, %add3A_76 : vector<16xi32>
      %select_n3A_78 = arith.select %lt3A_74, %add3A_77, %xor3A_12 : vector<16xi1>, vector<16xi32>
      %broadcast_in_dim3A_79 = vector.shape_cast %select_n3A_78 : vector<16xi32> to vector<16x1xi32>
      %gather3A_80 = vector.shape_cast %broadcast_in_dim3A_79 : vector<16x1xi32> to vector<16xi32>
      %gather3A_81 = tpu.dynamic_gather %max3A_71[%gather3A_80] in [0] : vector<16xf32>, vector<16xi32> -> vector<16xf32>
      %max3A_82 = arith.maximumf %max3A_71, %gather3A_81 : vector<16xf32>
      %lt3A_83 = arith.constant 0 : i32
      %lt3A_84 = vector.broadcast %lt3A_83 : i32 to vector<16xi32>
      %lt3A_85 = arith.cmpi slt, %xor3A_15, %lt3A_84 : vector<16xi32>
      %add3A_86 = arith.constant 16 : i32
      %add3A_87 = vector.broadcast %add3A_86 : i32 to vector<16xi32>
      %add3A_88 = arith.addi %xor3A_15, %add3A_87 : vector<16xi32>
      %select_n3A_89 = arith.select %lt3A_85, %add3A_88, %xor3A_15 : vector<16xi1>, vector<16xi32>
      %broadcast_in_dim3A_90 = vector.shape_cast %select_n3A_89 : vector<16xi32> to vector<16x1xi32>
      %gather3A_91 = vector.shape_cast %broadcast_in_dim3A_90 : vector<16x1xi32> to vector<16xi32>
      %gather3A_92 = tpu.dynamic_gather %max3A_82[%gather3A_91] in [0] : vector<16xf32>, vector<16xi32> -> vector<16xf32>
      %max3A_93 = arith.maximumf %max3A_82, %gather3A_92 : vector<16xf32>
      %broadcast_in_dim3A_94 = arith.constant 64 : i32
      %broadcast_in_dim3A_95 = vector.broadcast %broadcast_in_dim3A_94 : i32 to vector<16xi32>
      %eq3A = arith.cmpf oeq, %get3A_35, %max3A_93 : vector<16xf32>
      %add3A_96 = arith.constant 0 : i32
      %add3A_97 = vector.broadcast %add3A_96 : i32 to vector<16xi32>
      %add3A_98 = arith.addi %iota3A, %add3A_97 : vector<16xi32>
      %select_n3A_99 = arith.select %eq3A, %add3A_98, %broadcast_in_dim3A_95 : vector<16xi1>, vector<16xi32>
      %eq3A_100 = arith.cmpf oeq, %get3A_40, %max3A_93 : vector<16xf32>
      %add3A_101 = arith.constant 16 : i32
      %add3A_102 = vector.broadcast %add3A_101 : i32 to vector<16xi32>
      %add3A_103 = arith.addi %iota3A, %add3A_102 : vector<16xi32>
      %select_n3A_104 = arith.select %eq3A_100, %add3A_103, %broadcast_in_dim3A_95 : vector<16xi1>, vector<16xi32>
      %eq3A_105 = arith.cmpf oeq, %get3A_45, %max3A_93 : vector<16xf32>
      %add3A_106 = arith.constant 32 : i32
      %add3A_107 = vector.broadcast %add3A_106 : i32 to vector<16xi32>
      %add3A_108 = arith.addi %iota3A, %add3A_107 : vector<16xi32>
      %select_n3A_109 = arith.select %eq3A_105, %add3A_108, %broadcast_in_dim3A_95 : vector<16xi1>, vector<16xi32>
      %eq3A_110 = arith.cmpf oeq, %get3A_50, %max3A_93 : vector<16xf32>
      %add3A_111 = arith.constant 48 : i32
      %add3A_112 = vector.broadcast %add3A_111 : i32 to vector<16xi32>
      %add3A_113 = arith.addi %iota3A, %add3A_112 : vector<16xi32>
      %select_n3A_114 = arith.select %eq3A_110, %add3A_113, %broadcast_in_dim3A_95 : vector<16xi1>, vector<16xi32>
      %min3A = arith.minsi %select_n3A_99, %select_n3A_104 : vector<16xi32>
      %min3A_115 = arith.minsi %select_n3A_109, %select_n3A_114 : vector<16xi32>
      %min3A_116 = arith.minsi %min3A, %min3A_115 : vector<16xi32>
      %lt3A_117 = arith.constant 0 : i32
      %lt3A_118 = vector.broadcast %lt3A_117 : i32 to vector<16xi32>
      %lt3A_119 = arith.cmpi slt, %xor3A_6, %lt3A_118 : vector<16xi32>
      %add3A_120 = arith.constant 16 : i32
      %add3A_121 = vector.broadcast %add3A_120 : i32 to vector<16xi32>
      %add3A_122 = arith.addi %xor3A_6, %add3A_121 : vector<16xi32>
      %select_n3A_123 = arith.select %lt3A_119, %add3A_122, %xor3A_6 : vector<16xi1>, vector<16xi32>
      %broadcast_in_dim3A_124 = vector.shape_cast %select_n3A_123 : vector<16xi32> to vector<16x1xi32>
      %gather3A_125 = vector.shape_cast %broadcast_in_dim3A_124 : vector<16x1xi32> to vector<16xi32>
      %gather3A_126 = tpu.dynamic_gather %min3A_116[%gather3A_125] in [0] : vector<16xi32>, vector<16xi32> -> vector<16xi32>
      %min3A_127 = arith.minsi %min3A_116, %gather3A_126 : vector<16xi32>
      %lt3A_128 = arith.constant 0 : i32
      %lt3A_129 = vector.broadcast %lt3A_128 : i32 to vector<16xi32>
      %lt3A_130 = arith.cmpi slt, %xor3A_9, %lt3A_129 : vector<16xi32>
      %add3A_131 = arith.constant 16 : i32
      %add3A_132 = vector.broadcast %add3A_131 : i32 to vector<16xi32>
      %add3A_133 = arith.addi %xor3A_9, %add3A_132 : vector<16xi32>
      %select_n3A_134 = arith.select %lt3A_130, %add3A_133, %xor3A_9 : vector<16xi1>, vector<16xi32>
      %broadcast_in_dim3A_135 = vector.shape_cast %select_n3A_134 : vector<16xi32> to vector<16x1xi32>
      %gather3A_136 = vector.shape_cast %broadcast_in_dim3A_135 : vector<16x1xi32> to vector<16xi32>
      %gather3A_137 = tpu.dynamic_gather %min3A_127[%gather3A_136] in [0] : vector<16xi32>, vector<16xi32> -> vector<16xi32>
      %min3A_138 = arith.minsi %min3A_127, %gather3A_137 : vector<16xi32>
      %lt3A_139 = arith.constant 0 : i32
      %lt3A_140 = vector.broadcast %lt3A_139 : i32 to vector<16xi32>
      %lt3A_141 = arith.cmpi slt, %xor3A_12, %lt3A_140 : vector<16xi32>
      %add3A_142 = arith.constant 16 : i32
      %add3A_143 = vector.broadcast %add3A_142 : i32 to vector<16xi32>
      %add3A_144 = arith.addi %xor3A_12, %add3A_143 : vector<16xi32>
      %select_n3A_145 = arith.select %lt3A_141, %add3A_144, %xor3A_12 : vector<16xi1>, vector<16xi32>
      %broadcast_in_dim3A_146 = vector.shape_cast %select_n3A_145 : vector<16xi32> to vector<16x1xi32>
      %gather3A_147 = vector.shape_cast %broadcast_in_dim3A_146 : vector<16x1xi32> to vector<16xi32>
      %gather3A_148 = tpu.dynamic_gather %min3A_138[%gather3A_147] in [0] : vector<16xi32>, vector<16xi32> -> vector<16xi32>
      %min3A_149 = arith.minsi %min3A_138, %gather3A_148 : vector<16xi32>
      %lt3A_150 = arith.constant 0 : i32
      %lt3A_151 = vector.broadcast %lt3A_150 : i32 to vector<16xi32>
      %lt3A_152 = arith.cmpi slt, %xor3A_15, %lt3A_151 : vector<16xi32>
      %add3A_153 = arith.constant 16 : i32
      %add3A_154 = vector.broadcast %add3A_153 : i32 to vector<16xi32>
      %add3A_155 = arith.addi %xor3A_15, %add3A_154 : vector<16xi32>
      %select_n3A_156 = arith.select %lt3A_152, %add3A_155, %xor3A_15 : vector<16xi1>, vector<16xi32>
      %broadcast_in_dim3A_157 = vector.shape_cast %select_n3A_156 : vector<16xi32> to vector<16x1xi32>
      %gather3A_158 = vector.shape_cast %broadcast_in_dim3A_157 : vector<16x1xi32> to vector<16xi32>
      %gather3A_159 = tpu.dynamic_gather %min3A_149[%gather3A_158] in [0] : vector<16xi32>, vector<16xi32> -> vector<16xi32>
      %min3A_160 = arith.minsi %min3A_149, %gather3A_159 : vector<16xi32>
      %sub3A = arith.subf %get3A_35, %max3A_93 : vector<16xf32>
      %exp3A = math.exp %sub3A : vector<16xf32>
      %sub3A_161 = arith.subf %get3A_40, %max3A_93 : vector<16xf32>
      %exp3A_162 = math.exp %sub3A_161 : vector<16xf32>
      %add3A_163 = arith.addf %exp3A, %exp3A_162 : vector<16xf32>
      %sub3A_164 = arith.subf %get3A_45, %max3A_93 : vector<16xf32>
      %exp3A_165 = math.exp %sub3A_164 : vector<16xf32>
      %add3A_166 = arith.addf %add3A_163, %exp3A_165 : vector<16xf32>
      %sub3A_167 = arith.subf %get3A_50, %max3A_93 : vector<16xf32>
      %exp3A_168 = math.exp %sub3A_167 : vector<16xf32>
      %add3A_169 = arith.addf %add3A_166, %exp3A_168 : vector<16xf32>
      %lt3A_170 = arith.constant 0 : i32
      %lt3A_171 = vector.broadcast %lt3A_170 : i32 to vector<16xi32>
      %lt3A_172 = arith.cmpi slt, %xor3A_6, %lt3A_171 : vector<16xi32>
      %add3A_173 = arith.constant 16 : i32
      %add3A_174 = vector.broadcast %add3A_173 : i32 to vector<16xi32>
      %add3A_175 = arith.addi %xor3A_6, %add3A_174 : vector<16xi32>
      %select_n3A_176 = arith.select %lt3A_172, %add3A_175, %xor3A_6 : vector<16xi1>, vector<16xi32>
      %broadcast_in_dim3A_177 = vector.shape_cast %select_n3A_176 : vector<16xi32> to vector<16x1xi32>
      %gather3A_178 = vector.shape_cast %broadcast_in_dim3A_177 : vector<16x1xi32> to vector<16xi32>
      %gather3A_179 = tpu.dynamic_gather %add3A_169[%gather3A_178] in [0] : vector<16xf32>, vector<16xi32> -> vector<16xf32>
      %add3A_180 = arith.addf %add3A_169, %gather3A_179 : vector<16xf32>
      %lt3A_181 = arith.constant 0 : i32
      %lt3A_182 = vector.broadcast %lt3A_181 : i32 to vector<16xi32>
      %lt3A_183 = arith.cmpi slt, %xor3A_9, %lt3A_182 : vector<16xi32>
      %add3A_184 = arith.constant 16 : i32
      %add3A_185 = vector.broadcast %add3A_184 : i32 to vector<16xi32>
      %add3A_186 = arith.addi %xor3A_9, %add3A_185 : vector<16xi32>
      %select_n3A_187 = arith.select %lt3A_183, %add3A_186, %xor3A_9 : vector<16xi1>, vector<16xi32>
      %broadcast_in_dim3A_188 = vector.shape_cast %select_n3A_187 : vector<16xi32> to vector<16x1xi32>
      %gather3A_189 = vector.shape_cast %broadcast_in_dim3A_188 : vector<16x1xi32> to vector<16xi32>
      %gather3A_190 = tpu.dynamic_gather %add3A_180[%gather3A_189] in [0] : vector<16xf32>, vector<16xi32> -> vector<16xf32>
      %add3A_191 = arith.addf %add3A_180, %gather3A_190 : vector<16xf32>
      %lt3A_192 = arith.constant 0 : i32
      %lt3A_193 = vector.broadcast %lt3A_192 : i32 to vector<16xi32>
      %lt3A_194 = arith.cmpi slt, %xor3A_12, %lt3A_193 : vector<16xi32>
      %add3A_195 = arith.constant 16 : i32
      %add3A_196 = vector.broadcast %add3A_195 : i32 to vector<16xi32>
      %add3A_197 = arith.addi %xor3A_12, %add3A_196 : vector<16xi32>
      %select_n3A_198 = arith.select %lt3A_194, %add3A_197, %xor3A_12 : vector<16xi1>, vector<16xi32>
      %broadcast_in_dim3A_199 = vector.shape_cast %select_n3A_198 : vector<16xi32> to vector<16x1xi32>
      %gather3A_200 = vector.shape_cast %broadcast_in_dim3A_199 : vector<16x1xi32> to vector<16xi32>
      %gather3A_201 = tpu.dynamic_gather %add3A_191[%gather3A_200] in [0] : vector<16xf32>, vector<16xi32> -> vector<16xf32>
      %add3A_202 = arith.addf %add3A_191, %gather3A_201 : vector<16xf32>
      %lt3A_203 = arith.constant 0 : i32
      %lt3A_204 = vector.broadcast %lt3A_203 : i32 to vector<16xi32>
      %lt3A_205 = arith.cmpi slt, %xor3A_15, %lt3A_204 : vector<16xi32>
      %add3A_206 = arith.constant 16 : i32
      %add3A_207 = vector.broadcast %add3A_206 : i32 to vector<16xi32>
      %add3A_208 = arith.addi %xor3A_15, %add3A_207 : vector<16xi32>
      %select_n3A_209 = arith.select %lt3A_205, %add3A_208, %xor3A_15 : vector<16xi1>, vector<16xi32>
      %broadcast_in_dim3A_210 = vector.shape_cast %select_n3A_209 : vector<16xi32> to vector<16x1xi32>
      %gather3A_211 = vector.shape_cast %broadcast_in_dim3A_210 : vector<16x1xi32> to vector<16xi32>
      %gather3A_212 = tpu.dynamic_gather %add3A_202[%gather3A_211] in [0] : vector<16xf32>, vector<16xi32> -> vector<16xf32>
      %add3A_213 = arith.addf %add3A_202, %gather3A_212 : vector<16xf32>
      %div3A = arith.constant 1.000000e+00 : f32
      %div3A_214 = vector.broadcast %div3A : f32 to vector<16xf32>
      %div3A_215 = arith.divf %div3A_214, %add3A_213 : vector<16xf32>
      %eq3A_216 = arith.constant 0 : i32
      %eq3A_217 = vector.broadcast %eq3A_216 : i32 to vector<16xi32>
      %eq3A_218 = arith.cmpi eq, %iota3A, %eq3A_217 : vector<16xi32>
      %select_n3A_219 = arith.select %eq3A_218, %min3A_160, %broadcast_in_dim3A_25 : vector<16xi1>, vector<16xi32>
      %select_n3A_220 = arith.select %eq3A_218, %div3A_215, %broadcast_in_dim3A_27 : vector<16xi1>, vector<16xf32>
      %mul3A_221 = arith.constant 16 : i32
      %mul3A_222 = arith.muli %add3A_24, %mul3A_221 : i32
      %add3A_223 = arith.constant 1 : i32
      %add3A_224 = arith.addi %mul3A_222, %add3A_223 : i32
      %mul3A_225 = arith.constant 64 : i32
      %mul3A_226 = arith.muli %add3A_224, %mul3A_225 : i32
      %get3A_227 = arith.index_cast %mul3A_226 : i32 to index
      %get3A_228 = tpu.vector_load %arg5[%get3A_227] {strides = array<i32>} : memref<16384xf32, #tpu.memory_space<vmem>>, vector<16xf32>,
      %get3A_229 = vector.shape_cast %get3A_228 : vector<16xf32> to vector<16xf32>
      %add3A_230 = arith.constant 16 : i32
      %add3A_231 = arith.addi %mul3A_226, %add3A_230 : i32
      %get3A_232 = arith.index_cast %add3A_231 : i32 to index
      %get3A_233 = tpu.vector_load %arg5[%get3A_232] {strides = array<i32>} : memref<16384xf32, #tpu.memory_space<vmem>>, vector<16xf32>,
      %get3A_234 = vector.shape_cast %get3A_233 : vector<16xf32> to vector<16xf32>
      %add3A_235 = arith.constant 32 : i32
      %add3A_236 = arith.addi %mul3A_226, %add3A_235 : i32
      %get3A_237 = arith.index_cast %add3A_236 : i32 to index
      %get3A_238 = tpu.vector_load %arg5[%get3A_237] {strides = array<i32>} : memref<16384xf32, #tpu.memory_space<vmem>>, vector<16xf32>,
      %get3A_239 = vector.shape_cast %get3A_238 : vector<16xf32> to vector<16xf32>
      %add3A_240 = arith.constant 48 : i32
      %add3A_241 = arith.addi %mul3A_226, %add3A_240 : i32
      %get3A_242 = arith.index_cast %add3A_241 : i32 to index
      %get3A_243 = tpu.vector_load %arg5[%get3A_242] {strides = array<i32>} : memref<16384xf32, #tpu.memory_space<vmem>>, vector<16xf32>,
      %get3A_244 = vector.shape_cast %get3A_243 : vector<16xf32> to vector<16xf32>
      %max3A_245 = arith.maximumf %get3A_229, %get3A_234 : vector<16xf32>
      %max3A_246 = arith.maximumf %get3A_239, %get3A_244 : vector<16xf32>
      %max3A_247 = arith.maximumf %max3A_245, %max3A_246 : vector<16xf32>
      %lt3A_248 = arith.constant 0 : i32
      %lt3A_249 = vector.broadcast %lt3A_248 : i32 to vector<16xi32>
      %lt3A_250 = arith.cmpi slt, %xor3A_6, %lt3A_249 : vector<16xi32>
      %add3A_251 = arith.constant 16 : i32
      %add3A_252 = vector.broadcast %add3A_251 : i32 to vector<16xi32>
      %add3A_253 = arith.addi %xor3A_6, %add3A_252 : vector<16xi32>
      %select_n3A_254 = arith.select %lt3A_250, %add3A_253, %xor3A_6 : vector<16xi1>, vector<16xi32>
      %broadcast_in_dim3A_255 = vector.shape_cast %select_n3A_254 : vector<16xi32> to vector<16x1xi32>
      %gather3A_256 = vector.shape_cast %broadcast_in_dim3A_255 : vector<16x1xi32> to vector<16xi32>
      %gather3A_257 = tpu.dynamic_gather %max3A_247[%gather3A_256] in [0] : vector<16xf32>, vector<16xi32> -> vector<16xf32>
      %max3A_258 = arith.maximumf %max3A_247, %gather3A_257 : vector<16xf32>
      %lt3A_259 = arith.constant 0 : i32
      %lt3A_260 = vector.broadcast %lt3A_259 : i32 to vector<16xi32>
      %lt3A_261 = arith.cmpi slt, %xor3A_9, %lt3A_260 : vector<16xi32>
      %add3A_262 = arith.constant 16 : i32
      %add3A_263 = vector.broadcast %add3A_262 : i32 to vector<16xi32>
      %add3A_264 = arith.addi %xor3A_9, %add3A_263 : vector<16xi32>
      %select_n3A_265 = arith.select %lt3A_261, %add3A_264, %xor3A_9 : vector<16xi1>, vector<16xi32>
      %broadcast_in_dim3A_266 = vector.shape_cast %select_n3A_265 : vector<16xi32> to vector<16x1xi32>
      %gather3A_267 = vector.shape_cast %broadcast_in_dim3A_266 : vector<16x1xi32> to vector<16xi32>
      %gather3A_268 = tpu.dynamic_gather %max3A_258[%gather3A_267] in [0] : vector<16xf32>, vector<16xi32> -> vector<16xf32>
      %max3A_269 = arith.maximumf %max3A_258, %gather3A_268 : vector<16xf32>
      %lt3A_270 = arith.constant 0 : i32
      %lt3A_271 = vector.broadcast %lt3A_270 : i32 to vector<16xi32>
      %lt3A_272 = arith.cmpi slt, %xor3A_12, %lt3A_271 : vector<16xi32>
      %add3A_273 = arith.constant 16 : i32
      %add3A_274 = vector.broadcast %add3A_273 : i32 to vector<16xi32>
      %add3A_275 = arith.addi %xor3A_12, %add3A_274 : vector<16xi32>
      %select_n3A_276 = arith.select %lt3A_272, %add3A_275, %xor3A_12 : vector<16xi1>, vector<16xi32>
      %broadcast_in_dim3A_277 = vector.shape_cast %select_n3A_276 : vector<16xi32> to vector<16x1xi32>
      %gather3A_278 = vector.shape_cast %broadcast_in_dim3A_277 : vector<16x1xi32> to vector<16xi32>
      %gather3A_279 = tpu.dynamic_gather %max3A_269[%gather3A_278] in [0] : vector<16xf32>, vector<16xi32> -> vector<16xf32>
      %max3A_280 = arith.maximumf %max3A_269, %gather3A_279 : vector<16xf32>
      %lt3A_281 = arith.constant 0 : i32
      %lt3A_282 = vector.broadcast %lt3A_281 : i32 to vector<16xi32>
      %lt3A_283 = arith.cmpi slt, %xor3A_15, %lt3A_282 : vector<16xi32>
      %add3A_284 = arith.constant 16 : i32
      %add3A_285 = vector.broadcast %add3A_284 : i32 to vector<16xi32>
      %add3A_286 = arith.addi %xor3A_15, %add3A_285 : vector<16xi32>
      %select_n3A_287 = arith.select %lt3A_283, %add3A_286, %xor3A_15 : vector<16xi1>, vector<16xi32>
      %broadcast_in_dim3A_288 = vector.shape_cast %select_n3A_287 : vector<16xi32> to vector<16x1xi32>
      %gather3A_289 = vector.shape_cast %broadcast_in_dim3A_288 : vector<16x1xi32> to vector<16xi32>
      %gather3A_290 = tpu.dynamic_gather %max3A_280[%gather3A_289] in [0] : vector<16xf32>, vector<16xi32> -> vector<16xf32>
      %max3A_291 = arith.maximumf %max3A_280, %gather3A_290 : vector<16xf32>
      %broadcast_in_dim3A_292 = arith.constant 64 : i32
      %broadcast_in_dim3A_293 = vector.broadcast %broadcast_in_dim3A_292 : i32 to vector<16xi32>
      %eq3A_294 = arith.cmpf oeq, %get3A_229, %max3A_291 : vector<16xf32>
      %add3A_295 = arith.constant 0 : i32
      %add3A_296 = vector.broadcast %add3A_295 : i32 to vector<16xi32>
      %add3A_297 = arith.addi %iota3A, %add3A_296 : vector<16xi32>
      %select_n3A_298 = arith.select %eq3A_294, %add3A_297, %broadcast_in_dim3A_293 : vector<16xi1>, vector<16xi32>
      %eq3A_299 = arith.cmpf oeq, %get3A_234, %max3A_291 : vector<16xf32>
      %add3A_300 = arith.constant 16 : i32
      %add3A_301 = vector.broadcast %add3A_300 : i32 to vector<16xi32>
      %add3A_302 = arith.addi %iota3A, %add3A_301 : vector<16xi32>
      %select_n3A_303 = arith.select %eq3A_299, %add3A_302, %broadcast_in_dim3A_293 : vector<16xi1>, vector<16xi32>
      %eq3A_304 = arith.cmpf oeq, %get3A_239, %max3A_291 : vector<16xf32>
      %add3A_305 = arith.constant 32 : i32
      %add3A_306 = vector.broadcast %add3A_305 : i32 to vector<16xi32>
      %add3A_307 = arith.addi %iota3A, %add3A_306 : vector<16xi32>
      %select_n3A_308 = arith.select %eq3A_304, %add3A_307, %broadcast_in_dim3A_293 : vector<16xi1>, vector<16xi32>
      %eq3A_309 = arith.cmpf oeq, %get3A_244, %max3A_291 : vector<16xf32>
      %add3A_310 = arith.constant 48 : i32
      %add3A_311 = vector.broadcast %add3A_310 : i32 to vector<16xi32>
      %add3A_312 = arith.addi %iota3A, %add3A_311 : vector<16xi32>
      %select_n3A_313 = arith.select %eq3A_309, %add3A_312, %broadcast_in_dim3A_293 : vector<16xi1>, vector<16xi32>
      %min3A_314 = arith.minsi %select_n3A_298, %select_n3A_303 : vector<16xi32>
      %min3A_315 = arith.minsi %select_n3A_308, %select_n3A_313 : vector<16xi32>
      %min3A_316 = arith.minsi %min3A_314, %min3A_315 : vector<16xi32>
      %lt3A_317 = arith.constant 0 : i32
      %lt3A_318 = vector.broadcast %lt3A_317 : i32 to vector<16xi32>
      %lt3A_319 = arith.cmpi slt, %xor3A_6, %lt3A_318 : vector<16xi32>
      %add3A_320 = arith.constant 16 : i32
      %add3A_321 = vector.broadcast %add3A_320 : i32 to vector<16xi32>
      %add3A_322 = arith.addi %xor3A_6, %add3A_321 : vector<16xi32>
      %select_n3A_323 = arith.select %lt3A_319, %add3A_322, %xor3A_6 : vector<16xi1>, vector<16xi32>
      %broadcast_in_dim3A_324 = vector.shape_cast %select_n3A_323 : vector<16xi32> to vector<16x1xi32>
      %gather3A_325 = vector.shape_cast %broadcast_in_dim3A_324 : vector<16x1xi32> to vector<16xi32>
      %gather3A_326 = tpu.dynamic_gather %min3A_316[%gather3A_325] in [0] : vector<16xi32>, vector<16xi32> -> vector<16xi32>
      %min3A_327 = arith.minsi %min3A_316, %gather3A_326 : vector<16xi32>
      %lt3A_328 = arith.constant 0 : i32
      %lt3A_329 = vector.broadcast %lt3A_328 : i32 to vector<16xi32>
      %lt3A_330 = arith.cmpi slt, %xor3A_9, %lt3A_329 : vector<16xi32>
      %add3A_331 = arith.constant 16 : i32
      %add3A_332 = vector.broadcast %add3A_331 : i32 to vector<16xi32>
      %add3A_333 = arith.addi %xor3A_9, %add3A_332 : vector<16xi32>
      %select_n3A_334 = arith.select %lt3A_330, %add3A_333, %xor3A_9 : vector<16xi1>, vector<16xi32>
      %broadcast_in_dim3A_335 = vector.shape_cast %select_n3A_334 : vector<16xi32> to vector<16x1xi32>
      %gather3A_336 = vector.shape_cast %broadcast_in_dim3A_335 : vector<16x1xi32> to vector<16xi32>
      %gather3A_337 = tpu.dynamic_gather %min3A_327[%gather3A_336] in [0] : vector<16xi32>, vector<16xi32> -> vector<16xi32>
      %min3A_338 = arith.minsi %min3A_327, %gather3A_337 : vector<16xi32>
      %lt3A_339 = arith.constant 0 : i32
      %lt3A_340 = vector.broadcast %lt3A_339 : i32 to vector<16xi32>
      %lt3A_341 = arith.cmpi slt, %xor3A_12, %lt3A_340 : vector<16xi32>
      %add3A_342 = arith.constant 16 : i32
      %add3A_343 = vector.broadcast %add3A_342 : i32 to vector<16xi32>
      %add3A_344 = arith.addi %xor3A_12, %add3A_343 : vector<16xi32>
      %select_n3A_345 = arith.select %lt3A_341, %add3A_344, %xor3A_12 : vector<16xi1>, vector<16xi32>
      %broadcast_in_dim3A_346 = vector.shape_cast %select_n3A_345 : vector<16xi32> to vector<16x1xi32>
      %gather3A_347 = vector.shape_cast %broadcast_in_dim3A_346 : vector<16x1xi32> to vector<16xi32>
      %gather3A_348 = tpu.dynamic_gather %min3A_338[%gather3A_347] in [0] : vector<16xi32>, vector<16xi32> -> vector<16xi32>
      %min3A_349 = arith.minsi %min3A_338, %gather3A_348 : vector<16xi32>
      %lt3A_350 = arith.constant 0 : i32
      %lt3A_351 = vector.broadcast %lt3A_350 : i32 to vector<16xi32>
      %lt3A_352 = arith.cmpi slt, %xor3A_15, %lt3A_351 : vector<16xi32>
      %add3A_353 = arith.constant 16 : i32
      %add3A_354 = vector.broadcast %add3A_353 : i32 to vector<16xi32>
      %add3A_355 = arith.addi %xor3A_15, %add3A_354 : vector<16xi32>
      %select_n3A_356 = arith.select %lt3A_352, %add3A_355, %xor3A_15 : vector<16xi1>, vector<16xi32>
      %broadcast_in_dim3A_357 = vector.shape_cast %select_n3A_356 : vector<16xi32> to vector<16x1xi32>
      %gather3A_358 = vector.shape_cast %broadcast_in_dim3A_357 : vector<16x1xi32> to vector<16xi32>
      %gather3A_359 = tpu.dynamic_gather %min3A_349[%gather3A_358] in [0] : vector<16xi32>, vector<16xi32> -> vector<16xi32>
      %min3A_360 = arith.minsi %min3A_349, %gather3A_359 : vector<16xi32>
      %sub3A_361 = arith.subf %get3A_229, %max3A_291 : vector<16xf32>
      %exp3A_362 = math.exp %sub3A_361 : vector<16xf32>
      %sub3A_363 = arith.subf %get3A_234, %max3A_291 : vector<16xf32>
      %exp3A_364 = math.exp %sub3A_363 : vector<16xf32>
      %add3A_365 = arith.addf %exp3A_362, %exp3A_364 : vector<16xf32>
      %sub3A_366 = arith.subf %get3A_239, %max3A_291 : vector<16xf32>
      %exp3A_367 = math.exp %sub3A_366 : vector<16xf32>
      %add3A_368 = arith.addf %add3A_365, %exp3A_367 : vector<16xf32>
      %sub3A_369 = arith.subf %get3A_244, %max3A_291 : vector<16xf32>
      %exp3A_370 = math.exp %sub3A_369 : vector<16xf32>
      %add3A_371 = arith.addf %add3A_368, %exp3A_370 : vector<16xf32>
      %lt3A_372 = arith.constant 0 : i32
      %lt3A_373 = vector.broadcast %lt3A_372 : i32 to vector<16xi32>
      %lt3A_374 = arith.cmpi slt, %xor3A_6, %lt3A_373 : vector<16xi32>
      %add3A_375 = arith.constant 16 : i32
      %add3A_376 = vector.broadcast %add3A_375 : i32 to vector<16xi32>
      %add3A_377 = arith.addi %xor3A_6, %add3A_376 : vector<16xi32>
      %select_n3A_378 = arith.select %lt3A_374, %add3A_377, %xor3A_6 : vector<16xi1>, vector<16xi32>
      %broadcast_in_dim3A_379 = vector.shape_cast %select_n3A_378 : vector<16xi32> to vector<16x1xi32>
      %gather3A_380 = vector.shape_cast %broadcast_in_dim3A_379 : vector<16x1xi32> to vector<16xi32>
      %gather3A_381 = tpu.dynamic_gather %add3A_371[%gather3A_380] in [0] : vector<16xf32>, vector<16xi32> -> vector<16xf32>
      %add3A_382 = arith.addf %add3A_371, %gather3A_381 : vector<16xf32>
      %lt3A_383 = arith.constant 0 : i32
      %lt3A_384 = vector.broadcast %lt3A_383 : i32 to vector<16xi32>
      %lt3A_385 = arith.cmpi slt, %xor3A_9, %lt3A_384 : vector<16xi32>
      %add3A_386 = arith.constant 16 : i32
      %add3A_387 = vector.broadcast %add3A_386 : i32 to vector<16xi32>
      %add3A_388 = arith.addi %xor3A_9, %add3A_387 : vector<16xi32>
      %select_n3A_389 = arith.select %lt3A_385, %add3A_388, %xor3A_9 : vector<16xi1>, vector<16xi32>
      %broadcast_in_dim3A_390 = vector.shape_cast %select_n3A_389 : vector<16xi32> to vector<16x1xi32>
      %gather3A_391 = vector.shape_cast %broadcast_in_dim3A_390 : vector<16x1xi32> to vector<16xi32>
      %gather3A_392 = tpu.dynamic_gather %add3A_382[%gather3A_391] in [0] : vector<16xf32>, vector<16xi32> -> vector<16xf32>
      %add3A_393 = arith.addf %add3A_382, %gather3A_392 : vector<16xf32>
      %lt3A_394 = arith.constant 0 : i32
      %lt3A_395 = vector.broadcast %lt3A_394 : i32 to vector<16xi32>
      %lt3A_396 = arith.cmpi slt, %xor3A_12, %lt3A_395 : vector<16xi32>
      %add3A_397 = arith.constant 16 : i32
      %add3A_398 = vector.broadcast %add3A_397 : i32 to vector<16xi32>
      %add3A_399 = arith.addi %xor3A_12, %add3A_398 : vector<16xi32>
      %select_n3A_400 = arith.select %lt3A_396, %add3A_399, %xor3A_12 : vector<16xi1>, vector<16xi32>
      %broadcast_in_dim3A_401 = vector.shape_cast %select_n3A_400 : vector<16xi32> to vector<16x1xi32>
      %gather3A_402 = vector.shape_cast %broadcast_in_dim3A_401 : vector<16x1xi32> to vector<16xi32>
      %gather3A_403 = tpu.dynamic_gather %add3A_393[%gather3A_402] in [0] : vector<16xf32>, vector<16xi32> -> vector<16xf32>
      %add3A_404 = arith.addf %add3A_393, %gather3A_403 : vector<16xf32>
      %lt3A_405 = arith.constant 0 : i32
      %lt3A_406 = vector.broadcast %lt3A_405 : i32 to vector<16xi32>
      %lt3A_407 = arith.cmpi slt, %xor3A_15, %lt3A_406 : vector<16xi32>
      %add3A_408 = arith.constant 16 : i32
      %add3A_409 = vector.broadcast %add3A_408 : i32 to vector<16xi32>
      %add3A_410 = arith.addi %xor3A_15, %add3A_409 : vector<16xi32>
      %select_n3A_411 = arith.select %lt3A_407, %add3A_410, %xor3A_15 : vector<16xi1>, vector<16xi32>
      %broadcast_in_dim3A_412 = vector.shape_cast %select_n3A_411 : vector<16xi32> to vector<16x1xi32>
      %gather3A_413 = vector.shape_cast %broadcast_in_dim3A_412 : vector<16x1xi32> to vector<16xi32>
      %gather3A_414 = tpu.dynamic_gather %add3A_404[%gather3A_413] in [0] : vector<16xf32>, vector<16xi32> -> vector<16xf32>
      %add3A_415 = arith.addf %add3A_404, %gather3A_414 : vector<16xf32>
      %div3A_416 = arith.constant 1.000000e+00 : f32
      %div3A_417 = vector.broadcast %div3A_416 : f32 to vector<16xf32>
      %div3A_418 = arith.divf %div3A_417, %add3A_415 : vector<16xf32>
      %eq3A_419 = arith.constant 1 : i32
      %eq3A_420 = vector.broadcast %eq3A_419 : i32 to vector<16xi32>
      %eq3A_421 = arith.cmpi eq, %iota3A, %eq3A_420 : vector<16xi32>
      %select_n3A_422 = arith.select %eq3A_421, %min3A_360, %select_n3A_219 : vector<16xi1>, vector<16xi32>
      %select_n3A_423 = arith.select %eq3A_421, %div3A_418, %select_n3A_220 : vector<16xi1>, vector<16xf32>
      %mul3A_424 = arith.constant 16 : i32
      %mul3A_425 = arith.muli %add3A_24, %mul3A_424 : i32
      %add3A_426 = arith.constant 2 : i32
      %add3A_427 = arith.addi %mul3A_425, %add3A_426 : i32
      %mul3A_428 = arith.constant 64 : i32
      %mul3A_429 = arith.muli %add3A_427, %mul3A_428 : i32
      %get3A_430 = arith.index_cast %mul3A_429 : i32 to index
      %get3A_431 = tpu.vector_load %arg5[%get3A_430] {strides = array<i32>} : memref<16384xf32, #tpu.memory_space<vmem>>, vector<16xf32>,
      %get3A_432 = vector.shape_cast %get3A_431 : vector<16xf32> to vector<16xf32>
      %add3A_433 = arith.constant 16 : i32
      %add3A_434 = arith.addi %mul3A_429, %add3A_433 : i32
      %get3A_435 = arith.index_cast %add3A_434 : i32 to index
      %get3A_436 = tpu.vector_load %arg5[%get3A_435] {strides = array<i32>} : memref<16384xf32, #tpu.memory_space<vmem>>, vector<16xf32>,
      %get3A_437 = vector.shape_cast %get3A_436 : vector<16xf32> to vector<16xf32>
      %add3A_438 = arith.constant 32 : i32
      %add3A_439 = arith.addi %mul3A_429, %add3A_438 : i32
      %get3A_440 = arith.index_cast %add3A_439 : i32 to index
      %get3A_441 = tpu.vector_load %arg5[%get3A_440] {strides = array<i32>} : memref<16384xf32, #tpu.memory_space<vmem>>, vector<16xf32>,
      %get3A_442 = vector.shape_cast %get3A_441 : vector<16xf32> to vector<16xf32>
      %add3A_443 = arith.constant 48 : i32
      %add3A_444 = arith.addi %mul3A_429, %add3A_443 : i32
      %get3A_445 = arith.index_cast %add3A_444 : i32 to index
      %get3A_446 = tpu.vector_load %arg5[%get3A_445] {strides = array<i32>} : memref<16384xf32, #tpu.memory_space<vmem>>, vector<16xf32>,
      %get3A_447 = vector.shape_cast %get3A_446 : vector<16xf32> to vector<16xf32>
      %max3A_448 = arith.maximumf %get3A_432, %get3A_437 : vector<16xf32>
      %max3A_449 = arith.maximumf %get3A_442, %get3A_447 : vector<16xf32>
      %max3A_450 = arith.maximumf %max3A_448, %max3A_449 : vector<16xf32>
      %lt3A_451 = arith.constant 0 : i32
      %lt3A_452 = vector.broadcast %lt3A_451 : i32 to vector<16xi32>
      %lt3A_453 = arith.cmpi slt, %xor3A_6, %lt3A_452 : vector<16xi32>
      %add3A_454 = arith.constant 16 : i32
      %add3A_455 = vector.broadcast %add3A_454 : i32 to vector<16xi32>
      %add3A_456 = arith.addi %xor3A_6, %add3A_455 : vector<16xi32>
      %select_n3A_457 = arith.select %lt3A_453, %add3A_456, %xor3A_6 : vector<16xi1>, vector<16xi32>
      %broadcast_in_dim3A_458 = vector.shape_cast %select_n3A_457 : vector<16xi32> to vector<16x1xi32>
      %gather3A_459 = vector.shape_cast %broadcast_in_dim3A_458 : vector<16x1xi32> to vector<16xi32>
      %gather3A_460 = tpu.dynamic_gather %max3A_450[%gather3A_459] in [0] : vector<16xf32>, vector<16xi32> -> vector<16xf32>
      %max3A_461 = arith.maximumf %max3A_450, %gather3A_460 : vector<16xf32>
      %lt3A_462 = arith.constant 0 : i32
      %lt3A_463 = vector.broadcast %lt3A_462 : i32 to vector<16xi32>
      %lt3A_464 = arith.cmpi slt, %xor3A_9, %lt3A_463 : vector<16xi32>
      %add3A_465 = arith.constant 16 : i32
      %add3A_466 = vector.broadcast %add3A_465 : i32 to vector<16xi32>
      %add3A_467 = arith.addi %xor3A_9, %add3A_466 : vector<16xi32>
      %select_n3A_468 = arith.select %lt3A_464, %add3A_467, %xor3A_9 : vector<16xi1>, vector<16xi32>
      %broadcast_in_dim3A_469 = vector.shape_cast %select_n3A_468 : vector<16xi32> to vector<16x1xi32>
      %gather3A_470 = vector.shape_cast %broadcast_in_dim3A_469 : vector<16x1xi32> to vector<16xi32>
      %gather3A_471 = tpu.dynamic_gather %max3A_461[%gather3A_470] in [0] : vector<16xf32>, vector<16xi32> -> vector<16xf32>
      %max3A_472 = arith.maximumf %max3A_461, %gather3A_471 : vector<16xf32>
      %lt3A_473 = arith.constant 0 : i32
      %lt3A_474 = vector.broadcast %lt3A_473 : i32 to vector<16xi32>
      %lt3A_475 = arith.cmpi slt, %xor3A_12, %lt3A_474 : vector<16xi32>
      %add3A_476 = arith.constant 16 : i32
      %add3A_477 = vector.broadcast %add3A_476 : i32 to vector<16xi32>
      %add3A_478 = arith.addi %xor3A_12, %add3A_477 : vector<16xi32>
      %select_n3A_479 = arith.select %lt3A_475, %add3A_478, %xor3A_12 : vector<16xi1>, vector<16xi32>
      %broadcast_in_dim3A_480 = vector.shape_cast %select_n3A_479 : vector<16xi32> to vector<16x1xi32>
      %gather3A_481 = vector.shape_cast %broadcast_in_dim3A_480 : vector<16x1xi32> to vector<16xi32>
      %gather3A_482 = tpu.dynamic_gather %max3A_472[%gather3A_481] in [0] : vector<16xf32>, vector<16xi32> -> vector<16xf32>
      %max3A_483 = arith.maximumf %max3A_472, %gather3A_482 : vector<16xf32>
      %lt3A_484 = arith.constant 0 : i32
      %lt3A_485 = vector.broadcast %lt3A_484 : i32 to vector<16xi32>
      %lt3A_486 = arith.cmpi slt, %xor3A_15, %lt3A_485 : vector<16xi32>
      %add3A_487 = arith.constant 16 : i32
      %add3A_488 = vector.broadcast %add3A_487 : i32 to vector<16xi32>
      %add3A_489 = arith.addi %xor3A_15, %add3A_488 : vector<16xi32>
      %select_n3A_490 = arith.select %lt3A_486, %add3A_489, %xor3A_15 : vector<16xi1>, vector<16xi32>
      %broadcast_in_dim3A_491 = vector.shape_cast %select_n3A_490 : vector<16xi32> to vector<16x1xi32>
      %gather3A_492 = vector.shape_cast %broadcast_in_dim3A_491 : vector<16x1xi32> to vector<16xi32>
      %gather3A_493 = tpu.dynamic_gather %max3A_483[%gather3A_492] in [0] : vector<16xf32>, vector<16xi32> -> vector<16xf32>
      %max3A_494 = arith.maximumf %max3A_483, %gather3A_493 : vector<16xf32>
      %broadcast_in_dim3A_495 = arith.constant 64 : i32
      %broadcast_in_dim3A_496 = vector.broadcast %broadcast_in_dim3A_495 : i32 to vector<16xi32>
      %eq3A_497 = arith.cmpf oeq, %get3A_432, %max3A_494 : vector<16xf32>
      %add3A_498 = arith.constant 0 : i32
      %add3A_499 = vector.broadcast %add3A_498 : i32 to vector<16xi32>
      %add3A_500 = arith.addi %iota3A, %add3A_499 : vector<16xi32>
      %select_n3A_501 = arith.select %eq3A_497, %add3A_500, %broadcast_in_dim3A_496 : vector<16xi1>, vector<16xi32>
      %eq3A_502 = arith.cmpf oeq, %get3A_437, %max3A_494 : vector<16xf32>
      %add3A_503 = arith.constant 16 : i32
      %add3A_504 = vector.broadcast %add3A_503 : i32 to vector<16xi32>
      %add3A_505 = arith.addi %iota3A, %add3A_504 : vector<16xi32>
      %select_n3A_506 = arith.select %eq3A_502, %add3A_505, %broadcast_in_dim3A_496 : vector<16xi1>, vector<16xi32>
      %eq3A_507 = arith.cmpf oeq, %get3A_442, %max3A_494 : vector<16xf32>
      %add3A_508 = arith.constant 32 : i32
      %add3A_509 = vector.broadcast %add3A_508 : i32 to vector<16xi32>
      %add3A_510 = arith.addi %iota3A, %add3A_509 : vector<16xi32>
      %select_n3A_511 = arith.select %eq3A_507, %add3A_510, %broadcast_in_dim3A_496 : vector<16xi1>, vector<16xi32>
      %eq3A_512 = arith.cmpf oeq, %get3A_447, %max3A_494 : vector<16xf32>
      %add3A_513 = arith.constant 48 : i32
      %add3A_514 = vector.broadcast %add3A_513 : i32 to vector<16xi32>
      %add3A_515 = arith.addi %iota3A, %add3A_514 : vector<16xi32>
      %select_n3A_516 = arith.select %eq3A_512, %add3A_515, %broadcast_in_dim3A_496 : vector<16xi1>, vector<16xi32>
      %min3A_517 = arith.minsi %select_n3A_501, %select_n3A_506 : vector<16xi32>
      %min3A_518 = arith.minsi %select_n3A_511, %select_n3A_516 : vector<16xi32>
      %min3A_519 = arith.minsi %min3A_517, %min3A_518 : vector<16xi32>
      %lt3A_520 = arith.constant 0 : i32
      %lt3A_521 = vector.broadcast %lt3A_520 : i32 to vector<16xi32>
      %lt3A_522 = arith.cmpi slt, %xor3A_6, %lt3A_521 : vector<16xi32>
      %add3A_523 = arith.constant 16 : i32
      %add3A_524 = vector.broadcast %add3A_523 : i32 to vector<16xi32>
      %add3A_525 = arith.addi %xor3A_6, %add3A_524 : vector<16xi32>
      %select_n3A_526 = arith.select %lt3A_522, %add3A_525, %xor3A_6 : vector<16xi1>, vector<16xi32>
      %broadcast_in_dim3A_527 = vector.shape_cast %select_n3A_526 : vector<16xi32> to vector<16x1xi32>
      %gather3A_528 = vector.shape_cast %broadcast_in_dim3A_527 : vector<16x1xi32> to vector<16xi32>
      %gather3A_529 = tpu.dynamic_gather %min3A_519[%gather3A_528] in [0] : vector<16xi32>, vector<16xi32> -> vector<16xi32>
      %min3A_530 = arith.minsi %min3A_519, %gather3A_529 : vector<16xi32>
      %lt3A_531 = arith.constant 0 : i32
      %lt3A_532 = vector.broadcast %lt3A_531 : i32 to vector<16xi32>
      %lt3A_533 = arith.cmpi slt, %xor3A_9, %lt3A_532 : vector<16xi32>
      %add3A_534 = arith.constant 16 : i32
      %add3A_535 = vector.broadcast %add3A_534 : i32 to vector<16xi32>
      %add3A_536 = arith.addi %xor3A_9, %add3A_535 : vector<16xi32>
      %select_n3A_537 = arith.select %lt3A_533, %add3A_536, %xor3A_9 : vector<16xi1>, vector<16xi32>
      %broadcast_in_dim3A_538 = vector.shape_cast %select_n3A_537 : vector<16xi32> to vector<16x1xi32>
      %gather3A_539 = vector.shape_cast %broadcast_in_dim3A_538 : vector<16x1xi32> to vector<16xi32>
      %gather3A_540 = tpu.dynamic_gather %min3A_530[%gather3A_539] in [0] : vector<16xi32>, vector<16xi32> -> vector<16xi32>
      %min3A_541 = arith.minsi %min3A_530, %gather3A_540 : vector<16xi32>
      %lt3A_542 = arith.constant 0 : i32
      %lt3A_543 = vector.broadcast %lt3A_542 : i32 to vector<16xi32>
      %lt3A_544 = arith.cmpi slt, %xor3A_12, %lt3A_543 : vector<16xi32>
      %add3A_545 = arith.constant 16 : i32
      %add3A_546 = vector.broadcast %add3A_545 : i32 to vector<16xi32>
      %add3A_547 = arith.addi %xor3A_12, %add3A_546 : vector<16xi32>
      %select_n3A_548 = arith.select %lt3A_544, %add3A_547, %xor3A_12 : vector<16xi1>, vector<16xi32>
      %broadcast_in_dim3A_549 = vector.shape_cast %select_n3A_548 : vector<16xi32> to vector<16x1xi32>
      %gather3A_550 = vector.shape_cast %broadcast_in_dim3A_549 : vector<16x1xi32> to vector<16xi32>
      %gather3A_551 = tpu.dynamic_gather %min3A_541[%gather3A_550] in [0] : vector<16xi32>, vector<16xi32> -> vector<16xi32>
      %min3A_552 = arith.minsi %min3A_541, %gather3A_551 : vector<16xi32>
      %lt3A_553 = arith.constant 0 : i32
      %lt3A_554 = vector.broadcast %lt3A_553 : i32 to vector<16xi32>
      %lt3A_555 = arith.cmpi slt, %xor3A_15, %lt3A_554 : vector<16xi32>
      %add3A_556 = arith.constant 16 : i32
      %add3A_557 = vector.broadcast %add3A_556 : i32 to vector<16xi32>
      %add3A_558 = arith.addi %xor3A_15, %add3A_557 : vector<16xi32>
      %select_n3A_559 = arith.select %lt3A_555, %add3A_558, %xor3A_15 : vector<16xi1>, vector<16xi32>
      %broadcast_in_dim3A_560 = vector.shape_cast %select_n3A_559 : vector<16xi32> to vector<16x1xi32>
      %gather3A_561 = vector.shape_cast %broadcast_in_dim3A_560 : vector<16x1xi32> to vector<16xi32>
      %gather3A_562 = tpu.dynamic_gather %min3A_552[%gather3A_561] in [0] : vector<16xi32>, vector<16xi32> -> vector<16xi32>
      %min3A_563 = arith.minsi %min3A_552, %gather3A_562 : vector<16xi32>
      %sub3A_564 = arith.subf %get3A_432, %max3A_494 : vector<16xf32>
      %exp3A_565 = math.exp %sub3A_564 : vector<16xf32>
      %sub3A_566 = arith.subf %get3A_437, %max3A_494 : vector<16xf32>
      %exp3A_567 = math.exp %sub3A_566 : vector<16xf32>
      %add3A_568 = arith.addf %exp3A_565, %exp3A_567 : vector<16xf32>
      %sub3A_569 = arith.subf %get3A_442, %max3A_494 : vector<16xf32>
      %exp3A_570 = math.exp %sub3A_569 : vector<16xf32>
      %add3A_571 = arith.addf %add3A_568, %exp3A_570 : vector<16xf32>
      %sub3A_572 = arith.subf %get3A_447, %max3A_494 : vector<16xf32>
      %exp3A_573 = math.exp %sub3A_572 : vector<16xf32>
      %add3A_574 = arith.addf %add3A_571, %exp3A_573 : vector<16xf32>
      %lt3A_575 = arith.constant 0 : i32
      %lt3A_576 = vector.broadcast %lt3A_575 : i32 to vector<16xi32>
      %lt3A_577 = arith.cmpi slt, %xor3A_6, %lt3A_576 : vector<16xi32>
      %add3A_578 = arith.constant 16 : i32
      %add3A_579 = vector.broadcast %add3A_578 : i32 to vector<16xi32>
      %add3A_580 = arith.addi %xor3A_6, %add3A_579 : vector<16xi32>
      %select_n3A_581 = arith.select %lt3A_577, %add3A_580, %xor3A_6 : vector<16xi1>, vector<16xi32>
      %broadcast_in_dim3A_582 = vector.shape_cast %select_n3A_581 : vector<16xi32> to vector<16x1xi32>
      %gather3A_583 = vector.shape_cast %broadcast_in_dim3A_582 : vector<16x1xi32> to vector<16xi32>
      %gather3A_584 = tpu.dynamic_gather %add3A_574[%gather3A_583] in [0] : vector<16xf32>, vector<16xi32> -> vector<16xf32>
      %add3A_585 = arith.addf %add3A_574, %gather3A_584 : vector<16xf32>
      %lt3A_586 = arith.constant 0 : i32
      %lt3A_587 = vector.broadcast %lt3A_586 : i32 to vector<16xi32>
      %lt3A_588 = arith.cmpi slt, %xor3A_9, %lt3A_587 : vector<16xi32>
      %add3A_589 = arith.constant 16 : i32
      %add3A_590 = vector.broadcast %add3A_589 : i32 to vector<16xi32>
      %add3A_591 = arith.addi %xor3A_9, %add3A_590 : vector<16xi32>
      %select_n3A_592 = arith.select %lt3A_588, %add3A_591, %xor3A_9 : vector<16xi1>, vector<16xi32>
      %broadcast_in_dim3A_593 = vector.shape_cast %select_n3A_592 : vector<16xi32> to vector<16x1xi32>
      %gather3A_594 = vector.shape_cast %broadcast_in_dim3A_593 : vector<16x1xi32> to vector<16xi32>
      %gather3A_595 = tpu.dynamic_gather %add3A_585[%gather3A_594] in [0] : vector<16xf32>, vector<16xi32> -> vector<16xf32>
      %add3A_596 = arith.addf %add3A_585, %gather3A_595 : vector<16xf32>
      %lt3A_597 = arith.constant 0 : i32
      %lt3A_598 = vector.broadcast %lt3A_597 : i32 to vector<16xi32>
      %lt3A_599 = arith.cmpi slt, %xor3A_12, %lt3A_598 : vector<16xi32>
      %add3A_600 = arith.constant 16 : i32
      %add3A_601 = vector.broadcast %add3A_600 : i32 to vector<16xi32>
      %add3A_602 = arith.addi %xor3A_12, %add3A_601 : vector<16xi32>
      %select_n3A_603 = arith.select %lt3A_599, %add3A_602, %xor3A_12 : vector<16xi1>, vector<16xi32>
      %broadcast_in_dim3A_604 = vector.shape_cast %select_n3A_603 : vector<16xi32> to vector<16x1xi32>
      %gather3A_605 = vector.shape_cast %broadcast_in_dim3A_604 : vector<16x1xi32> to vector<16xi32>
      %gather3A_606 = tpu.dynamic_gather %add3A_596[%gather3A_605] in [0] : vector<16xf32>, vector<16xi32> -> vector<16xf32>
      %add3A_607 = arith.addf %add3A_596, %gather3A_606 : vector<16xf32>
      %lt3A_608 = arith.constant 0 : i32
      %lt3A_609 = vector.broadcast %lt3A_608 : i32 to vector<16xi32>
      %lt3A_610 = arith.cmpi slt, %xor3A_15, %lt3A_609 : vector<16xi32>
      %add3A_611 = arith.constant 16 : i32
      %add3A_612 = vector.broadcast %add3A_611 : i32 to vector<16xi32>
      %add3A_613 = arith.addi %xor3A_15, %add3A_612 : vector<16xi32>
      %select_n3A_614 = arith.select %lt3A_610, %add3A_613, %xor3A_15 : vector<16xi1>, vector<16xi32>
      %broadcast_in_dim3A_615 = vector.shape_cast %select_n3A_614 : vector<16xi32> to vector<16x1xi32>
      %gather3A_616 = vector.shape_cast %broadcast_in_dim3A_615 : vector<16x1xi32> to vector<16xi32>
      %gather3A_617 = tpu.dynamic_gather %add3A_607[%gather3A_616] in [0] : vector<16xf32>, vector<16xi32> -> vector<16xf32>
      %add3A_618 = arith.addf %add3A_607, %gather3A_617 : vector<16xf32>
      %div3A_619 = arith.constant 1.000000e+00 : f32
      %div3A_620 = vector.broadcast %div3A_619 : f32 to vector<16xf32>
      %div3A_621 = arith.divf %div3A_620, %add3A_618 : vector<16xf32>
      %eq3A_622 = arith.constant 2 : i32
      %eq3A_623 = vector.broadcast %eq3A_622 : i32 to vector<16xi32>
      %eq3A_624 = arith.cmpi eq, %iota3A, %eq3A_623 : vector<16xi32>
      %select_n3A_625 = arith.select %eq3A_624, %min3A_563, %select_n3A_422 : vector<16xi1>, vector<16xi32>
      %select_n3A_626 = arith.select %eq3A_624, %div3A_621, %select_n3A_423 : vector<16xi1>, vector<16xf32>
      %mul3A_627 = arith.constant 16 : i32
      %mul3A_628 = arith.muli %add3A_24, %mul3A_627 : i32
      %add3A_629 = arith.constant 3 : i32
      %add3A_630 = arith.addi %mul3A_628, %add3A_629 : i32
      %mul3A_631 = arith.constant 64 : i32
      %mul3A_632 = arith.muli %add3A_630, %mul3A_631 : i32
      %get3A_633 = arith.index_cast %mul3A_632 : i32 to index
      %get3A_634 = tpu.vector_load %arg5[%get3A_633] {strides = array<i32>} : memref<16384xf32, #tpu.memory_space<vmem>>, vector<16xf32>,
      %get3A_635 = vector.shape_cast %get3A_634 : vector<16xf32> to vector<16xf32>
      %add3A_636 = arith.constant 16 : i32
      %add3A_637 = arith.addi %mul3A_632, %add3A_636 : i32
      %get3A_638 = arith.index_cast %add3A_637 : i32 to index
      %get3A_639 = tpu.vector_load %arg5[%get3A_638] {strides = array<i32>} : memref<16384xf32, #tpu.memory_space<vmem>>, vector<16xf32>,
      %get3A_640 = vector.shape_cast %get3A_639 : vector<16xf32> to vector<16xf32>
      %add3A_641 = arith.constant 32 : i32
      %add3A_642 = arith.addi %mul3A_632, %add3A_641 : i32
      %get3A_643 = arith.index_cast %add3A_642 : i32 to index
      %get3A_644 = tpu.vector_load %arg5[%get3A_643] {strides = array<i32>} : memref<16384xf32, #tpu.memory_space<vmem>>, vector<16xf32>,
      %get3A_645 = vector.shape_cast %get3A_644 : vector<16xf32> to vector<16xf32>
      %add3A_646 = arith.constant 48 : i32
      %add3A_647 = arith.addi %mul3A_632, %add3A_646 : i32
      %get3A_648 = arith.index_cast %add3A_647 : i32 to index
      %get3A_649 = tpu.vector_load %arg5[%get3A_648] {strides = array<i32>} : memref<16384xf32, #tpu.memory_space<vmem>>, vector<16xf32>,
      %get3A_650 = vector.shape_cast %get3A_649 : vector<16xf32> to vector<16xf32>
      %max3A_651 = arith.maximumf %get3A_635, %get3A_640 : vector<16xf32>
      %max3A_652 = arith.maximumf %get3A_645, %get3A_650 : vector<16xf32>
      %max3A_653 = arith.maximumf %max3A_651, %max3A_652 : vector<16xf32>
      %lt3A_654 = arith.constant 0 : i32
      %lt3A_655 = vector.broadcast %lt3A_654 : i32 to vector<16xi32>
      %lt3A_656 = arith.cmpi slt, %xor3A_6, %lt3A_655 : vector<16xi32>
      %add3A_657 = arith.constant 16 : i32
      %add3A_658 = vector.broadcast %add3A_657 : i32 to vector<16xi32>
      %add3A_659 = arith.addi %xor3A_6, %add3A_658 : vector<16xi32>
      %select_n3A_660 = arith.select %lt3A_656, %add3A_659, %xor3A_6 : vector<16xi1>, vector<16xi32>
      %broadcast_in_dim3A_661 = vector.shape_cast %select_n3A_660 : vector<16xi32> to vector<16x1xi32>
      %gather3A_662 = vector.shape_cast %broadcast_in_dim3A_661 : vector<16x1xi32> to vector<16xi32>
      %gather3A_663 = tpu.dynamic_gather %max3A_653[%gather3A_662] in [0] : vector<16xf32>, vector<16xi32> -> vector<16xf32>
      %max3A_664 = arith.maximumf %max3A_653, %gather3A_663 : vector<16xf32>
      %lt3A_665 = arith.constant 0 : i32
      %lt3A_666 = vector.broadcast %lt3A_665 : i32 to vector<16xi32>
      %lt3A_667 = arith.cmpi slt, %xor3A_9, %lt3A_666 : vector<16xi32>
      %add3A_668 = arith.constant 16 : i32
      %add3A_669 = vector.broadcast %add3A_668 : i32 to vector<16xi32>
      %add3A_670 = arith.addi %xor3A_9, %add3A_669 : vector<16xi32>
      %select_n3A_671 = arith.select %lt3A_667, %add3A_670, %xor3A_9 : vector<16xi1>, vector<16xi32>
      %broadcast_in_dim3A_672 = vector.shape_cast %select_n3A_671 : vector<16xi32> to vector<16x1xi32>
      %gather3A_673 = vector.shape_cast %broadcast_in_dim3A_672 : vector<16x1xi32> to vector<16xi32>
      %gather3A_674 = tpu.dynamic_gather %max3A_664[%gather3A_673] in [0] : vector<16xf32>, vector<16xi32> -> vector<16xf32>
      %max3A_675 = arith.maximumf %max3A_664, %gather3A_674 : vector<16xf32>
      %lt3A_676 = arith.constant 0 : i32
      %lt3A_677 = vector.broadcast %lt3A_676 : i32 to vector<16xi32>
      %lt3A_678 = arith.cmpi slt, %xor3A_12, %lt3A_677 : vector<16xi32>
      %add3A_679 = arith.constant 16 : i32
      %add3A_680 = vector.broadcast %add3A_679 : i32 to vector<16xi32>
      %add3A_681 = arith.addi %xor3A_12, %add3A_680 : vector<16xi32>
      %select_n3A_682 = arith.select %lt3A_678, %add3A_681, %xor3A_12 : vector<16xi1>, vector<16xi32>
      %broadcast_in_dim3A_683 = vector.shape_cast %select_n3A_682 : vector<16xi32> to vector<16x1xi32>
      %gather3A_684 = vector.shape_cast %broadcast_in_dim3A_683 : vector<16x1xi32> to vector<16xi32>
      %gather3A_685 = tpu.dynamic_gather %max3A_675[%gather3A_684] in [0] : vector<16xf32>, vector<16xi32> -> vector<16xf32>
      %max3A_686 = arith.maximumf %max3A_675, %gather3A_685 : vector<16xf32>
      %lt3A_687 = arith.constant 0 : i32
      %lt3A_688 = vector.broadcast %lt3A_687 : i32 to vector<16xi32>
      %lt3A_689 = arith.cmpi slt, %xor3A_15, %lt3A_688 : vector<16xi32>
      %add3A_690 = arith.constant 16 : i32
      %add3A_691 = vector.broadcast %add3A_690 : i32 to vector<16xi32>
      %add3A_692 = arith.addi %xor3A_15, %add3A_691 : vector<16xi32>
      %select_n3A_693 = arith.select %lt3A_689, %add3A_692, %xor3A_15 : vector<16xi1>, vector<16xi32>
      %broadcast_in_dim3A_694 = vector.shape_cast %select_n3A_693 : vector<16xi32> to vector<16x1xi32>
      %gather3A_695 = vector.shape_cast %broadcast_in_dim3A_694 : vector<16x1xi32> to vector<16xi32>
      %gather3A_696 = tpu.dynamic_gather %max3A_686[%gather3A_695] in [0] : vector<16xf32>, vector<16xi32> -> vector<16xf32>
      %max3A_697 = arith.maximumf %max3A_686, %gather3A_696 : vector<16xf32>
      %broadcast_in_dim3A_698 = arith.constant 64 : i32
      %broadcast_in_dim3A_699 = vector.broadcast %broadcast_in_dim3A_698 : i32 to vector<16xi32>
      %eq3A_700 = arith.cmpf oeq, %get3A_635, %max3A_697 : vector<16xf32>
      %add3A_701 = arith.constant 0 : i32
      %add3A_702 = vector.broadcast %add3A_701 : i32 to vector<16xi32>
      %add3A_703 = arith.addi %iota3A, %add3A_702 : vector<16xi32>
      %select_n3A_704 = arith.select %eq3A_700, %add3A_703, %broadcast_in_dim3A_699 : vector<16xi1>, vector<16xi32>
      %eq3A_705 = arith.cmpf oeq, %get3A_640, %max3A_697 : vector<16xf32>
      %add3A_706 = arith.constant 16 : i32
      %add3A_707 = vector.broadcast %add3A_706 : i32 to vector<16xi32>
      %add3A_708 = arith.addi %iota3A, %add3A_707 : vector<16xi32>
      %select_n3A_709 = arith.select %eq3A_705, %add3A_708, %broadcast_in_dim3A_699 : vector<16xi1>, vector<16xi32>
      %eq3A_710 = arith.cmpf oeq, %get3A_645, %max3A_697 : vector<16xf32>
      %add3A_711 = arith.constant 32 : i32
      %add3A_712 = vector.broadcast %add3A_711 : i32 to vector<16xi32>
      %add3A_713 = arith.addi %iota3A, %add3A_712 : vector<16xi32>
      %select_n3A_714 = arith.select %eq3A_710, %add3A_713, %broadcast_in_dim3A_699 : vector<16xi1>, vector<16xi32>
      %eq3A_715 = arith.cmpf oeq, %get3A_650, %max3A_697 : vector<16xf32>
      %add3A_716 = arith.constant 48 : i32
      %add3A_717 = vector.broadcast %add3A_716 : i32 to vector<16xi32>
      %add3A_718 = arith.addi %iota3A, %add3A_717 : vector<16xi32>
      %select_n3A_719 = arith.select %eq3A_715, %add3A_718, %broadcast_in_dim3A_699 : vector<16xi1>, vector<16xi32>
      %min3A_720 = arith.minsi %select_n3A_704, %select_n3A_709 : vector<16xi32>
      %min3A_721 = arith.minsi %select_n3A_714, %select_n3A_719 : vector<16xi32>
      %min3A_722 = arith.minsi %min3A_720, %min3A_721 : vector<16xi32>
      %lt3A_723 = arith.constant 0 : i32
      %lt3A_724 = vector.broadcast %lt3A_723 : i32 to vector<16xi32>
      %lt3A_725 = arith.cmpi slt, %xor3A_6, %lt3A_724 : vector<16xi32>
      %add3A_726 = arith.constant 16 : i32
      %add3A_727 = vector.broadcast %add3A_726 : i32 to vector<16xi32>
      %add3A_728 = arith.addi %xor3A_6, %add3A_727 : vector<16xi32>
      %select_n3A_729 = arith.select %lt3A_725, %add3A_728, %xor3A_6 : vector<16xi1>, vector<16xi32>
      %broadcast_in_dim3A_730 = vector.shape_cast %select_n3A_729 : vector<16xi32> to vector<16x1xi32>
      %gather3A_731 = vector.shape_cast %broadcast_in_dim3A_730 : vector<16x1xi32> to vector<16xi32>
      %gather3A_732 = tpu.dynamic_gather %min3A_722[%gather3A_731] in [0] : vector<16xi32>, vector<16xi32> -> vector<16xi32>
      %min3A_733 = arith.minsi %min3A_722, %gather3A_732 : vector<16xi32>
      %lt3A_734 = arith.constant 0 : i32
      %lt3A_735 = vector.broadcast %lt3A_734 : i32 to vector<16xi32>
      %lt3A_736 = arith.cmpi slt, %xor3A_9, %lt3A_735 : vector<16xi32>
      %add3A_737 = arith.constant 16 : i32
      %add3A_738 = vector.broadcast %add3A_737 : i32 to vector<16xi32>
      %add3A_739 = arith.addi %xor3A_9, %add3A_738 : vector<16xi32>
      %select_n3A_740 = arith.select %lt3A_736, %add3A_739, %xor3A_9 : vector<16xi1>, vector<16xi32>
      %broadcast_in_dim3A_741 = vector.shape_cast %select_n3A_740 : vector<16xi32> to vector<16x1xi32>
      %gather3A_742 = vector.shape_cast %broadcast_in_dim3A_741 : vector<16x1xi32> to vector<16xi32>
      %gather3A_743 = tpu.dynamic_gather %min3A_733[%gather3A_742] in [0] : vector<16xi32>, vector<16xi32> -> vector<16xi32>
      %min3A_744 = arith.minsi %min3A_733, %gather3A_743 : vector<16xi32>
      %lt3A_745 = arith.constant 0 : i32
      %lt3A_746 = vector.broadcast %lt3A_745 : i32 to vector<16xi32>
      %lt3A_747 = arith.cmpi slt, %xor3A_12, %lt3A_746 : vector<16xi32>
      %add3A_748 = arith.constant 16 : i32
      %add3A_749 = vector.broadcast %add3A_748 : i32 to vector<16xi32>
      %add3A_750 = arith.addi %xor3A_12, %add3A_749 : vector<16xi32>
      %select_n3A_751 = arith.select %lt3A_747, %add3A_750, %xor3A_12 : vector<16xi1>, vector<16xi32>
      %broadcast_in_dim3A_752 = vector.shape_cast %select_n3A_751 : vector<16xi32> to vector<16x1xi32>
      %gather3A_753 = vector.shape_cast %broadcast_in_dim3A_752 : vector<16x1xi32> to vector<16xi32>
      %gather3A_754 = tpu.dynamic_gather %min3A_744[%gather3A_753] in [0] : vector<16xi32>, vector<16xi32> -> vector<16xi32>
      %min3A_755 = arith.minsi %min3A_744, %gather3A_754 : vector<16xi32>
      %lt3A_756 = arith.constant 0 : i32
      %lt3A_757 = vector.broadcast %lt3A_756 : i32 to vector<16xi32>
      %lt3A_758 = arith.cmpi slt, %xor3A_15, %lt3A_757 : vector<16xi32>
      %add3A_759 = arith.constant 16 : i32
      %add3A_760 = vector.broadcast %add3A_759 : i32 to vector<16xi32>
      %add3A_761 = arith.addi %xor3A_15, %add3A_760 : vector<16xi32>
      %select_n3A_762 = arith.select %lt3A_758, %add3A_761, %xor3A_15 : vector<16xi1>, vector<16xi32>
      %broadcast_in_dim3A_763 = vector.shape_cast %select_n3A_762 : vector<16xi32> to vector<16x1xi32>
      %gather3A_764 = vector.shape_cast %broadcast_in_dim3A_763 : vector<16x1xi32> to vector<16xi32>
      %gather3A_765 = tpu.dynamic_gather %min3A_755[%gather3A_764] in [0] : vector<16xi32>, vector<16xi32> -> vector<16xi32>
      %min3A_766 = arith.minsi %min3A_755, %gather3A_765 : vector<16xi32>
      %sub3A_767 = arith.subf %get3A_635, %max3A_697 : vector<16xf32>
      %exp3A_768 = math.exp %sub3A_767 : vector<16xf32>
      %sub3A_769 = arith.subf %get3A_640, %max3A_697 : vector<16xf32>
      %exp3A_770 = math.exp %sub3A_769 : vector<16xf32>
      %add3A_771 = arith.addf %exp3A_768, %exp3A_770 : vector<16xf32>
      %sub3A_772 = arith.subf %get3A_645, %max3A_697 : vector<16xf32>
      %exp3A_773 = math.exp %sub3A_772 : vector<16xf32>
      %add3A_774 = arith.addf %add3A_771, %exp3A_773 : vector<16xf32>
      %sub3A_775 = arith.subf %get3A_650, %max3A_697 : vector<16xf32>
      %exp3A_776 = math.exp %sub3A_775 : vector<16xf32>
      %add3A_777 = arith.addf %add3A_774, %exp3A_776 : vector<16xf32>
      %lt3A_778 = arith.constant 0 : i32
      %lt3A_779 = vector.broadcast %lt3A_778 : i32 to vector<16xi32>
      %lt3A_780 = arith.cmpi slt, %xor3A_6, %lt3A_779 : vector<16xi32>
      %add3A_781 = arith.constant 16 : i32
      %add3A_782 = vector.broadcast %add3A_781 : i32 to vector<16xi32>
      %add3A_783 = arith.addi %xor3A_6, %add3A_782 : vector<16xi32>
      %select_n3A_784 = arith.select %lt3A_780, %add3A_783, %xor3A_6 : vector<16xi1>, vector<16xi32>
      %broadcast_in_dim3A_785 = vector.shape_cast %select_n3A_784 : vector<16xi32> to vector<16x1xi32>
      %gather3A_786 = vector.shape_cast %broadcast_in_dim3A_785 : vector<16x1xi32> to vector<16xi32>
      %gather3A_787 = tpu.dynamic_gather %add3A_777[%gather3A_786] in [0] : vector<16xf32>, vector<16xi32> -> vector<16xf32>
      %add3A_788 = arith.addf %add3A_777, %gather3A_787 : vector<16xf32>
      %lt3A_789 = arith.constant 0 : i32
      %lt3A_790 = vector.broadcast %lt3A_789 : i32 to vector<16xi32>
      %lt3A_791 = arith.cmpi slt, %xor3A_9, %lt3A_790 : vector<16xi32>
      %add3A_792 = arith.constant 16 : i32
      %add3A_793 = vector.broadcast %add3A_792 : i32 to vector<16xi32>
      %add3A_794 = arith.addi %xor3A_9, %add3A_793 : vector<16xi32>
      %select_n3A_795 = arith.select %lt3A_791, %add3A_794, %xor3A_9 : vector<16xi1>, vector<16xi32>
      %broadcast_in_dim3A_796 = vector.shape_cast %select_n3A_795 : vector<16xi32> to vector<16x1xi32>
      %gather3A_797 = vector.shape_cast %broadcast_in_dim3A_796 : vector<16x1xi32> to vector<16xi32>
      %gather3A_798 = tpu.dynamic_gather %add3A_788[%gather3A_797] in [0] : vector<16xf32>, vector<16xi32> -> vector<16xf32>
      %add3A_799 = arith.addf %add3A_788, %gather3A_798 : vector<16xf32>
      %lt3A_800 = arith.constant 0 : i32
      %lt3A_801 = vector.broadcast %lt3A_800 : i32 to vector<16xi32>
      %lt3A_802 = arith.cmpi slt, %xor3A_12, %lt3A_801 : vector<16xi32>
      %add3A_803 = arith.constant 16 : i32
      %add3A_804 = vector.broadcast %add3A_803 : i32 to vector<16xi32>
      %add3A_805 = arith.addi %xor3A_12, %add3A_804 : vector<16xi32>
      %select_n3A_806 = arith.select %lt3A_802, %add3A_805, %xor3A_12 : vector<16xi1>, vector<16xi32>
      %broadcast_in_dim3A_807 = vector.shape_cast %select_n3A_806 : vector<16xi32> to vector<16x1xi32>
      %gather3A_808 = vector.shape_cast %broadcast_in_dim3A_807 : vector<16x1xi32> to vector<16xi32>
      %gather3A_809 = tpu.dynamic_gather %add3A_799[%gather3A_808] in [0] : vector<16xf32>, vector<16xi32> -> vector<16xf32>
      %add3A_810 = arith.addf %add3A_799, %gather3A_809 : vector<16xf32>
      %lt3A_811 = arith.constant 0 : i32
      %lt3A_812 = vector.broadcast %lt3A_811 : i32 to vector<16xi32>
      %lt3A_813 = arith.cmpi slt, %xor3A_15, %lt3A_812 : vector<16xi32>
      %add3A_814 = arith.constant 16 : i32
      %add3A_815 = vector.broadcast %add3A_814 : i32 to vector<16xi32>
      %add3A_816 = arith.addi %xor3A_15, %add3A_815 : vector<16xi32>
      %select_n3A_817 = arith.select %lt3A_813, %add3A_816, %xor3A_15 : vector<16xi1>, vector<16xi32>
      %broadcast_in_dim3A_818 = vector.shape_cast %select_n3A_817 : vector<16xi32> to vector<16x1xi32>
      %gather3A_819 = vector.shape_cast %broadcast_in_dim3A_818 : vector<16x1xi32> to vector<16xi32>
      %gather3A_820 = tpu.dynamic_gather %add3A_810[%gather3A_819] in [0] : vector<16xf32>, vector<16xi32> -> vector<16xf32>
      %add3A_821 = arith.addf %add3A_810, %gather3A_820 : vector<16xf32>
      %div3A_822 = arith.constant 1.000000e+00 : f32
      %div3A_823 = vector.broadcast %div3A_822 : f32 to vector<16xf32>
      %div3A_824 = arith.divf %div3A_823, %add3A_821 : vector<16xf32>
      %eq3A_825 = arith.constant 3 : i32
      %eq3A_826 = vector.broadcast %eq3A_825 : i32 to vector<16xi32>
      %eq3A_827 = arith.cmpi eq, %iota3A, %eq3A_826 : vector<16xi32>
      %select_n3A_828 = arith.select %eq3A_827, %min3A_766, %select_n3A_625 : vector<16xi1>, vector<16xi32>
      %select_n3A_829 = arith.select %eq3A_827, %div3A_824, %select_n3A_626 : vector<16xi1>, vector<16xf32>
      %mul3A_830 = arith.constant 16 : i32
      %mul3A_831 = arith.muli %add3A_24, %mul3A_830 : i32
      %add3A_832 = arith.constant 4 : i32
      %add3A_833 = arith.addi %mul3A_831, %add3A_832 : i32
      %mul3A_834 = arith.constant 64 : i32
      %mul3A_835 = arith.muli %add3A_833, %mul3A_834 : i32
      %get3A_836 = arith.index_cast %mul3A_835 : i32 to index
      %get3A_837 = tpu.vector_load %arg5[%get3A_836] {strides = array<i32>} : memref<16384xf32, #tpu.memory_space<vmem>>, vector<16xf32>,
      %get3A_838 = vector.shape_cast %get3A_837 : vector<16xf32> to vector<16xf32>
      %add3A_839 = arith.constant 16 : i32
      %add3A_840 = arith.addi %mul3A_835, %add3A_839 : i32
      %get3A_841 = arith.index_cast %add3A_840 : i32 to index
      %get3A_842 = tpu.vector_load %arg5[%get3A_841] {strides = array<i32>} : memref<16384xf32, #tpu.memory_space<vmem>>, vector<16xf32>,
      %get3A_843 = vector.shape_cast %get3A_842 : vector<16xf32> to vector<16xf32>
      %add3A_844 = arith.constant 32 : i32
      %add3A_845 = arith.addi %mul3A_835, %add3A_844 : i32
      %get3A_846 = arith.index_cast %add3A_845 : i32 to index
      %get3A_847 = tpu.vector_load %arg5[%get3A_846] {strides = array<i32>} : memref<16384xf32, #tpu.memory_space<vmem>>, vector<16xf32>,
      %get3A_848 = vector.shape_cast %get3A_847 : vector<16xf32> to vector<16xf32>
      %add3A_849 = arith.constant 48 : i32
      %add3A_850 = arith.addi %mul3A_835, %add3A_849 : i32
      %get3A_851 = arith.index_cast %add3A_850 : i32 to index
      %get3A_852 = tpu.vector_load %arg5[%get3A_851] {strides = array<i32>} : memref<16384xf32, #tpu.memory_space<vmem>>, vector<16xf32>,
      %get3A_853 = vector.shape_cast %get3A_852 : vector<16xf32> to vector<16xf32>
      %max3A_854 = arith.maximumf %get3A_838, %get3A_843 : vector<16xf32>
      %max3A_855 = arith.maximumf %get3A_848, %get3A_853 : vector<16xf32>
      %max3A_856 = arith.maximumf %max3A_854, %max3A_855 : vector<16xf32>
      %lt3A_857 = arith.constant 0 : i32
      %lt3A_858 = vector.broadcast %lt3A_857 : i32 to vector<16xi32>
      %lt3A_859 = arith.cmpi slt, %xor3A_6, %lt3A_858 : vector<16xi32>
      %add3A_860 = arith.constant 16 : i32
      %add3A_861 = vector.broadcast %add3A_860 : i32 to vector<16xi32>
      %add3A_862 = arith.addi %xor3A_6, %add3A_861 : vector<16xi32>
      %select_n3A_863 = arith.select %lt3A_859, %add3A_862, %xor3A_6 : vector<16xi1>, vector<16xi32>
      %broadcast_in_dim3A_864 = vector.shape_cast %select_n3A_863 : vector<16xi32> to vector<16x1xi32>
      %gather3A_865 = vector.shape_cast %broadcast_in_dim3A_864 : vector<16x1xi32> to vector<16xi32>
      %gather3A_866 = tpu.dynamic_gather %max3A_856[%gather3A_865] in [0] : vector<16xf32>, vector<16xi32> -> vector<16xf32>
      %max3A_867 = arith.maximumf %max3A_856, %gather3A_866 : vector<16xf32>
      %lt3A_868 = arith.constant 0 : i32
      %lt3A_869 = vector.broadcast %lt3A_868 : i32 to vector<16xi32>
      %lt3A_870 = arith.cmpi slt, %xor3A_9, %lt3A_869 : vector<16xi32>
      %add3A_871 = arith.constant 16 : i32
      %add3A_872 = vector.broadcast %add3A_871 : i32 to vector<16xi32>
      %add3A_873 = arith.addi %xor3A_9, %add3A_872 : vector<16xi32>
      %select_n3A_874 = arith.select %lt3A_870, %add3A_873, %xor3A_9 : vector<16xi1>, vector<16xi32>
      %broadcast_in_dim3A_875 = vector.shape_cast %select_n3A_874 : vector<16xi32> to vector<16x1xi32>
      %gather3A_876 = vector.shape_cast %broadcast_in_dim3A_875 : vector<16x1xi32> to vector<16xi32>
      %gather3A_877 = tpu.dynamic_gather %max3A_867[%gather3A_876] in [0] : vector<16xf32>, vector<16xi32> -> vector<16xf32>
      %max3A_878 = arith.maximumf %max3A_867, %gather3A_877 : vector<16xf32>
      %lt3A_879 = arith.constant 0 : i32
      %lt3A_880 = vector.broadcast %lt3A_879 : i32 to vector<16xi32>
      %lt3A_881 = arith.cmpi slt, %xor3A_12, %lt3A_880 : vector<16xi32>
      %add3A_882 = arith.constant 16 : i32
      %add3A_883 = vector.broadcast %add3A_882 : i32 to vector<16xi32>
      %add3A_884 = arith.addi %xor3A_12, %add3A_883 : vector<16xi32>
      %select_n3A_885 = arith.select %lt3A_881, %add3A_884, %xor3A_12 : vector<16xi1>, vector<16xi32>
      %broadcast_in_dim3A_886 = vector.shape_cast %select_n3A_885 : vector<16xi32> to vector<16x1xi32>
      %gather3A_887 = vector.shape_cast %broadcast_in_dim3A_886 : vector<16x1xi32> to vector<16xi32>
      %gather3A_888 = tpu.dynamic_gather %max3A_878[%gather3A_887] in [0] : vector<16xf32>, vector<16xi32> -> vector<16xf32>
      %max3A_889 = arith.maximumf %max3A_878, %gather3A_888 : vector<16xf32>
      %lt3A_890 = arith.constant 0 : i32
      %lt3A_891 = vector.broadcast %lt3A_890 : i32 to vector<16xi32>
      %lt3A_892 = arith.cmpi slt, %xor3A_15, %lt3A_891 : vector<16xi32>
      %add3A_893 = arith.constant 16 : i32
      %add3A_894 = vector.broadcast %add3A_893 : i32 to vector<16xi32>
      %add3A_895 = arith.addi %xor3A_15, %add3A_894 : vector<16xi32>
      %select_n3A_896 = arith.select %lt3A_892, %add3A_895, %xor3A_15 : vector<16xi1>, vector<16xi32>
      %broadcast_in_dim3A_897 = vector.shape_cast %select_n3A_896 : vector<16xi32> to vector<16x1xi32>
      %gather3A_898 = vector.shape_cast %broadcast_in_dim3A_897 : vector<16x1xi32> to vector<16xi32>
      %gather3A_899 = tpu.dynamic_gather %max3A_889[%gather3A_898] in [0] : vector<16xf32>, vector<16xi32> -> vector<16xf32>
      %max3A_900 = arith.maximumf %max3A_889, %gather3A_899 : vector<16xf32>
      %broadcast_in_dim3A_901 = arith.constant 64 : i32
      %broadcast_in_dim3A_902 = vector.broadcast %broadcast_in_dim3A_901 : i32 to vector<16xi32>
      %eq3A_903 = arith.cmpf oeq, %get3A_838, %max3A_900 : vector<16xf32>
      %add3A_904 = arith.constant 0 : i32
      %add3A_905 = vector.broadcast %add3A_904 : i32 to vector<16xi32>
      %add3A_906 = arith.addi %iota3A, %add3A_905 : vector<16xi32>
      %select_n3A_907 = arith.select %eq3A_903, %add3A_906, %broadcast_in_dim3A_902 : vector<16xi1>, vector<16xi32>
      %eq3A_908 = arith.cmpf oeq, %get3A_843, %max3A_900 : vector<16xf32>
      %add3A_909 = arith.constant 16 : i32
      %add3A_910 = vector.broadcast %add3A_909 : i32 to vector<16xi32>
      %add3A_911 = arith.addi %iota3A, %add3A_910 : vector<16xi32>
      %select_n3A_912 = arith.select %eq3A_908, %add3A_911, %broadcast_in_dim3A_902 : vector<16xi1>, vector<16xi32>
      %eq3A_913 = arith.cmpf oeq, %get3A_848, %max3A_900 : vector<16xf32>
      %add3A_914 = arith.constant 32 : i32
      %add3A_915 = vector.broadcast %add3A_914 : i32 to vector<16xi32>
      %add3A_916 = arith.addi %iota3A, %add3A_915 : vector<16xi32>
      %select_n3A_917 = arith.select %eq3A_913, %add3A_916, %broadcast_in_dim3A_902 : vector<16xi1>, vector<16xi32>
      %eq3A_918 = arith.cmpf oeq, %get3A_853, %max3A_900 : vector<16xf32>
      %add3A_919 = arith.constant 48 : i32
      %add3A_920 = vector.broadcast %add3A_919 : i32 to vector<16xi32>
      %add3A_921 = arith.addi %iota3A, %add3A_920 : vector<16xi32>
      %select_n3A_922 = arith.select %eq3A_918, %add3A_921, %broadcast_in_dim3A_902 : vector<16xi1>, vector<16xi32>
      %min3A_923 = arith.minsi %select_n3A_907, %select_n3A_912 : vector<16xi32>
      %min3A_924 = arith.minsi %select_n3A_917, %select_n3A_922 : vector<16xi32>
      %min3A_925 = arith.minsi %min3A_923, %min3A_924 : vector<16xi32>
      %lt3A_926 = arith.constant 0 : i32
      %lt3A_927 = vector.broadcast %lt3A_926 : i32 to vector<16xi32>
      %lt3A_928 = arith.cmpi slt, %xor3A_6, %lt3A_927 : vector<16xi32>
      %add3A_929 = arith.constant 16 : i32
      %add3A_930 = vector.broadcast %add3A_929 : i32 to vector<16xi32>
      %add3A_931 = arith.addi %xor3A_6, %add3A_930 : vector<16xi32>
      %select_n3A_932 = arith.select %lt3A_928, %add3A_931, %xor3A_6 : vector<16xi1>, vector<16xi32>
      %broadcast_in_dim3A_933 = vector.shape_cast %select_n3A_932 : vector<16xi32> to vector<16x1xi32>
      %gather3A_934 = vector.shape_cast %broadcast_in_dim3A_933 : vector<16x1xi32> to vector<16xi32>
      %gather3A_935 = tpu.dynamic_gather %min3A_925[%gather3A_934] in [0] : vector<16xi32>, vector<16xi32> -> vector<16xi32>
      %min3A_936 = arith.minsi %min3A_925, %gather3A_935 : vector<16xi32>
      %lt3A_937 = arith.constant 0 : i32
      %lt3A_938 = vector.broadcast %lt3A_937 : i32 to vector<16xi32>
      %lt3A_939 = arith.cmpi slt, %xor3A_9, %lt3A_938 : vector<16xi32>
      %add3A_940 = arith.constant 16 : i32
      %add3A_941 = vector.broadcast %add3A_940 : i32 to vector<16xi32>
      %add3A_942 = arith.addi %xor3A_9, %add3A_941 : vector<16xi32>
      %select_n3A_943 = arith.select %lt3A_939, %add3A_942, %xor3A_9 : vector<16xi1>, vector<16xi32>
      %broadcast_in_dim3A_944 = vector.shape_cast %select_n3A_943 : vector<16xi32> to vector<16x1xi32>
      %gather3A_945 = vector.shape_cast %broadcast_in_dim3A_944 : vector<16x1xi32> to vector<16xi32>
      %gather3A_946 = tpu.dynamic_gather %min3A_936[%gather3A_945] in [0] : vector<16xi32>, vector<16xi32> -> vector<16xi32>
      %min3A_947 = arith.minsi %min3A_936, %gather3A_946 : vector<16xi32>
      %lt3A_948 = arith.constant 0 : i32
      %lt3A_949 = vector.broadcast %lt3A_948 : i32 to vector<16xi32>
      %lt3A_950 = arith.cmpi slt, %xor3A_12, %lt3A_949 : vector<16xi32>
      %add3A_951 = arith.constant 16 : i32
      %add3A_952 = vector.broadcast %add3A_951 : i32 to vector<16xi32>
      %add3A_953 = arith.addi %xor3A_12, %add3A_952 : vector<16xi32>
      %select_n3A_954 = arith.select %lt3A_950, %add3A_953, %xor3A_12 : vector<16xi1>, vector<16xi32>
      %broadcast_in_dim3A_955 = vector.shape_cast %select_n3A_954 : vector<16xi32> to vector<16x1xi32>
      %gather3A_956 = vector.shape_cast %broadcast_in_dim3A_955 : vector<16x1xi32> to vector<16xi32>
      %gather3A_957 = tpu.dynamic_gather %min3A_947[%gather3A_956] in [0] : vector<16xi32>, vector<16xi32> -> vector<16xi32>
      %min3A_958 = arith.minsi %min3A_947, %gather3A_957 : vector<16xi32>
      %lt3A_959 = arith.constant 0 : i32
      %lt3A_960 = vector.broadcast %lt3A_959 : i32 to vector<16xi32>
      %lt3A_961 = arith.cmpi slt, %xor3A_15, %lt3A_960 : vector<16xi32>
      %add3A_962 = arith.constant 16 : i32
      %add3A_963 = vector.broadcast %add3A_962 : i32 to vector<16xi32>
      %add3A_964 = arith.addi %xor3A_15, %add3A_963 : vector<16xi32>
      %select_n3A_965 = arith.select %lt3A_961, %add3A_964, %xor3A_15 : vector<16xi1>, vector<16xi32>
      %broadcast_in_dim3A_966 = vector.shape_cast %select_n3A_965 : vector<16xi32> to vector<16x1xi32>
      %gather3A_967 = vector.shape_cast %broadcast_in_dim3A_966 : vector<16x1xi32> to vector<16xi32>
      %gather3A_968 = tpu.dynamic_gather %min3A_958[%gather3A_967] in [0] : vector<16xi32>, vector<16xi32> -> vector<16xi32>
      %min3A_969 = arith.minsi %min3A_958, %gather3A_968 : vector<16xi32>
      %sub3A_970 = arith.subf %get3A_838, %max3A_900 : vector<16xf32>
      %exp3A_971 = math.exp %sub3A_970 : vector<16xf32>
      %sub3A_972 = arith.subf %get3A_843, %max3A_900 : vector<16xf32>
      %exp3A_973 = math.exp %sub3A_972 : vector<16xf32>
      %add3A_974 = arith.addf %exp3A_971, %exp3A_973 : vector<16xf32>
      %sub3A_975 = arith.subf %get3A_848, %max3A_900 : vector<16xf32>
      %exp3A_976 = math.exp %sub3A_975 : vector<16xf32>
      %add3A_977 = arith.addf %add3A_974, %exp3A_976 : vector<16xf32>
      %sub3A_978 = arith.subf %get3A_853, %max3A_900 : vector<16xf32>
      %exp3A_979 = math.exp %sub3A_978 : vector<16xf32>
      %add3A_980 = arith.addf %add3A_977, %exp3A_979 : vector<16xf32>
      %lt3A_981 = arith.constant 0 : i32
      %lt3A_982 = vector.broadcast %lt3A_981 : i32 to vector<16xi32>
      %lt3A_983 = arith.cmpi slt, %xor3A_6, %lt3A_982 : vector<16xi32>
      %add3A_984 = arith.constant 16 : i32
      %add3A_985 = vector.broadcast %add3A_984 : i32 to vector<16xi32>
      %add3A_986 = arith.addi %xor3A_6, %add3A_985 : vector<16xi32>
      %select_n3A_987 = arith.select %lt3A_983, %add3A_986, %xor3A_6 : vector<16xi1>, vector<16xi32>
      %broadcast_in_dim3A_988 = vector.shape_cast %select_n3A_987 : vector<16xi32> to vector<16x1xi32>
      %gather3A_989 = vector.shape_cast %broadcast_in_dim3A_988 : vector<16x1xi32> to vector<16xi32>
      %gather3A_990 = tpu.dynamic_gather %add3A_980[%gather3A_989] in [0] : vector<16xf32>, vector<16xi32> -> vector<16xf32>
      %add3A_991 = arith.addf %add3A_980, %gather3A_990 : vector<16xf32>
      %lt3A_992 = arith.constant 0 : i32
      %lt3A_993 = vector.broadcast %lt3A_992 : i32 to vector<16xi32>
      %lt3A_994 = arith.cmpi slt, %xor3A_9, %lt3A_993 : vector<16xi32>
      %add3A_995 = arith.constant 16 : i32
      %add3A_996 = vector.broadcast %add3A_995 : i32 to vector<16xi32>
      %add3A_997 = arith.addi %xor3A_9, %add3A_996 : vector<16xi32>
      %select_n3A_998 = arith.select %lt3A_994, %add3A_997, %xor3A_9 : vector<16xi1>, vector<16xi32>
      %broadcast_in_dim3A_999 = vector.shape_cast %select_n3A_998 : vector<16xi32> to vector<16x1xi32>
      %gather3A_1000 = vector.shape_cast %broadcast_in_dim3A_999 : vector<16x1xi32> to vector<16xi32>
      %gather3A_1001 = tpu.dynamic_gather %add3A_991[%gather3A_1000] in [0] : vector<16xf32>, vector<16xi32> -> vector<16xf32>
      %add3A_1002 = arith.addf %add3A_991, %gather3A_1001 : vector<16xf32>
      %lt3A_1003 = arith.constant 0 : i32
      %lt3A_1004 = vector.broadcast %lt3A_1003 : i32 to vector<16xi32>
      %lt3A_1005 = arith.cmpi slt, %xor3A_12, %lt3A_1004 : vector<16xi32>
      %add3A_1006 = arith.constant 16 : i32
      %add3A_1007 = vector.broadcast %add3A_1006 : i32 to vector<16xi32>
      %add3A_1008 = arith.addi %xor3A_12, %add3A_1007 : vector<16xi32>
      %select_n3A_1009 = arith.select %lt3A_1005, %add3A_1008, %xor3A_12 : vector<16xi1>, vector<16xi32>
      %broadcast_in_dim3A_1010 = vector.shape_cast %select_n3A_1009 : vector<16xi32> to vector<16x1xi32>
      %gather3A_1011 = vector.shape_cast %broadcast_in_dim3A_1010 : vector<16x1xi32> to vector<16xi32>
      %gather3A_1012 = tpu.dynamic_gather %add3A_1002[%gather3A_1011] in [0] : vector<16xf32>, vector<16xi32> -> vector<16xf32>
      %add3A_1013 = arith.addf %add3A_1002, %gather3A_1012 : vector<16xf32>
      %lt3A_1014 = arith.constant 0 : i32
      %lt3A_1015 = vector.broadcast %lt3A_1014 : i32 to vector<16xi32>
      %lt3A_1016 = arith.cmpi slt, %xor3A_15, %lt3A_1015 : vector<16xi32>
      %add3A_1017 = arith.constant 16 : i32
      %add3A_1018 = vector.broadcast %add3A_1017 : i32 to vector<16xi32>
      %add3A_1019 = arith.addi %xor3A_15, %add3A_1018 : vector<16xi32>
      %select_n3A_1020 = arith.select %lt3A_1016, %add3A_1019, %xor3A_15 : vector<16xi1>, vector<16xi32>
      %broadcast_in_dim3A_1021 = vector.shape_cast %select_n3A_1020 : vector<16xi32> to vector<16x1xi32>
      %gather3A_1022 = vector.shape_cast %broadcast_in_dim3A_1021 : vector<16x1xi32> to vector<16xi32>
      %gather3A_1023 = tpu.dynamic_gather %add3A_1013[%gather3A_1022] in [0] : vector<16xf32>, vector<16xi32> -> vector<16xf32>
      %add3A_1024 = arith.addf %add3A_1013, %gather3A_1023 : vector<16xf32>
      %div3A_1025 = arith.constant 1.000000e+00 : f32
      %div3A_1026 = vector.broadcast %div3A_1025 : f32 to vector<16xf32>
      %div3A_1027 = arith.divf %div3A_1026, %add3A_1024 : vector<16xf32>
      %eq3A_1028 = arith.constant 4 : i32
      %eq3A_1029 = vector.broadcast %eq3A_1028 : i32 to vector<16xi32>
      %eq3A_1030 = arith.cmpi eq, %iota3A, %eq3A_1029 : vector<16xi32>
      %select_n3A_1031 = arith.select %eq3A_1030, %min3A_969, %select_n3A_828 : vector<16xi1>, vector<16xi32>
      %select_n3A_1032 = arith.select %eq3A_1030, %div3A_1027, %select_n3A_829 : vector<16xi1>, vector<16xf32>
      %mul3A_1033 = arith.constant 16 : i32
      %mul3A_1034 = arith.muli %add3A_24, %mul3A_1033 : i32
      %add3A_1035 = arith.constant 5 : i32
      %add3A_1036 = arith.addi %mul3A_1034, %add3A_1035 : i32
      %mul3A_1037 = arith.constant 64 : i32
      %mul3A_1038 = arith.muli %add3A_1036, %mul3A_1037 : i32
      %get3A_1039 = arith.index_cast %mul3A_1038 : i32 to index
      %get3A_1040 = tpu.vector_load %arg5[%get3A_1039] {strides = array<i32>} : memref<16384xf32, #tpu.memory_space<vmem>>, vector<16xf32>,
      %get3A_1041 = vector.shape_cast %get3A_1040 : vector<16xf32> to vector<16xf32>
      %add3A_1042 = arith.constant 16 : i32
      %add3A_1043 = arith.addi %mul3A_1038, %add3A_1042 : i32
      %get3A_1044 = arith.index_cast %add3A_1043 : i32 to index
      %get3A_1045 = tpu.vector_load %arg5[%get3A_1044] {strides = array<i32>} : memref<16384xf32, #tpu.memory_space<vmem>>, vector<16xf32>,
      %get3A_1046 = vector.shape_cast %get3A_1045 : vector<16xf32> to vector<16xf32>
      %add3A_1047 = arith.constant 32 : i32
      %add3A_1048 = arith.addi %mul3A_1038, %add3A_1047 : i32
      %get3A_1049 = arith.index_cast %add3A_1048 : i32 to index
      %get3A_1050 = tpu.vector_load %arg5[%get3A_1049] {strides = array<i32>} : memref<16384xf32, #tpu.memory_space<vmem>>, vector<16xf32>,
      %get3A_1051 = vector.shape_cast %get3A_1050 : vector<16xf32> to vector<16xf32>
      %add3A_1052 = arith.constant 48 : i32
      %add3A_1053 = arith.addi %mul3A_1038, %add3A_1052 : i32
      %get3A_1054 = arith.index_cast %add3A_1053 : i32 to index
      %get3A_1055 = tpu.vector_load %arg5[%get3A_1054] {strides = array<i32>} : memref<16384xf32, #tpu.memory_space<vmem>>, vector<16xf32>,
      %get3A_1056 = vector.shape_cast %get3A_1055 : vector<16xf32> to vector<16xf32>
      %max3A_1057 = arith.maximumf %get3A_1041, %get3A_1046 : vector<16xf32>
      %max3A_1058 = arith.maximumf %get3A_1051, %get3A_1056 : vector<16xf32>
      %max3A_1059 = arith.maximumf %max3A_1057, %max3A_1058 : vector<16xf32>
      %lt3A_1060 = arith.constant 0 : i32
      %lt3A_1061 = vector.broadcast %lt3A_1060 : i32 to vector<16xi32>
      %lt3A_1062 = arith.cmpi slt, %xor3A_6, %lt3A_1061 : vector<16xi32>
      %add3A_1063 = arith.constant 16 : i32
      %add3A_1064 = vector.broadcast %add3A_1063 : i32 to vector<16xi32>
      %add3A_1065 = arith.addi %xor3A_6, %add3A_1064 : vector<16xi32>
      %select_n3A_1066 = arith.select %lt3A_1062, %add3A_1065, %xor3A_6 : vector<16xi1>, vector<16xi32>
      %broadcast_in_dim3A_1067 = vector.shape_cast %select_n3A_1066 : vector<16xi32> to vector<16x1xi32>
      %gather3A_1068 = vector.shape_cast %broadcast_in_dim3A_1067 : vector<16x1xi32> to vector<16xi32>
      %gather3A_1069 = tpu.dynamic_gather %max3A_1059[%gather3A_1068] in [0] : vector<16xf32>, vector<16xi32> -> vector<16xf32>
      %max3A_1070 = arith.maximumf %max3A_1059, %gather3A_1069 : vector<16xf32>
      %lt3A_1071 = arith.constant 0 : i32
      %lt3A_1072 = vector.broadcast %lt3A_1071 : i32 to vector<16xi32>
      %lt3A_1073 = arith.cmpi slt, %xor3A_9, %lt3A_1072 : vector<16xi32>
      %add3A_1074 = arith.constant 16 : i32
      %add3A_1075 = vector.broadcast %add3A_1074 : i32 to vector<16xi32>
      %add3A_1076 = arith.addi %xor3A_9, %add3A_1075 : vector<16xi32>
      %select_n3A_1077 = arith.select %lt3A_1073, %add3A_1076, %xor3A_9 : vector<16xi1>, vector<16xi32>
      %broadcast_in_dim3A_1078 = vector.shape_cast %select_n3A_1077 : vector<16xi32> to vector<16x1xi32>
      %gather3A_1079 = vector.shape_cast %broadcast_in_dim3A_1078 : vector<16x1xi32> to vector<16xi32>
      %gather3A_1080 = tpu.dynamic_gather %max3A_1070[%gather3A_1079] in [0] : vector<16xf32>, vector<16xi32> -> vector<16xf32>
      %max3A_1081 = arith.maximumf %max3A_1070, %gather3A_1080 : vector<16xf32>
      %lt3A_1082 = arith.constant 0 : i32
      %lt3A_1083 = vector.broadcast %lt3A_1082 : i32 to vector<16xi32>
      %lt3A_1084 = arith.cmpi slt, %xor3A_12, %lt3A_1083 : vector<16xi32>
      %add3A_1085 = arith.constant 16 : i32
      %add3A_1086 = vector.broadcast %add3A_1085 : i32 to vector<16xi32>
      %add3A_1087 = arith.addi %xor3A_12, %add3A_1086 : vector<16xi32>
      %select_n3A_1088 = arith.select %lt3A_1084, %add3A_1087, %xor3A_12 : vector<16xi1>, vector<16xi32>
      %broadcast_in_dim3A_1089 = vector.shape_cast %select_n3A_1088 : vector<16xi32> to vector<16x1xi32>
      %gather3A_1090 = vector.shape_cast %broadcast_in_dim3A_1089 : vector<16x1xi32> to vector<16xi32>
      %gather3A_1091 = tpu.dynamic_gather %max3A_1081[%gather3A_1090] in [0] : vector<16xf32>, vector<16xi32> -> vector<16xf32>
      %max3A_1092 = arith.maximumf %max3A_1081, %gather3A_1091 : vector<16xf32>
      %lt3A_1093 = arith.constant 0 : i32
      %lt3A_1094 = vector.broadcast %lt3A_1093 : i32 to vector<16xi32>
      %lt3A_1095 = arith.cmpi slt, %xor3A_15, %lt3A_1094 : vector<16xi32>
      %add3A_1096 = arith.constant 16 : i32
      %add3A_1097 = vector.broadcast %add3A_1096 : i32 to vector<16xi32>
      %add3A_1098 = arith.addi %xor3A_15, %add3A_1097 : vector<16xi32>
      %select_n3A_1099 = arith.select %lt3A_1095, %add3A_1098, %xor3A_15 : vector<16xi1>, vector<16xi32>
      %broadcast_in_dim3A_1100 = vector.shape_cast %select_n3A_1099 : vector<16xi32> to vector<16x1xi32>
      %gather3A_1101 = vector.shape_cast %broadcast_in_dim3A_1100 : vector<16x1xi32> to vector<16xi32>
      %gather3A_1102 = tpu.dynamic_gather %max3A_1092[%gather3A_1101] in [0] : vector<16xf32>, vector<16xi32> -> vector<16xf32>
      %max3A_1103 = arith.maximumf %max3A_1092, %gather3A_1102 : vector<16xf32>
      %broadcast_in_dim3A_1104 = arith.constant 64 : i32
      %broadcast_in_dim3A_1105 = vector.broadcast %broadcast_in_dim3A_1104 : i32 to vector<16xi32>
      %eq3A_1106 = arith.cmpf oeq, %get3A_1041, %max3A_1103 : vector<16xf32>
      %add3A_1107 = arith.constant 0 : i32
      %add3A_1108 = vector.broadcast %add3A_1107 : i32 to vector<16xi32>
      %add3A_1109 = arith.addi %iota3A, %add3A_1108 : vector<16xi32>
      %select_n3A_1110 = arith.select %eq3A_1106, %add3A_1109, %broadcast_in_dim3A_1105 : vector<16xi1>, vector<16xi32>
      %eq3A_1111 = arith.cmpf oeq, %get3A_1046, %max3A_1103 : vector<16xf32>
      %add3A_1112 = arith.constant 16 : i32
      %add3A_1113 = vector.broadcast %add3A_1112 : i32 to vector<16xi32>
      %add3A_1114 = arith.addi %iota3A, %add3A_1113 : vector<16xi32>
      %select_n3A_1115 = arith.select %eq3A_1111, %add3A_1114, %broadcast_in_dim3A_1105 : vector<16xi1>, vector<16xi32>
      %eq3A_1116 = arith.cmpf oeq, %get3A_1051, %max3A_1103 : vector<16xf32>
      %add3A_1117 = arith.constant 32 : i32
      %add3A_1118 = vector.broadcast %add3A_1117 : i32 to vector<16xi32>
      %add3A_1119 = arith.addi %iota3A, %add3A_1118 : vector<16xi32>
      %select_n3A_1120 = arith.select %eq3A_1116, %add3A_1119, %broadcast_in_dim3A_1105 : vector<16xi1>, vector<16xi32>
      %eq3A_1121 = arith.cmpf oeq, %get3A_1056, %max3A_1103 : vector<16xf32>
      %add3A_1122 = arith.constant 48 : i32
      %add3A_1123 = vector.broadcast %add3A_1122 : i32 to vector<16xi32>
      %add3A_1124 = arith.addi %iota3A, %add3A_1123 : vector<16xi32>
      %select_n3A_1125 = arith.select %eq3A_1121, %add3A_1124, %broadcast_in_dim3A_1105 : vector<16xi1>, vector<16xi32>
      %min3A_1126 = arith.minsi %select_n3A_1110, %select_n3A_1115 : vector<16xi32>
      %min3A_1127 = arith.minsi %select_n3A_1120, %select_n3A_1125 : vector<16xi32>
      %min3A_1128 = arith.minsi %min3A_1126, %min3A_1127 : vector<16xi32>
      %lt3A_1129 = arith.constant 0 : i32
      %lt3A_1130 = vector.broadcast %lt3A_1129 : i32 to vector<16xi32>
      %lt3A_1131 = arith.cmpi slt, %xor3A_6, %lt3A_1130 : vector<16xi32>
      %add3A_1132 = arith.constant 16 : i32
      %add3A_1133 = vector.broadcast %add3A_1132 : i32 to vector<16xi32>
      %add3A_1134 = arith.addi %xor3A_6, %add3A_1133 : vector<16xi32>
      %select_n3A_1135 = arith.select %lt3A_1131, %add3A_1134, %xor3A_6 : vector<16xi1>, vector<16xi32>
      %broadcast_in_dim3A_1136 = vector.shape_cast %select_n3A_1135 : vector<16xi32> to vector<16x1xi32>
      %gather3A_1137 = vector.shape_cast %broadcast_in_dim3A_1136 : vector<16x1xi32> to vector<16xi32>
      %gather3A_1138 = tpu.dynamic_gather %min3A_1128[%gather3A_1137] in [0] : vector<16xi32>, vector<16xi32> -> vector<16xi32>
      %min3A_1139 = arith.minsi %min3A_1128, %gather3A_1138 : vector<16xi32>
      %lt3A_1140 = arith.constant 0 : i32
      %lt3A_1141 = vector.broadcast %lt3A_1140 : i32 to vector<16xi32>
      %lt3A_1142 = arith.cmpi slt, %xor3A_9, %lt3A_1141 : vector<16xi32>
      %add3A_1143 = arith.constant 16 : i32
      %add3A_1144 = vector.broadcast %add3A_1143 : i32 to vector<16xi32>
      %add3A_1145 = arith.addi %xor3A_9, %add3A_1144 : vector<16xi32>
      %select_n3A_1146 = arith.select %lt3A_1142, %add3A_1145, %xor3A_9 : vector<16xi1>, vector<16xi32>
      %broadcast_in_dim3A_1147 = vector.shape_cast %select_n3A_1146 : vector<16xi32> to vector<16x1xi32>
      %gather3A_1148 = vector.shape_cast %broadcast_in_dim3A_1147 : vector<16x1xi32> to vector<16xi32>
      %gather3A_1149 = tpu.dynamic_gather %min3A_1139[%gather3A_1148] in [0] : vector<16xi32>, vector<16xi32> -> vector<16xi32>
      %min3A_1150 = arith.minsi %min3A_1139, %gather3A_1149 : vector<16xi32>
      %lt3A_1151 = arith.constant 0 : i32
      %lt3A_1152 = vector.broadcast %lt3A_1151 : i32 to vector<16xi32>
      %lt3A_1153 = arith.cmpi slt, %xor3A_12, %lt3A_1152 : vector<16xi32>
      %add3A_1154 = arith.constant 16 : i32
      %add3A_1155 = vector.broadcast %add3A_1154 : i32 to vector<16xi32>
      %add3A_1156 = arith.addi %xor3A_12, %add3A_1155 : vector<16xi32>
      %select_n3A_1157 = arith.select %lt3A_1153, %add3A_1156, %xor3A_12 : vector<16xi1>, vector<16xi32>
      %broadcast_in_dim3A_1158 = vector.shape_cast %select_n3A_1157 : vector<16xi32> to vector<16x1xi32>
      %gather3A_1159 = vector.shape_cast %broadcast_in_dim3A_1158 : vector<16x1xi32> to vector<16xi32>
      %gather3A_1160 = tpu.dynamic_gather %min3A_1150[%gather3A_1159] in [0] : vector<16xi32>, vector<16xi32> -> vector<16xi32>
      %min3A_1161 = arith.minsi %min3A_1150, %gather3A_1160 : vector<16xi32>
      %lt3A_1162 = arith.constant 0 : i32
      %lt3A_1163 = vector.broadcast %lt3A_1162 : i32 to vector<16xi32>
      %lt3A_1164 = arith.cmpi slt, %xor3A_15, %lt3A_1163 : vector<16xi32>
      %add3A_1165 = arith.constant 16 : i32
      %add3A_1166 = vector.broadcast %add3A_1165 : i32 to vector<16xi32>
      %add3A_1167 = arith.addi %xor3A_15, %add3A_1166 : vector<16xi32>
      %select_n3A_1168 = arith.select %lt3A_1164, %add3A_1167, %xor3A_15 : vector<16xi1>, vector<16xi32>
      %broadcast_in_dim3A_1169 = vector.shape_cast %select_n3A_1168 : vector<16xi32> to vector<16x1xi32>
      %gather3A_1170 = vector.shape_cast %broadcast_in_dim3A_1169 : vector<16x1xi32> to vector<16xi32>
      %gather3A_1171 = tpu.dynamic_gather %min3A_1161[%gather3A_1170] in [0] : vector<16xi32>, vector<16xi32> -> vector<16xi32>
      %min3A_1172 = arith.minsi %min3A_1161, %gather3A_1171 : vector<16xi32>
      %sub3A_1173 = arith.subf %get3A_1041, %max3A_1103 : vector<16xf32>
      %exp3A_1174 = math.exp %sub3A_1173 : vector<16xf32>
      %sub3A_1175 = arith.subf %get3A_1046, %max3A_1103 : vector<16xf32>
      %exp3A_1176 = math.exp %sub3A_1175 : vector<16xf32>
      %add3A_1177 = arith.addf %exp3A_1174, %exp3A_1176 : vector<16xf32>
      %sub3A_1178 = arith.subf %get3A_1051, %max3A_1103 : vector<16xf32>
      %exp3A_1179 = math.exp %sub3A_1178 : vector<16xf32>
      %add3A_1180 = arith.addf %add3A_1177, %exp3A_1179 : vector<16xf32>
      %sub3A_1181 = arith.subf %get3A_1056, %max3A_1103 : vector<16xf32>
      %exp3A_1182 = math.exp %sub3A_1181 : vector<16xf32>
      %add3A_1183 = arith.addf %add3A_1180, %exp3A_1182 : vector<16xf32>
      %lt3A_1184 = arith.constant 0 : i32
      %lt3A_1185 = vector.broadcast %lt3A_1184 : i32 to vector<16xi32>
      %lt3A_1186 = arith.cmpi slt, %xor3A_6, %lt3A_1185 : vector<16xi32>
      %add3A_1187 = arith.constant 16 : i32
      %add3A_1188 = vector.broadcast %add3A_1187 : i32 to vector<16xi32>
      %add3A_1189 = arith.addi %xor3A_6, %add3A_1188 : vector<16xi32>
      %select_n3A_1190 = arith.select %lt3A_1186, %add3A_1189, %xor3A_6 : vector<16xi1>, vector<16xi32>
      %broadcast_in_dim3A_1191 = vector.shape_cast %select_n3A_1190 : vector<16xi32> to vector<16x1xi32>
      %gather3A_1192 = vector.shape_cast %broadcast_in_dim3A_1191 : vector<16x1xi32> to vector<16xi32>
      %gather3A_1193 = tpu.dynamic_gather %add3A_1183[%gather3A_1192] in [0] : vector<16xf32>, vector<16xi32> -> vector<16xf32>
      %add3A_1194 = arith.addf %add3A_1183, %gather3A_1193 : vector<16xf32>
      %lt3A_1195 = arith.constant 0 : i32
      %lt3A_1196 = vector.broadcast %lt3A_1195 : i32 to vector<16xi32>
      %lt3A_1197 = arith.cmpi slt, %xor3A_9, %lt3A_1196 : vector<16xi32>
      %add3A_1198 = arith.constant 16 : i32
      %add3A_1199 = vector.broadcast %add3A_1198 : i32 to vector<16xi32>
      %add3A_1200 = arith.addi %xor3A_9, %add3A_1199 : vector<16xi32>
      %select_n3A_1201 = arith.select %lt3A_1197, %add3A_1200, %xor3A_9 : vector<16xi1>, vector<16xi32>
      %broadcast_in_dim3A_1202 = vector.shape_cast %select_n3A_1201 : vector<16xi32> to vector<16x1xi32>
      %gather3A_1203 = vector.shape_cast %broadcast_in_dim3A_1202 : vector<16x1xi32> to vector<16xi32>
      %gather3A_1204 = tpu.dynamic_gather %add3A_1194[%gather3A_1203] in [0] : vector<16xf32>, vector<16xi32> -> vector<16xf32>
      %add3A_1205 = arith.addf %add3A_1194, %gather3A_1204 : vector<16xf32>
      %lt3A_1206 = arith.constant 0 : i32
      %lt3A_1207 = vector.broadcast %lt3A_1206 : i32 to vector<16xi32>
      %lt3A_1208 = arith.cmpi slt, %xor3A_12, %lt3A_1207 : vector<16xi32>
      %add3A_1209 = arith.constant 16 : i32
      %add3A_1210 = vector.broadcast %add3A_1209 : i32 to vector<16xi32>
      %add3A_1211 = arith.addi %xor3A_12, %add3A_1210 : vector<16xi32>
      %select_n3A_1212 = arith.select %lt3A_1208, %add3A_1211, %xor3A_12 : vector<16xi1>, vector<16xi32>
      %broadcast_in_dim3A_1213 = vector.shape_cast %select_n3A_1212 : vector<16xi32> to vector<16x1xi32>
      %gather3A_1214 = vector.shape_cast %broadcast_in_dim3A_1213 : vector<16x1xi32> to vector<16xi32>
      %gather3A_1215 = tpu.dynamic_gather %add3A_1205[%gather3A_1214] in [0] : vector<16xf32>, vector<16xi32> -> vector<16xf32>
      %add3A_1216 = arith.addf %add3A_1205, %gather3A_1215 : vector<16xf32>
      %lt3A_1217 = arith.constant 0 : i32
      %lt3A_1218 = vector.broadcast %lt3A_1217 : i32 to vector<16xi32>
      %lt3A_1219 = arith.cmpi slt, %xor3A_15, %lt3A_1218 : vector<16xi32>
      %add3A_1220 = arith.constant 16 : i32
      %add3A_1221 = vector.broadcast %add3A_1220 : i32 to vector<16xi32>
      %add3A_1222 = arith.addi %xor3A_15, %add3A_1221 : vector<16xi32>
      %select_n3A_1223 = arith.select %lt3A_1219, %add3A_1222, %xor3A_15 : vector<16xi1>, vector<16xi32>
      %broadcast_in_dim3A_1224 = vector.shape_cast %select_n3A_1223 : vector<16xi32> to vector<16x1xi32>
      %gather3A_1225 = vector.shape_cast %broadcast_in_dim3A_1224 : vector<16x1xi32> to vector<16xi32>
      %gather3A_1226 = tpu.dynamic_gather %add3A_1216[%gather3A_1225] in [0] : vector<16xf32>, vector<16xi32> -> vector<16xf32>
      %add3A_1227 = arith.addf %add3A_1216, %gather3A_1226 : vector<16xf32>
      %div3A_1228 = arith.constant 1.000000e+00 : f32
      %div3A_1229 = vector.broadcast %div3A_1228 : f32 to vector<16xf32>
      %div3A_1230 = arith.divf %div3A_1229, %add3A_1227 : vector<16xf32>
      %eq3A_1231 = arith.constant 5 : i32
      %eq3A_1232 = vector.broadcast %eq3A_1231 : i32 to vector<16xi32>
      %eq3A_1233 = arith.cmpi eq, %iota3A, %eq3A_1232 : vector<16xi32>
      %select_n3A_1234 = arith.select %eq3A_1233, %min3A_1172, %select_n3A_1031 : vector<16xi1>, vector<16xi32>
      %select_n3A_1235 = arith.select %eq3A_1233, %div3A_1230, %select_n3A_1032 : vector<16xi1>, vector<16xf32>
      %mul3A_1236 = arith.constant 16 : i32
      %mul3A_1237 = arith.muli %add3A_24, %mul3A_1236 : i32
      %add3A_1238 = arith.constant 6 : i32
      %add3A_1239 = arith.addi %mul3A_1237, %add3A_1238 : i32
      %mul3A_1240 = arith.constant 64 : i32
      %mul3A_1241 = arith.muli %add3A_1239, %mul3A_1240 : i32
      %get3A_1242 = arith.index_cast %mul3A_1241 : i32 to index
      %get3A_1243 = tpu.vector_load %arg5[%get3A_1242] {strides = array<i32>} : memref<16384xf32, #tpu.memory_space<vmem>>, vector<16xf32>,
      %get3A_1244 = vector.shape_cast %get3A_1243 : vector<16xf32> to vector<16xf32>
      %add3A_1245 = arith.constant 16 : i32
      %add3A_1246 = arith.addi %mul3A_1241, %add3A_1245 : i32
      %get3A_1247 = arith.index_cast %add3A_1246 : i32 to index
      %get3A_1248 = tpu.vector_load %arg5[%get3A_1247] {strides = array<i32>} : memref<16384xf32, #tpu.memory_space<vmem>>, vector<16xf32>,
      %get3A_1249 = vector.shape_cast %get3A_1248 : vector<16xf32> to vector<16xf32>
      %add3A_1250 = arith.constant 32 : i32
      %add3A_1251 = arith.addi %mul3A_1241, %add3A_1250 : i32
      %get3A_1252 = arith.index_cast %add3A_1251 : i32 to index
      %get3A_1253 = tpu.vector_load %arg5[%get3A_1252] {strides = array<i32>} : memref<16384xf32, #tpu.memory_space<vmem>>, vector<16xf32>,
      %get3A_1254 = vector.shape_cast %get3A_1253 : vector<16xf32> to vector<16xf32>
      %add3A_1255 = arith.constant 48 : i32
      %add3A_1256 = arith.addi %mul3A_1241, %add3A_1255 : i32
      %get3A_1257 = arith.index_cast %add3A_1256 : i32 to index
      %get3A_1258 = tpu.vector_load %arg5[%get3A_1257] {strides = array<i32>} : memref<16384xf32, #tpu.memory_space<vmem>>, vector<16xf32>,
      %get3A_1259 = vector.shape_cast %get3A_1258 : vector<16xf32> to vector<16xf32>
      %max3A_1260 = arith.maximumf %get3A_1244, %get3A_1249 : vector<16xf32>
      %max3A_1261 = arith.maximumf %get3A_1254, %get3A_1259 : vector<16xf32>
      %max3A_1262 = arith.maximumf %max3A_1260, %max3A_1261 : vector<16xf32>
      %lt3A_1263 = arith.constant 0 : i32
      %lt3A_1264 = vector.broadcast %lt3A_1263 : i32 to vector<16xi32>
      %lt3A_1265 = arith.cmpi slt, %xor3A_6, %lt3A_1264 : vector<16xi32>
      %add3A_1266 = arith.constant 16 : i32
      %add3A_1267 = vector.broadcast %add3A_1266 : i32 to vector<16xi32>
      %add3A_1268 = arith.addi %xor3A_6, %add3A_1267 : vector<16xi32>
      %select_n3A_1269 = arith.select %lt3A_1265, %add3A_1268, %xor3A_6 : vector<16xi1>, vector<16xi32>
      %broadcast_in_dim3A_1270 = vector.shape_cast %select_n3A_1269 : vector<16xi32> to vector<16x1xi32>
      %gather3A_1271 = vector.shape_cast %broadcast_in_dim3A_1270 : vector<16x1xi32> to vector<16xi32>
      %gather3A_1272 = tpu.dynamic_gather %max3A_1262[%gather3A_1271] in [0] : vector<16xf32>, vector<16xi32> -> vector<16xf32>
      %max3A_1273 = arith.maximumf %max3A_1262, %gather3A_1272 : vector<16xf32>
      %lt3A_1274 = arith.constant 0 : i32
      %lt3A_1275 = vector.broadcast %lt3A_1274 : i32 to vector<16xi32>
      %lt3A_1276 = arith.cmpi slt, %xor3A_9, %lt3A_1275 : vector<16xi32>
      %add3A_1277 = arith.constant 16 : i32
      %add3A_1278 = vector.broadcast %add3A_1277 : i32 to vector<16xi32>
      %add3A_1279 = arith.addi %xor3A_9, %add3A_1278 : vector<16xi32>
      %select_n3A_1280 = arith.select %lt3A_1276, %add3A_1279, %xor3A_9 : vector<16xi1>, vector<16xi32>
      %broadcast_in_dim3A_1281 = vector.shape_cast %select_n3A_1280 : vector<16xi32> to vector<16x1xi32>
      %gather3A_1282 = vector.shape_cast %broadcast_in_dim3A_1281 : vector<16x1xi32> to vector<16xi32>
      %gather3A_1283 = tpu.dynamic_gather %max3A_1273[%gather3A_1282] in [0] : vector<16xf32>, vector<16xi32> -> vector<16xf32>
      %max3A_1284 = arith.maximumf %max3A_1273, %gather3A_1283 : vector<16xf32>
      %lt3A_1285 = arith.constant 0 : i32
      %lt3A_1286 = vector.broadcast %lt3A_1285 : i32 to vector<16xi32>
      %lt3A_1287 = arith.cmpi slt, %xor3A_12, %lt3A_1286 : vector<16xi32>
      %add3A_1288 = arith.constant 16 : i32
      %add3A_1289 = vector.broadcast %add3A_1288 : i32 to vector<16xi32>
      %add3A_1290 = arith.addi %xor3A_12, %add3A_1289 : vector<16xi32>
      %select_n3A_1291 = arith.select %lt3A_1287, %add3A_1290, %xor3A_12 : vector<16xi1>, vector<16xi32>
      %broadcast_in_dim3A_1292 = vector.shape_cast %select_n3A_1291 : vector<16xi32> to vector<16x1xi32>
      %gather3A_1293 = vector.shape_cast %broadcast_in_dim3A_1292 : vector<16x1xi32> to vector<16xi32>
      %gather3A_1294 = tpu.dynamic_gather %max3A_1284[%gather3A_1293] in [0] : vector<16xf32>, vector<16xi32> -> vector<16xf32>
      %max3A_1295 = arith.maximumf %max3A_1284, %gather3A_1294 : vector<16xf32>
      %lt3A_1296 = arith.constant 0 : i32
      %lt3A_1297 = vector.broadcast %lt3A_1296 : i32 to vector<16xi32>
      %lt3A_1298 = arith.cmpi slt, %xor3A_15, %lt3A_1297 : vector<16xi32>
      %add3A_1299 = arith.constant 16 : i32
      %add3A_1300 = vector.broadcast %add3A_1299 : i32 to vector<16xi32>
      %add3A_1301 = arith.addi %xor3A_15, %add3A_1300 : vector<16xi32>
      %select_n3A_1302 = arith.select %lt3A_1298, %add3A_1301, %xor3A_15 : vector<16xi1>, vector<16xi32>
      %broadcast_in_dim3A_1303 = vector.shape_cast %select_n3A_1302 : vector<16xi32> to vector<16x1xi32>
      %gather3A_1304 = vector.shape_cast %broadcast_in_dim3A_1303 : vector<16x1xi32> to vector<16xi32>
      %gather3A_1305 = tpu.dynamic_gather %max3A_1295[%gather3A_1304] in [0] : vector<16xf32>, vector<16xi32> -> vector<16xf32>
      %max3A_1306 = arith.maximumf %max3A_1295, %gather3A_1305 : vector<16xf32>
      %broadcast_in_dim3A_1307 = arith.constant 64 : i32
      %broadcast_in_dim3A_1308 = vector.broadcast %broadcast_in_dim3A_1307 : i32 to vector<16xi32>
      %eq3A_1309 = arith.cmpf oeq, %get3A_1244, %max3A_1306 : vector<16xf32>
      %add3A_1310 = arith.constant 0 : i32
      %add3A_1311 = vector.broadcast %add3A_1310 : i32 to vector<16xi32>
      %add3A_1312 = arith.addi %iota3A, %add3A_1311 : vector<16xi32>
      %select_n3A_1313 = arith.select %eq3A_1309, %add3A_1312, %broadcast_in_dim3A_1308 : vector<16xi1>, vector<16xi32>
      %eq3A_1314 = arith.cmpf oeq, %get3A_1249, %max3A_1306 : vector<16xf32>
      %add3A_1315 = arith.constant 16 : i32
      %add3A_1316 = vector.broadcast %add3A_1315 : i32 to vector<16xi32>
      %add3A_1317 = arith.addi %iota3A, %add3A_1316 : vector<16xi32>
      %select_n3A_1318 = arith.select %eq3A_1314, %add3A_1317, %broadcast_in_dim3A_1308 : vector<16xi1>, vector<16xi32>
      %eq3A_1319 = arith.cmpf oeq, %get3A_1254, %max3A_1306 : vector<16xf32>
      %add3A_1320 = arith.constant 32 : i32
      %add3A_1321 = vector.broadcast %add3A_1320 : i32 to vector<16xi32>
      %add3A_1322 = arith.addi %iota3A, %add3A_1321 : vector<16xi32>
      %select_n3A_1323 = arith.select %eq3A_1319, %add3A_1322, %broadcast_in_dim3A_1308 : vector<16xi1>, vector<16xi32>
      %eq3A_1324 = arith.cmpf oeq, %get3A_1259, %max3A_1306 : vector<16xf32>
      %add3A_1325 = arith.constant 48 : i32
      %add3A_1326 = vector.broadcast %add3A_1325 : i32 to vector<16xi32>
      %add3A_1327 = arith.addi %iota3A, %add3A_1326 : vector<16xi32>
      %select_n3A_1328 = arith.select %eq3A_1324, %add3A_1327, %broadcast_in_dim3A_1308 : vector<16xi1>, vector<16xi32>
      %min3A_1329 = arith.minsi %select_n3A_1313, %select_n3A_1318 : vector<16xi32>
      %min3A_1330 = arith.minsi %select_n3A_1323, %select_n3A_1328 : vector<16xi32>
      %min3A_1331 = arith.minsi %min3A_1329, %min3A_1330 : vector<16xi32>
      %lt3A_1332 = arith.constant 0 : i32
      %lt3A_1333 = vector.broadcast %lt3A_1332 : i32 to vector<16xi32>
      %lt3A_1334 = arith.cmpi slt, %xor3A_6, %lt3A_1333 : vector<16xi32>
      %add3A_1335 = arith.constant 16 : i32
      %add3A_1336 = vector.broadcast %add3A_1335 : i32 to vector<16xi32>
      %add3A_1337 = arith.addi %xor3A_6, %add3A_1336 : vector<16xi32>
      %select_n3A_1338 = arith.select %lt3A_1334, %add3A_1337, %xor3A_6 : vector<16xi1>, vector<16xi32>
      %broadcast_in_dim3A_1339 = vector.shape_cast %select_n3A_1338 : vector<16xi32> to vector<16x1xi32>
      %gather3A_1340 = vector.shape_cast %broadcast_in_dim3A_1339 : vector<16x1xi32> to vector<16xi32>
      %gather3A_1341 = tpu.dynamic_gather %min3A_1331[%gather3A_1340] in [0] : vector<16xi32>, vector<16xi32> -> vector<16xi32>
      %min3A_1342 = arith.minsi %min3A_1331, %gather3A_1341 : vector<16xi32>
      %lt3A_1343 = arith.constant 0 : i32
      %lt3A_1344 = vector.broadcast %lt3A_1343 : i32 to vector<16xi32>
      %lt3A_1345 = arith.cmpi slt, %xor3A_9, %lt3A_1344 : vector<16xi32>
      %add3A_1346 = arith.constant 16 : i32
      %add3A_1347 = vector.broadcast %add3A_1346 : i32 to vector<16xi32>
      %add3A_1348 = arith.addi %xor3A_9, %add3A_1347 : vector<16xi32>
      %select_n3A_1349 = arith.select %lt3A_1345, %add3A_1348, %xor3A_9 : vector<16xi1>, vector<16xi32>
      %broadcast_in_dim3A_1350 = vector.shape_cast %select_n3A_1349 : vector<16xi32> to vector<16x1xi32>
      %gather3A_1351 = vector.shape_cast %broadcast_in_dim3A_1350 : vector<16x1xi32> to vector<16xi32>
      %gather3A_1352 = tpu.dynamic_gather %min3A_1342[%gather3A_1351] in [0] : vector<16xi32>, vector<16xi32> -> vector<16xi32>
      %min3A_1353 = arith.minsi %min3A_1342, %gather3A_1352 : vector<16xi32>
      %lt3A_1354 = arith.constant 0 : i32
      %lt3A_1355 = vector.broadcast %lt3A_1354 : i32 to vector<16xi32>
      %lt3A_1356 = arith.cmpi slt, %xor3A_12, %lt3A_1355 : vector<16xi32>
      %add3A_1357 = arith.constant 16 : i32
      %add3A_1358 = vector.broadcast %add3A_1357 : i32 to vector<16xi32>
      %add3A_1359 = arith.addi %xor3A_12, %add3A_1358 : vector<16xi32>
      %select_n3A_1360 = arith.select %lt3A_1356, %add3A_1359, %xor3A_12 : vector<16xi1>, vector<16xi32>
      %broadcast_in_dim3A_1361 = vector.shape_cast %select_n3A_1360 : vector<16xi32> to vector<16x1xi32>
      %gather3A_1362 = vector.shape_cast %broadcast_in_dim3A_1361 : vector<16x1xi32> to vector<16xi32>
      %gather3A_1363 = tpu.dynamic_gather %min3A_1353[%gather3A_1362] in [0] : vector<16xi32>, vector<16xi32> -> vector<16xi32>
      %min3A_1364 = arith.minsi %min3A_1353, %gather3A_1363 : vector<16xi32>
      %lt3A_1365 = arith.constant 0 : i32
      %lt3A_1366 = vector.broadcast %lt3A_1365 : i32 to vector<16xi32>
      %lt3A_1367 = arith.cmpi slt, %xor3A_15, %lt3A_1366 : vector<16xi32>
      %add3A_1368 = arith.constant 16 : i32
      %add3A_1369 = vector.broadcast %add3A_1368 : i32 to vector<16xi32>
      %add3A_1370 = arith.addi %xor3A_15, %add3A_1369 : vector<16xi32>
      %select_n3A_1371 = arith.select %lt3A_1367, %add3A_1370, %xor3A_15 : vector<16xi1>, vector<16xi32>
      %broadcast_in_dim3A_1372 = vector.shape_cast %select_n3A_1371 : vector<16xi32> to vector<16x1xi32>
      %gather3A_1373 = vector.shape_cast %broadcast_in_dim3A_1372 : vector<16x1xi32> to vector<16xi32>
      %gather3A_1374 = tpu.dynamic_gather %min3A_1364[%gather3A_1373] in [0] : vector<16xi32>, vector<16xi32> -> vector<16xi32>
      %min3A_1375 = arith.minsi %min3A_1364, %gather3A_1374 : vector<16xi32>
      %sub3A_1376 = arith.subf %get3A_1244, %max3A_1306 : vector<16xf32>
      %exp3A_1377 = math.exp %sub3A_1376 : vector<16xf32>
      %sub3A_1378 = arith.subf %get3A_1249, %max3A_1306 : vector<16xf32>
      %exp3A_1379 = math.exp %sub3A_1378 : vector<16xf32>
      %add3A_1380 = arith.addf %exp3A_1377, %exp3A_1379 : vector<16xf32>
      %sub3A_1381 = arith.subf %get3A_1254, %max3A_1306 : vector<16xf32>
      %exp3A_1382 = math.exp %sub3A_1381 : vector<16xf32>
      %add3A_1383 = arith.addf %add3A_1380, %exp3A_1382 : vector<16xf32>
      %sub3A_1384 = arith.subf %get3A_1259, %max3A_1306 : vector<16xf32>
      %exp3A_1385 = math.exp %sub3A_1384 : vector<16xf32>
      %add3A_1386 = arith.addf %add3A_1383, %exp3A_1385 : vector<16xf32>
      %lt3A_1387 = arith.constant 0 : i32
      %lt3A_1388 = vector.broadcast %lt3A_1387 : i32 to vector<16xi32>
      %lt3A_1389 = arith.cmpi slt, %xor3A_6, %lt3A_1388 : vector<16xi32>
      %add3A_1390 = arith.constant 16 : i32
      %add3A_1391 = vector.broadcast %add3A_1390 : i32 to vector<16xi32>
      %add3A_1392 = arith.addi %xor3A_6, %add3A_1391 : vector<16xi32>
      %select_n3A_1393 = arith.select %lt3A_1389, %add3A_1392, %xor3A_6 : vector<16xi1>, vector<16xi32>
      %broadcast_in_dim3A_1394 = vector.shape_cast %select_n3A_1393 : vector<16xi32> to vector<16x1xi32>
      %gather3A_1395 = vector.shape_cast %broadcast_in_dim3A_1394 : vector<16x1xi32> to vector<16xi32>
      %gather3A_1396 = tpu.dynamic_gather %add3A_1386[%gather3A_1395] in [0] : vector<16xf32>, vector<16xi32> -> vector<16xf32>
      %add3A_1397 = arith.addf %add3A_1386, %gather3A_1396 : vector<16xf32>
      %lt3A_1398 = arith.constant 0 : i32
      %lt3A_1399 = vector.broadcast %lt3A_1398 : i32 to vector<16xi32>
      %lt3A_1400 = arith.cmpi slt, %xor3A_9, %lt3A_1399 : vector<16xi32>
      %add3A_1401 = arith.constant 16 : i32
      %add3A_1402 = vector.broadcast %add3A_1401 : i32 to vector<16xi32>
      %add3A_1403 = arith.addi %xor3A_9, %add3A_1402 : vector<16xi32>
      %select_n3A_1404 = arith.select %lt3A_1400, %add3A_1403, %xor3A_9 : vector<16xi1>, vector<16xi32>
      %broadcast_in_dim3A_1405 = vector.shape_cast %select_n3A_1404 : vector<16xi32> to vector<16x1xi32>
      %gather3A_1406 = vector.shape_cast %broadcast_in_dim3A_1405 : vector<16x1xi32> to vector<16xi32>
      %gather3A_1407 = tpu.dynamic_gather %add3A_1397[%gather3A_1406] in [0] : vector<16xf32>, vector<16xi32> -> vector<16xf32>
      %add3A_1408 = arith.addf %add3A_1397, %gather3A_1407 : vector<16xf32>
      %lt3A_1409 = arith.constant 0 : i32
      %lt3A_1410 = vector.broadcast %lt3A_1409 : i32 to vector<16xi32>
      %lt3A_1411 = arith.cmpi slt, %xor3A_12, %lt3A_1410 : vector<16xi32>
      %add3A_1412 = arith.constant 16 : i32
      %add3A_1413 = vector.broadcast %add3A_1412 : i32 to vector<16xi32>
      %add3A_1414 = arith.addi %xor3A_12, %add3A_1413 : vector<16xi32>
      %select_n3A_1415 = arith.select %lt3A_1411, %add3A_1414, %xor3A_12 : vector<16xi1>, vector<16xi32>
      %broadcast_in_dim3A_1416 = vector.shape_cast %select_n3A_1415 : vector<16xi32> to vector<16x1xi32>
      %gather3A_1417 = vector.shape_cast %broadcast_in_dim3A_1416 : vector<16x1xi32> to vector<16xi32>
      %gather3A_1418 = tpu.dynamic_gather %add3A_1408[%gather3A_1417] in [0] : vector<16xf32>, vector<16xi32> -> vector<16xf32>
      %add3A_1419 = arith.addf %add3A_1408, %gather3A_1418 : vector<16xf32>
      %lt3A_1420 = arith.constant 0 : i32
      %lt3A_1421 = vector.broadcast %lt3A_1420 : i32 to vector<16xi32>
      %lt3A_1422 = arith.cmpi slt, %xor3A_15, %lt3A_1421 : vector<16xi32>
      %add3A_1423 = arith.constant 16 : i32
      %add3A_1424 = vector.broadcast %add3A_1423 : i32 to vector<16xi32>
      %add3A_1425 = arith.addi %xor3A_15, %add3A_1424 : vector<16xi32>
      %select_n3A_1426 = arith.select %lt3A_1422, %add3A_1425, %xor3A_15 : vector<16xi1>, vector<16xi32>
      %broadcast_in_dim3A_1427 = vector.shape_cast %select_n3A_1426 : vector<16xi32> to vector<16x1xi32>
      %gather3A_1428 = vector.shape_cast %broadcast_in_dim3A_1427 : vector<16x1xi32> to vector<16xi32>
      %gather3A_1429 = tpu.dynamic_gather %add3A_1419[%gather3A_1428] in [0] : vector<16xf32>, vector<16xi32> -> vector<16xf32>
      %add3A_1430 = arith.addf %add3A_1419, %gather3A_1429 : vector<16xf32>
      %div3A_1431 = arith.constant 1.000000e+00 : f32
      %div3A_1432 = vector.broadcast %div3A_1431 : f32 to vector<16xf32>
      %div3A_1433 = arith.divf %div3A_1432, %add3A_1430 : vector<16xf32>
      %eq3A_1434 = arith.constant 6 : i32
      %eq3A_1435 = vector.broadcast %eq3A_1434 : i32 to vector<16xi32>
      %eq3A_1436 = arith.cmpi eq, %iota3A, %eq3A_1435 : vector<16xi32>
      %select_n3A_1437 = arith.select %eq3A_1436, %min3A_1375, %select_n3A_1234 : vector<16xi1>, vector<16xi32>
      %select_n3A_1438 = arith.select %eq3A_1436, %div3A_1433, %select_n3A_1235 : vector<16xi1>, vector<16xf32>
      %mul3A_1439 = arith.constant 16 : i32
      %mul3A_1440 = arith.muli %add3A_24, %mul3A_1439 : i32
      %add3A_1441 = arith.constant 7 : i32
      %add3A_1442 = arith.addi %mul3A_1440, %add3A_1441 : i32
      %mul3A_1443 = arith.constant 64 : i32
      %mul3A_1444 = arith.muli %add3A_1442, %mul3A_1443 : i32
      %get3A_1445 = arith.index_cast %mul3A_1444 : i32 to index
      %get3A_1446 = tpu.vector_load %arg5[%get3A_1445] {strides = array<i32>} : memref<16384xf32, #tpu.memory_space<vmem>>, vector<16xf32>,
      %get3A_1447 = vector.shape_cast %get3A_1446 : vector<16xf32> to vector<16xf32>
      %add3A_1448 = arith.constant 16 : i32
      %add3A_1449 = arith.addi %mul3A_1444, %add3A_1448 : i32
      %get3A_1450 = arith.index_cast %add3A_1449 : i32 to index
      %get3A_1451 = tpu.vector_load %arg5[%get3A_1450] {strides = array<i32>} : memref<16384xf32, #tpu.memory_space<vmem>>, vector<16xf32>,
      %get3A_1452 = vector.shape_cast %get3A_1451 : vector<16xf32> to vector<16xf32>
      %add3A_1453 = arith.constant 32 : i32
      %add3A_1454 = arith.addi %mul3A_1444, %add3A_1453 : i32
      %get3A_1455 = arith.index_cast %add3A_1454 : i32 to index
      %get3A_1456 = tpu.vector_load %arg5[%get3A_1455] {strides = array<i32>} : memref<16384xf32, #tpu.memory_space<vmem>>, vector<16xf32>,
      %get3A_1457 = vector.shape_cast %get3A_1456 : vector<16xf32> to vector<16xf32>
      %add3A_1458 = arith.constant 48 : i32
      %add3A_1459 = arith.addi %mul3A_1444, %add3A_1458 : i32
      %get3A_1460 = arith.index_cast %add3A_1459 : i32 to index
      %get3A_1461 = tpu.vector_load %arg5[%get3A_1460] {strides = array<i32>} : memref<16384xf32, #tpu.memory_space<vmem>>, vector<16xf32>,
      %get3A_1462 = vector.shape_cast %get3A_1461 : vector<16xf32> to vector<16xf32>
      %max3A_1463 = arith.maximumf %get3A_1447, %get3A_1452 : vector<16xf32>
      %max3A_1464 = arith.maximumf %get3A_1457, %get3A_1462 : vector<16xf32>
      %max3A_1465 = arith.maximumf %max3A_1463, %max3A_1464 : vector<16xf32>
      %lt3A_1466 = arith.constant 0 : i32
      %lt3A_1467 = vector.broadcast %lt3A_1466 : i32 to vector<16xi32>
      %lt3A_1468 = arith.cmpi slt, %xor3A_6, %lt3A_1467 : vector<16xi32>
      %add3A_1469 = arith.constant 16 : i32
      %add3A_1470 = vector.broadcast %add3A_1469 : i32 to vector<16xi32>
      %add3A_1471 = arith.addi %xor3A_6, %add3A_1470 : vector<16xi32>
      %select_n3A_1472 = arith.select %lt3A_1468, %add3A_1471, %xor3A_6 : vector<16xi1>, vector<16xi32>
      %broadcast_in_dim3A_1473 = vector.shape_cast %select_n3A_1472 : vector<16xi32> to vector<16x1xi32>
      %gather3A_1474 = vector.shape_cast %broadcast_in_dim3A_1473 : vector<16x1xi32> to vector<16xi32>
      %gather3A_1475 = tpu.dynamic_gather %max3A_1465[%gather3A_1474] in [0] : vector<16xf32>, vector<16xi32> -> vector<16xf32>
      %max3A_1476 = arith.maximumf %max3A_1465, %gather3A_1475 : vector<16xf32>
      %lt3A_1477 = arith.constant 0 : i32
      %lt3A_1478 = vector.broadcast %lt3A_1477 : i32 to vector<16xi32>
      %lt3A_1479 = arith.cmpi slt, %xor3A_9, %lt3A_1478 : vector<16xi32>
      %add3A_1480 = arith.constant 16 : i32
      %add3A_1481 = vector.broadcast %add3A_1480 : i32 to vector<16xi32>
      %add3A_1482 = arith.addi %xor3A_9, %add3A_1481 : vector<16xi32>
      %select_n3A_1483 = arith.select %lt3A_1479, %add3A_1482, %xor3A_9 : vector<16xi1>, vector<16xi32>
      %broadcast_in_dim3A_1484 = vector.shape_cast %select_n3A_1483 : vector<16xi32> to vector<16x1xi32>
      %gather3A_1485 = vector.shape_cast %broadcast_in_dim3A_1484 : vector<16x1xi32> to vector<16xi32>
      %gather3A_1486 = tpu.dynamic_gather %max3A_1476[%gather3A_1485] in [0] : vector<16xf32>, vector<16xi32> -> vector<16xf32>
      %max3A_1487 = arith.maximumf %max3A_1476, %gather3A_1486 : vector<16xf32>
      %lt3A_1488 = arith.constant 0 : i32
      %lt3A_1489 = vector.broadcast %lt3A_1488 : i32 to vector<16xi32>
      %lt3A_1490 = arith.cmpi slt, %xor3A_12, %lt3A_1489 : vector<16xi32>
      %add3A_1491 = arith.constant 16 : i32
      %add3A_1492 = vector.broadcast %add3A_1491 : i32 to vector<16xi32>
      %add3A_1493 = arith.addi %xor3A_12, %add3A_1492 : vector<16xi32>
      %select_n3A_1494 = arith.select %lt3A_1490, %add3A_1493, %xor3A_12 : vector<16xi1>, vector<16xi32>
      %broadcast_in_dim3A_1495 = vector.shape_cast %select_n3A_1494 : vector<16xi32> to vector<16x1xi32>
      %gather3A_1496 = vector.shape_cast %broadcast_in_dim3A_1495 : vector<16x1xi32> to vector<16xi32>
      %gather3A_1497 = tpu.dynamic_gather %max3A_1487[%gather3A_1496] in [0] : vector<16xf32>, vector<16xi32> -> vector<16xf32>
      %max3A_1498 = arith.maximumf %max3A_1487, %gather3A_1497 : vector<16xf32>
      %lt3A_1499 = arith.constant 0 : i32
      %lt3A_1500 = vector.broadcast %lt3A_1499 : i32 to vector<16xi32>
      %lt3A_1501 = arith.cmpi slt, %xor3A_15, %lt3A_1500 : vector<16xi32>
      %add3A_1502 = arith.constant 16 : i32
      %add3A_1503 = vector.broadcast %add3A_1502 : i32 to vector<16xi32>
      %add3A_1504 = arith.addi %xor3A_15, %add3A_1503 : vector<16xi32>
      %select_n3A_1505 = arith.select %lt3A_1501, %add3A_1504, %xor3A_15 : vector<16xi1>, vector<16xi32>
      %broadcast_in_dim3A_1506 = vector.shape_cast %select_n3A_1505 : vector<16xi32> to vector<16x1xi32>
      %gather3A_1507 = vector.shape_cast %broadcast_in_dim3A_1506 : vector<16x1xi32> to vector<16xi32>
      %gather3A_1508 = tpu.dynamic_gather %max3A_1498[%gather3A_1507] in [0] : vector<16xf32>, vector<16xi32> -> vector<16xf32>
      %max3A_1509 = arith.maximumf %max3A_1498, %gather3A_1508 : vector<16xf32>
      %broadcast_in_dim3A_1510 = arith.constant 64 : i32
      %broadcast_in_dim3A_1511 = vector.broadcast %broadcast_in_dim3A_1510 : i32 to vector<16xi32>
      %eq3A_1512 = arith.cmpf oeq, %get3A_1447, %max3A_1509 : vector<16xf32>
      %add3A_1513 = arith.constant 0 : i32
      %add3A_1514 = vector.broadcast %add3A_1513 : i32 to vector<16xi32>
      %add3A_1515 = arith.addi %iota3A, %add3A_1514 : vector<16xi32>
      %select_n3A_1516 = arith.select %eq3A_1512, %add3A_1515, %broadcast_in_dim3A_1511 : vector<16xi1>, vector<16xi32>
      %eq3A_1517 = arith.cmpf oeq, %get3A_1452, %max3A_1509 : vector<16xf32>
      %add3A_1518 = arith.constant 16 : i32
      %add3A_1519 = vector.broadcast %add3A_1518 : i32 to vector<16xi32>
      %add3A_1520 = arith.addi %iota3A, %add3A_1519 : vector<16xi32>
      %select_n3A_1521 = arith.select %eq3A_1517, %add3A_1520, %broadcast_in_dim3A_1511 : vector<16xi1>, vector<16xi32>
      %eq3A_1522 = arith.cmpf oeq, %get3A_1457, %max3A_1509 : vector<16xf32>
      %add3A_1523 = arith.constant 32 : i32
      %add3A_1524 = vector.broadcast %add3A_1523 : i32 to vector<16xi32>
      %add3A_1525 = arith.addi %iota3A, %add3A_1524 : vector<16xi32>
      %select_n3A_1526 = arith.select %eq3A_1522, %add3A_1525, %broadcast_in_dim3A_1511 : vector<16xi1>, vector<16xi32>
      %eq3A_1527 = arith.cmpf oeq, %get3A_1462, %max3A_1509 : vector<16xf32>
      %add3A_1528 = arith.constant 48 : i32
      %add3A_1529 = vector.broadcast %add3A_1528 : i32 to vector<16xi32>
      %add3A_1530 = arith.addi %iota3A, %add3A_1529 : vector<16xi32>
      %select_n3A_1531 = arith.select %eq3A_1527, %add3A_1530, %broadcast_in_dim3A_1511 : vector<16xi1>, vector<16xi32>
      %min3A_1532 = arith.minsi %select_n3A_1516, %select_n3A_1521 : vector<16xi32>
      %min3A_1533 = arith.minsi %select_n3A_1526, %select_n3A_1531 : vector<16xi32>
      %min3A_1534 = arith.minsi %min3A_1532, %min3A_1533 : vector<16xi32>
      %lt3A_1535 = arith.constant 0 : i32
      %lt3A_1536 = vector.broadcast %lt3A_1535 : i32 to vector<16xi32>
      %lt3A_1537 = arith.cmpi slt, %xor3A_6, %lt3A_1536 : vector<16xi32>
      %add3A_1538 = arith.constant 16 : i32
      %add3A_1539 = vector.broadcast %add3A_1538 : i32 to vector<16xi32>
      %add3A_1540 = arith.addi %xor3A_6, %add3A_1539 : vector<16xi32>
      %select_n3A_1541 = arith.select %lt3A_1537, %add3A_1540, %xor3A_6 : vector<16xi1>, vector<16xi32>
      %broadcast_in_dim3A_1542 = vector.shape_cast %select_n3A_1541 : vector<16xi32> to vector<16x1xi32>
      %gather3A_1543 = vector.shape_cast %broadcast_in_dim3A_1542 : vector<16x1xi32> to vector<16xi32>
      %gather3A_1544 = tpu.dynamic_gather %min3A_1534[%gather3A_1543] in [0] : vector<16xi32>, vector<16xi32> -> vector<16xi32>
      %min3A_1545 = arith.minsi %min3A_1534, %gather3A_1544 : vector<16xi32>
      %lt3A_1546 = arith.constant 0 : i32
      %lt3A_1547 = vector.broadcast %lt3A_1546 : i32 to vector<16xi32>
      %lt3A_1548 = arith.cmpi slt, %xor3A_9, %lt3A_1547 : vector<16xi32>
      %add3A_1549 = arith.constant 16 : i32
      %add3A_1550 = vector.broadcast %add3A_1549 : i32 to vector<16xi32>
      %add3A_1551 = arith.addi %xor3A_9, %add3A_1550 : vector<16xi32>
      %select_n3A_1552 = arith.select %lt3A_1548, %add3A_1551, %xor3A_9 : vector<16xi1>, vector<16xi32>
      %broadcast_in_dim3A_1553 = vector.shape_cast %select_n3A_1552 : vector<16xi32> to vector<16x1xi32>
      %gather3A_1554 = vector.shape_cast %broadcast_in_dim3A_1553 : vector<16x1xi32> to vector<16xi32>
      %gather3A_1555 = tpu.dynamic_gather %min3A_1545[%gather3A_1554] in [0] : vector<16xi32>, vector<16xi32> -> vector<16xi32>
      %min3A_1556 = arith.minsi %min3A_1545, %gather3A_1555 : vector<16xi32>
      %lt3A_1557 = arith.constant 0 : i32
      %lt3A_1558 = vector.broadcast %lt3A_1557 : i32 to vector<16xi32>
      %lt3A_1559 = arith.cmpi slt, %xor3A_12, %lt3A_1558 : vector<16xi32>
      %add3A_1560 = arith.constant 16 : i32
      %add3A_1561 = vector.broadcast %add3A_1560 : i32 to vector<16xi32>
      %add3A_1562 = arith.addi %xor3A_12, %add3A_1561 : vector<16xi32>
      %select_n3A_1563 = arith.select %lt3A_1559, %add3A_1562, %xor3A_12 : vector<16xi1>, vector<16xi32>
      %broadcast_in_dim3A_1564 = vector.shape_cast %select_n3A_1563 : vector<16xi32> to vector<16x1xi32>
      %gather3A_1565 = vector.shape_cast %broadcast_in_dim3A_1564 : vector<16x1xi32> to vector<16xi32>
      %gather3A_1566 = tpu.dynamic_gather %min3A_1556[%gather3A_1565] in [0] : vector<16xi32>, vector<16xi32> -> vector<16xi32>
      %min3A_1567 = arith.minsi %min3A_1556, %gather3A_1566 : vector<16xi32>
      %lt3A_1568 = arith.constant 0 : i32
      %lt3A_1569 = vector.broadcast %lt3A_1568 : i32 to vector<16xi32>
      %lt3A_1570 = arith.cmpi slt, %xor3A_15, %lt3A_1569 : vector<16xi32>
      %add3A_1571 = arith.constant 16 : i32
      %add3A_1572 = vector.broadcast %add3A_1571 : i32 to vector<16xi32>
      %add3A_1573 = arith.addi %xor3A_15, %add3A_1572 : vector<16xi32>
      %select_n3A_1574 = arith.select %lt3A_1570, %add3A_1573, %xor3A_15 : vector<16xi1>, vector<16xi32>
      %broadcast_in_dim3A_1575 = vector.shape_cast %select_n3A_1574 : vector<16xi32> to vector<16x1xi32>
      %gather3A_1576 = vector.shape_cast %broadcast_in_dim3A_1575 : vector<16x1xi32> to vector<16xi32>
      %gather3A_1577 = tpu.dynamic_gather %min3A_1567[%gather3A_1576] in [0] : vector<16xi32>, vector<16xi32> -> vector<16xi32>
      %min3A_1578 = arith.minsi %min3A_1567, %gather3A_1577 : vector<16xi32>
      %sub3A_1579 = arith.subf %get3A_1447, %max3A_1509 : vector<16xf32>
      %exp3A_1580 = math.exp %sub3A_1579 : vector<16xf32>
      %sub3A_1581 = arith.subf %get3A_1452, %max3A_1509 : vector<16xf32>
      %exp3A_1582 = math.exp %sub3A_1581 : vector<16xf32>
      %add3A_1583 = arith.addf %exp3A_1580, %exp3A_1582 : vector<16xf32>
      %sub3A_1584 = arith.subf %get3A_1457, %max3A_1509 : vector<16xf32>
      %exp3A_1585 = math.exp %sub3A_1584 : vector<16xf32>
      %add3A_1586 = arith.addf %add3A_1583, %exp3A_1585 : vector<16xf32>
      %sub3A_1587 = arith.subf %get3A_1462, %max3A_1509 : vector<16xf32>
      %exp3A_1588 = math.exp %sub3A_1587 : vector<16xf32>
      %add3A_1589 = arith.addf %add3A_1586, %exp3A_1588 : vector<16xf32>
      %lt3A_1590 = arith.constant 0 : i32
      %lt3A_1591 = vector.broadcast %lt3A_1590 : i32 to vector<16xi32>
      %lt3A_1592 = arith.cmpi slt, %xor3A_6, %lt3A_1591 : vector<16xi32>
      %add3A_1593 = arith.constant 16 : i32
      %add3A_1594 = vector.broadcast %add3A_1593 : i32 to vector<16xi32>
      %add3A_1595 = arith.addi %xor3A_6, %add3A_1594 : vector<16xi32>
      %select_n3A_1596 = arith.select %lt3A_1592, %add3A_1595, %xor3A_6 : vector<16xi1>, vector<16xi32>
      %broadcast_in_dim3A_1597 = vector.shape_cast %select_n3A_1596 : vector<16xi32> to vector<16x1xi32>
      %gather3A_1598 = vector.shape_cast %broadcast_in_dim3A_1597 : vector<16x1xi32> to vector<16xi32>
      %gather3A_1599 = tpu.dynamic_gather %add3A_1589[%gather3A_1598] in [0] : vector<16xf32>, vector<16xi32> -> vector<16xf32>
      %add3A_1600 = arith.addf %add3A_1589, %gather3A_1599 : vector<16xf32>
      %lt3A_1601 = arith.constant 0 : i32
      %lt3A_1602 = vector.broadcast %lt3A_1601 : i32 to vector<16xi32>
      %lt3A_1603 = arith.cmpi slt, %xor3A_9, %lt3A_1602 : vector<16xi32>
      %add3A_1604 = arith.constant 16 : i32
      %add3A_1605 = vector.broadcast %add3A_1604 : i32 to vector<16xi32>
      %add3A_1606 = arith.addi %xor3A_9, %add3A_1605 : vector<16xi32>
      %select_n3A_1607 = arith.select %lt3A_1603, %add3A_1606, %xor3A_9 : vector<16xi1>, vector<16xi32>
      %broadcast_in_dim3A_1608 = vector.shape_cast %select_n3A_1607 : vector<16xi32> to vector<16x1xi32>
      %gather3A_1609 = vector.shape_cast %broadcast_in_dim3A_1608 : vector<16x1xi32> to vector<16xi32>
      %gather3A_1610 = tpu.dynamic_gather %add3A_1600[%gather3A_1609] in [0] : vector<16xf32>, vector<16xi32> -> vector<16xf32>
      %add3A_1611 = arith.addf %add3A_1600, %gather3A_1610 : vector<16xf32>
      %lt3A_1612 = arith.constant 0 : i32
      %lt3A_1613 = vector.broadcast %lt3A_1612 : i32 to vector<16xi32>
      %lt3A_1614 = arith.cmpi slt, %xor3A_12, %lt3A_1613 : vector<16xi32>
      %add3A_1615 = arith.constant 16 : i32
      %add3A_1616 = vector.broadcast %add3A_1615 : i32 to vector<16xi32>
      %add3A_1617 = arith.addi %xor3A_12, %add3A_1616 : vector<16xi32>
      %select_n3A_1618 = arith.select %lt3A_1614, %add3A_1617, %xor3A_12 : vector<16xi1>, vector<16xi32>
      %broadcast_in_dim3A_1619 = vector.shape_cast %select_n3A_1618 : vector<16xi32> to vector<16x1xi32>
      %gather3A_1620 = vector.shape_cast %broadcast_in_dim3A_1619 : vector<16x1xi32> to vector<16xi32>
      %gather3A_1621 = tpu.dynamic_gather %add3A_1611[%gather3A_1620] in [0] : vector<16xf32>, vector<16xi32> -> vector<16xf32>
      %add3A_1622 = arith.addf %add3A_1611, %gather3A_1621 : vector<16xf32>
      %lt3A_1623 = arith.constant 0 : i32
      %lt3A_1624 = vector.broadcast %lt3A_1623 : i32 to vector<16xi32>
      %lt3A_1625 = arith.cmpi slt, %xor3A_15, %lt3A_1624 : vector<16xi32>
      %add3A_1626 = arith.constant 16 : i32
      %add3A_1627 = vector.broadcast %add3A_1626 : i32 to vector<16xi32>
      %add3A_1628 = arith.addi %xor3A_15, %add3A_1627 : vector<16xi32>
      %select_n3A_1629 = arith.select %lt3A_1625, %add3A_1628, %xor3A_15 : vector<16xi1>, vector<16xi32>
      %broadcast_in_dim3A_1630 = vector.shape_cast %select_n3A_1629 : vector<16xi32> to vector<16x1xi32>
      %gather3A_1631 = vector.shape_cast %broadcast_in_dim3A_1630 : vector<16x1xi32> to vector<16xi32>
      %gather3A_1632 = tpu.dynamic_gather %add3A_1622[%gather3A_1631] in [0] : vector<16xf32>, vector<16xi32> -> vector<16xf32>
      %add3A_1633 = arith.addf %add3A_1622, %gather3A_1632 : vector<16xf32>
      %div3A_1634 = arith.constant 1.000000e+00 : f32
      %div3A_1635 = vector.broadcast %div3A_1634 : f32 to vector<16xf32>
      %div3A_1636 = arith.divf %div3A_1635, %add3A_1633 : vector<16xf32>
      %eq3A_1637 = arith.constant 7 : i32
      %eq3A_1638 = vector.broadcast %eq3A_1637 : i32 to vector<16xi32>
      %eq3A_1639 = arith.cmpi eq, %iota3A, %eq3A_1638 : vector<16xi32>
      %select_n3A_1640 = arith.select %eq3A_1639, %min3A_1578, %select_n3A_1437 : vector<16xi1>, vector<16xi32>
      %select_n3A_1641 = arith.select %eq3A_1639, %div3A_1636, %select_n3A_1438 : vector<16xi1>, vector<16xf32>
      %mul3A_1642 = arith.constant 16 : i32
      %mul3A_1643 = arith.muli %add3A_24, %mul3A_1642 : i32
      %add3A_1644 = arith.constant 8 : i32
      %add3A_1645 = arith.addi %mul3A_1643, %add3A_1644 : i32
      %mul3A_1646 = arith.constant 64 : i32
      %mul3A_1647 = arith.muli %add3A_1645, %mul3A_1646 : i32
      %get3A_1648 = arith.index_cast %mul3A_1647 : i32 to index
      %get3A_1649 = tpu.vector_load %arg5[%get3A_1648] {strides = array<i32>} : memref<16384xf32, #tpu.memory_space<vmem>>, vector<16xf32>,
      %get3A_1650 = vector.shape_cast %get3A_1649 : vector<16xf32> to vector<16xf32>
      %add3A_1651 = arith.constant 16 : i32
      %add3A_1652 = arith.addi %mul3A_1647, %add3A_1651 : i32
      %get3A_1653 = arith.index_cast %add3A_1652 : i32 to index
      %get3A_1654 = tpu.vector_load %arg5[%get3A_1653] {strides = array<i32>} : memref<16384xf32, #tpu.memory_space<vmem>>, vector<16xf32>,
      %get3A_1655 = vector.shape_cast %get3A_1654 : vector<16xf32> to vector<16xf32>
      %add3A_1656 = arith.constant 32 : i32
      %add3A_1657 = arith.addi %mul3A_1647, %add3A_1656 : i32
      %get3A_1658 = arith.index_cast %add3A_1657 : i32 to index
      %get3A_1659 = tpu.vector_load %arg5[%get3A_1658] {strides = array<i32>} : memref<16384xf32, #tpu.memory_space<vmem>>, vector<16xf32>,
      %get3A_1660 = vector.shape_cast %get3A_1659 : vector<16xf32> to vector<16xf32>
      %add3A_1661 = arith.constant 48 : i32
      %add3A_1662 = arith.addi %mul3A_1647, %add3A_1661 : i32
      %get3A_1663 = arith.index_cast %add3A_1662 : i32 to index
      %get3A_1664 = tpu.vector_load %arg5[%get3A_1663] {strides = array<i32>} : memref<16384xf32, #tpu.memory_space<vmem>>, vector<16xf32>,
      %get3A_1665 = vector.shape_cast %get3A_1664 : vector<16xf32> to vector<16xf32>
      %max3A_1666 = arith.maximumf %get3A_1650, %get3A_1655 : vector<16xf32>
      %max3A_1667 = arith.maximumf %get3A_1660, %get3A_1665 : vector<16xf32>
      %max3A_1668 = arith.maximumf %max3A_1666, %max3A_1667 : vector<16xf32>
      %lt3A_1669 = arith.constant 0 : i32
      %lt3A_1670 = vector.broadcast %lt3A_1669 : i32 to vector<16xi32>
      %lt3A_1671 = arith.cmpi slt, %xor3A_6, %lt3A_1670 : vector<16xi32>
      %add3A_1672 = arith.constant 16 : i32
      %add3A_1673 = vector.broadcast %add3A_1672 : i32 to vector<16xi32>
      %add3A_1674 = arith.addi %xor3A_6, %add3A_1673 : vector<16xi32>
      %select_n3A_1675 = arith.select %lt3A_1671, %add3A_1674, %xor3A_6 : vector<16xi1>, vector<16xi32>
      %broadcast_in_dim3A_1676 = vector.shape_cast %select_n3A_1675 : vector<16xi32> to vector<16x1xi32>
      %gather3A_1677 = vector.shape_cast %broadcast_in_dim3A_1676 : vector<16x1xi32> to vector<16xi32>
      %gather3A_1678 = tpu.dynamic_gather %max3A_1668[%gather3A_1677] in [0] : vector<16xf32>, vector<16xi32> -> vector<16xf32>
      %max3A_1679 = arith.maximumf %max3A_1668, %gather3A_1678 : vector<16xf32>
      %lt3A_1680 = arith.constant 0 : i32
      %lt3A_1681 = vector.broadcast %lt3A_1680 : i32 to vector<16xi32>
      %lt3A_1682 = arith.cmpi slt, %xor3A_9, %lt3A_1681 : vector<16xi32>
      %add3A_1683 = arith.constant 16 : i32
      %add3A_1684 = vector.broadcast %add3A_1683 : i32 to vector<16xi32>
      %add3A_1685 = arith.addi %xor3A_9, %add3A_1684 : vector<16xi32>
      %select_n3A_1686 = arith.select %lt3A_1682, %add3A_1685, %xor3A_9 : vector<16xi1>, vector<16xi32>
      %broadcast_in_dim3A_1687 = vector.shape_cast %select_n3A_1686 : vector<16xi32> to vector<16x1xi32>
      %gather3A_1688 = vector.shape_cast %broadcast_in_dim3A_1687 : vector<16x1xi32> to vector<16xi32>
      %gather3A_1689 = tpu.dynamic_gather %max3A_1679[%gather3A_1688] in [0] : vector<16xf32>, vector<16xi32> -> vector<16xf32>
      %max3A_1690 = arith.maximumf %max3A_1679, %gather3A_1689 : vector<16xf32>
      %lt3A_1691 = arith.constant 0 : i32
      %lt3A_1692 = vector.broadcast %lt3A_1691 : i32 to vector<16xi32>
      %lt3A_1693 = arith.cmpi slt, %xor3A_12, %lt3A_1692 : vector<16xi32>
      %add3A_1694 = arith.constant 16 : i32
      %add3A_1695 = vector.broadcast %add3A_1694 : i32 to vector<16xi32>
      %add3A_1696 = arith.addi %xor3A_12, %add3A_1695 : vector<16xi32>
      %select_n3A_1697 = arith.select %lt3A_1693, %add3A_1696, %xor3A_12 : vector<16xi1>, vector<16xi32>
      %broadcast_in_dim3A_1698 = vector.shape_cast %select_n3A_1697 : vector<16xi32> to vector<16x1xi32>
      %gather3A_1699 = vector.shape_cast %broadcast_in_dim3A_1698 : vector<16x1xi32> to vector<16xi32>
      %gather3A_1700 = tpu.dynamic_gather %max3A_1690[%gather3A_1699] in [0] : vector<16xf32>, vector<16xi32> -> vector<16xf32>
      %max3A_1701 = arith.maximumf %max3A_1690, %gather3A_1700 : vector<16xf32>
      %lt3A_1702 = arith.constant 0 : i32
      %lt3A_1703 = vector.broadcast %lt3A_1702 : i32 to vector<16xi32>
      %lt3A_1704 = arith.cmpi slt, %xor3A_15, %lt3A_1703 : vector<16xi32>
      %add3A_1705 = arith.constant 16 : i32
      %add3A_1706 = vector.broadcast %add3A_1705 : i32 to vector<16xi32>
      %add3A_1707 = arith.addi %xor3A_15, %add3A_1706 : vector<16xi32>
      %select_n3A_1708 = arith.select %lt3A_1704, %add3A_1707, %xor3A_15 : vector<16xi1>, vector<16xi32>
      %broadcast_in_dim3A_1709 = vector.shape_cast %select_n3A_1708 : vector<16xi32> to vector<16x1xi32>
      %gather3A_1710 = vector.shape_cast %broadcast_in_dim3A_1709 : vector<16x1xi32> to vector<16xi32>
      %gather3A_1711 = tpu.dynamic_gather %max3A_1701[%gather3A_1710] in [0] : vector<16xf32>, vector<16xi32> -> vector<16xf32>
      %max3A_1712 = arith.maximumf %max3A_1701, %gather3A_1711 : vector<16xf32>
      %broadcast_in_dim3A_1713 = arith.constant 64 : i32
      %broadcast_in_dim3A_1714 = vector.broadcast %broadcast_in_dim3A_1713 : i32 to vector<16xi32>
      %eq3A_1715 = arith.cmpf oeq, %get3A_1650, %max3A_1712 : vector<16xf32>
      %add3A_1716 = arith.constant 0 : i32
      %add3A_1717 = vector.broadcast %add3A_1716 : i32 to vector<16xi32>
      %add3A_1718 = arith.addi %iota3A, %add3A_1717 : vector<16xi32>
      %select_n3A_1719 = arith.select %eq3A_1715, %add3A_1718, %broadcast_in_dim3A_1714 : vector<16xi1>, vector<16xi32>
      %eq3A_1720 = arith.cmpf oeq, %get3A_1655, %max3A_1712 : vector<16xf32>
      %add3A_1721 = arith.constant 16 : i32
      %add3A_1722 = vector.broadcast %add3A_1721 : i32 to vector<16xi32>
      %add3A_1723 = arith.addi %iota3A, %add3A_1722 : vector<16xi32>
      %select_n3A_1724 = arith.select %eq3A_1720, %add3A_1723, %broadcast_in_dim3A_1714 : vector<16xi1>, vector<16xi32>
      %eq3A_1725 = arith.cmpf oeq, %get3A_1660, %max3A_1712 : vector<16xf32>
      %add3A_1726 = arith.constant 32 : i32
      %add3A_1727 = vector.broadcast %add3A_1726 : i32 to vector<16xi32>
      %add3A_1728 = arith.addi %iota3A, %add3A_1727 : vector<16xi32>
      %select_n3A_1729 = arith.select %eq3A_1725, %add3A_1728, %broadcast_in_dim3A_1714 : vector<16xi1>, vector<16xi32>
      %eq3A_1730 = arith.cmpf oeq, %get3A_1665, %max3A_1712 : vector<16xf32>
      %add3A_1731 = arith.constant 48 : i32
      %add3A_1732 = vector.broadcast %add3A_1731 : i32 to vector<16xi32>
      %add3A_1733 = arith.addi %iota3A, %add3A_1732 : vector<16xi32>
      %select_n3A_1734 = arith.select %eq3A_1730, %add3A_1733, %broadcast_in_dim3A_1714 : vector<16xi1>, vector<16xi32>
      %min3A_1735 = arith.minsi %select_n3A_1719, %select_n3A_1724 : vector<16xi32>
      %min3A_1736 = arith.minsi %select_n3A_1729, %select_n3A_1734 : vector<16xi32>
      %min3A_1737 = arith.minsi %min3A_1735, %min3A_1736 : vector<16xi32>
      %lt3A_1738 = arith.constant 0 : i32
      %lt3A_1739 = vector.broadcast %lt3A_1738 : i32 to vector<16xi32>
      %lt3A_1740 = arith.cmpi slt, %xor3A_6, %lt3A_1739 : vector<16xi32>
      %add3A_1741 = arith.constant 16 : i32
      %add3A_1742 = vector.broadcast %add3A_1741 : i32 to vector<16xi32>
      %add3A_1743 = arith.addi %xor3A_6, %add3A_1742 : vector<16xi32>
      %select_n3A_1744 = arith.select %lt3A_1740, %add3A_1743, %xor3A_6 : vector<16xi1>, vector<16xi32>
      %broadcast_in_dim3A_1745 = vector.shape_cast %select_n3A_1744 : vector<16xi32> to vector<16x1xi32>
      %gather3A_1746 = vector.shape_cast %broadcast_in_dim3A_1745 : vector<16x1xi32> to vector<16xi32>
      %gather3A_1747 = tpu.dynamic_gather %min3A_1737[%gather3A_1746] in [0] : vector<16xi32>, vector<16xi32> -> vector<16xi32>
      %min3A_1748 = arith.minsi %min3A_1737, %gather3A_1747 : vector<16xi32>
      %lt3A_1749 = arith.constant 0 : i32
      %lt3A_1750 = vector.broadcast %lt3A_1749 : i32 to vector<16xi32>
      %lt3A_1751 = arith.cmpi slt, %xor3A_9, %lt3A_1750 : vector<16xi32>
      %add3A_1752 = arith.constant 16 : i32
      %add3A_1753 = vector.broadcast %add3A_1752 : i32 to vector<16xi32>
      %add3A_1754 = arith.addi %xor3A_9, %add3A_1753 : vector<16xi32>
      %select_n3A_1755 = arith.select %lt3A_1751, %add3A_1754, %xor3A_9 : vector<16xi1>, vector<16xi32>
      %broadcast_in_dim3A_1756 = vector.shape_cast %select_n3A_1755 : vector<16xi32> to vector<16x1xi32>
      %gather3A_1757 = vector.shape_cast %broadcast_in_dim3A_1756 : vector<16x1xi32> to vector<16xi32>
      %gather3A_1758 = tpu.dynamic_gather %min3A_1748[%gather3A_1757] in [0] : vector<16xi32>, vector<16xi32> -> vector<16xi32>
      %min3A_1759 = arith.minsi %min3A_1748, %gather3A_1758 : vector<16xi32>
      %lt3A_1760 = arith.constant 0 : i32
      %lt3A_1761 = vector.broadcast %lt3A_1760 : i32 to vector<16xi32>
      %lt3A_1762 = arith.cmpi slt, %xor3A_12, %lt3A_1761 : vector<16xi32>
      %add3A_1763 = arith.constant 16 : i32
      %add3A_1764 = vector.broadcast %add3A_1763 : i32 to vector<16xi32>
      %add3A_1765 = arith.addi %xor3A_12, %add3A_1764 : vector<16xi32>
      %select_n3A_1766 = arith.select %lt3A_1762, %add3A_1765, %xor3A_12 : vector<16xi1>, vector<16xi32>
      %broadcast_in_dim3A_1767 = vector.shape_cast %select_n3A_1766 : vector<16xi32> to vector<16x1xi32>
      %gather3A_1768 = vector.shape_cast %broadcast_in_dim3A_1767 : vector<16x1xi32> to vector<16xi32>
      %gather3A_1769 = tpu.dynamic_gather %min3A_1759[%gather3A_1768] in [0] : vector<16xi32>, vector<16xi32> -> vector<16xi32>
      %min3A_1770 = arith.minsi %min3A_1759, %gather3A_1769 : vector<16xi32>
      %lt3A_1771 = arith.constant 0 : i32
      %lt3A_1772 = vector.broadcast %lt3A_1771 : i32 to vector<16xi32>
      %lt3A_1773 = arith.cmpi slt, %xor3A_15, %lt3A_1772 : vector<16xi32>
      %add3A_1774 = arith.constant 16 : i32
      %add3A_1775 = vector.broadcast %add3A_1774 : i32 to vector<16xi32>
      %add3A_1776 = arith.addi %xor3A_15, %add3A_1775 : vector<16xi32>
      %select_n3A_1777 = arith.select %lt3A_1773, %add3A_1776, %xor3A_15 : vector<16xi1>, vector<16xi32>
      %broadcast_in_dim3A_1778 = vector.shape_cast %select_n3A_1777 : vector<16xi32> to vector<16x1xi32>
      %gather3A_1779 = vector.shape_cast %broadcast_in_dim3A_1778 : vector<16x1xi32> to vector<16xi32>
      %gather3A_1780 = tpu.dynamic_gather %min3A_1770[%gather3A_1779] in [0] : vector<16xi32>, vector<16xi32> -> vector<16xi32>
      %min3A_1781 = arith.minsi %min3A_1770, %gather3A_1780 : vector<16xi32>
      %sub3A_1782 = arith.subf %get3A_1650, %max3A_1712 : vector<16xf32>
      %exp3A_1783 = math.exp %sub3A_1782 : vector<16xf32>
      %sub3A_1784 = arith.subf %get3A_1655, %max3A_1712 : vector<16xf32>
      %exp3A_1785 = math.exp %sub3A_1784 : vector<16xf32>
      %add3A_1786 = arith.addf %exp3A_1783, %exp3A_1785 : vector<16xf32>
      %sub3A_1787 = arith.subf %get3A_1660, %max3A_1712 : vector<16xf32>
      %exp3A_1788 = math.exp %sub3A_1787 : vector<16xf32>
      %add3A_1789 = arith.addf %add3A_1786, %exp3A_1788 : vector<16xf32>
      %sub3A_1790 = arith.subf %get3A_1665, %max3A_1712 : vector<16xf32>
      %exp3A_1791 = math.exp %sub3A_1790 : vector<16xf32>
      %add3A_1792 = arith.addf %add3A_1789, %exp3A_1791 : vector<16xf32>
      %lt3A_1793 = arith.constant 0 : i32
      %lt3A_1794 = vector.broadcast %lt3A_1793 : i32 to vector<16xi32>
      %lt3A_1795 = arith.cmpi slt, %xor3A_6, %lt3A_1794 : vector<16xi32>
      %add3A_1796 = arith.constant 16 : i32
      %add3A_1797 = vector.broadcast %add3A_1796 : i32 to vector<16xi32>
      %add3A_1798 = arith.addi %xor3A_6, %add3A_1797 : vector<16xi32>
      %select_n3A_1799 = arith.select %lt3A_1795, %add3A_1798, %xor3A_6 : vector<16xi1>, vector<16xi32>
      %broadcast_in_dim3A_1800 = vector.shape_cast %select_n3A_1799 : vector<16xi32> to vector<16x1xi32>
      %gather3A_1801 = vector.shape_cast %broadcast_in_dim3A_1800 : vector<16x1xi32> to vector<16xi32>
      %gather3A_1802 = tpu.dynamic_gather %add3A_1792[%gather3A_1801] in [0] : vector<16xf32>, vector<16xi32> -> vector<16xf32>
      %add3A_1803 = arith.addf %add3A_1792, %gather3A_1802 : vector<16xf32>
      %lt3A_1804 = arith.constant 0 : i32
      %lt3A_1805 = vector.broadcast %lt3A_1804 : i32 to vector<16xi32>
      %lt3A_1806 = arith.cmpi slt, %xor3A_9, %lt3A_1805 : vector<16xi32>
      %add3A_1807 = arith.constant 16 : i32
      %add3A_1808 = vector.broadcast %add3A_1807 : i32 to vector<16xi32>
      %add3A_1809 = arith.addi %xor3A_9, %add3A_1808 : vector<16xi32>
      %select_n3A_1810 = arith.select %lt3A_1806, %add3A_1809, %xor3A_9 : vector<16xi1>, vector<16xi32>
      %broadcast_in_dim3A_1811 = vector.shape_cast %select_n3A_1810 : vector<16xi32> to vector<16x1xi32>
      %gather3A_1812 = vector.shape_cast %broadcast_in_dim3A_1811 : vector<16x1xi32> to vector<16xi32>
      %gather3A_1813 = tpu.dynamic_gather %add3A_1803[%gather3A_1812] in [0] : vector<16xf32>, vector<16xi32> -> vector<16xf32>
      %add3A_1814 = arith.addf %add3A_1803, %gather3A_1813 : vector<16xf32>
      %lt3A_1815 = arith.constant 0 : i32
      %lt3A_1816 = vector.broadcast %lt3A_1815 : i32 to vector<16xi32>
      %lt3A_1817 = arith.cmpi slt, %xor3A_12, %lt3A_1816 : vector<16xi32>
      %add3A_1818 = arith.constant 16 : i32
      %add3A_1819 = vector.broadcast %add3A_1818 : i32 to vector<16xi32>
      %add3A_1820 = arith.addi %xor3A_12, %add3A_1819 : vector<16xi32>
      %select_n3A_1821 = arith.select %lt3A_1817, %add3A_1820, %xor3A_12 : vector<16xi1>, vector<16xi32>
      %broadcast_in_dim3A_1822 = vector.shape_cast %select_n3A_1821 : vector<16xi32> to vector<16x1xi32>
      %gather3A_1823 = vector.shape_cast %broadcast_in_dim3A_1822 : vector<16x1xi32> to vector<16xi32>
      %gather3A_1824 = tpu.dynamic_gather %add3A_1814[%gather3A_1823] in [0] : vector<16xf32>, vector<16xi32> -> vector<16xf32>
      %add3A_1825 = arith.addf %add3A_1814, %gather3A_1824 : vector<16xf32>
      %lt3A_1826 = arith.constant 0 : i32
      %lt3A_1827 = vector.broadcast %lt3A_1826 : i32 to vector<16xi32>
      %lt3A_1828 = arith.cmpi slt, %xor3A_15, %lt3A_1827 : vector<16xi32>
      %add3A_1829 = arith.constant 16 : i32
      %add3A_1830 = vector.broadcast %add3A_1829 : i32 to vector<16xi32>
      %add3A_1831 = arith.addi %xor3A_15, %add3A_1830 : vector<16xi32>
      %select_n3A_1832 = arith.select %lt3A_1828, %add3A_1831, %xor3A_15 : vector<16xi1>, vector<16xi32>
      %broadcast_in_dim3A_1833 = vector.shape_cast %select_n3A_1832 : vector<16xi32> to vector<16x1xi32>
      %gather3A_1834 = vector.shape_cast %broadcast_in_dim3A_1833 : vector<16x1xi32> to vector<16xi32>
      %gather3A_1835 = tpu.dynamic_gather %add3A_1825[%gather3A_1834] in [0] : vector<16xf32>, vector<16xi32> -> vector<16xf32>
      %add3A_1836 = arith.addf %add3A_1825, %gather3A_1835 : vector<16xf32>
      %div3A_1837 = arith.constant 1.000000e+00 : f32
      %div3A_1838 = vector.broadcast %div3A_1837 : f32 to vector<16xf32>
      %div3A_1839 = arith.divf %div3A_1838, %add3A_1836 : vector<16xf32>
      %eq3A_1840 = arith.constant 8 : i32
      %eq3A_1841 = vector.broadcast %eq3A_1840 : i32 to vector<16xi32>
      %eq3A_1842 = arith.cmpi eq, %iota3A, %eq3A_1841 : vector<16xi32>
      %select_n3A_1843 = arith.select %eq3A_1842, %min3A_1781, %select_n3A_1640 : vector<16xi1>, vector<16xi32>
      %select_n3A_1844 = arith.select %eq3A_1842, %div3A_1839, %select_n3A_1641 : vector<16xi1>, vector<16xf32>
      %mul3A_1845 = arith.constant 16 : i32
      %mul3A_1846 = arith.muli %add3A_24, %mul3A_1845 : i32
      %add3A_1847 = arith.constant 9 : i32
      %add3A_1848 = arith.addi %mul3A_1846, %add3A_1847 : i32
      %mul3A_1849 = arith.constant 64 : i32
      %mul3A_1850 = arith.muli %add3A_1848, %mul3A_1849 : i32
      %get3A_1851 = arith.index_cast %mul3A_1850 : i32 to index
      %get3A_1852 = tpu.vector_load %arg5[%get3A_1851] {strides = array<i32>} : memref<16384xf32, #tpu.memory_space<vmem>>, vector<16xf32>,
      %get3A_1853 = vector.shape_cast %get3A_1852 : vector<16xf32> to vector<16xf32>
      %add3A_1854 = arith.constant 16 : i32
      %add3A_1855 = arith.addi %mul3A_1850, %add3A_1854 : i32
      %get3A_1856 = arith.index_cast %add3A_1855 : i32 to index
      %get3A_1857 = tpu.vector_load %arg5[%get3A_1856] {strides = array<i32>} : memref<16384xf32, #tpu.memory_space<vmem>>, vector<16xf32>,
      %get3A_1858 = vector.shape_cast %get3A_1857 : vector<16xf32> to vector<16xf32>
      %add3A_1859 = arith.constant 32 : i32
      %add3A_1860 = arith.addi %mul3A_1850, %add3A_1859 : i32
      %get3A_1861 = arith.index_cast %add3A_1860 : i32 to index
      %get3A_1862 = tpu.vector_load %arg5[%get3A_1861] {strides = array<i32>} : memref<16384xf32, #tpu.memory_space<vmem>>, vector<16xf32>,
      %get3A_1863 = vector.shape_cast %get3A_1862 : vector<16xf32> to vector<16xf32>
      %add3A_1864 = arith.constant 48 : i32
      %add3A_1865 = arith.addi %mul3A_1850, %add3A_1864 : i32
      %get3A_1866 = arith.index_cast %add3A_1865 : i32 to index
      %get3A_1867 = tpu.vector_load %arg5[%get3A_1866] {strides = array<i32>} : memref<16384xf32, #tpu.memory_space<vmem>>, vector<16xf32>,
      %get3A_1868 = vector.shape_cast %get3A_1867 : vector<16xf32> to vector<16xf32>
      %max3A_1869 = arith.maximumf %get3A_1853, %get3A_1858 : vector<16xf32>
      %max3A_1870 = arith.maximumf %get3A_1863, %get3A_1868 : vector<16xf32>
      %max3A_1871 = arith.maximumf %max3A_1869, %max3A_1870 : vector<16xf32>
      %lt3A_1872 = arith.constant 0 : i32
      %lt3A_1873 = vector.broadcast %lt3A_1872 : i32 to vector<16xi32>
      %lt3A_1874 = arith.cmpi slt, %xor3A_6, %lt3A_1873 : vector<16xi32>
      %add3A_1875 = arith.constant 16 : i32
      %add3A_1876 = vector.broadcast %add3A_1875 : i32 to vector<16xi32>
      %add3A_1877 = arith.addi %xor3A_6, %add3A_1876 : vector<16xi32>
      %select_n3A_1878 = arith.select %lt3A_1874, %add3A_1877, %xor3A_6 : vector<16xi1>, vector<16xi32>
      %broadcast_in_dim3A_1879 = vector.shape_cast %select_n3A_1878 : vector<16xi32> to vector<16x1xi32>
      %gather3A_1880 = vector.shape_cast %broadcast_in_dim3A_1879 : vector<16x1xi32> to vector<16xi32>
      %gather3A_1881 = tpu.dynamic_gather %max3A_1871[%gather3A_1880] in [0] : vector<16xf32>, vector<16xi32> -> vector<16xf32>
      %max3A_1882 = arith.maximumf %max3A_1871, %gather3A_1881 : vector<16xf32>
      %lt3A_1883 = arith.constant 0 : i32
      %lt3A_1884 = vector.broadcast %lt3A_1883 : i32 to vector<16xi32>
      %lt3A_1885 = arith.cmpi slt, %xor3A_9, %lt3A_1884 : vector<16xi32>
      %add3A_1886 = arith.constant 16 : i32
      %add3A_1887 = vector.broadcast %add3A_1886 : i32 to vector<16xi32>
      %add3A_1888 = arith.addi %xor3A_9, %add3A_1887 : vector<16xi32>
      %select_n3A_1889 = arith.select %lt3A_1885, %add3A_1888, %xor3A_9 : vector<16xi1>, vector<16xi32>
      %broadcast_in_dim3A_1890 = vector.shape_cast %select_n3A_1889 : vector<16xi32> to vector<16x1xi32>
      %gather3A_1891 = vector.shape_cast %broadcast_in_dim3A_1890 : vector<16x1xi32> to vector<16xi32>
      %gather3A_1892 = tpu.dynamic_gather %max3A_1882[%gather3A_1891] in [0] : vector<16xf32>, vector<16xi32> -> vector<16xf32>
      %max3A_1893 = arith.maximumf %max3A_1882, %gather3A_1892 : vector<16xf32>
      %lt3A_1894 = arith.constant 0 : i32
      %lt3A_1895 = vector.broadcast %lt3A_1894 : i32 to vector<16xi32>
      %lt3A_1896 = arith.cmpi slt, %xor3A_12, %lt3A_1895 : vector<16xi32>
      %add3A_1897 = arith.constant 16 : i32
      %add3A_1898 = vector.broadcast %add3A_1897 : i32 to vector<16xi32>
      %add3A_1899 = arith.addi %xor3A_12, %add3A_1898 : vector<16xi32>
      %select_n3A_1900 = arith.select %lt3A_1896, %add3A_1899, %xor3A_12 : vector<16xi1>, vector<16xi32>
      %broadcast_in_dim3A_1901 = vector.shape_cast %select_n3A_1900 : vector<16xi32> to vector<16x1xi32>
      %gather3A_1902 = vector.shape_cast %broadcast_in_dim3A_1901 : vector<16x1xi32> to vector<16xi32>
      %gather3A_1903 = tpu.dynamic_gather %max3A_1893[%gather3A_1902] in [0] : vector<16xf32>, vector<16xi32> -> vector<16xf32>
      %max3A_1904 = arith.maximumf %max3A_1893, %gather3A_1903 : vector<16xf32>
      %lt3A_1905 = arith.constant 0 : i32
      %lt3A_1906 = vector.broadcast %lt3A_1905 : i32 to vector<16xi32>
      %lt3A_1907 = arith.cmpi slt, %xor3A_15, %lt3A_1906 : vector<16xi32>
      %add3A_1908 = arith.constant 16 : i32
      %add3A_1909 = vector.broadcast %add3A_1908 : i32 to vector<16xi32>
      %add3A_1910 = arith.addi %xor3A_15, %add3A_1909 : vector<16xi32>
      %select_n3A_1911 = arith.select %lt3A_1907, %add3A_1910, %xor3A_15 : vector<16xi1>, vector<16xi32>
      %broadcast_in_dim3A_1912 = vector.shape_cast %select_n3A_1911 : vector<16xi32> to vector<16x1xi32>
      %gather3A_1913 = vector.shape_cast %broadcast_in_dim3A_1912 : vector<16x1xi32> to vector<16xi32>
      %gather3A_1914 = tpu.dynamic_gather %max3A_1904[%gather3A_1913] in [0] : vector<16xf32>, vector<16xi32> -> vector<16xf32>
      %max3A_1915 = arith.maximumf %max3A_1904, %gather3A_1914 : vector<16xf32>
      %broadcast_in_dim3A_1916 = arith.constant 64 : i32
      %broadcast_in_dim3A_1917 = vector.broadcast %broadcast_in_dim3A_1916 : i32 to vector<16xi32>
      %eq3A_1918 = arith.cmpf oeq, %get3A_1853, %max3A_1915 : vector<16xf32>
      %add3A_1919 = arith.constant 0 : i32
      %add3A_1920 = vector.broadcast %add3A_1919 : i32 to vector<16xi32>
      %add3A_1921 = arith.addi %iota3A, %add3A_1920 : vector<16xi32>
      %select_n3A_1922 = arith.select %eq3A_1918, %add3A_1921, %broadcast_in_dim3A_1917 : vector<16xi1>, vector<16xi32>
      %eq3A_1923 = arith.cmpf oeq, %get3A_1858, %max3A_1915 : vector<16xf32>
      %add3A_1924 = arith.constant 16 : i32
      %add3A_1925 = vector.broadcast %add3A_1924 : i32 to vector<16xi32>
      %add3A_1926 = arith.addi %iota3A, %add3A_1925 : vector<16xi32>
      %select_n3A_1927 = arith.select %eq3A_1923, %add3A_1926, %broadcast_in_dim3A_1917 : vector<16xi1>, vector<16xi32>
      %eq3A_1928 = arith.cmpf oeq, %get3A_1863, %max3A_1915 : vector<16xf32>
      %add3A_1929 = arith.constant 32 : i32
      %add3A_1930 = vector.broadcast %add3A_1929 : i32 to vector<16xi32>
      %add3A_1931 = arith.addi %iota3A, %add3A_1930 : vector<16xi32>
      %select_n3A_1932 = arith.select %eq3A_1928, %add3A_1931, %broadcast_in_dim3A_1917 : vector<16xi1>, vector<16xi32>
      %eq3A_1933 = arith.cmpf oeq, %get3A_1868, %max3A_1915 : vector<16xf32>
      %add3A_1934 = arith.constant 48 : i32
      %add3A_1935 = vector.broadcast %add3A_1934 : i32 to vector<16xi32>
      %add3A_1936 = arith.addi %iota3A, %add3A_1935 : vector<16xi32>
      %select_n3A_1937 = arith.select %eq3A_1933, %add3A_1936, %broadcast_in_dim3A_1917 : vector<16xi1>, vector<16xi32>
      %min3A_1938 = arith.minsi %select_n3A_1922, %select_n3A_1927 : vector<16xi32>
      %min3A_1939 = arith.minsi %select_n3A_1932, %select_n3A_1937 : vector<16xi32>
      %min3A_1940 = arith.minsi %min3A_1938, %min3A_1939 : vector<16xi32>
      %lt3A_1941 = arith.constant 0 : i32
      %lt3A_1942 = vector.broadcast %lt3A_1941 : i32 to vector<16xi32>
      %lt3A_1943 = arith.cmpi slt, %xor3A_6, %lt3A_1942 : vector<16xi32>
      %add3A_1944 = arith.constant 16 : i32
      %add3A_1945 = vector.broadcast %add3A_1944 : i32 to vector<16xi32>
      %add3A_1946 = arith.addi %xor3A_6, %add3A_1945 : vector<16xi32>
      %select_n3A_1947 = arith.select %lt3A_1943, %add3A_1946, %xor3A_6 : vector<16xi1>, vector<16xi32>
      %broadcast_in_dim3A_1948 = vector.shape_cast %select_n3A_1947 : vector<16xi32> to vector<16x1xi32>
      %gather3A_1949 = vector.shape_cast %broadcast_in_dim3A_1948 : vector<16x1xi32> to vector<16xi32>
      %gather3A_1950 = tpu.dynamic_gather %min3A_1940[%gather3A_1949] in [0] : vector<16xi32>, vector<16xi32> -> vector<16xi32>
      %min3A_1951 = arith.minsi %min3A_1940, %gather3A_1950 : vector<16xi32>
      %lt3A_1952 = arith.constant 0 : i32
      %lt3A_1953 = vector.broadcast %lt3A_1952 : i32 to vector<16xi32>
      %lt3A_1954 = arith.cmpi slt, %xor3A_9, %lt3A_1953 : vector<16xi32>
      %add3A_1955 = arith.constant 16 : i32
      %add3A_1956 = vector.broadcast %add3A_1955 : i32 to vector<16xi32>
      %add3A_1957 = arith.addi %xor3A_9, %add3A_1956 : vector<16xi32>
      %select_n3A_1958 = arith.select %lt3A_1954, %add3A_1957, %xor3A_9 : vector<16xi1>, vector<16xi32>
      %broadcast_in_dim3A_1959 = vector.shape_cast %select_n3A_1958 : vector<16xi32> to vector<16x1xi32>
      %gather3A_1960 = vector.shape_cast %broadcast_in_dim3A_1959 : vector<16x1xi32> to vector<16xi32>
      %gather3A_1961 = tpu.dynamic_gather %min3A_1951[%gather3A_1960] in [0] : vector<16xi32>, vector<16xi32> -> vector<16xi32>
      %min3A_1962 = arith.minsi %min3A_1951, %gather3A_1961 : vector<16xi32>
      %lt3A_1963 = arith.constant 0 : i32
      %lt3A_1964 = vector.broadcast %lt3A_1963 : i32 to vector<16xi32>
      %lt3A_1965 = arith.cmpi slt, %xor3A_12, %lt3A_1964 : vector<16xi32>
      %add3A_1966 = arith.constant 16 : i32
      %add3A_1967 = vector.broadcast %add3A_1966 : i32 to vector<16xi32>
      %add3A_1968 = arith.addi %xor3A_12, %add3A_1967 : vector<16xi32>
      %select_n3A_1969 = arith.select %lt3A_1965, %add3A_1968, %xor3A_12 : vector<16xi1>, vector<16xi32>
      %broadcast_in_dim3A_1970 = vector.shape_cast %select_n3A_1969 : vector<16xi32> to vector<16x1xi32>
      %gather3A_1971 = vector.shape_cast %broadcast_in_dim3A_1970 : vector<16x1xi32> to vector<16xi32>
      %gather3A_1972 = tpu.dynamic_gather %min3A_1962[%gather3A_1971] in [0] : vector<16xi32>, vector<16xi32> -> vector<16xi32>
      %min3A_1973 = arith.minsi %min3A_1962, %gather3A_1972 : vector<16xi32>
      %lt3A_1974 = arith.constant 0 : i32
      %lt3A_1975 = vector.broadcast %lt3A_1974 : i32 to vector<16xi32>
      %lt3A_1976 = arith.cmpi slt, %xor3A_15, %lt3A_1975 : vector<16xi32>
      %add3A_1977 = arith.constant 16 : i32
      %add3A_1978 = vector.broadcast %add3A_1977 : i32 to vector<16xi32>
      %add3A_1979 = arith.addi %xor3A_15, %add3A_1978 : vector<16xi32>
      %select_n3A_1980 = arith.select %lt3A_1976, %add3A_1979, %xor3A_15 : vector<16xi1>, vector<16xi32>
      %broadcast_in_dim3A_1981 = vector.shape_cast %select_n3A_1980 : vector<16xi32> to vector<16x1xi32>
      %gather3A_1982 = vector.shape_cast %broadcast_in_dim3A_1981 : vector<16x1xi32> to vector<16xi32>
      %gather3A_1983 = tpu.dynamic_gather %min3A_1973[%gather3A_1982] in [0] : vector<16xi32>, vector<16xi32> -> vector<16xi32>
      %min3A_1984 = arith.minsi %min3A_1973, %gather3A_1983 : vector<16xi32>
      %sub3A_1985 = arith.subf %get3A_1853, %max3A_1915 : vector<16xf32>
      %exp3A_1986 = math.exp %sub3A_1985 : vector<16xf32>
      %sub3A_1987 = arith.subf %get3A_1858, %max3A_1915 : vector<16xf32>
      %exp3A_1988 = math.exp %sub3A_1987 : vector<16xf32>
      %add3A_1989 = arith.addf %exp3A_1986, %exp3A_1988 : vector<16xf32>
      %sub3A_1990 = arith.subf %get3A_1863, %max3A_1915 : vector<16xf32>
      %exp3A_1991 = math.exp %sub3A_1990 : vector<16xf32>
      %add3A_1992 = arith.addf %add3A_1989, %exp3A_1991 : vector<16xf32>
      %sub3A_1993 = arith.subf %get3A_1868, %max3A_1915 : vector<16xf32>
      %exp3A_1994 = math.exp %sub3A_1993 : vector<16xf32>
      %add3A_1995 = arith.addf %add3A_1992, %exp3A_1994 : vector<16xf32>
      %lt3A_1996 = arith.constant 0 : i32
      %lt3A_1997 = vector.broadcast %lt3A_1996 : i32 to vector<16xi32>
      %lt3A_1998 = arith.cmpi slt, %xor3A_6, %lt3A_1997 : vector<16xi32>
      %add3A_1999 = arith.constant 16 : i32
      %add3A_2000 = vector.broadcast %add3A_1999 : i32 to vector<16xi32>
      %add3A_2001 = arith.addi %xor3A_6, %add3A_2000 : vector<16xi32>
      %select_n3A_2002 = arith.select %lt3A_1998, %add3A_2001, %xor3A_6 : vector<16xi1>, vector<16xi32>
      %broadcast_in_dim3A_2003 = vector.shape_cast %select_n3A_2002 : vector<16xi32> to vector<16x1xi32>
      %gather3A_2004 = vector.shape_cast %broadcast_in_dim3A_2003 : vector<16x1xi32> to vector<16xi32>
      %gather3A_2005 = tpu.dynamic_gather %add3A_1995[%gather3A_2004] in [0] : vector<16xf32>, vector<16xi32> -> vector<16xf32>
      %add3A_2006 = arith.addf %add3A_1995, %gather3A_2005 : vector<16xf32>
      %lt3A_2007 = arith.constant 0 : i32
      %lt3A_2008 = vector.broadcast %lt3A_2007 : i32 to vector<16xi32>
      %lt3A_2009 = arith.cmpi slt, %xor3A_9, %lt3A_2008 : vector<16xi32>
      %add3A_2010 = arith.constant 16 : i32
      %add3A_2011 = vector.broadcast %add3A_2010 : i32 to vector<16xi32>
      %add3A_2012 = arith.addi %xor3A_9, %add3A_2011 : vector<16xi32>
      %select_n3A_2013 = arith.select %lt3A_2009, %add3A_2012, %xor3A_9 : vector<16xi1>, vector<16xi32>
      %broadcast_in_dim3A_2014 = vector.shape_cast %select_n3A_2013 : vector<16xi32> to vector<16x1xi32>
      %gather3A_2015 = vector.shape_cast %broadcast_in_dim3A_2014 : vector<16x1xi32> to vector<16xi32>
      %gather3A_2016 = tpu.dynamic_gather %add3A_2006[%gather3A_2015] in [0] : vector<16xf32>, vector<16xi32> -> vector<16xf32>
      %add3A_2017 = arith.addf %add3A_2006, %gather3A_2016 : vector<16xf32>
      %lt3A_2018 = arith.constant 0 : i32
      %lt3A_2019 = vector.broadcast %lt3A_2018 : i32 to vector<16xi32>
      %lt3A_2020 = arith.cmpi slt, %xor3A_12, %lt3A_2019 : vector<16xi32>
      %add3A_2021 = arith.constant 16 : i32
      %add3A_2022 = vector.broadcast %add3A_2021 : i32 to vector<16xi32>
      %add3A_2023 = arith.addi %xor3A_12, %add3A_2022 : vector<16xi32>
      %select_n3A_2024 = arith.select %lt3A_2020, %add3A_2023, %xor3A_12 : vector<16xi1>, vector<16xi32>
      %broadcast_in_dim3A_2025 = vector.shape_cast %select_n3A_2024 : vector<16xi32> to vector<16x1xi32>
      %gather3A_2026 = vector.shape_cast %broadcast_in_dim3A_2025 : vector<16x1xi32> to vector<16xi32>
      %gather3A_2027 = tpu.dynamic_gather %add3A_2017[%gather3A_2026] in [0] : vector<16xf32>, vector<16xi32> -> vector<16xf32>
      %add3A_2028 = arith.addf %add3A_2017, %gather3A_2027 : vector<16xf32>
      %lt3A_2029 = arith.constant 0 : i32
      %lt3A_2030 = vector.broadcast %lt3A_2029 : i32 to vector<16xi32>
      %lt3A_2031 = arith.cmpi slt, %xor3A_15, %lt3A_2030 : vector<16xi32>
      %add3A_2032 = arith.constant 16 : i32
      %add3A_2033 = vector.broadcast %add3A_2032 : i32 to vector<16xi32>
      %add3A_2034 = arith.addi %xor3A_15, %add3A_2033 : vector<16xi32>
      %select_n3A_2035 = arith.select %lt3A_2031, %add3A_2034, %xor3A_15 : vector<16xi1>, vector<16xi32>
      %broadcast_in_dim3A_2036 = vector.shape_cast %select_n3A_2035 : vector<16xi32> to vector<16x1xi32>
      %gather3A_2037 = vector.shape_cast %broadcast_in_dim3A_2036 : vector<16x1xi32> to vector<16xi32>
      %gather3A_2038 = tpu.dynamic_gather %add3A_2028[%gather3A_2037] in [0] : vector<16xf32>, vector<16xi32> -> vector<16xf32>
      %add3A_2039 = arith.addf %add3A_2028, %gather3A_2038 : vector<16xf32>
      %div3A_2040 = arith.constant 1.000000e+00 : f32
      %div3A_2041 = vector.broadcast %div3A_2040 : f32 to vector<16xf32>
      %div3A_2042 = arith.divf %div3A_2041, %add3A_2039 : vector<16xf32>
      %eq3A_2043 = arith.constant 9 : i32
      %eq3A_2044 = vector.broadcast %eq3A_2043 : i32 to vector<16xi32>
      %eq3A_2045 = arith.cmpi eq, %iota3A, %eq3A_2044 : vector<16xi32>
      %select_n3A_2046 = arith.select %eq3A_2045, %min3A_1984, %select_n3A_1843 : vector<16xi1>, vector<16xi32>
      %select_n3A_2047 = arith.select %eq3A_2045, %div3A_2042, %select_n3A_1844 : vector<16xi1>, vector<16xf32>
      %mul3A_2048 = arith.constant 16 : i32
      %mul3A_2049 = arith.muli %add3A_24, %mul3A_2048 : i32
      %add3A_2050 = arith.constant 10 : i32
      %add3A_2051 = arith.addi %mul3A_2049, %add3A_2050 : i32
      %mul3A_2052 = arith.constant 64 : i32
      %mul3A_2053 = arith.muli %add3A_2051, %mul3A_2052 : i32
      %get3A_2054 = arith.index_cast %mul3A_2053 : i32 to index
      %get3A_2055 = tpu.vector_load %arg5[%get3A_2054] {strides = array<i32>} : memref<16384xf32, #tpu.memory_space<vmem>>, vector<16xf32>,
      %get3A_2056 = vector.shape_cast %get3A_2055 : vector<16xf32> to vector<16xf32>
      %add3A_2057 = arith.constant 16 : i32
      %add3A_2058 = arith.addi %mul3A_2053, %add3A_2057 : i32
      %get3A_2059 = arith.index_cast %add3A_2058 : i32 to index
      %get3A_2060 = tpu.vector_load %arg5[%get3A_2059] {strides = array<i32>} : memref<16384xf32, #tpu.memory_space<vmem>>, vector<16xf32>,
      %get3A_2061 = vector.shape_cast %get3A_2060 : vector<16xf32> to vector<16xf32>
      %add3A_2062 = arith.constant 32 : i32
      %add3A_2063 = arith.addi %mul3A_2053, %add3A_2062 : i32
      %get3A_2064 = arith.index_cast %add3A_2063 : i32 to index
      %get3A_2065 = tpu.vector_load %arg5[%get3A_2064] {strides = array<i32>} : memref<16384xf32, #tpu.memory_space<vmem>>, vector<16xf32>,
      %get3A_2066 = vector.shape_cast %get3A_2065 : vector<16xf32> to vector<16xf32>
      %add3A_2067 = arith.constant 48 : i32
      %add3A_2068 = arith.addi %mul3A_2053, %add3A_2067 : i32
      %get3A_2069 = arith.index_cast %add3A_2068 : i32 to index
      %get3A_2070 = tpu.vector_load %arg5[%get3A_2069] {strides = array<i32>} : memref<16384xf32, #tpu.memory_space<vmem>>, vector<16xf32>,
      %get3A_2071 = vector.shape_cast %get3A_2070 : vector<16xf32> to vector<16xf32>
      %max3A_2072 = arith.maximumf %get3A_2056, %get3A_2061 : vector<16xf32>
      %max3A_2073 = arith.maximumf %get3A_2066, %get3A_2071 : vector<16xf32>
      %max3A_2074 = arith.maximumf %max3A_2072, %max3A_2073 : vector<16xf32>
      %lt3A_2075 = arith.constant 0 : i32
      %lt3A_2076 = vector.broadcast %lt3A_2075 : i32 to vector<16xi32>
      %lt3A_2077 = arith.cmpi slt, %xor3A_6, %lt3A_2076 : vector<16xi32>
      %add3A_2078 = arith.constant 16 : i32
      %add3A_2079 = vector.broadcast %add3A_2078 : i32 to vector<16xi32>
      %add3A_2080 = arith.addi %xor3A_6, %add3A_2079 : vector<16xi32>
      %select_n3A_2081 = arith.select %lt3A_2077, %add3A_2080, %xor3A_6 : vector<16xi1>, vector<16xi32>
      %broadcast_in_dim3A_2082 = vector.shape_cast %select_n3A_2081 : vector<16xi32> to vector<16x1xi32>
      %gather3A_2083 = vector.shape_cast %broadcast_in_dim3A_2082 : vector<16x1xi32> to vector<16xi32>
      %gather3A_2084 = tpu.dynamic_gather %max3A_2074[%gather3A_2083] in [0] : vector<16xf32>, vector<16xi32> -> vector<16xf32>
      %max3A_2085 = arith.maximumf %max3A_2074, %gather3A_2084 : vector<16xf32>
      %lt3A_2086 = arith.constant 0 : i32
      %lt3A_2087 = vector.broadcast %lt3A_2086 : i32 to vector<16xi32>
      %lt3A_2088 = arith.cmpi slt, %xor3A_9, %lt3A_2087 : vector<16xi32>
      %add3A_2089 = arith.constant 16 : i32
      %add3A_2090 = vector.broadcast %add3A_2089 : i32 to vector<16xi32>
      %add3A_2091 = arith.addi %xor3A_9, %add3A_2090 : vector<16xi32>
      %select_n3A_2092 = arith.select %lt3A_2088, %add3A_2091, %xor3A_9 : vector<16xi1>, vector<16xi32>
      %broadcast_in_dim3A_2093 = vector.shape_cast %select_n3A_2092 : vector<16xi32> to vector<16x1xi32>
      %gather3A_2094 = vector.shape_cast %broadcast_in_dim3A_2093 : vector<16x1xi32> to vector<16xi32>
      %gather3A_2095 = tpu.dynamic_gather %max3A_2085[%gather3A_2094] in [0] : vector<16xf32>, vector<16xi32> -> vector<16xf32>
      %max3A_2096 = arith.maximumf %max3A_2085, %gather3A_2095 : vector<16xf32>
      %lt3A_2097 = arith.constant 0 : i32
      %lt3A_2098 = vector.broadcast %lt3A_2097 : i32 to vector<16xi32>
      %lt3A_2099 = arith.cmpi slt, %xor3A_12, %lt3A_2098 : vector<16xi32>
      %add3A_2100 = arith.constant 16 : i32
      %add3A_2101 = vector.broadcast %add3A_2100 : i32 to vector<16xi32>
      %add3A_2102 = arith.addi %xor3A_12, %add3A_2101 : vector<16xi32>
      %select_n3A_2103 = arith.select %lt3A_2099, %add3A_2102, %xor3A_12 : vector<16xi1>, vector<16xi32>
      %broadcast_in_dim3A_2104 = vector.shape_cast %select_n3A_2103 : vector<16xi32> to vector<16x1xi32>
      %gather3A_2105 = vector.shape_cast %broadcast_in_dim3A_2104 : vector<16x1xi32> to vector<16xi32>
      %gather3A_2106 = tpu.dynamic_gather %max3A_2096[%gather3A_2105] in [0] : vector<16xf32>, vector<16xi32> -> vector<16xf32>
      %max3A_2107 = arith.maximumf %max3A_2096, %gather3A_2106 : vector<16xf32>
      %lt3A_2108 = arith.constant 0 : i32
      %lt3A_2109 = vector.broadcast %lt3A_2108 : i32 to vector<16xi32>
      %lt3A_2110 = arith.cmpi slt, %xor3A_15, %lt3A_2109 : vector<16xi32>
      %add3A_2111 = arith.constant 16 : i32
      %add3A_2112 = vector.broadcast %add3A_2111 : i32 to vector<16xi32>
      %add3A_2113 = arith.addi %xor3A_15, %add3A_2112 : vector<16xi32>
      %select_n3A_2114 = arith.select %lt3A_2110, %add3A_2113, %xor3A_15 : vector<16xi1>, vector<16xi32>
      %broadcast_in_dim3A_2115 = vector.shape_cast %select_n3A_2114 : vector<16xi32> to vector<16x1xi32>
      %gather3A_2116 = vector.shape_cast %broadcast_in_dim3A_2115 : vector<16x1xi32> to vector<16xi32>
      %gather3A_2117 = tpu.dynamic_gather %max3A_2107[%gather3A_2116] in [0] : vector<16xf32>, vector<16xi32> -> vector<16xf32>
      %max3A_2118 = arith.maximumf %max3A_2107, %gather3A_2117 : vector<16xf32>
      %broadcast_in_dim3A_2119 = arith.constant 64 : i32
      %broadcast_in_dim3A_2120 = vector.broadcast %broadcast_in_dim3A_2119 : i32 to vector<16xi32>
      %eq3A_2121 = arith.cmpf oeq, %get3A_2056, %max3A_2118 : vector<16xf32>
      %add3A_2122 = arith.constant 0 : i32
      %add3A_2123 = vector.broadcast %add3A_2122 : i32 to vector<16xi32>
      %add3A_2124 = arith.addi %iota3A, %add3A_2123 : vector<16xi32>
      %select_n3A_2125 = arith.select %eq3A_2121, %add3A_2124, %broadcast_in_dim3A_2120 : vector<16xi1>, vector<16xi32>
      %eq3A_2126 = arith.cmpf oeq, %get3A_2061, %max3A_2118 : vector<16xf32>
      %add3A_2127 = arith.constant 16 : i32
      %add3A_2128 = vector.broadcast %add3A_2127 : i32 to vector<16xi32>
      %add3A_2129 = arith.addi %iota3A, %add3A_2128 : vector<16xi32>
      %select_n3A_2130 = arith.select %eq3A_2126, %add3A_2129, %broadcast_in_dim3A_2120 : vector<16xi1>, vector<16xi32>
      %eq3A_2131 = arith.cmpf oeq, %get3A_2066, %max3A_2118 : vector<16xf32>
      %add3A_2132 = arith.constant 32 : i32
      %add3A_2133 = vector.broadcast %add3A_2132 : i32 to vector<16xi32>
      %add3A_2134 = arith.addi %iota3A, %add3A_2133 : vector<16xi32>
      %select_n3A_2135 = arith.select %eq3A_2131, %add3A_2134, %broadcast_in_dim3A_2120 : vector<16xi1>, vector<16xi32>
      %eq3A_2136 = arith.cmpf oeq, %get3A_2071, %max3A_2118 : vector<16xf32>
      %add3A_2137 = arith.constant 48 : i32
      %add3A_2138 = vector.broadcast %add3A_2137 : i32 to vector<16xi32>
      %add3A_2139 = arith.addi %iota3A, %add3A_2138 : vector<16xi32>
      %select_n3A_2140 = arith.select %eq3A_2136, %add3A_2139, %broadcast_in_dim3A_2120 : vector<16xi1>, vector<16xi32>
      %min3A_2141 = arith.minsi %select_n3A_2125, %select_n3A_2130 : vector<16xi32>
      %min3A_2142 = arith.minsi %select_n3A_2135, %select_n3A_2140 : vector<16xi32>
      %min3A_2143 = arith.minsi %min3A_2141, %min3A_2142 : vector<16xi32>
      %lt3A_2144 = arith.constant 0 : i32
      %lt3A_2145 = vector.broadcast %lt3A_2144 : i32 to vector<16xi32>
      %lt3A_2146 = arith.cmpi slt, %xor3A_6, %lt3A_2145 : vector<16xi32>
      %add3A_2147 = arith.constant 16 : i32
      %add3A_2148 = vector.broadcast %add3A_2147 : i32 to vector<16xi32>
      %add3A_2149 = arith.addi %xor3A_6, %add3A_2148 : vector<16xi32>
      %select_n3A_2150 = arith.select %lt3A_2146, %add3A_2149, %xor3A_6 : vector<16xi1>, vector<16xi32>
      %broadcast_in_dim3A_2151 = vector.shape_cast %select_n3A_2150 : vector<16xi32> to vector<16x1xi32>
      %gather3A_2152 = vector.shape_cast %broadcast_in_dim3A_2151 : vector<16x1xi32> to vector<16xi32>
      %gather3A_2153 = tpu.dynamic_gather %min3A_2143[%gather3A_2152] in [0] : vector<16xi32>, vector<16xi32> -> vector<16xi32>
      %min3A_2154 = arith.minsi %min3A_2143, %gather3A_2153 : vector<16xi32>
      %lt3A_2155 = arith.constant 0 : i32
      %lt3A_2156 = vector.broadcast %lt3A_2155 : i32 to vector<16xi32>
      %lt3A_2157 = arith.cmpi slt, %xor3A_9, %lt3A_2156 : vector<16xi32>
      %add3A_2158 = arith.constant 16 : i32
      %add3A_2159 = vector.broadcast %add3A_2158 : i32 to vector<16xi32>
      %add3A_2160 = arith.addi %xor3A_9, %add3A_2159 : vector<16xi32>
      %select_n3A_2161 = arith.select %lt3A_2157, %add3A_2160, %xor3A_9 : vector<16xi1>, vector<16xi32>
      %broadcast_in_dim3A_2162 = vector.shape_cast %select_n3A_2161 : vector<16xi32> to vector<16x1xi32>
      %gather3A_2163 = vector.shape_cast %broadcast_in_dim3A_2162 : vector<16x1xi32> to vector<16xi32>
      %gather3A_2164 = tpu.dynamic_gather %min3A_2154[%gather3A_2163] in [0] : vector<16xi32>, vector<16xi32> -> vector<16xi32>
      %min3A_2165 = arith.minsi %min3A_2154, %gather3A_2164 : vector<16xi32>
      %lt3A_2166 = arith.constant 0 : i32
      %lt3A_2167 = vector.broadcast %lt3A_2166 : i32 to vector<16xi32>
      %lt3A_2168 = arith.cmpi slt, %xor3A_12, %lt3A_2167 : vector<16xi32>
      %add3A_2169 = arith.constant 16 : i32
      %add3A_2170 = vector.broadcast %add3A_2169 : i32 to vector<16xi32>
      %add3A_2171 = arith.addi %xor3A_12, %add3A_2170 : vector<16xi32>
      %select_n3A_2172 = arith.select %lt3A_2168, %add3A_2171, %xor3A_12 : vector<16xi1>, vector<16xi32>
      %broadcast_in_dim3A_2173 = vector.shape_cast %select_n3A_2172 : vector<16xi32> to vector<16x1xi32>
      %gather3A_2174 = vector.shape_cast %broadcast_in_dim3A_2173 : vector<16x1xi32> to vector<16xi32>
      %gather3A_2175 = tpu.dynamic_gather %min3A_2165[%gather3A_2174] in [0] : vector<16xi32>, vector<16xi32> -> vector<16xi32>
      %min3A_2176 = arith.minsi %min3A_2165, %gather3A_2175 : vector<16xi32>
      %lt3A_2177 = arith.constant 0 : i32
      %lt3A_2178 = vector.broadcast %lt3A_2177 : i32 to vector<16xi32>
      %lt3A_2179 = arith.cmpi slt, %xor3A_15, %lt3A_2178 : vector<16xi32>
      %add3A_2180 = arith.constant 16 : i32
      %add3A_2181 = vector.broadcast %add3A_2180 : i32 to vector<16xi32>
      %add3A_2182 = arith.addi %xor3A_15, %add3A_2181 : vector<16xi32>
      %select_n3A_2183 = arith.select %lt3A_2179, %add3A_2182, %xor3A_15 : vector<16xi1>, vector<16xi32>
      %broadcast_in_dim3A_2184 = vector.shape_cast %select_n3A_2183 : vector<16xi32> to vector<16x1xi32>
      %gather3A_2185 = vector.shape_cast %broadcast_in_dim3A_2184 : vector<16x1xi32> to vector<16xi32>
      %gather3A_2186 = tpu.dynamic_gather %min3A_2176[%gather3A_2185] in [0] : vector<16xi32>, vector<16xi32> -> vector<16xi32>
      %min3A_2187 = arith.minsi %min3A_2176, %gather3A_2186 : vector<16xi32>
      %sub3A_2188 = arith.subf %get3A_2056, %max3A_2118 : vector<16xf32>
      %exp3A_2189 = math.exp %sub3A_2188 : vector<16xf32>
      %sub3A_2190 = arith.subf %get3A_2061, %max3A_2118 : vector<16xf32>
      %exp3A_2191 = math.exp %sub3A_2190 : vector<16xf32>
      %add3A_2192 = arith.addf %exp3A_2189, %exp3A_2191 : vector<16xf32>
      %sub3A_2193 = arith.subf %get3A_2066, %max3A_2118 : vector<16xf32>
      %exp3A_2194 = math.exp %sub3A_2193 : vector<16xf32>
      %add3A_2195 = arith.addf %add3A_2192, %exp3A_2194 : vector<16xf32>
      %sub3A_2196 = arith.subf %get3A_2071, %max3A_2118 : vector<16xf32>
      %exp3A_2197 = math.exp %sub3A_2196 : vector<16xf32>
      %add3A_2198 = arith.addf %add3A_2195, %exp3A_2197 : vector<16xf32>
      %lt3A_2199 = arith.constant 0 : i32
      %lt3A_2200 = vector.broadcast %lt3A_2199 : i32 to vector<16xi32>
      %lt3A_2201 = arith.cmpi slt, %xor3A_6, %lt3A_2200 : vector<16xi32>
      %add3A_2202 = arith.constant 16 : i32
      %add3A_2203 = vector.broadcast %add3A_2202 : i32 to vector<16xi32>
      %add3A_2204 = arith.addi %xor3A_6, %add3A_2203 : vector<16xi32>
      %select_n3A_2205 = arith.select %lt3A_2201, %add3A_2204, %xor3A_6 : vector<16xi1>, vector<16xi32>
      %broadcast_in_dim3A_2206 = vector.shape_cast %select_n3A_2205 : vector<16xi32> to vector<16x1xi32>
      %gather3A_2207 = vector.shape_cast %broadcast_in_dim3A_2206 : vector<16x1xi32> to vector<16xi32>
      %gather3A_2208 = tpu.dynamic_gather %add3A_2198[%gather3A_2207] in [0] : vector<16xf32>, vector<16xi32> -> vector<16xf32>
      %add3A_2209 = arith.addf %add3A_2198, %gather3A_2208 : vector<16xf32>
      %lt3A_2210 = arith.constant 0 : i32
      %lt3A_2211 = vector.broadcast %lt3A_2210 : i32 to vector<16xi32>
      %lt3A_2212 = arith.cmpi slt, %xor3A_9, %lt3A_2211 : vector<16xi32>
      %add3A_2213 = arith.constant 16 : i32
      %add3A_2214 = vector.broadcast %add3A_2213 : i32 to vector<16xi32>
      %add3A_2215 = arith.addi %xor3A_9, %add3A_2214 : vector<16xi32>
      %select_n3A_2216 = arith.select %lt3A_2212, %add3A_2215, %xor3A_9 : vector<16xi1>, vector<16xi32>
      %broadcast_in_dim3A_2217 = vector.shape_cast %select_n3A_2216 : vector<16xi32> to vector<16x1xi32>
      %gather3A_2218 = vector.shape_cast %broadcast_in_dim3A_2217 : vector<16x1xi32> to vector<16xi32>
      %gather3A_2219 = tpu.dynamic_gather %add3A_2209[%gather3A_2218] in [0] : vector<16xf32>, vector<16xi32> -> vector<16xf32>
      %add3A_2220 = arith.addf %add3A_2209, %gather3A_2219 : vector<16xf32>
      %lt3A_2221 = arith.constant 0 : i32
      %lt3A_2222 = vector.broadcast %lt3A_2221 : i32 to vector<16xi32>
      %lt3A_2223 = arith.cmpi slt, %xor3A_12, %lt3A_2222 : vector<16xi32>
      %add3A_2224 = arith.constant 16 : i32
      %add3A_2225 = vector.broadcast %add3A_2224 : i32 to vector<16xi32>
      %add3A_2226 = arith.addi %xor3A_12, %add3A_2225 : vector<16xi32>
      %select_n3A_2227 = arith.select %lt3A_2223, %add3A_2226, %xor3A_12 : vector<16xi1>, vector<16xi32>
      %broadcast_in_dim3A_2228 = vector.shape_cast %select_n3A_2227 : vector<16xi32> to vector<16x1xi32>
      %gather3A_2229 = vector.shape_cast %broadcast_in_dim3A_2228 : vector<16x1xi32> to vector<16xi32>
      %gather3A_2230 = tpu.dynamic_gather %add3A_2220[%gather3A_2229] in [0] : vector<16xf32>, vector<16xi32> -> vector<16xf32>
      %add3A_2231 = arith.addf %add3A_2220, %gather3A_2230 : vector<16xf32>
      %lt3A_2232 = arith.constant 0 : i32
      %lt3A_2233 = vector.broadcast %lt3A_2232 : i32 to vector<16xi32>
      %lt3A_2234 = arith.cmpi slt, %xor3A_15, %lt3A_2233 : vector<16xi32>
      %add3A_2235 = arith.constant 16 : i32
      %add3A_2236 = vector.broadcast %add3A_2235 : i32 to vector<16xi32>
      %add3A_2237 = arith.addi %xor3A_15, %add3A_2236 : vector<16xi32>
      %select_n3A_2238 = arith.select %lt3A_2234, %add3A_2237, %xor3A_15 : vector<16xi1>, vector<16xi32>
      %broadcast_in_dim3A_2239 = vector.shape_cast %select_n3A_2238 : vector<16xi32> to vector<16x1xi32>
      %gather3A_2240 = vector.shape_cast %broadcast_in_dim3A_2239 : vector<16x1xi32> to vector<16xi32>
      %gather3A_2241 = tpu.dynamic_gather %add3A_2231[%gather3A_2240] in [0] : vector<16xf32>, vector<16xi32> -> vector<16xf32>
      %add3A_2242 = arith.addf %add3A_2231, %gather3A_2241 : vector<16xf32>
      %div3A_2243 = arith.constant 1.000000e+00 : f32
      %div3A_2244 = vector.broadcast %div3A_2243 : f32 to vector<16xf32>
      %div3A_2245 = arith.divf %div3A_2244, %add3A_2242 : vector<16xf32>
      %eq3A_2246 = arith.constant 10 : i32
      %eq3A_2247 = vector.broadcast %eq3A_2246 : i32 to vector<16xi32>
      %eq3A_2248 = arith.cmpi eq, %iota3A, %eq3A_2247 : vector<16xi32>
      %select_n3A_2249 = arith.select %eq3A_2248, %min3A_2187, %select_n3A_2046 : vector<16xi1>, vector<16xi32>
      %select_n3A_2250 = arith.select %eq3A_2248, %div3A_2245, %select_n3A_2047 : vector<16xi1>, vector<16xf32>
      %mul3A_2251 = arith.constant 16 : i32
      %mul3A_2252 = arith.muli %add3A_24, %mul3A_2251 : i32
      %add3A_2253 = arith.constant 11 : i32
      %add3A_2254 = arith.addi %mul3A_2252, %add3A_2253 : i32
      %mul3A_2255 = arith.constant 64 : i32
      %mul3A_2256 = arith.muli %add3A_2254, %mul3A_2255 : i32
      %get3A_2257 = arith.index_cast %mul3A_2256 : i32 to index
      %get3A_2258 = tpu.vector_load %arg5[%get3A_2257] {strides = array<i32>} : memref<16384xf32, #tpu.memory_space<vmem>>, vector<16xf32>,
      %get3A_2259 = vector.shape_cast %get3A_2258 : vector<16xf32> to vector<16xf32>
      %add3A_2260 = arith.constant 16 : i32
      %add3A_2261 = arith.addi %mul3A_2256, %add3A_2260 : i32
      %get3A_2262 = arith.index_cast %add3A_2261 : i32 to index
      %get3A_2263 = tpu.vector_load %arg5[%get3A_2262] {strides = array<i32>} : memref<16384xf32, #tpu.memory_space<vmem>>, vector<16xf32>,
      %get3A_2264 = vector.shape_cast %get3A_2263 : vector<16xf32> to vector<16xf32>
      %add3A_2265 = arith.constant 32 : i32
      %add3A_2266 = arith.addi %mul3A_2256, %add3A_2265 : i32
      %get3A_2267 = arith.index_cast %add3A_2266 : i32 to index
      %get3A_2268 = tpu.vector_load %arg5[%get3A_2267] {strides = array<i32>} : memref<16384xf32, #tpu.memory_space<vmem>>, vector<16xf32>,
      %get3A_2269 = vector.shape_cast %get3A_2268 : vector<16xf32> to vector<16xf32>
      %add3A_2270 = arith.constant 48 : i32
      %add3A_2271 = arith.addi %mul3A_2256, %add3A_2270 : i32
      %get3A_2272 = arith.index_cast %add3A_2271 : i32 to index
      %get3A_2273 = tpu.vector_load %arg5[%get3A_2272] {strides = array<i32>} : memref<16384xf32, #tpu.memory_space<vmem>>, vector<16xf32>,
      %get3A_2274 = vector.shape_cast %get3A_2273 : vector<16xf32> to vector<16xf32>
      %max3A_2275 = arith.maximumf %get3A_2259, %get3A_2264 : vector<16xf32>
      %max3A_2276 = arith.maximumf %get3A_2269, %get3A_2274 : vector<16xf32>
      %max3A_2277 = arith.maximumf %max3A_2275, %max3A_2276 : vector<16xf32>
      %lt3A_2278 = arith.constant 0 : i32
      %lt3A_2279 = vector.broadcast %lt3A_2278 : i32 to vector<16xi32>
      %lt3A_2280 = arith.cmpi slt, %xor3A_6, %lt3A_2279 : vector<16xi32>
      %add3A_2281 = arith.constant 16 : i32
      %add3A_2282 = vector.broadcast %add3A_2281 : i32 to vector<16xi32>
      %add3A_2283 = arith.addi %xor3A_6, %add3A_2282 : vector<16xi32>
      %select_n3A_2284 = arith.select %lt3A_2280, %add3A_2283, %xor3A_6 : vector<16xi1>, vector<16xi32>
      %broadcast_in_dim3A_2285 = vector.shape_cast %select_n3A_2284 : vector<16xi32> to vector<16x1xi32>
      %gather3A_2286 = vector.shape_cast %broadcast_in_dim3A_2285 : vector<16x1xi32> to vector<16xi32>
      %gather3A_2287 = tpu.dynamic_gather %max3A_2277[%gather3A_2286] in [0] : vector<16xf32>, vector<16xi32> -> vector<16xf32>
      %max3A_2288 = arith.maximumf %max3A_2277, %gather3A_2287 : vector<16xf32>
      %lt3A_2289 = arith.constant 0 : i32
      %lt3A_2290 = vector.broadcast %lt3A_2289 : i32 to vector<16xi32>
      %lt3A_2291 = arith.cmpi slt, %xor3A_9, %lt3A_2290 : vector<16xi32>
      %add3A_2292 = arith.constant 16 : i32
      %add3A_2293 = vector.broadcast %add3A_2292 : i32 to vector<16xi32>
      %add3A_2294 = arith.addi %xor3A_9, %add3A_2293 : vector<16xi32>
      %select_n3A_2295 = arith.select %lt3A_2291, %add3A_2294, %xor3A_9 : vector<16xi1>, vector<16xi32>
      %broadcast_in_dim3A_2296 = vector.shape_cast %select_n3A_2295 : vector<16xi32> to vector<16x1xi32>
      %gather3A_2297 = vector.shape_cast %broadcast_in_dim3A_2296 : vector<16x1xi32> to vector<16xi32>
      %gather3A_2298 = tpu.dynamic_gather %max3A_2288[%gather3A_2297] in [0] : vector<16xf32>, vector<16xi32> -> vector<16xf32>
      %max3A_2299 = arith.maximumf %max3A_2288, %gather3A_2298 : vector<16xf32>
      %lt3A_2300 = arith.constant 0 : i32
      %lt3A_2301 = vector.broadcast %lt3A_2300 : i32 to vector<16xi32>
      %lt3A_2302 = arith.cmpi slt, %xor3A_12, %lt3A_2301 : vector<16xi32>
      %add3A_2303 = arith.constant 16 : i32
      %add3A_2304 = vector.broadcast %add3A_2303 : i32 to vector<16xi32>
      %add3A_2305 = arith.addi %xor3A_12, %add3A_2304 : vector<16xi32>
      %select_n3A_2306 = arith.select %lt3A_2302, %add3A_2305, %xor3A_12 : vector<16xi1>, vector<16xi32>
      %broadcast_in_dim3A_2307 = vector.shape_cast %select_n3A_2306 : vector<16xi32> to vector<16x1xi32>
      %gather3A_2308 = vector.shape_cast %broadcast_in_dim3A_2307 : vector<16x1xi32> to vector<16xi32>
      %gather3A_2309 = tpu.dynamic_gather %max3A_2299[%gather3A_2308] in [0] : vector<16xf32>, vector<16xi32> -> vector<16xf32>
      %max3A_2310 = arith.maximumf %max3A_2299, %gather3A_2309 : vector<16xf32>
      %lt3A_2311 = arith.constant 0 : i32
      %lt3A_2312 = vector.broadcast %lt3A_2311 : i32 to vector<16xi32>
      %lt3A_2313 = arith.cmpi slt, %xor3A_15, %lt3A_2312 : vector<16xi32>
      %add3A_2314 = arith.constant 16 : i32
      %add3A_2315 = vector.broadcast %add3A_2314 : i32 to vector<16xi32>
      %add3A_2316 = arith.addi %xor3A_15, %add3A_2315 : vector<16xi32>
      %select_n3A_2317 = arith.select %lt3A_2313, %add3A_2316, %xor3A_15 : vector<16xi1>, vector<16xi32>
      %broadcast_in_dim3A_2318 = vector.shape_cast %select_n3A_2317 : vector<16xi32> to vector<16x1xi32>
      %gather3A_2319 = vector.shape_cast %broadcast_in_dim3A_2318 : vector<16x1xi32> to vector<16xi32>
      %gather3A_2320 = tpu.dynamic_gather %max3A_2310[%gather3A_2319] in [0] : vector<16xf32>, vector<16xi32> -> vector<16xf32>
      %max3A_2321 = arith.maximumf %max3A_2310, %gather3A_2320 : vector<16xf32>
      %broadcast_in_dim3A_2322 = arith.constant 64 : i32
      %broadcast_in_dim3A_2323 = vector.broadcast %broadcast_in_dim3A_2322 : i32 to vector<16xi32>
      %eq3A_2324 = arith.cmpf oeq, %get3A_2259, %max3A_2321 : vector<16xf32>
      %add3A_2325 = arith.constant 0 : i32
      %add3A_2326 = vector.broadcast %add3A_2325 : i32 to vector<16xi32>
      %add3A_2327 = arith.addi %iota3A, %add3A_2326 : vector<16xi32>
      %select_n3A_2328 = arith.select %eq3A_2324, %add3A_2327, %broadcast_in_dim3A_2323 : vector<16xi1>, vector<16xi32>
      %eq3A_2329 = arith.cmpf oeq, %get3A_2264, %max3A_2321 : vector<16xf32>
      %add3A_2330 = arith.constant 16 : i32
      %add3A_2331 = vector.broadcast %add3A_2330 : i32 to vector<16xi32>
      %add3A_2332 = arith.addi %iota3A, %add3A_2331 : vector<16xi32>
      %select_n3A_2333 = arith.select %eq3A_2329, %add3A_2332, %broadcast_in_dim3A_2323 : vector<16xi1>, vector<16xi32>
      %eq3A_2334 = arith.cmpf oeq, %get3A_2269, %max3A_2321 : vector<16xf32>
      %add3A_2335 = arith.constant 32 : i32
      %add3A_2336 = vector.broadcast %add3A_2335 : i32 to vector<16xi32>
      %add3A_2337 = arith.addi %iota3A, %add3A_2336 : vector<16xi32>
      %select_n3A_2338 = arith.select %eq3A_2334, %add3A_2337, %broadcast_in_dim3A_2323 : vector<16xi1>, vector<16xi32>
      %eq3A_2339 = arith.cmpf oeq, %get3A_2274, %max3A_2321 : vector<16xf32>
      %add3A_2340 = arith.constant 48 : i32
      %add3A_2341 = vector.broadcast %add3A_2340 : i32 to vector<16xi32>
      %add3A_2342 = arith.addi %iota3A, %add3A_2341 : vector<16xi32>
      %select_n3A_2343 = arith.select %eq3A_2339, %add3A_2342, %broadcast_in_dim3A_2323 : vector<16xi1>, vector<16xi32>
      %min3A_2344 = arith.minsi %select_n3A_2328, %select_n3A_2333 : vector<16xi32>
      %min3A_2345 = arith.minsi %select_n3A_2338, %select_n3A_2343 : vector<16xi32>
      %min3A_2346 = arith.minsi %min3A_2344, %min3A_2345 : vector<16xi32>
      %lt3A_2347 = arith.constant 0 : i32
      %lt3A_2348 = vector.broadcast %lt3A_2347 : i32 to vector<16xi32>
      %lt3A_2349 = arith.cmpi slt, %xor3A_6, %lt3A_2348 : vector<16xi32>
      %add3A_2350 = arith.constant 16 : i32
      %add3A_2351 = vector.broadcast %add3A_2350 : i32 to vector<16xi32>
      %add3A_2352 = arith.addi %xor3A_6, %add3A_2351 : vector<16xi32>
      %select_n3A_2353 = arith.select %lt3A_2349, %add3A_2352, %xor3A_6 : vector<16xi1>, vector<16xi32>
      %broadcast_in_dim3A_2354 = vector.shape_cast %select_n3A_2353 : vector<16xi32> to vector<16x1xi32>
      %gather3A_2355 = vector.shape_cast %broadcast_in_dim3A_2354 : vector<16x1xi32> to vector<16xi32>
      %gather3A_2356 = tpu.dynamic_gather %min3A_2346[%gather3A_2355] in [0] : vector<16xi32>, vector<16xi32> -> vector<16xi32>
      %min3A_2357 = arith.minsi %min3A_2346, %gather3A_2356 : vector<16xi32>
      %lt3A_2358 = arith.constant 0 : i32
      %lt3A_2359 = vector.broadcast %lt3A_2358 : i32 to vector<16xi32>
      %lt3A_2360 = arith.cmpi slt, %xor3A_9, %lt3A_2359 : vector<16xi32>
      %add3A_2361 = arith.constant 16 : i32
      %add3A_2362 = vector.broadcast %add3A_2361 : i32 to vector<16xi32>
      %add3A_2363 = arith.addi %xor3A_9, %add3A_2362 : vector<16xi32>
      %select_n3A_2364 = arith.select %lt3A_2360, %add3A_2363, %xor3A_9 : vector<16xi1>, vector<16xi32>
      %broadcast_in_dim3A_2365 = vector.shape_cast %select_n3A_2364 : vector<16xi32> to vector<16x1xi32>
      %gather3A_2366 = vector.shape_cast %broadcast_in_dim3A_2365 : vector<16x1xi32> to vector<16xi32>
      %gather3A_2367 = tpu.dynamic_gather %min3A_2357[%gather3A_2366] in [0] : vector<16xi32>, vector<16xi32> -> vector<16xi32>
      %min3A_2368 = arith.minsi %min3A_2357, %gather3A_2367 : vector<16xi32>
      %lt3A_2369 = arith.constant 0 : i32
      %lt3A_2370 = vector.broadcast %lt3A_2369 : i32 to vector<16xi32>
      %lt3A_2371 = arith.cmpi slt, %xor3A_12, %lt3A_2370 : vector<16xi32>
      %add3A_2372 = arith.constant 16 : i32
      %add3A_2373 = vector.broadcast %add3A_2372 : i32 to vector<16xi32>
      %add3A_2374 = arith.addi %xor3A_12, %add3A_2373 : vector<16xi32>
      %select_n3A_2375 = arith.select %lt3A_2371, %add3A_2374, %xor3A_12 : vector<16xi1>, vector<16xi32>
      %broadcast_in_dim3A_2376 = vector.shape_cast %select_n3A_2375 : vector<16xi32> to vector<16x1xi32>
      %gather3A_2377 = vector.shape_cast %broadcast_in_dim3A_2376 : vector<16x1xi32> to vector<16xi32>
      %gather3A_2378 = tpu.dynamic_gather %min3A_2368[%gather3A_2377] in [0] : vector<16xi32>, vector<16xi32> -> vector<16xi32>
      %min3A_2379 = arith.minsi %min3A_2368, %gather3A_2378 : vector<16xi32>
      %lt3A_2380 = arith.constant 0 : i32
      %lt3A_2381 = vector.broadcast %lt3A_2380 : i32 to vector<16xi32>
      %lt3A_2382 = arith.cmpi slt, %xor3A_15, %lt3A_2381 : vector<16xi32>
      %add3A_2383 = arith.constant 16 : i32
      %add3A_2384 = vector.broadcast %add3A_2383 : i32 to vector<16xi32>
      %add3A_2385 = arith.addi %xor3A_15, %add3A_2384 : vector<16xi32>
      %select_n3A_2386 = arith.select %lt3A_2382, %add3A_2385, %xor3A_15 : vector<16xi1>, vector<16xi32>
      %broadcast_in_dim3A_2387 = vector.shape_cast %select_n3A_2386 : vector<16xi32> to vector<16x1xi32>
      %gather3A_2388 = vector.shape_cast %broadcast_in_dim3A_2387 : vector<16x1xi32> to vector<16xi32>
      %gather3A_2389 = tpu.dynamic_gather %min3A_2379[%gather3A_2388] in [0] : vector<16xi32>, vector<16xi32> -> vector<16xi32>
      %min3A_2390 = arith.minsi %min3A_2379, %gather3A_2389 : vector<16xi32>
      %sub3A_2391 = arith.subf %get3A_2259, %max3A_2321 : vector<16xf32>
      %exp3A_2392 = math.exp %sub3A_2391 : vector<16xf32>
      %sub3A_2393 = arith.subf %get3A_2264, %max3A_2321 : vector<16xf32>
      %exp3A_2394 = math.exp %sub3A_2393 : vector<16xf32>
      %add3A_2395 = arith.addf %exp3A_2392, %exp3A_2394 : vector<16xf32>
      %sub3A_2396 = arith.subf %get3A_2269, %max3A_2321 : vector<16xf32>
      %exp3A_2397 = math.exp %sub3A_2396 : vector<16xf32>
      %add3A_2398 = arith.addf %add3A_2395, %exp3A_2397 : vector<16xf32>
      %sub3A_2399 = arith.subf %get3A_2274, %max3A_2321 : vector<16xf32>
      %exp3A_2400 = math.exp %sub3A_2399 : vector<16xf32>
      %add3A_2401 = arith.addf %add3A_2398, %exp3A_2400 : vector<16xf32>
      %lt3A_2402 = arith.constant 0 : i32
      %lt3A_2403 = vector.broadcast %lt3A_2402 : i32 to vector<16xi32>
      %lt3A_2404 = arith.cmpi slt, %xor3A_6, %lt3A_2403 : vector<16xi32>
      %add3A_2405 = arith.constant 16 : i32
      %add3A_2406 = vector.broadcast %add3A_2405 : i32 to vector<16xi32>
      %add3A_2407 = arith.addi %xor3A_6, %add3A_2406 : vector<16xi32>
      %select_n3A_2408 = arith.select %lt3A_2404, %add3A_2407, %xor3A_6 : vector<16xi1>, vector<16xi32>
      %broadcast_in_dim3A_2409 = vector.shape_cast %select_n3A_2408 : vector<16xi32> to vector<16x1xi32>
      %gather3A_2410 = vector.shape_cast %broadcast_in_dim3A_2409 : vector<16x1xi32> to vector<16xi32>
      %gather3A_2411 = tpu.dynamic_gather %add3A_2401[%gather3A_2410] in [0] : vector<16xf32>, vector<16xi32> -> vector<16xf32>
      %add3A_2412 = arith.addf %add3A_2401, %gather3A_2411 : vector<16xf32>
      %lt3A_2413 = arith.constant 0 : i32
      %lt3A_2414 = vector.broadcast %lt3A_2413 : i32 to vector<16xi32>
      %lt3A_2415 = arith.cmpi slt, %xor3A_9, %lt3A_2414 : vector<16xi32>
      %add3A_2416 = arith.constant 16 : i32
      %add3A_2417 = vector.broadcast %add3A_2416 : i32 to vector<16xi32>
      %add3A_2418 = arith.addi %xor3A_9, %add3A_2417 : vector<16xi32>
      %select_n3A_2419 = arith.select %lt3A_2415, %add3A_2418, %xor3A_9 : vector<16xi1>, vector<16xi32>
      %broadcast_in_dim3A_2420 = vector.shape_cast %select_n3A_2419 : vector<16xi32> to vector<16x1xi32>
      %gather3A_2421 = vector.shape_cast %broadcast_in_dim3A_2420 : vector<16x1xi32> to vector<16xi32>
      %gather3A_2422 = tpu.dynamic_gather %add3A_2412[%gather3A_2421] in [0] : vector<16xf32>, vector<16xi32> -> vector<16xf32>
      %add3A_2423 = arith.addf %add3A_2412, %gather3A_2422 : vector<16xf32>
      %lt3A_2424 = arith.constant 0 : i32
      %lt3A_2425 = vector.broadcast %lt3A_2424 : i32 to vector<16xi32>
      %lt3A_2426 = arith.cmpi slt, %xor3A_12, %lt3A_2425 : vector<16xi32>
      %add3A_2427 = arith.constant 16 : i32
      %add3A_2428 = vector.broadcast %add3A_2427 : i32 to vector<16xi32>
      %add3A_2429 = arith.addi %xor3A_12, %add3A_2428 : vector<16xi32>
      %select_n3A_2430 = arith.select %lt3A_2426, %add3A_2429, %xor3A_12 : vector<16xi1>, vector<16xi32>
      %broadcast_in_dim3A_2431 = vector.shape_cast %select_n3A_2430 : vector<16xi32> to vector<16x1xi32>
      %gather3A_2432 = vector.shape_cast %broadcast_in_dim3A_2431 : vector<16x1xi32> to vector<16xi32>
      %gather3A_2433 = tpu.dynamic_gather %add3A_2423[%gather3A_2432] in [0] : vector<16xf32>, vector<16xi32> -> vector<16xf32>
      %add3A_2434 = arith.addf %add3A_2423, %gather3A_2433 : vector<16xf32>
      %lt3A_2435 = arith.constant 0 : i32
      %lt3A_2436 = vector.broadcast %lt3A_2435 : i32 to vector<16xi32>
      %lt3A_2437 = arith.cmpi slt, %xor3A_15, %lt3A_2436 : vector<16xi32>
      %add3A_2438 = arith.constant 16 : i32
      %add3A_2439 = vector.broadcast %add3A_2438 : i32 to vector<16xi32>
      %add3A_2440 = arith.addi %xor3A_15, %add3A_2439 : vector<16xi32>
      %select_n3A_2441 = arith.select %lt3A_2437, %add3A_2440, %xor3A_15 : vector<16xi1>, vector<16xi32>
      %broadcast_in_dim3A_2442 = vector.shape_cast %select_n3A_2441 : vector<16xi32> to vector<16x1xi32>
      %gather3A_2443 = vector.shape_cast %broadcast_in_dim3A_2442 : vector<16x1xi32> to vector<16xi32>
      %gather3A_2444 = tpu.dynamic_gather %add3A_2434[%gather3A_2443] in [0] : vector<16xf32>, vector<16xi32> -> vector<16xf32>
      %add3A_2445 = arith.addf %add3A_2434, %gather3A_2444 : vector<16xf32>
      %div3A_2446 = arith.constant 1.000000e+00 : f32
      %div3A_2447 = vector.broadcast %div3A_2446 : f32 to vector<16xf32>
      %div3A_2448 = arith.divf %div3A_2447, %add3A_2445 : vector<16xf32>
      %eq3A_2449 = arith.constant 11 : i32
      %eq3A_2450 = vector.broadcast %eq3A_2449 : i32 to vector<16xi32>
      %eq3A_2451 = arith.cmpi eq, %iota3A, %eq3A_2450 : vector<16xi32>
      %select_n3A_2452 = arith.select %eq3A_2451, %min3A_2390, %select_n3A_2249 : vector<16xi1>, vector<16xi32>
      %select_n3A_2453 = arith.select %eq3A_2451, %div3A_2448, %select_n3A_2250 : vector<16xi1>, vector<16xf32>
      %mul3A_2454 = arith.constant 16 : i32
      %mul3A_2455 = arith.muli %add3A_24, %mul3A_2454 : i32
      %add3A_2456 = arith.constant 12 : i32
      %add3A_2457 = arith.addi %mul3A_2455, %add3A_2456 : i32
      %mul3A_2458 = arith.constant 64 : i32
      %mul3A_2459 = arith.muli %add3A_2457, %mul3A_2458 : i32
      %get3A_2460 = arith.index_cast %mul3A_2459 : i32 to index
      %get3A_2461 = tpu.vector_load %arg5[%get3A_2460] {strides = array<i32>} : memref<16384xf32, #tpu.memory_space<vmem>>, vector<16xf32>,
      %get3A_2462 = vector.shape_cast %get3A_2461 : vector<16xf32> to vector<16xf32>
      %add3A_2463 = arith.constant 16 : i32
      %add3A_2464 = arith.addi %mul3A_2459, %add3A_2463 : i32
      %get3A_2465 = arith.index_cast %add3A_2464 : i32 to index
      %get3A_2466 = tpu.vector_load %arg5[%get3A_2465] {strides = array<i32>} : memref<16384xf32, #tpu.memory_space<vmem>>, vector<16xf32>,
      %get3A_2467 = vector.shape_cast %get3A_2466 : vector<16xf32> to vector<16xf32>
      %add3A_2468 = arith.constant 32 : i32
      %add3A_2469 = arith.addi %mul3A_2459, %add3A_2468 : i32
      %get3A_2470 = arith.index_cast %add3A_2469 : i32 to index
      %get3A_2471 = tpu.vector_load %arg5[%get3A_2470] {strides = array<i32>} : memref<16384xf32, #tpu.memory_space<vmem>>, vector<16xf32>,
      %get3A_2472 = vector.shape_cast %get3A_2471 : vector<16xf32> to vector<16xf32>
      %add3A_2473 = arith.constant 48 : i32
      %add3A_2474 = arith.addi %mul3A_2459, %add3A_2473 : i32
      %get3A_2475 = arith.index_cast %add3A_2474 : i32 to index
      %get3A_2476 = tpu.vector_load %arg5[%get3A_2475] {strides = array<i32>} : memref<16384xf32, #tpu.memory_space<vmem>>, vector<16xf32>,
      %get3A_2477 = vector.shape_cast %get3A_2476 : vector<16xf32> to vector<16xf32>
      %max3A_2478 = arith.maximumf %get3A_2462, %get3A_2467 : vector<16xf32>
      %max3A_2479 = arith.maximumf %get3A_2472, %get3A_2477 : vector<16xf32>
      %max3A_2480 = arith.maximumf %max3A_2478, %max3A_2479 : vector<16xf32>
      %lt3A_2481 = arith.constant 0 : i32
      %lt3A_2482 = vector.broadcast %lt3A_2481 : i32 to vector<16xi32>
      %lt3A_2483 = arith.cmpi slt, %xor3A_6, %lt3A_2482 : vector<16xi32>
      %add3A_2484 = arith.constant 16 : i32
      %add3A_2485 = vector.broadcast %add3A_2484 : i32 to vector<16xi32>
      %add3A_2486 = arith.addi %xor3A_6, %add3A_2485 : vector<16xi32>
      %select_n3A_2487 = arith.select %lt3A_2483, %add3A_2486, %xor3A_6 : vector<16xi1>, vector<16xi32>
      %broadcast_in_dim3A_2488 = vector.shape_cast %select_n3A_2487 : vector<16xi32> to vector<16x1xi32>
      %gather3A_2489 = vector.shape_cast %broadcast_in_dim3A_2488 : vector<16x1xi32> to vector<16xi32>
      %gather3A_2490 = tpu.dynamic_gather %max3A_2480[%gather3A_2489] in [0] : vector<16xf32>, vector<16xi32> -> vector<16xf32>
      %max3A_2491 = arith.maximumf %max3A_2480, %gather3A_2490 : vector<16xf32>
      %lt3A_2492 = arith.constant 0 : i32
      %lt3A_2493 = vector.broadcast %lt3A_2492 : i32 to vector<16xi32>
      %lt3A_2494 = arith.cmpi slt, %xor3A_9, %lt3A_2493 : vector<16xi32>
      %add3A_2495 = arith.constant 16 : i32
      %add3A_2496 = vector.broadcast %add3A_2495 : i32 to vector<16xi32>
      %add3A_2497 = arith.addi %xor3A_9, %add3A_2496 : vector<16xi32>
      %select_n3A_2498 = arith.select %lt3A_2494, %add3A_2497, %xor3A_9 : vector<16xi1>, vector<16xi32>
      %broadcast_in_dim3A_2499 = vector.shape_cast %select_n3A_2498 : vector<16xi32> to vector<16x1xi32>
      %gather3A_2500 = vector.shape_cast %broadcast_in_dim3A_2499 : vector<16x1xi32> to vector<16xi32>
      %gather3A_2501 = tpu.dynamic_gather %max3A_2491[%gather3A_2500] in [0] : vector<16xf32>, vector<16xi32> -> vector<16xf32>
      %max3A_2502 = arith.maximumf %max3A_2491, %gather3A_2501 : vector<16xf32>
      %lt3A_2503 = arith.constant 0 : i32
      %lt3A_2504 = vector.broadcast %lt3A_2503 : i32 to vector<16xi32>
      %lt3A_2505 = arith.cmpi slt, %xor3A_12, %lt3A_2504 : vector<16xi32>
      %add3A_2506 = arith.constant 16 : i32
      %add3A_2507 = vector.broadcast %add3A_2506 : i32 to vector<16xi32>
      %add3A_2508 = arith.addi %xor3A_12, %add3A_2507 : vector<16xi32>
      %select_n3A_2509 = arith.select %lt3A_2505, %add3A_2508, %xor3A_12 : vector<16xi1>, vector<16xi32>
      %broadcast_in_dim3A_2510 = vector.shape_cast %select_n3A_2509 : vector<16xi32> to vector<16x1xi32>
      %gather3A_2511 = vector.shape_cast %broadcast_in_dim3A_2510 : vector<16x1xi32> to vector<16xi32>
      %gather3A_2512 = tpu.dynamic_gather %max3A_2502[%gather3A_2511] in [0] : vector<16xf32>, vector<16xi32> -> vector<16xf32>
      %max3A_2513 = arith.maximumf %max3A_2502, %gather3A_2512 : vector<16xf32>
      %lt3A_2514 = arith.constant 0 : i32
      %lt3A_2515 = vector.broadcast %lt3A_2514 : i32 to vector<16xi32>
      %lt3A_2516 = arith.cmpi slt, %xor3A_15, %lt3A_2515 : vector<16xi32>
      %add3A_2517 = arith.constant 16 : i32
      %add3A_2518 = vector.broadcast %add3A_2517 : i32 to vector<16xi32>
      %add3A_2519 = arith.addi %xor3A_15, %add3A_2518 : vector<16xi32>
      %select_n3A_2520 = arith.select %lt3A_2516, %add3A_2519, %xor3A_15 : vector<16xi1>, vector<16xi32>
      %broadcast_in_dim3A_2521 = vector.shape_cast %select_n3A_2520 : vector<16xi32> to vector<16x1xi32>
      %gather3A_2522 = vector.shape_cast %broadcast_in_dim3A_2521 : vector<16x1xi32> to vector<16xi32>
      %gather3A_2523 = tpu.dynamic_gather %max3A_2513[%gather3A_2522] in [0] : vector<16xf32>, vector<16xi32> -> vector<16xf32>
      %max3A_2524 = arith.maximumf %max3A_2513, %gather3A_2523 : vector<16xf32>
      %broadcast_in_dim3A_2525 = arith.constant 64 : i32
      %broadcast_in_dim3A_2526 = vector.broadcast %broadcast_in_dim3A_2525 : i32 to vector<16xi32>
      %eq3A_2527 = arith.cmpf oeq, %get3A_2462, %max3A_2524 : vector<16xf32>
      %add3A_2528 = arith.constant 0 : i32
      %add3A_2529 = vector.broadcast %add3A_2528 : i32 to vector<16xi32>
      %add3A_2530 = arith.addi %iota3A, %add3A_2529 : vector<16xi32>
      %select_n3A_2531 = arith.select %eq3A_2527, %add3A_2530, %broadcast_in_dim3A_2526 : vector<16xi1>, vector<16xi32>
      %eq3A_2532 = arith.cmpf oeq, %get3A_2467, %max3A_2524 : vector<16xf32>
      %add3A_2533 = arith.constant 16 : i32
      %add3A_2534 = vector.broadcast %add3A_2533 : i32 to vector<16xi32>
      %add3A_2535 = arith.addi %iota3A, %add3A_2534 : vector<16xi32>
      %select_n3A_2536 = arith.select %eq3A_2532, %add3A_2535, %broadcast_in_dim3A_2526 : vector<16xi1>, vector<16xi32>
      %eq3A_2537 = arith.cmpf oeq, %get3A_2472, %max3A_2524 : vector<16xf32>
      %add3A_2538 = arith.constant 32 : i32
      %add3A_2539 = vector.broadcast %add3A_2538 : i32 to vector<16xi32>
      %add3A_2540 = arith.addi %iota3A, %add3A_2539 : vector<16xi32>
      %select_n3A_2541 = arith.select %eq3A_2537, %add3A_2540, %broadcast_in_dim3A_2526 : vector<16xi1>, vector<16xi32>
      %eq3A_2542 = arith.cmpf oeq, %get3A_2477, %max3A_2524 : vector<16xf32>
      %add3A_2543 = arith.constant 48 : i32
      %add3A_2544 = vector.broadcast %add3A_2543 : i32 to vector<16xi32>
      %add3A_2545 = arith.addi %iota3A, %add3A_2544 : vector<16xi32>
      %select_n3A_2546 = arith.select %eq3A_2542, %add3A_2545, %broadcast_in_dim3A_2526 : vector<16xi1>, vector<16xi32>
      %min3A_2547 = arith.minsi %select_n3A_2531, %select_n3A_2536 : vector<16xi32>
      %min3A_2548 = arith.minsi %select_n3A_2541, %select_n3A_2546 : vector<16xi32>
      %min3A_2549 = arith.minsi %min3A_2547, %min3A_2548 : vector<16xi32>
      %lt3A_2550 = arith.constant 0 : i32
      %lt3A_2551 = vector.broadcast %lt3A_2550 : i32 to vector<16xi32>
      %lt3A_2552 = arith.cmpi slt, %xor3A_6, %lt3A_2551 : vector<16xi32>
      %add3A_2553 = arith.constant 16 : i32
      %add3A_2554 = vector.broadcast %add3A_2553 : i32 to vector<16xi32>
      %add3A_2555 = arith.addi %xor3A_6, %add3A_2554 : vector<16xi32>
      %select_n3A_2556 = arith.select %lt3A_2552, %add3A_2555, %xor3A_6 : vector<16xi1>, vector<16xi32>
      %broadcast_in_dim3A_2557 = vector.shape_cast %select_n3A_2556 : vector<16xi32> to vector<16x1xi32>
      %gather3A_2558 = vector.shape_cast %broadcast_in_dim3A_2557 : vector<16x1xi32> to vector<16xi32>
      %gather3A_2559 = tpu.dynamic_gather %min3A_2549[%gather3A_2558] in [0] : vector<16xi32>, vector<16xi32> -> vector<16xi32>
      %min3A_2560 = arith.minsi %min3A_2549, %gather3A_2559 : vector<16xi32>
      %lt3A_2561 = arith.constant 0 : i32
      %lt3A_2562 = vector.broadcast %lt3A_2561 : i32 to vector<16xi32>
      %lt3A_2563 = arith.cmpi slt, %xor3A_9, %lt3A_2562 : vector<16xi32>
      %add3A_2564 = arith.constant 16 : i32
      %add3A_2565 = vector.broadcast %add3A_2564 : i32 to vector<16xi32>
      %add3A_2566 = arith.addi %xor3A_9, %add3A_2565 : vector<16xi32>
      %select_n3A_2567 = arith.select %lt3A_2563, %add3A_2566, %xor3A_9 : vector<16xi1>, vector<16xi32>
      %broadcast_in_dim3A_2568 = vector.shape_cast %select_n3A_2567 : vector<16xi32> to vector<16x1xi32>
      %gather3A_2569 = vector.shape_cast %broadcast_in_dim3A_2568 : vector<16x1xi32> to vector<16xi32>
      %gather3A_2570 = tpu.dynamic_gather %min3A_2560[%gather3A_2569] in [0] : vector<16xi32>, vector<16xi32> -> vector<16xi32>
      %min3A_2571 = arith.minsi %min3A_2560, %gather3A_2570 : vector<16xi32>
      %lt3A_2572 = arith.constant 0 : i32
      %lt3A_2573 = vector.broadcast %lt3A_2572 : i32 to vector<16xi32>
      %lt3A_2574 = arith.cmpi slt, %xor3A_12, %lt3A_2573 : vector<16xi32>
      %add3A_2575 = arith.constant 16 : i32
      %add3A_2576 = vector.broadcast %add3A_2575 : i32 to vector<16xi32>
      %add3A_2577 = arith.addi %xor3A_12, %add3A_2576 : vector<16xi32>
      %select_n3A_2578 = arith.select %lt3A_2574, %add3A_2577, %xor3A_12 : vector<16xi1>, vector<16xi32>
      %broadcast_in_dim3A_2579 = vector.shape_cast %select_n3A_2578 : vector<16xi32> to vector<16x1xi32>
      %gather3A_2580 = vector.shape_cast %broadcast_in_dim3A_2579 : vector<16x1xi32> to vector<16xi32>
      %gather3A_2581 = tpu.dynamic_gather %min3A_2571[%gather3A_2580] in [0] : vector<16xi32>, vector<16xi32> -> vector<16xi32>
      %min3A_2582 = arith.minsi %min3A_2571, %gather3A_2581 : vector<16xi32>
      %lt3A_2583 = arith.constant 0 : i32
      %lt3A_2584 = vector.broadcast %lt3A_2583 : i32 to vector<16xi32>
      %lt3A_2585 = arith.cmpi slt, %xor3A_15, %lt3A_2584 : vector<16xi32>
      %add3A_2586 = arith.constant 16 : i32
      %add3A_2587 = vector.broadcast %add3A_2586 : i32 to vector<16xi32>
      %add3A_2588 = arith.addi %xor3A_15, %add3A_2587 : vector<16xi32>
      %select_n3A_2589 = arith.select %lt3A_2585, %add3A_2588, %xor3A_15 : vector<16xi1>, vector<16xi32>
      %broadcast_in_dim3A_2590 = vector.shape_cast %select_n3A_2589 : vector<16xi32> to vector<16x1xi32>
      %gather3A_2591 = vector.shape_cast %broadcast_in_dim3A_2590 : vector<16x1xi32> to vector<16xi32>
      %gather3A_2592 = tpu.dynamic_gather %min3A_2582[%gather3A_2591] in [0] : vector<16xi32>, vector<16xi32> -> vector<16xi32>
      %min3A_2593 = arith.minsi %min3A_2582, %gather3A_2592 : vector<16xi32>
      %sub3A_2594 = arith.subf %get3A_2462, %max3A_2524 : vector<16xf32>
      %exp3A_2595 = math.exp %sub3A_2594 : vector<16xf32>
      %sub3A_2596 = arith.subf %get3A_2467, %max3A_2524 : vector<16xf32>
      %exp3A_2597 = math.exp %sub3A_2596 : vector<16xf32>
      %add3A_2598 = arith.addf %exp3A_2595, %exp3A_2597 : vector<16xf32>
      %sub3A_2599 = arith.subf %get3A_2472, %max3A_2524 : vector<16xf32>
      %exp3A_2600 = math.exp %sub3A_2599 : vector<16xf32>
      %add3A_2601 = arith.addf %add3A_2598, %exp3A_2600 : vector<16xf32>
      %sub3A_2602 = arith.subf %get3A_2477, %max3A_2524 : vector<16xf32>
      %exp3A_2603 = math.exp %sub3A_2602 : vector<16xf32>
      %add3A_2604 = arith.addf %add3A_2601, %exp3A_2603 : vector<16xf32>
      %lt3A_2605 = arith.constant 0 : i32
      %lt3A_2606 = vector.broadcast %lt3A_2605 : i32 to vector<16xi32>
      %lt3A_2607 = arith.cmpi slt, %xor3A_6, %lt3A_2606 : vector<16xi32>
      %add3A_2608 = arith.constant 16 : i32
      %add3A_2609 = vector.broadcast %add3A_2608 : i32 to vector<16xi32>
      %add3A_2610 = arith.addi %xor3A_6, %add3A_2609 : vector<16xi32>
      %select_n3A_2611 = arith.select %lt3A_2607, %add3A_2610, %xor3A_6 : vector<16xi1>, vector<16xi32>
      %broadcast_in_dim3A_2612 = vector.shape_cast %select_n3A_2611 : vector<16xi32> to vector<16x1xi32>
      %gather3A_2613 = vector.shape_cast %broadcast_in_dim3A_2612 : vector<16x1xi32> to vector<16xi32>
      %gather3A_2614 = tpu.dynamic_gather %add3A_2604[%gather3A_2613] in [0] : vector<16xf32>, vector<16xi32> -> vector<16xf32>
      %add3A_2615 = arith.addf %add3A_2604, %gather3A_2614 : vector<16xf32>
      %lt3A_2616 = arith.constant 0 : i32
      %lt3A_2617 = vector.broadcast %lt3A_2616 : i32 to vector<16xi32>
      %lt3A_2618 = arith.cmpi slt, %xor3A_9, %lt3A_2617 : vector<16xi32>
      %add3A_2619 = arith.constant 16 : i32
      %add3A_2620 = vector.broadcast %add3A_2619 : i32 to vector<16xi32>
      %add3A_2621 = arith.addi %xor3A_9, %add3A_2620 : vector<16xi32>
      %select_n3A_2622 = arith.select %lt3A_2618, %add3A_2621, %xor3A_9 : vector<16xi1>, vector<16xi32>
      %broadcast_in_dim3A_2623 = vector.shape_cast %select_n3A_2622 : vector<16xi32> to vector<16x1xi32>
      %gather3A_2624 = vector.shape_cast %broadcast_in_dim3A_2623 : vector<16x1xi32> to vector<16xi32>
      %gather3A_2625 = tpu.dynamic_gather %add3A_2615[%gather3A_2624] in [0] : vector<16xf32>, vector<16xi32> -> vector<16xf32>
      %add3A_2626 = arith.addf %add3A_2615, %gather3A_2625 : vector<16xf32>
      %lt3A_2627 = arith.constant 0 : i32
      %lt3A_2628 = vector.broadcast %lt3A_2627 : i32 to vector<16xi32>
      %lt3A_2629 = arith.cmpi slt, %xor3A_12, %lt3A_2628 : vector<16xi32>
      %add3A_2630 = arith.constant 16 : i32
      %add3A_2631 = vector.broadcast %add3A_2630 : i32 to vector<16xi32>
      %add3A_2632 = arith.addi %xor3A_12, %add3A_2631 : vector<16xi32>
      %select_n3A_2633 = arith.select %lt3A_2629, %add3A_2632, %xor3A_12 : vector<16xi1>, vector<16xi32>
      %broadcast_in_dim3A_2634 = vector.shape_cast %select_n3A_2633 : vector<16xi32> to vector<16x1xi32>
      %gather3A_2635 = vector.shape_cast %broadcast_in_dim3A_2634 : vector<16x1xi32> to vector<16xi32>
      %gather3A_2636 = tpu.dynamic_gather %add3A_2626[%gather3A_2635] in [0] : vector<16xf32>, vector<16xi32> -> vector<16xf32>
      %add3A_2637 = arith.addf %add3A_2626, %gather3A_2636 : vector<16xf32>
      %lt3A_2638 = arith.constant 0 : i32
      %lt3A_2639 = vector.broadcast %lt3A_2638 : i32 to vector<16xi32>
      %lt3A_2640 = arith.cmpi slt, %xor3A_15, %lt3A_2639 : vector<16xi32>
      %add3A_2641 = arith.constant 16 : i32
      %add3A_2642 = vector.broadcast %add3A_2641 : i32 to vector<16xi32>
      %add3A_2643 = arith.addi %xor3A_15, %add3A_2642 : vector<16xi32>
      %select_n3A_2644 = arith.select %lt3A_2640, %add3A_2643, %xor3A_15 : vector<16xi1>, vector<16xi32>
      %broadcast_in_dim3A_2645 = vector.shape_cast %select_n3A_2644 : vector<16xi32> to vector<16x1xi32>
      %gather3A_2646 = vector.shape_cast %broadcast_in_dim3A_2645 : vector<16x1xi32> to vector<16xi32>
      %gather3A_2647 = tpu.dynamic_gather %add3A_2637[%gather3A_2646] in [0] : vector<16xf32>, vector<16xi32> -> vector<16xf32>
      %add3A_2648 = arith.addf %add3A_2637, %gather3A_2647 : vector<16xf32>
      %div3A_2649 = arith.constant 1.000000e+00 : f32
      %div3A_2650 = vector.broadcast %div3A_2649 : f32 to vector<16xf32>
      %div3A_2651 = arith.divf %div3A_2650, %add3A_2648 : vector<16xf32>
      %eq3A_2652 = arith.constant 12 : i32
      %eq3A_2653 = vector.broadcast %eq3A_2652 : i32 to vector<16xi32>
      %eq3A_2654 = arith.cmpi eq, %iota3A, %eq3A_2653 : vector<16xi32>
      %select_n3A_2655 = arith.select %eq3A_2654, %min3A_2593, %select_n3A_2452 : vector<16xi1>, vector<16xi32>
      %select_n3A_2656 = arith.select %eq3A_2654, %div3A_2651, %select_n3A_2453 : vector<16xi1>, vector<16xf32>
      %mul3A_2657 = arith.constant 16 : i32
      %mul3A_2658 = arith.muli %add3A_24, %mul3A_2657 : i32
      %add3A_2659 = arith.constant 13 : i32
      %add3A_2660 = arith.addi %mul3A_2658, %add3A_2659 : i32
      %mul3A_2661 = arith.constant 64 : i32
      %mul3A_2662 = arith.muli %add3A_2660, %mul3A_2661 : i32
      %get3A_2663 = arith.index_cast %mul3A_2662 : i32 to index
      %get3A_2664 = tpu.vector_load %arg5[%get3A_2663] {strides = array<i32>} : memref<16384xf32, #tpu.memory_space<vmem>>, vector<16xf32>,
      %get3A_2665 = vector.shape_cast %get3A_2664 : vector<16xf32> to vector<16xf32>
      %add3A_2666 = arith.constant 16 : i32
      %add3A_2667 = arith.addi %mul3A_2662, %add3A_2666 : i32
      %get3A_2668 = arith.index_cast %add3A_2667 : i32 to index
      %get3A_2669 = tpu.vector_load %arg5[%get3A_2668] {strides = array<i32>} : memref<16384xf32, #tpu.memory_space<vmem>>, vector<16xf32>,
      %get3A_2670 = vector.shape_cast %get3A_2669 : vector<16xf32> to vector<16xf32>
      %add3A_2671 = arith.constant 32 : i32
      %add3A_2672 = arith.addi %mul3A_2662, %add3A_2671 : i32
      %get3A_2673 = arith.index_cast %add3A_2672 : i32 to index
      %get3A_2674 = tpu.vector_load %arg5[%get3A_2673] {strides = array<i32>} : memref<16384xf32, #tpu.memory_space<vmem>>, vector<16xf32>,
      %get3A_2675 = vector.shape_cast %get3A_2674 : vector<16xf32> to vector<16xf32>
      %add3A_2676 = arith.constant 48 : i32
      %add3A_2677 = arith.addi %mul3A_2662, %add3A_2676 : i32
      %get3A_2678 = arith.index_cast %add3A_2677 : i32 to index
      %get3A_2679 = tpu.vector_load %arg5[%get3A_2678] {strides = array<i32>} : memref<16384xf32, #tpu.memory_space<vmem>>, vector<16xf32>,
      %get3A_2680 = vector.shape_cast %get3A_2679 : vector<16xf32> to vector<16xf32>
      %max3A_2681 = arith.maximumf %get3A_2665, %get3A_2670 : vector<16xf32>
      %max3A_2682 = arith.maximumf %get3A_2675, %get3A_2680 : vector<16xf32>
      %max3A_2683 = arith.maximumf %max3A_2681, %max3A_2682 : vector<16xf32>
      %lt3A_2684 = arith.constant 0 : i32
      %lt3A_2685 = vector.broadcast %lt3A_2684 : i32 to vector<16xi32>
      %lt3A_2686 = arith.cmpi slt, %xor3A_6, %lt3A_2685 : vector<16xi32>
      %add3A_2687 = arith.constant 16 : i32
      %add3A_2688 = vector.broadcast %add3A_2687 : i32 to vector<16xi32>
      %add3A_2689 = arith.addi %xor3A_6, %add3A_2688 : vector<16xi32>
      %select_n3A_2690 = arith.select %lt3A_2686, %add3A_2689, %xor3A_6 : vector<16xi1>, vector<16xi32>
      %broadcast_in_dim3A_2691 = vector.shape_cast %select_n3A_2690 : vector<16xi32> to vector<16x1xi32>
      %gather3A_2692 = vector.shape_cast %broadcast_in_dim3A_2691 : vector<16x1xi32> to vector<16xi32>
      %gather3A_2693 = tpu.dynamic_gather %max3A_2683[%gather3A_2692] in [0] : vector<16xf32>, vector<16xi32> -> vector<16xf32>
      %max3A_2694 = arith.maximumf %max3A_2683, %gather3A_2693 : vector<16xf32>
      %lt3A_2695 = arith.constant 0 : i32
      %lt3A_2696 = vector.broadcast %lt3A_2695 : i32 to vector<16xi32>
      %lt3A_2697 = arith.cmpi slt, %xor3A_9, %lt3A_2696 : vector<16xi32>
      %add3A_2698 = arith.constant 16 : i32
      %add3A_2699 = vector.broadcast %add3A_2698 : i32 to vector<16xi32>
      %add3A_2700 = arith.addi %xor3A_9, %add3A_2699 : vector<16xi32>
      %select_n3A_2701 = arith.select %lt3A_2697, %add3A_2700, %xor3A_9 : vector<16xi1>, vector<16xi32>
      %broadcast_in_dim3A_2702 = vector.shape_cast %select_n3A_2701 : vector<16xi32> to vector<16x1xi32>
      %gather3A_2703 = vector.shape_cast %broadcast_in_dim3A_2702 : vector<16x1xi32> to vector<16xi32>
      %gather3A_2704 = tpu.dynamic_gather %max3A_2694[%gather3A_2703] in [0] : vector<16xf32>, vector<16xi32> -> vector<16xf32>
      %max3A_2705 = arith.maximumf %max3A_2694, %gather3A_2704 : vector<16xf32>
      %lt3A_2706 = arith.constant 0 : i32
      %lt3A_2707 = vector.broadcast %lt3A_2706 : i32 to vector<16xi32>
      %lt3A_2708 = arith.cmpi slt, %xor3A_12, %lt3A_2707 : vector<16xi32>
      %add3A_2709 = arith.constant 16 : i32
      %add3A_2710 = vector.broadcast %add3A_2709 : i32 to vector<16xi32>
      %add3A_2711 = arith.addi %xor3A_12, %add3A_2710 : vector<16xi32>
      %select_n3A_2712 = arith.select %lt3A_2708, %add3A_2711, %xor3A_12 : vector<16xi1>, vector<16xi32>
      %broadcast_in_dim3A_2713 = vector.shape_cast %select_n3A_2712 : vector<16xi32> to vector<16x1xi32>
      %gather3A_2714 = vector.shape_cast %broadcast_in_dim3A_2713 : vector<16x1xi32> to vector<16xi32>
      %gather3A_2715 = tpu.dynamic_gather %max3A_2705[%gather3A_2714] in [0] : vector<16xf32>, vector<16xi32> -> vector<16xf32>
      %max3A_2716 = arith.maximumf %max3A_2705, %gather3A_2715 : vector<16xf32>
      %lt3A_2717 = arith.constant 0 : i32
      %lt3A_2718 = vector.broadcast %lt3A_2717 : i32 to vector<16xi32>
      %lt3A_2719 = arith.cmpi slt, %xor3A_15, %lt3A_2718 : vector<16xi32>
      %add3A_2720 = arith.constant 16 : i32
      %add3A_2721 = vector.broadcast %add3A_2720 : i32 to vector<16xi32>
      %add3A_2722 = arith.addi %xor3A_15, %add3A_2721 : vector<16xi32>
      %select_n3A_2723 = arith.select %lt3A_2719, %add3A_2722, %xor3A_15 : vector<16xi1>, vector<16xi32>
      %broadcast_in_dim3A_2724 = vector.shape_cast %select_n3A_2723 : vector<16xi32> to vector<16x1xi32>
      %gather3A_2725 = vector.shape_cast %broadcast_in_dim3A_2724 : vector<16x1xi32> to vector<16xi32>
      %gather3A_2726 = tpu.dynamic_gather %max3A_2716[%gather3A_2725] in [0] : vector<16xf32>, vector<16xi32> -> vector<16xf32>
      %max3A_2727 = arith.maximumf %max3A_2716, %gather3A_2726 : vector<16xf32>
      %broadcast_in_dim3A_2728 = arith.constant 64 : i32
      %broadcast_in_dim3A_2729 = vector.broadcast %broadcast_in_dim3A_2728 : i32 to vector<16xi32>
      %eq3A_2730 = arith.cmpf oeq, %get3A_2665, %max3A_2727 : vector<16xf32>
      %add3A_2731 = arith.constant 0 : i32
      %add3A_2732 = vector.broadcast %add3A_2731 : i32 to vector<16xi32>
      %add3A_2733 = arith.addi %iota3A, %add3A_2732 : vector<16xi32>
      %select_n3A_2734 = arith.select %eq3A_2730, %add3A_2733, %broadcast_in_dim3A_2729 : vector<16xi1>, vector<16xi32>
      %eq3A_2735 = arith.cmpf oeq, %get3A_2670, %max3A_2727 : vector<16xf32>
      %add3A_2736 = arith.constant 16 : i32
      %add3A_2737 = vector.broadcast %add3A_2736 : i32 to vector<16xi32>
      %add3A_2738 = arith.addi %iota3A, %add3A_2737 : vector<16xi32>
      %select_n3A_2739 = arith.select %eq3A_2735, %add3A_2738, %broadcast_in_dim3A_2729 : vector<16xi1>, vector<16xi32>
      %eq3A_2740 = arith.cmpf oeq, %get3A_2675, %max3A_2727 : vector<16xf32>
      %add3A_2741 = arith.constant 32 : i32
      %add3A_2742 = vector.broadcast %add3A_2741 : i32 to vector<16xi32>
      %add3A_2743 = arith.addi %iota3A, %add3A_2742 : vector<16xi32>
      %select_n3A_2744 = arith.select %eq3A_2740, %add3A_2743, %broadcast_in_dim3A_2729 : vector<16xi1>, vector<16xi32>
      %eq3A_2745 = arith.cmpf oeq, %get3A_2680, %max3A_2727 : vector<16xf32>
      %add3A_2746 = arith.constant 48 : i32
      %add3A_2747 = vector.broadcast %add3A_2746 : i32 to vector<16xi32>
      %add3A_2748 = arith.addi %iota3A, %add3A_2747 : vector<16xi32>
      %select_n3A_2749 = arith.select %eq3A_2745, %add3A_2748, %broadcast_in_dim3A_2729 : vector<16xi1>, vector<16xi32>
      %min3A_2750 = arith.minsi %select_n3A_2734, %select_n3A_2739 : vector<16xi32>
      %min3A_2751 = arith.minsi %select_n3A_2744, %select_n3A_2749 : vector<16xi32>
      %min3A_2752 = arith.minsi %min3A_2750, %min3A_2751 : vector<16xi32>
      %lt3A_2753 = arith.constant 0 : i32
      %lt3A_2754 = vector.broadcast %lt3A_2753 : i32 to vector<16xi32>
      %lt3A_2755 = arith.cmpi slt, %xor3A_6, %lt3A_2754 : vector<16xi32>
      %add3A_2756 = arith.constant 16 : i32
      %add3A_2757 = vector.broadcast %add3A_2756 : i32 to vector<16xi32>
      %add3A_2758 = arith.addi %xor3A_6, %add3A_2757 : vector<16xi32>
      %select_n3A_2759 = arith.select %lt3A_2755, %add3A_2758, %xor3A_6 : vector<16xi1>, vector<16xi32>
      %broadcast_in_dim3A_2760 = vector.shape_cast %select_n3A_2759 : vector<16xi32> to vector<16x1xi32>
      %gather3A_2761 = vector.shape_cast %broadcast_in_dim3A_2760 : vector<16x1xi32> to vector<16xi32>
      %gather3A_2762 = tpu.dynamic_gather %min3A_2752[%gather3A_2761] in [0] : vector<16xi32>, vector<16xi32> -> vector<16xi32>
      %min3A_2763 = arith.minsi %min3A_2752, %gather3A_2762 : vector<16xi32>
      %lt3A_2764 = arith.constant 0 : i32
      %lt3A_2765 = vector.broadcast %lt3A_2764 : i32 to vector<16xi32>
      %lt3A_2766 = arith.cmpi slt, %xor3A_9, %lt3A_2765 : vector<16xi32>
      %add3A_2767 = arith.constant 16 : i32
      %add3A_2768 = vector.broadcast %add3A_2767 : i32 to vector<16xi32>
      %add3A_2769 = arith.addi %xor3A_9, %add3A_2768 : vector<16xi32>
      %select_n3A_2770 = arith.select %lt3A_2766, %add3A_2769, %xor3A_9 : vector<16xi1>, vector<16xi32>
      %broadcast_in_dim3A_2771 = vector.shape_cast %select_n3A_2770 : vector<16xi32> to vector<16x1xi32>
      %gather3A_2772 = vector.shape_cast %broadcast_in_dim3A_2771 : vector<16x1xi32> to vector<16xi32>
      %gather3A_2773 = tpu.dynamic_gather %min3A_2763[%gather3A_2772] in [0] : vector<16xi32>, vector<16xi32> -> vector<16xi32>
      %min3A_2774 = arith.minsi %min3A_2763, %gather3A_2773 : vector<16xi32>
      %lt3A_2775 = arith.constant 0 : i32
      %lt3A_2776 = vector.broadcast %lt3A_2775 : i32 to vector<16xi32>
      %lt3A_2777 = arith.cmpi slt, %xor3A_12, %lt3A_2776 : vector<16xi32>
      %add3A_2778 = arith.constant 16 : i32
      %add3A_2779 = vector.broadcast %add3A_2778 : i32 to vector<16xi32>
      %add3A_2780 = arith.addi %xor3A_12, %add3A_2779 : vector<16xi32>
      %select_n3A_2781 = arith.select %lt3A_2777, %add3A_2780, %xor3A_12 : vector<16xi1>, vector<16xi32>
      %broadcast_in_dim3A_2782 = vector.shape_cast %select_n3A_2781 : vector<16xi32> to vector<16x1xi32>
      %gather3A_2783 = vector.shape_cast %broadcast_in_dim3A_2782 : vector<16x1xi32> to vector<16xi32>
      %gather3A_2784 = tpu.dynamic_gather %min3A_2774[%gather3A_2783] in [0] : vector<16xi32>, vector<16xi32> -> vector<16xi32>
      %min3A_2785 = arith.minsi %min3A_2774, %gather3A_2784 : vector<16xi32>
      %lt3A_2786 = arith.constant 0 : i32
      %lt3A_2787 = vector.broadcast %lt3A_2786 : i32 to vector<16xi32>
      %lt3A_2788 = arith.cmpi slt, %xor3A_15, %lt3A_2787 : vector<16xi32>
      %add3A_2789 = arith.constant 16 : i32
      %add3A_2790 = vector.broadcast %add3A_2789 : i32 to vector<16xi32>
      %add3A_2791 = arith.addi %xor3A_15, %add3A_2790 : vector<16xi32>
      %select_n3A_2792 = arith.select %lt3A_2788, %add3A_2791, %xor3A_15 : vector<16xi1>, vector<16xi32>
      %broadcast_in_dim3A_2793 = vector.shape_cast %select_n3A_2792 : vector<16xi32> to vector<16x1xi32>
      %gather3A_2794 = vector.shape_cast %broadcast_in_dim3A_2793 : vector<16x1xi32> to vector<16xi32>
      %gather3A_2795 = tpu.dynamic_gather %min3A_2785[%gather3A_2794] in [0] : vector<16xi32>, vector<16xi32> -> vector<16xi32>
      %min3A_2796 = arith.minsi %min3A_2785, %gather3A_2795 : vector<16xi32>
      %sub3A_2797 = arith.subf %get3A_2665, %max3A_2727 : vector<16xf32>
      %exp3A_2798 = math.exp %sub3A_2797 : vector<16xf32>
      %sub3A_2799 = arith.subf %get3A_2670, %max3A_2727 : vector<16xf32>
      %exp3A_2800 = math.exp %sub3A_2799 : vector<16xf32>
      %add3A_2801 = arith.addf %exp3A_2798, %exp3A_2800 : vector<16xf32>
      %sub3A_2802 = arith.subf %get3A_2675, %max3A_2727 : vector<16xf32>
      %exp3A_2803 = math.exp %sub3A_2802 : vector<16xf32>
      %add3A_2804 = arith.addf %add3A_2801, %exp3A_2803 : vector<16xf32>
      %sub3A_2805 = arith.subf %get3A_2680, %max3A_2727 : vector<16xf32>
      %exp3A_2806 = math.exp %sub3A_2805 : vector<16xf32>
      %add3A_2807 = arith.addf %add3A_2804, %exp3A_2806 : vector<16xf32>
      %lt3A_2808 = arith.constant 0 : i32
      %lt3A_2809 = vector.broadcast %lt3A_2808 : i32 to vector<16xi32>
      %lt3A_2810 = arith.cmpi slt, %xor3A_6, %lt3A_2809 : vector<16xi32>
      %add3A_2811 = arith.constant 16 : i32
      %add3A_2812 = vector.broadcast %add3A_2811 : i32 to vector<16xi32>
      %add3A_2813 = arith.addi %xor3A_6, %add3A_2812 : vector<16xi32>
      %select_n3A_2814 = arith.select %lt3A_2810, %add3A_2813, %xor3A_6 : vector<16xi1>, vector<16xi32>
      %broadcast_in_dim3A_2815 = vector.shape_cast %select_n3A_2814 : vector<16xi32> to vector<16x1xi32>
      %gather3A_2816 = vector.shape_cast %broadcast_in_dim3A_2815 : vector<16x1xi32> to vector<16xi32>
      %gather3A_2817 = tpu.dynamic_gather %add3A_2807[%gather3A_2816] in [0] : vector<16xf32>, vector<16xi32> -> vector<16xf32>
      %add3A_2818 = arith.addf %add3A_2807, %gather3A_2817 : vector<16xf32>
      %lt3A_2819 = arith.constant 0 : i32
      %lt3A_2820 = vector.broadcast %lt3A_2819 : i32 to vector<16xi32>
      %lt3A_2821 = arith.cmpi slt, %xor3A_9, %lt3A_2820 : vector<16xi32>
      %add3A_2822 = arith.constant 16 : i32
      %add3A_2823 = vector.broadcast %add3A_2822 : i32 to vector<16xi32>
      %add3A_2824 = arith.addi %xor3A_9, %add3A_2823 : vector<16xi32>
      %select_n3A_2825 = arith.select %lt3A_2821, %add3A_2824, %xor3A_9 : vector<16xi1>, vector<16xi32>
      %broadcast_in_dim3A_2826 = vector.shape_cast %select_n3A_2825 : vector<16xi32> to vector<16x1xi32>
      %gather3A_2827 = vector.shape_cast %broadcast_in_dim3A_2826 : vector<16x1xi32> to vector<16xi32>
      %gather3A_2828 = tpu.dynamic_gather %add3A_2818[%gather3A_2827] in [0] : vector<16xf32>, vector<16xi32> -> vector<16xf32>
      %add3A_2829 = arith.addf %add3A_2818, %gather3A_2828 : vector<16xf32>
      %lt3A_2830 = arith.constant 0 : i32
      %lt3A_2831 = vector.broadcast %lt3A_2830 : i32 to vector<16xi32>
      %lt3A_2832 = arith.cmpi slt, %xor3A_12, %lt3A_2831 : vector<16xi32>
      %add3A_2833 = arith.constant 16 : i32
      %add3A_2834 = vector.broadcast %add3A_2833 : i32 to vector<16xi32>
      %add3A_2835 = arith.addi %xor3A_12, %add3A_2834 : vector<16xi32>
      %select_n3A_2836 = arith.select %lt3A_2832, %add3A_2835, %xor3A_12 : vector<16xi1>, vector<16xi32>
      %broadcast_in_dim3A_2837 = vector.shape_cast %select_n3A_2836 : vector<16xi32> to vector<16x1xi32>
      %gather3A_2838 = vector.shape_cast %broadcast_in_dim3A_2837 : vector<16x1xi32> to vector<16xi32>
      %gather3A_2839 = tpu.dynamic_gather %add3A_2829[%gather3A_2838] in [0] : vector<16xf32>, vector<16xi32> -> vector<16xf32>
      %add3A_2840 = arith.addf %add3A_2829, %gather3A_2839 : vector<16xf32>
      %lt3A_2841 = arith.constant 0 : i32
      %lt3A_2842 = vector.broadcast %lt3A_2841 : i32 to vector<16xi32>
      %lt3A_2843 = arith.cmpi slt, %xor3A_15, %lt3A_2842 : vector<16xi32>
      %add3A_2844 = arith.constant 16 : i32
      %add3A_2845 = vector.broadcast %add3A_2844 : i32 to vector<16xi32>
      %add3A_2846 = arith.addi %xor3A_15, %add3A_2845 : vector<16xi32>
      %select_n3A_2847 = arith.select %lt3A_2843, %add3A_2846, %xor3A_15 : vector<16xi1>, vector<16xi32>
      %broadcast_in_dim3A_2848 = vector.shape_cast %select_n3A_2847 : vector<16xi32> to vector<16x1xi32>
      %gather3A_2849 = vector.shape_cast %broadcast_in_dim3A_2848 : vector<16x1xi32> to vector<16xi32>
      %gather3A_2850 = tpu.dynamic_gather %add3A_2840[%gather3A_2849] in [0] : vector<16xf32>, vector<16xi32> -> vector<16xf32>
      %add3A_2851 = arith.addf %add3A_2840, %gather3A_2850 : vector<16xf32>
      %div3A_2852 = arith.constant 1.000000e+00 : f32
      %div3A_2853 = vector.broadcast %div3A_2852 : f32 to vector<16xf32>
      %div3A_2854 = arith.divf %div3A_2853, %add3A_2851 : vector<16xf32>
      %eq3A_2855 = arith.constant 13 : i32
      %eq3A_2856 = vector.broadcast %eq3A_2855 : i32 to vector<16xi32>
      %eq3A_2857 = arith.cmpi eq, %iota3A, %eq3A_2856 : vector<16xi32>
      %select_n3A_2858 = arith.select %eq3A_2857, %min3A_2796, %select_n3A_2655 : vector<16xi1>, vector<16xi32>
      %select_n3A_2859 = arith.select %eq3A_2857, %div3A_2854, %select_n3A_2656 : vector<16xi1>, vector<16xf32>
      %mul3A_2860 = arith.constant 16 : i32
      %mul3A_2861 = arith.muli %add3A_24, %mul3A_2860 : i32
      %add3A_2862 = arith.constant 14 : i32
      %add3A_2863 = arith.addi %mul3A_2861, %add3A_2862 : i32
      %mul3A_2864 = arith.constant 64 : i32
      %mul3A_2865 = arith.muli %add3A_2863, %mul3A_2864 : i32
      %get3A_2866 = arith.index_cast %mul3A_2865 : i32 to index
      %get3A_2867 = tpu.vector_load %arg5[%get3A_2866] {strides = array<i32>} : memref<16384xf32, #tpu.memory_space<vmem>>, vector<16xf32>,
      %get3A_2868 = vector.shape_cast %get3A_2867 : vector<16xf32> to vector<16xf32>
      %add3A_2869 = arith.constant 16 : i32
      %add3A_2870 = arith.addi %mul3A_2865, %add3A_2869 : i32
      %get3A_2871 = arith.index_cast %add3A_2870 : i32 to index
      %get3A_2872 = tpu.vector_load %arg5[%get3A_2871] {strides = array<i32>} : memref<16384xf32, #tpu.memory_space<vmem>>, vector<16xf32>,
      %get3A_2873 = vector.shape_cast %get3A_2872 : vector<16xf32> to vector<16xf32>
      %add3A_2874 = arith.constant 32 : i32
      %add3A_2875 = arith.addi %mul3A_2865, %add3A_2874 : i32
      %get3A_2876 = arith.index_cast %add3A_2875 : i32 to index
      %get3A_2877 = tpu.vector_load %arg5[%get3A_2876] {strides = array<i32>} : memref<16384xf32, #tpu.memory_space<vmem>>, vector<16xf32>,
      %get3A_2878 = vector.shape_cast %get3A_2877 : vector<16xf32> to vector<16xf32>
      %add3A_2879 = arith.constant 48 : i32
      %add3A_2880 = arith.addi %mul3A_2865, %add3A_2879 : i32
      %get3A_2881 = arith.index_cast %add3A_2880 : i32 to index
      %get3A_2882 = tpu.vector_load %arg5[%get3A_2881] {strides = array<i32>} : memref<16384xf32, #tpu.memory_space<vmem>>, vector<16xf32>,
      %get3A_2883 = vector.shape_cast %get3A_2882 : vector<16xf32> to vector<16xf32>
      %max3A_2884 = arith.maximumf %get3A_2868, %get3A_2873 : vector<16xf32>
      %max3A_2885 = arith.maximumf %get3A_2878, %get3A_2883 : vector<16xf32>
      %max3A_2886 = arith.maximumf %max3A_2884, %max3A_2885 : vector<16xf32>
      %lt3A_2887 = arith.constant 0 : i32
      %lt3A_2888 = vector.broadcast %lt3A_2887 : i32 to vector<16xi32>
      %lt3A_2889 = arith.cmpi slt, %xor3A_6, %lt3A_2888 : vector<16xi32>
      %add3A_2890 = arith.constant 16 : i32
      %add3A_2891 = vector.broadcast %add3A_2890 : i32 to vector<16xi32>
      %add3A_2892 = arith.addi %xor3A_6, %add3A_2891 : vector<16xi32>
      %select_n3A_2893 = arith.select %lt3A_2889, %add3A_2892, %xor3A_6 : vector<16xi1>, vector<16xi32>
      %broadcast_in_dim3A_2894 = vector.shape_cast %select_n3A_2893 : vector<16xi32> to vector<16x1xi32>
      %gather3A_2895 = vector.shape_cast %broadcast_in_dim3A_2894 : vector<16x1xi32> to vector<16xi32>
      %gather3A_2896 = tpu.dynamic_gather %max3A_2886[%gather3A_2895] in [0] : vector<16xf32>, vector<16xi32> -> vector<16xf32>
      %max3A_2897 = arith.maximumf %max3A_2886, %gather3A_2896 : vector<16xf32>
      %lt3A_2898 = arith.constant 0 : i32
      %lt3A_2899 = vector.broadcast %lt3A_2898 : i32 to vector<16xi32>
      %lt3A_2900 = arith.cmpi slt, %xor3A_9, %lt3A_2899 : vector<16xi32>
      %add3A_2901 = arith.constant 16 : i32
      %add3A_2902 = vector.broadcast %add3A_2901 : i32 to vector<16xi32>
      %add3A_2903 = arith.addi %xor3A_9, %add3A_2902 : vector<16xi32>
      %select_n3A_2904 = arith.select %lt3A_2900, %add3A_2903, %xor3A_9 : vector<16xi1>, vector<16xi32>
      %broadcast_in_dim3A_2905 = vector.shape_cast %select_n3A_2904 : vector<16xi32> to vector<16x1xi32>
      %gather3A_2906 = vector.shape_cast %broadcast_in_dim3A_2905 : vector<16x1xi32> to vector<16xi32>
      %gather3A_2907 = tpu.dynamic_gather %max3A_2897[%gather3A_2906] in [0] : vector<16xf32>, vector<16xi32> -> vector<16xf32>
      %max3A_2908 = arith.maximumf %max3A_2897, %gather3A_2907 : vector<16xf32>
      %lt3A_2909 = arith.constant 0 : i32
      %lt3A_2910 = vector.broadcast %lt3A_2909 : i32 to vector<16xi32>
      %lt3A_2911 = arith.cmpi slt, %xor3A_12, %lt3A_2910 : vector<16xi32>
      %add3A_2912 = arith.constant 16 : i32
      %add3A_2913 = vector.broadcast %add3A_2912 : i32 to vector<16xi32>
      %add3A_2914 = arith.addi %xor3A_12, %add3A_2913 : vector<16xi32>
      %select_n3A_2915 = arith.select %lt3A_2911, %add3A_2914, %xor3A_12 : vector<16xi1>, vector<16xi32>
      %broadcast_in_dim3A_2916 = vector.shape_cast %select_n3A_2915 : vector<16xi32> to vector<16x1xi32>
      %gather3A_2917 = vector.shape_cast %broadcast_in_dim3A_2916 : vector<16x1xi32> to vector<16xi32>
      %gather3A_2918 = tpu.dynamic_gather %max3A_2908[%gather3A_2917] in [0] : vector<16xf32>, vector<16xi32> -> vector<16xf32>
      %max3A_2919 = arith.maximumf %max3A_2908, %gather3A_2918 : vector<16xf32>
      %lt3A_2920 = arith.constant 0 : i32
      %lt3A_2921 = vector.broadcast %lt3A_2920 : i32 to vector<16xi32>
      %lt3A_2922 = arith.cmpi slt, %xor3A_15, %lt3A_2921 : vector<16xi32>
      %add3A_2923 = arith.constant 16 : i32
      %add3A_2924 = vector.broadcast %add3A_2923 : i32 to vector<16xi32>
      %add3A_2925 = arith.addi %xor3A_15, %add3A_2924 : vector<16xi32>
      %select_n3A_2926 = arith.select %lt3A_2922, %add3A_2925, %xor3A_15 : vector<16xi1>, vector<16xi32>
      %broadcast_in_dim3A_2927 = vector.shape_cast %select_n3A_2926 : vector<16xi32> to vector<16x1xi32>
      %gather3A_2928 = vector.shape_cast %broadcast_in_dim3A_2927 : vector<16x1xi32> to vector<16xi32>
      %gather3A_2929 = tpu.dynamic_gather %max3A_2919[%gather3A_2928] in [0] : vector<16xf32>, vector<16xi32> -> vector<16xf32>
      %max3A_2930 = arith.maximumf %max3A_2919, %gather3A_2929 : vector<16xf32>
      %broadcast_in_dim3A_2931 = arith.constant 64 : i32
      %broadcast_in_dim3A_2932 = vector.broadcast %broadcast_in_dim3A_2931 : i32 to vector<16xi32>
      %eq3A_2933 = arith.cmpf oeq, %get3A_2868, %max3A_2930 : vector<16xf32>
      %add3A_2934 = arith.constant 0 : i32
      %add3A_2935 = vector.broadcast %add3A_2934 : i32 to vector<16xi32>
      %add3A_2936 = arith.addi %iota3A, %add3A_2935 : vector<16xi32>
      %select_n3A_2937 = arith.select %eq3A_2933, %add3A_2936, %broadcast_in_dim3A_2932 : vector<16xi1>, vector<16xi32>
      %eq3A_2938 = arith.cmpf oeq, %get3A_2873, %max3A_2930 : vector<16xf32>
      %add3A_2939 = arith.constant 16 : i32
      %add3A_2940 = vector.broadcast %add3A_2939 : i32 to vector<16xi32>
      %add3A_2941 = arith.addi %iota3A, %add3A_2940 : vector<16xi32>
      %select_n3A_2942 = arith.select %eq3A_2938, %add3A_2941, %broadcast_in_dim3A_2932 : vector<16xi1>, vector<16xi32>
      %eq3A_2943 = arith.cmpf oeq, %get3A_2878, %max3A_2930 : vector<16xf32>
      %add3A_2944 = arith.constant 32 : i32
      %add3A_2945 = vector.broadcast %add3A_2944 : i32 to vector<16xi32>
      %add3A_2946 = arith.addi %iota3A, %add3A_2945 : vector<16xi32>
      %select_n3A_2947 = arith.select %eq3A_2943, %add3A_2946, %broadcast_in_dim3A_2932 : vector<16xi1>, vector<16xi32>
      %eq3A_2948 = arith.cmpf oeq, %get3A_2883, %max3A_2930 : vector<16xf32>
      %add3A_2949 = arith.constant 48 : i32
      %add3A_2950 = vector.broadcast %add3A_2949 : i32 to vector<16xi32>
      %add3A_2951 = arith.addi %iota3A, %add3A_2950 : vector<16xi32>
      %select_n3A_2952 = arith.select %eq3A_2948, %add3A_2951, %broadcast_in_dim3A_2932 : vector<16xi1>, vector<16xi32>
      %min3A_2953 = arith.minsi %select_n3A_2937, %select_n3A_2942 : vector<16xi32>
      %min3A_2954 = arith.minsi %select_n3A_2947, %select_n3A_2952 : vector<16xi32>
      %min3A_2955 = arith.minsi %min3A_2953, %min3A_2954 : vector<16xi32>
      %lt3A_2956 = arith.constant 0 : i32
      %lt3A_2957 = vector.broadcast %lt3A_2956 : i32 to vector<16xi32>
      %lt3A_2958 = arith.cmpi slt, %xor3A_6, %lt3A_2957 : vector<16xi32>
      %add3A_2959 = arith.constant 16 : i32
      %add3A_2960 = vector.broadcast %add3A_2959 : i32 to vector<16xi32>
      %add3A_2961 = arith.addi %xor3A_6, %add3A_2960 : vector<16xi32>
      %select_n3A_2962 = arith.select %lt3A_2958, %add3A_2961, %xor3A_6 : vector<16xi1>, vector<16xi32>
      %broadcast_in_dim3A_2963 = vector.shape_cast %select_n3A_2962 : vector<16xi32> to vector<16x1xi32>
      %gather3A_2964 = vector.shape_cast %broadcast_in_dim3A_2963 : vector<16x1xi32> to vector<16xi32>
      %gather3A_2965 = tpu.dynamic_gather %min3A_2955[%gather3A_2964] in [0] : vector<16xi32>, vector<16xi32> -> vector<16xi32>
      %min3A_2966 = arith.minsi %min3A_2955, %gather3A_2965 : vector<16xi32>
      %lt3A_2967 = arith.constant 0 : i32
      %lt3A_2968 = vector.broadcast %lt3A_2967 : i32 to vector<16xi32>
      %lt3A_2969 = arith.cmpi slt, %xor3A_9, %lt3A_2968 : vector<16xi32>
      %add3A_2970 = arith.constant 16 : i32
      %add3A_2971 = vector.broadcast %add3A_2970 : i32 to vector<16xi32>
      %add3A_2972 = arith.addi %xor3A_9, %add3A_2971 : vector<16xi32>
      %select_n3A_2973 = arith.select %lt3A_2969, %add3A_2972, %xor3A_9 : vector<16xi1>, vector<16xi32>
      %broadcast_in_dim3A_2974 = vector.shape_cast %select_n3A_2973 : vector<16xi32> to vector<16x1xi32>
      %gather3A_2975 = vector.shape_cast %broadcast_in_dim3A_2974 : vector<16x1xi32> to vector<16xi32>
      %gather3A_2976 = tpu.dynamic_gather %min3A_2966[%gather3A_2975] in [0] : vector<16xi32>, vector<16xi32> -> vector<16xi32>
      %min3A_2977 = arith.minsi %min3A_2966, %gather3A_2976 : vector<16xi32>
      %lt3A_2978 = arith.constant 0 : i32
      %lt3A_2979 = vector.broadcast %lt3A_2978 : i32 to vector<16xi32>
      %lt3A_2980 = arith.cmpi slt, %xor3A_12, %lt3A_2979 : vector<16xi32>
      %add3A_2981 = arith.constant 16 : i32
      %add3A_2982 = vector.broadcast %add3A_2981 : i32 to vector<16xi32>
      %add3A_2983 = arith.addi %xor3A_12, %add3A_2982 : vector<16xi32>
      %select_n3A_2984 = arith.select %lt3A_2980, %add3A_2983, %xor3A_12 : vector<16xi1>, vector<16xi32>
      %broadcast_in_dim3A_2985 = vector.shape_cast %select_n3A_2984 : vector<16xi32> to vector<16x1xi32>
      %gather3A_2986 = vector.shape_cast %broadcast_in_dim3A_2985 : vector<16x1xi32> to vector<16xi32>
      %gather3A_2987 = tpu.dynamic_gather %min3A_2977[%gather3A_2986] in [0] : vector<16xi32>, vector<16xi32> -> vector<16xi32>
      %min3A_2988 = arith.minsi %min3A_2977, %gather3A_2987 : vector<16xi32>
      %lt3A_2989 = arith.constant 0 : i32
      %lt3A_2990 = vector.broadcast %lt3A_2989 : i32 to vector<16xi32>
      %lt3A_2991 = arith.cmpi slt, %xor3A_15, %lt3A_2990 : vector<16xi32>
      %add3A_2992 = arith.constant 16 : i32
      %add3A_2993 = vector.broadcast %add3A_2992 : i32 to vector<16xi32>
      %add3A_2994 = arith.addi %xor3A_15, %add3A_2993 : vector<16xi32>
      %select_n3A_2995 = arith.select %lt3A_2991, %add3A_2994, %xor3A_15 : vector<16xi1>, vector<16xi32>
      %broadcast_in_dim3A_2996 = vector.shape_cast %select_n3A_2995 : vector<16xi32> to vector<16x1xi32>
      %gather3A_2997 = vector.shape_cast %broadcast_in_dim3A_2996 : vector<16x1xi32> to vector<16xi32>
      %gather3A_2998 = tpu.dynamic_gather %min3A_2988[%gather3A_2997] in [0] : vector<16xi32>, vector<16xi32> -> vector<16xi32>
      %min3A_2999 = arith.minsi %min3A_2988, %gather3A_2998 : vector<16xi32>
      %sub3A_3000 = arith.subf %get3A_2868, %max3A_2930 : vector<16xf32>
      %exp3A_3001 = math.exp %sub3A_3000 : vector<16xf32>
      %sub3A_3002 = arith.subf %get3A_2873, %max3A_2930 : vector<16xf32>
      %exp3A_3003 = math.exp %sub3A_3002 : vector<16xf32>
      %add3A_3004 = arith.addf %exp3A_3001, %exp3A_3003 : vector<16xf32>
      %sub3A_3005 = arith.subf %get3A_2878, %max3A_2930 : vector<16xf32>
      %exp3A_3006 = math.exp %sub3A_3005 : vector<16xf32>
      %add3A_3007 = arith.addf %add3A_3004, %exp3A_3006 : vector<16xf32>
      %sub3A_3008 = arith.subf %get3A_2883, %max3A_2930 : vector<16xf32>
      %exp3A_3009 = math.exp %sub3A_3008 : vector<16xf32>
      %add3A_3010 = arith.addf %add3A_3007, %exp3A_3009 : vector<16xf32>
      %lt3A_3011 = arith.constant 0 : i32
      %lt3A_3012 = vector.broadcast %lt3A_3011 : i32 to vector<16xi32>
      %lt3A_3013 = arith.cmpi slt, %xor3A_6, %lt3A_3012 : vector<16xi32>
      %add3A_3014 = arith.constant 16 : i32
      %add3A_3015 = vector.broadcast %add3A_3014 : i32 to vector<16xi32>
      %add3A_3016 = arith.addi %xor3A_6, %add3A_3015 : vector<16xi32>
      %select_n3A_3017 = arith.select %lt3A_3013, %add3A_3016, %xor3A_6 : vector<16xi1>, vector<16xi32>
      %broadcast_in_dim3A_3018 = vector.shape_cast %select_n3A_3017 : vector<16xi32> to vector<16x1xi32>
      %gather3A_3019 = vector.shape_cast %broadcast_in_dim3A_3018 : vector<16x1xi32> to vector<16xi32>
      %gather3A_3020 = tpu.dynamic_gather %add3A_3010[%gather3A_3019] in [0] : vector<16xf32>, vector<16xi32> -> vector<16xf32>
      %add3A_3021 = arith.addf %add3A_3010, %gather3A_3020 : vector<16xf32>
      %lt3A_3022 = arith.constant 0 : i32
      %lt3A_3023 = vector.broadcast %lt3A_3022 : i32 to vector<16xi32>
      %lt3A_3024 = arith.cmpi slt, %xor3A_9, %lt3A_3023 : vector<16xi32>
      %add3A_3025 = arith.constant 16 : i32
      %add3A_3026 = vector.broadcast %add3A_3025 : i32 to vector<16xi32>
      %add3A_3027 = arith.addi %xor3A_9, %add3A_3026 : vector<16xi32>
      %select_n3A_3028 = arith.select %lt3A_3024, %add3A_3027, %xor3A_9 : vector<16xi1>, vector<16xi32>
      %broadcast_in_dim3A_3029 = vector.shape_cast %select_n3A_3028 : vector<16xi32> to vector<16x1xi32>
      %gather3A_3030 = vector.shape_cast %broadcast_in_dim3A_3029 : vector<16x1xi32> to vector<16xi32>
      %gather3A_3031 = tpu.dynamic_gather %add3A_3021[%gather3A_3030] in [0] : vector<16xf32>, vector<16xi32> -> vector<16xf32>
      %add3A_3032 = arith.addf %add3A_3021, %gather3A_3031 : vector<16xf32>
      %lt3A_3033 = arith.constant 0 : i32
      %lt3A_3034 = vector.broadcast %lt3A_3033 : i32 to vector<16xi32>
      %lt3A_3035 = arith.cmpi slt, %xor3A_12, %lt3A_3034 : vector<16xi32>
      %add3A_3036 = arith.constant 16 : i32
      %add3A_3037 = vector.broadcast %add3A_3036 : i32 to vector<16xi32>
      %add3A_3038 = arith.addi %xor3A_12, %add3A_3037 : vector<16xi32>
      %select_n3A_3039 = arith.select %lt3A_3035, %add3A_3038, %xor3A_12 : vector<16xi1>, vector<16xi32>
      %broadcast_in_dim3A_3040 = vector.shape_cast %select_n3A_3039 : vector<16xi32> to vector<16x1xi32>
      %gather3A_3041 = vector.shape_cast %broadcast_in_dim3A_3040 : vector<16x1xi32> to vector<16xi32>
      %gather3A_3042 = tpu.dynamic_gather %add3A_3032[%gather3A_3041] in [0] : vector<16xf32>, vector<16xi32> -> vector<16xf32>
      %add3A_3043 = arith.addf %add3A_3032, %gather3A_3042 : vector<16xf32>
      %lt3A_3044 = arith.constant 0 : i32
      %lt3A_3045 = vector.broadcast %lt3A_3044 : i32 to vector<16xi32>
      %lt3A_3046 = arith.cmpi slt, %xor3A_15, %lt3A_3045 : vector<16xi32>
      %add3A_3047 = arith.constant 16 : i32
      %add3A_3048 = vector.broadcast %add3A_3047 : i32 to vector<16xi32>
      %add3A_3049 = arith.addi %xor3A_15, %add3A_3048 : vector<16xi32>
      %select_n3A_3050 = arith.select %lt3A_3046, %add3A_3049, %xor3A_15 : vector<16xi1>, vector<16xi32>
      %broadcast_in_dim3A_3051 = vector.shape_cast %select_n3A_3050 : vector<16xi32> to vector<16x1xi32>
      %gather3A_3052 = vector.shape_cast %broadcast_in_dim3A_3051 : vector<16x1xi32> to vector<16xi32>
      %gather3A_3053 = tpu.dynamic_gather %add3A_3043[%gather3A_3052] in [0] : vector<16xf32>, vector<16xi32> -> vector<16xf32>
      %add3A_3054 = arith.addf %add3A_3043, %gather3A_3053 : vector<16xf32>
      %div3A_3055 = arith.constant 1.000000e+00 : f32
      %div3A_3056 = vector.broadcast %div3A_3055 : f32 to vector<16xf32>
      %div3A_3057 = arith.divf %div3A_3056, %add3A_3054 : vector<16xf32>
      %eq3A_3058 = arith.constant 14 : i32
      %eq3A_3059 = vector.broadcast %eq3A_3058 : i32 to vector<16xi32>
      %eq3A_3060 = arith.cmpi eq, %iota3A, %eq3A_3059 : vector<16xi32>
      %select_n3A_3061 = arith.select %eq3A_3060, %min3A_2999, %select_n3A_2858 : vector<16xi1>, vector<16xi32>
      %select_n3A_3062 = arith.select %eq3A_3060, %div3A_3057, %select_n3A_2859 : vector<16xi1>, vector<16xf32>
      %mul3A_3063 = arith.constant 16 : i32
      %mul3A_3064 = arith.muli %add3A_24, %mul3A_3063 : i32
      %add3A_3065 = arith.constant 15 : i32
      %add3A_3066 = arith.addi %mul3A_3064, %add3A_3065 : i32
      %mul3A_3067 = arith.constant 64 : i32
      %mul3A_3068 = arith.muli %add3A_3066, %mul3A_3067 : i32
      %get3A_3069 = arith.index_cast %mul3A_3068 : i32 to index
      %get3A_3070 = tpu.vector_load %arg5[%get3A_3069] {strides = array<i32>} : memref<16384xf32, #tpu.memory_space<vmem>>, vector<16xf32>,
      %get3A_3071 = vector.shape_cast %get3A_3070 : vector<16xf32> to vector<16xf32>
      %add3A_3072 = arith.constant 16 : i32
      %add3A_3073 = arith.addi %mul3A_3068, %add3A_3072 : i32
      %get3A_3074 = arith.index_cast %add3A_3073 : i32 to index
      %get3A_3075 = tpu.vector_load %arg5[%get3A_3074] {strides = array<i32>} : memref<16384xf32, #tpu.memory_space<vmem>>, vector<16xf32>,
      %get3A_3076 = vector.shape_cast %get3A_3075 : vector<16xf32> to vector<16xf32>
      %add3A_3077 = arith.constant 32 : i32
      %add3A_3078 = arith.addi %mul3A_3068, %add3A_3077 : i32
      %get3A_3079 = arith.index_cast %add3A_3078 : i32 to index
      %get3A_3080 = tpu.vector_load %arg5[%get3A_3079] {strides = array<i32>} : memref<16384xf32, #tpu.memory_space<vmem>>, vector<16xf32>,
      %get3A_3081 = vector.shape_cast %get3A_3080 : vector<16xf32> to vector<16xf32>
      %add3A_3082 = arith.constant 48 : i32
      %add3A_3083 = arith.addi %mul3A_3068, %add3A_3082 : i32
      %get3A_3084 = arith.index_cast %add3A_3083 : i32 to index
      %get3A_3085 = tpu.vector_load %arg5[%get3A_3084] {strides = array<i32>} : memref<16384xf32, #tpu.memory_space<vmem>>, vector<16xf32>,
      %get3A_3086 = vector.shape_cast %get3A_3085 : vector<16xf32> to vector<16xf32>
      %max3A_3087 = arith.maximumf %get3A_3071, %get3A_3076 : vector<16xf32>
      %max3A_3088 = arith.maximumf %get3A_3081, %get3A_3086 : vector<16xf32>
      %max3A_3089 = arith.maximumf %max3A_3087, %max3A_3088 : vector<16xf32>
      %lt3A_3090 = arith.constant 0 : i32
      %lt3A_3091 = vector.broadcast %lt3A_3090 : i32 to vector<16xi32>
      %lt3A_3092 = arith.cmpi slt, %xor3A_6, %lt3A_3091 : vector<16xi32>
      %add3A_3093 = arith.constant 16 : i32
      %add3A_3094 = vector.broadcast %add3A_3093 : i32 to vector<16xi32>
      %add3A_3095 = arith.addi %xor3A_6, %add3A_3094 : vector<16xi32>
      %select_n3A_3096 = arith.select %lt3A_3092, %add3A_3095, %xor3A_6 : vector<16xi1>, vector<16xi32>
      %broadcast_in_dim3A_3097 = vector.shape_cast %select_n3A_3096 : vector<16xi32> to vector<16x1xi32>
      %gather3A_3098 = vector.shape_cast %broadcast_in_dim3A_3097 : vector<16x1xi32> to vector<16xi32>
      %gather3A_3099 = tpu.dynamic_gather %max3A_3089[%gather3A_3098] in [0] : vector<16xf32>, vector<16xi32> -> vector<16xf32>
      %max3A_3100 = arith.maximumf %max3A_3089, %gather3A_3099 : vector<16xf32>
      %lt3A_3101 = arith.constant 0 : i32
      %lt3A_3102 = vector.broadcast %lt3A_3101 : i32 to vector<16xi32>
      %lt3A_3103 = arith.cmpi slt, %xor3A_9, %lt3A_3102 : vector<16xi32>
      %add3A_3104 = arith.constant 16 : i32
      %add3A_3105 = vector.broadcast %add3A_3104 : i32 to vector<16xi32>
      %add3A_3106 = arith.addi %xor3A_9, %add3A_3105 : vector<16xi32>
      %select_n3A_3107 = arith.select %lt3A_3103, %add3A_3106, %xor3A_9 : vector<16xi1>, vector<16xi32>
      %broadcast_in_dim3A_3108 = vector.shape_cast %select_n3A_3107 : vector<16xi32> to vector<16x1xi32>
      %gather3A_3109 = vector.shape_cast %broadcast_in_dim3A_3108 : vector<16x1xi32> to vector<16xi32>
      %gather3A_3110 = tpu.dynamic_gather %max3A_3100[%gather3A_3109] in [0] : vector<16xf32>, vector<16xi32> -> vector<16xf32>
      %max3A_3111 = arith.maximumf %max3A_3100, %gather3A_3110 : vector<16xf32>
      %lt3A_3112 = arith.constant 0 : i32
      %lt3A_3113 = vector.broadcast %lt3A_3112 : i32 to vector<16xi32>
      %lt3A_3114 = arith.cmpi slt, %xor3A_12, %lt3A_3113 : vector<16xi32>
      %add3A_3115 = arith.constant 16 : i32
      %add3A_3116 = vector.broadcast %add3A_3115 : i32 to vector<16xi32>
      %add3A_3117 = arith.addi %xor3A_12, %add3A_3116 : vector<16xi32>
      %select_n3A_3118 = arith.select %lt3A_3114, %add3A_3117, %xor3A_12 : vector<16xi1>, vector<16xi32>
      %broadcast_in_dim3A_3119 = vector.shape_cast %select_n3A_3118 : vector<16xi32> to vector<16x1xi32>
      %gather3A_3120 = vector.shape_cast %broadcast_in_dim3A_3119 : vector<16x1xi32> to vector<16xi32>
      %gather3A_3121 = tpu.dynamic_gather %max3A_3111[%gather3A_3120] in [0] : vector<16xf32>, vector<16xi32> -> vector<16xf32>
      %max3A_3122 = arith.maximumf %max3A_3111, %gather3A_3121 : vector<16xf32>
      %lt3A_3123 = arith.constant 0 : i32
      %lt3A_3124 = vector.broadcast %lt3A_3123 : i32 to vector<16xi32>
      %lt3A_3125 = arith.cmpi slt, %xor3A_15, %lt3A_3124 : vector<16xi32>
      %add3A_3126 = arith.constant 16 : i32
      %add3A_3127 = vector.broadcast %add3A_3126 : i32 to vector<16xi32>
      %add3A_3128 = arith.addi %xor3A_15, %add3A_3127 : vector<16xi32>
      %select_n3A_3129 = arith.select %lt3A_3125, %add3A_3128, %xor3A_15 : vector<16xi1>, vector<16xi32>
      %broadcast_in_dim3A_3130 = vector.shape_cast %select_n3A_3129 : vector<16xi32> to vector<16x1xi32>
      %gather3A_3131 = vector.shape_cast %broadcast_in_dim3A_3130 : vector<16x1xi32> to vector<16xi32>
      %gather3A_3132 = tpu.dynamic_gather %max3A_3122[%gather3A_3131] in [0] : vector<16xf32>, vector<16xi32> -> vector<16xf32>
      %max3A_3133 = arith.maximumf %max3A_3122, %gather3A_3132 : vector<16xf32>
      %broadcast_in_dim3A_3134 = arith.constant 64 : i32
      %broadcast_in_dim3A_3135 = vector.broadcast %broadcast_in_dim3A_3134 : i32 to vector<16xi32>
      %eq3A_3136 = arith.cmpf oeq, %get3A_3071, %max3A_3133 : vector<16xf32>
      %add3A_3137 = arith.constant 0 : i32
      %add3A_3138 = vector.broadcast %add3A_3137 : i32 to vector<16xi32>
      %add3A_3139 = arith.addi %iota3A, %add3A_3138 : vector<16xi32>
      %select_n3A_3140 = arith.select %eq3A_3136, %add3A_3139, %broadcast_in_dim3A_3135 : vector<16xi1>, vector<16xi32>
      %eq3A_3141 = arith.cmpf oeq, %get3A_3076, %max3A_3133 : vector<16xf32>
      %add3A_3142 = arith.constant 16 : i32
      %add3A_3143 = vector.broadcast %add3A_3142 : i32 to vector<16xi32>
      %add3A_3144 = arith.addi %iota3A, %add3A_3143 : vector<16xi32>
      %select_n3A_3145 = arith.select %eq3A_3141, %add3A_3144, %broadcast_in_dim3A_3135 : vector<16xi1>, vector<16xi32>
      %eq3A_3146 = arith.cmpf oeq, %get3A_3081, %max3A_3133 : vector<16xf32>
      %add3A_3147 = arith.constant 32 : i32
      %add3A_3148 = vector.broadcast %add3A_3147 : i32 to vector<16xi32>
      %add3A_3149 = arith.addi %iota3A, %add3A_3148 : vector<16xi32>
      %select_n3A_3150 = arith.select %eq3A_3146, %add3A_3149, %broadcast_in_dim3A_3135 : vector<16xi1>, vector<16xi32>
      %eq3A_3151 = arith.cmpf oeq, %get3A_3086, %max3A_3133 : vector<16xf32>
      %add3A_3152 = arith.constant 48 : i32
      %add3A_3153 = vector.broadcast %add3A_3152 : i32 to vector<16xi32>
      %add3A_3154 = arith.addi %iota3A, %add3A_3153 : vector<16xi32>
      %select_n3A_3155 = arith.select %eq3A_3151, %add3A_3154, %broadcast_in_dim3A_3135 : vector<16xi1>, vector<16xi32>
      %min3A_3156 = arith.minsi %select_n3A_3140, %select_n3A_3145 : vector<16xi32>
      %min3A_3157 = arith.minsi %select_n3A_3150, %select_n3A_3155 : vector<16xi32>
      %min3A_3158 = arith.minsi %min3A_3156, %min3A_3157 : vector<16xi32>
      %lt3A_3159 = arith.constant 0 : i32
      %lt3A_3160 = vector.broadcast %lt3A_3159 : i32 to vector<16xi32>
      %lt3A_3161 = arith.cmpi slt, %xor3A_6, %lt3A_3160 : vector<16xi32>
      %add3A_3162 = arith.constant 16 : i32
      %add3A_3163 = vector.broadcast %add3A_3162 : i32 to vector<16xi32>
      %add3A_3164 = arith.addi %xor3A_6, %add3A_3163 : vector<16xi32>
      %select_n3A_3165 = arith.select %lt3A_3161, %add3A_3164, %xor3A_6 : vector<16xi1>, vector<16xi32>
      %broadcast_in_dim3A_3166 = vector.shape_cast %select_n3A_3165 : vector<16xi32> to vector<16x1xi32>
      %gather3A_3167 = vector.shape_cast %broadcast_in_dim3A_3166 : vector<16x1xi32> to vector<16xi32>
      %gather3A_3168 = tpu.dynamic_gather %min3A_3158[%gather3A_3167] in [0] : vector<16xi32>, vector<16xi32> -> vector<16xi32>
      %min3A_3169 = arith.minsi %min3A_3158, %gather3A_3168 : vector<16xi32>
      %lt3A_3170 = arith.constant 0 : i32
      %lt3A_3171 = vector.broadcast %lt3A_3170 : i32 to vector<16xi32>
      %lt3A_3172 = arith.cmpi slt, %xor3A_9, %lt3A_3171 : vector<16xi32>
      %add3A_3173 = arith.constant 16 : i32
      %add3A_3174 = vector.broadcast %add3A_3173 : i32 to vector<16xi32>
      %add3A_3175 = arith.addi %xor3A_9, %add3A_3174 : vector<16xi32>
      %select_n3A_3176 = arith.select %lt3A_3172, %add3A_3175, %xor3A_9 : vector<16xi1>, vector<16xi32>
      %broadcast_in_dim3A_3177 = vector.shape_cast %select_n3A_3176 : vector<16xi32> to vector<16x1xi32>
      %gather3A_3178 = vector.shape_cast %broadcast_in_dim3A_3177 : vector<16x1xi32> to vector<16xi32>
      %gather3A_3179 = tpu.dynamic_gather %min3A_3169[%gather3A_3178] in [0] : vector<16xi32>, vector<16xi32> -> vector<16xi32>
      %min3A_3180 = arith.minsi %min3A_3169, %gather3A_3179 : vector<16xi32>
      %lt3A_3181 = arith.constant 0 : i32
      %lt3A_3182 = vector.broadcast %lt3A_3181 : i32 to vector<16xi32>
      %lt3A_3183 = arith.cmpi slt, %xor3A_12, %lt3A_3182 : vector<16xi32>
      %add3A_3184 = arith.constant 16 : i32
      %add3A_3185 = vector.broadcast %add3A_3184 : i32 to vector<16xi32>
      %add3A_3186 = arith.addi %xor3A_12, %add3A_3185 : vector<16xi32>
      %select_n3A_3187 = arith.select %lt3A_3183, %add3A_3186, %xor3A_12 : vector<16xi1>, vector<16xi32>
      %broadcast_in_dim3A_3188 = vector.shape_cast %select_n3A_3187 : vector<16xi32> to vector<16x1xi32>
      %gather3A_3189 = vector.shape_cast %broadcast_in_dim3A_3188 : vector<16x1xi32> to vector<16xi32>
      %gather3A_3190 = tpu.dynamic_gather %min3A_3180[%gather3A_3189] in [0] : vector<16xi32>, vector<16xi32> -> vector<16xi32>
      %min3A_3191 = arith.minsi %min3A_3180, %gather3A_3190 : vector<16xi32>
      %lt3A_3192 = arith.constant 0 : i32
      %lt3A_3193 = vector.broadcast %lt3A_3192 : i32 to vector<16xi32>
      %lt3A_3194 = arith.cmpi slt, %xor3A_15, %lt3A_3193 : vector<16xi32>
      %add3A_3195 = arith.constant 16 : i32
      %add3A_3196 = vector.broadcast %add3A_3195 : i32 to vector<16xi32>
      %add3A_3197 = arith.addi %xor3A_15, %add3A_3196 : vector<16xi32>
      %select_n3A_3198 = arith.select %lt3A_3194, %add3A_3197, %xor3A_15 : vector<16xi1>, vector<16xi32>
      %broadcast_in_dim3A_3199 = vector.shape_cast %select_n3A_3198 : vector<16xi32> to vector<16x1xi32>
      %gather3A_3200 = vector.shape_cast %broadcast_in_dim3A_3199 : vector<16x1xi32> to vector<16xi32>
      %gather3A_3201 = tpu.dynamic_gather %min3A_3191[%gather3A_3200] in [0] : vector<16xi32>, vector<16xi32> -> vector<16xi32>
      %min3A_3202 = arith.minsi %min3A_3191, %gather3A_3201 : vector<16xi32>
      %sub3A_3203 = arith.subf %get3A_3071, %max3A_3133 : vector<16xf32>
      %exp3A_3204 = math.exp %sub3A_3203 : vector<16xf32>
      %sub3A_3205 = arith.subf %get3A_3076, %max3A_3133 : vector<16xf32>
      %exp3A_3206 = math.exp %sub3A_3205 : vector<16xf32>
      %add3A_3207 = arith.addf %exp3A_3204, %exp3A_3206 : vector<16xf32>
      %sub3A_3208 = arith.subf %get3A_3081, %max3A_3133 : vector<16xf32>
      %exp3A_3209 = math.exp %sub3A_3208 : vector<16xf32>
      %add3A_3210 = arith.addf %add3A_3207, %exp3A_3209 : vector<16xf32>
      %sub3A_3211 = arith.subf %get3A_3086, %max3A_3133 : vector<16xf32>
      %exp3A_3212 = math.exp %sub3A_3211 : vector<16xf32>
      %add3A_3213 = arith.addf %add3A_3210, %exp3A_3212 : vector<16xf32>
      %lt3A_3214 = arith.constant 0 : i32
      %lt3A_3215 = vector.broadcast %lt3A_3214 : i32 to vector<16xi32>
      %lt3A_3216 = arith.cmpi slt, %xor3A_6, %lt3A_3215 : vector<16xi32>
      %add3A_3217 = arith.constant 16 : i32
      %add3A_3218 = vector.broadcast %add3A_3217 : i32 to vector<16xi32>
      %add3A_3219 = arith.addi %xor3A_6, %add3A_3218 : vector<16xi32>
      %select_n3A_3220 = arith.select %lt3A_3216, %add3A_3219, %xor3A_6 : vector<16xi1>, vector<16xi32>
      %broadcast_in_dim3A_3221 = vector.shape_cast %select_n3A_3220 : vector<16xi32> to vector<16x1xi32>
      %gather3A_3222 = vector.shape_cast %broadcast_in_dim3A_3221 : vector<16x1xi32> to vector<16xi32>
      %gather3A_3223 = tpu.dynamic_gather %add3A_3213[%gather3A_3222] in [0] : vector<16xf32>, vector<16xi32> -> vector<16xf32>
      %add3A_3224 = arith.addf %add3A_3213, %gather3A_3223 : vector<16xf32>
      %lt3A_3225 = arith.constant 0 : i32
      %lt3A_3226 = vector.broadcast %lt3A_3225 : i32 to vector<16xi32>
      %lt3A_3227 = arith.cmpi slt, %xor3A_9, %lt3A_3226 : vector<16xi32>
      %add3A_3228 = arith.constant 16 : i32
      %add3A_3229 = vector.broadcast %add3A_3228 : i32 to vector<16xi32>
      %add3A_3230 = arith.addi %xor3A_9, %add3A_3229 : vector<16xi32>
      %select_n3A_3231 = arith.select %lt3A_3227, %add3A_3230, %xor3A_9 : vector<16xi1>, vector<16xi32>
      %broadcast_in_dim3A_3232 = vector.shape_cast %select_n3A_3231 : vector<16xi32> to vector<16x1xi32>
      %gather3A_3233 = vector.shape_cast %broadcast_in_dim3A_3232 : vector<16x1xi32> to vector<16xi32>
      %gather3A_3234 = tpu.dynamic_gather %add3A_3224[%gather3A_3233] in [0] : vector<16xf32>, vector<16xi32> -> vector<16xf32>
      %add3A_3235 = arith.addf %add3A_3224, %gather3A_3234 : vector<16xf32>
      %lt3A_3236 = arith.constant 0 : i32
      %lt3A_3237 = vector.broadcast %lt3A_3236 : i32 to vector<16xi32>
      %lt3A_3238 = arith.cmpi slt, %xor3A_12, %lt3A_3237 : vector<16xi32>
      %add3A_3239 = arith.constant 16 : i32
      %add3A_3240 = vector.broadcast %add3A_3239 : i32 to vector<16xi32>
      %add3A_3241 = arith.addi %xor3A_12, %add3A_3240 : vector<16xi32>
      %select_n3A_3242 = arith.select %lt3A_3238, %add3A_3241, %xor3A_12 : vector<16xi1>, vector<16xi32>
      %broadcast_in_dim3A_3243 = vector.shape_cast %select_n3A_3242 : vector<16xi32> to vector<16x1xi32>
      %gather3A_3244 = vector.shape_cast %broadcast_in_dim3A_3243 : vector<16x1xi32> to vector<16xi32>
      %gather3A_3245 = tpu.dynamic_gather %add3A_3235[%gather3A_3244] in [0] : vector<16xf32>, vector<16xi32> -> vector<16xf32>
      %add3A_3246 = arith.addf %add3A_3235, %gather3A_3245 : vector<16xf32>
      %lt3A_3247 = arith.constant 0 : i32
      %lt3A_3248 = vector.broadcast %lt3A_3247 : i32 to vector<16xi32>
      %lt3A_3249 = arith.cmpi slt, %xor3A_15, %lt3A_3248 : vector<16xi32>
      %add3A_3250 = arith.constant 16 : i32
      %add3A_3251 = vector.broadcast %add3A_3250 : i32 to vector<16xi32>
      %add3A_3252 = arith.addi %xor3A_15, %add3A_3251 : vector<16xi32>
      %select_n3A_3253 = arith.select %lt3A_3249, %add3A_3252, %xor3A_15 : vector<16xi1>, vector<16xi32>
      %broadcast_in_dim3A_3254 = vector.shape_cast %select_n3A_3253 : vector<16xi32> to vector<16x1xi32>
      %gather3A_3255 = vector.shape_cast %broadcast_in_dim3A_3254 : vector<16x1xi32> to vector<16xi32>
      %gather3A_3256 = tpu.dynamic_gather %add3A_3246[%gather3A_3255] in [0] : vector<16xf32>, vector<16xi32> -> vector<16xf32>
      %add3A_3257 = arith.addf %add3A_3246, %gather3A_3256 : vector<16xf32>
      %div3A_3258 = arith.constant 1.000000e+00 : f32
      %div3A_3259 = vector.broadcast %div3A_3258 : f32 to vector<16xf32>
      %div3A_3260 = arith.divf %div3A_3259, %add3A_3257 : vector<16xf32>
      %eq3A_3261 = arith.constant 15 : i32
      %eq3A_3262 = vector.broadcast %eq3A_3261 : i32 to vector<16xi32>
      %eq3A_3263 = arith.cmpi eq, %iota3A, %eq3A_3262 : vector<16xi32>
      %select_n3A_3264 = arith.select %eq3A_3263, %min3A_3202, %select_n3A_3061 : vector<16xi1>, vector<16xi32>
      %select_n3A_3265 = arith.select %eq3A_3263, %div3A_3260, %select_n3A_3062 : vector<16xi1>, vector<16xf32>
      %mul3A_3266 = arith.constant 16 : i32
      %mul3A_3267 = arith.muli %add3A_24, %mul3A_3266 : i32
      %swap3A = arith.index_cast %mul3A_3267 : i32 to index
      %swap3A_3268 = tpu.vector_load %arg6[%swap3A] {strides = array<i32>} : memref<256xi32, #tpu.memory_space<vmem>>, vector<16xi32>,
      %swap3A_3269 = vector.shape_cast %swap3A_3268 : vector<16xi32> to vector<16xi32>
      %swap3A_3270 = vector.shape_cast %select_n3A_3264 : vector<16xi32> to vector<16xi32>
      tpu.vector_store %arg6[%swap3A], %swap3A_3270 {strides = array<i32>} : memref<256xi32, #tpu.memory_space<vmem>>, vector<16xi32>,
      %mul3A_3271 = arith.constant 16 : i32
      %mul3A_3272 = arith.muli %add3A_24, %mul3A_3271 : i32
      %swap3A_3273 = arith.index_cast %mul3A_3272 : i32 to index
      %swap3A_3274 = tpu.vector_load %arg7[%swap3A_3273] {strides = array<i32>} : memref<256xf32, #tpu.memory_space<vmem>>, vector<16xf32>,
      %swap3A_3275 = vector.shape_cast %swap3A_3274 : vector<16xf32> to vector<16xf32>
      %swap3A_3276 = vector.shape_cast %select_n3A_3265 : vector<16xf32> to vector<16xf32>
      tpu.vector_store %arg7[%swap3A_3273], %swap3A_3276 {strides = array<i32>} : memref<256xf32, #tpu.memory_space<vmem>>, vector<16xf32>,
    }
    %scan3A_19 = arith.constant 16 : i32
    "tpu.region"() ({
      %run_scoped3A = tpu.sem_alloc : memref<!tpu.dma_semaphore, #tpu.memory_space<semaphore_mem>>
      %dma_start3A = tpu.memref_slice %arg3[%mul3A_2] : memref<8192xi32, #tpu.memory_space<hbm>> -> memref<256xi32, #tpu.memory_space<hbm>>
      %dma_start3A_20 = tpu.memref_slice %arg3[%mul3A_2] : memref<8192xi32, #tpu.memory_space<hbm>> -> memref<256xi32, #tpu.memory_space<hbm>>
      tpu.enqueue_dma source(%arg6 : memref<256xi32, #tpu.memory_space<vmem>>) target(%dma_start3A_20 : memref<256xi32, #tpu.memory_space<hbm>>) target_semaphore(%run_scoped3A : memref<!tpu.dma_semaphore, #tpu.memory_space<semaphore_mem>>)
      %dma_wait3A = tpu.memref_slice %arg3[%mul3A_2] : memref<8192xi32, #tpu.memory_space<hbm>> -> memref<256xi32, #tpu.memory_space<hbm>>
      %dma_wait3A_21 = tpu.memref_slice %arg3[%mul3A_2] : memref<8192xi32, #tpu.memory_space<hbm>> -> memref<256xi32, #tpu.memory_space<hbm>>
      tpu.wait_dma2 semaphore(%run_scoped3A : memref<!tpu.dma_semaphore, #tpu.memory_space<semaphore_mem>>) src(%arg6 : memref<256xi32, #tpu.memory_space<vmem>>) dst(%dma_wait3A_21 : memref<256xi32, #tpu.memory_space<hbm>>)
      tpu.yield
    }) : () -> ()
    "tpu.region"() ({
      %run_scoped3A = tpu.sem_alloc : memref<!tpu.dma_semaphore, #tpu.memory_space<semaphore_mem>>
      %dma_start3A = tpu.memref_slice %arg4[%mul3A_2] : memref<8192xf32, #tpu.memory_space<hbm>> -> memref<256xf32, #tpu.memory_space<hbm>>
      %dma_start3A_20 = tpu.memref_slice %arg4[%mul3A_2] : memref<8192xf32, #tpu.memory_space<hbm>> -> memref<256xf32, #tpu.memory_space<hbm>>
      tpu.enqueue_dma source(%arg7 : memref<256xf32, #tpu.memory_space<vmem>>) target(%dma_start3A_20 : memref<256xf32, #tpu.memory_space<hbm>>) target_semaphore(%run_scoped3A : memref<!tpu.dma_semaphore, #tpu.memory_space<semaphore_mem>>)
      %dma_wait3A = tpu.memref_slice %arg4[%mul3A_2] : memref<8192xf32, #tpu.memory_space<hbm>> -> memref<256xf32, #tpu.memory_space<hbm>>
      %dma_wait3A_21 = tpu.memref_slice %arg4[%mul3A_2] : memref<8192xf32, #tpu.memory_space<hbm>> -> memref<256xf32, #tpu.memory_space<hbm>>
      tpu.wait_dma2 semaphore(%run_scoped3A : memref<!tpu.dma_semaphore, #tpu.memory_space<semaphore_mem>>) src(%arg7 : memref<256xf32, #tpu.memory_space<vmem>>) dst(%dma_wait3A_21 : memref<256xf32, #tpu.memory_space<hbm>>)
      tpu.yield
    }) : () -> ()
    return
  }
}

module attributes {stable_mosaic.version = 14 : i64} {
  func.func @_tc_expand(%arg0: i32, %arg1: memref<1x1x256xi32, #tpu.memory_space<vmem>>, %arg2: memref<1x1x256xf32, #tpu.memory_space<vmem>>, %arg3: memref<64x160x256xf32, #tpu.memory_space<vmem>>, %arg4: memref<64x256xi8, #tpu.memory_space<vmem>>, %arg5: memref<160x256xi8, #tpu.memory_space<vmem>>, %arg6: memref<64x1xf32, #tpu.memory_space<vmem>>) attributes {dimension_semantics = [#tpu.dimension_semantics<arbitrary>], iteration_bounds = array<i64: 32>, scalar_prefetch = 0 : i64, scratch_operands = 1 : i64, tpu.core_type = #tpu.core_type<tc>, window_params = [{transform_indices = @transform_0, window_bounds = array<i64: 1, 1, 256>}, {transform_indices = @transform_1, window_bounds = array<i64: 1, 1, 256>}, {transform_indices = @transform_2, window_bounds = array<i64: 64, 160, 256>}, {transform_indices = @transform_3, window_bounds = array<i64: 64, 256>}, {transform_indices = @transform_4, window_bounds = array<i64: 160, 256>}]} {
    %eq3A = arith.constant 0 : i32
    %eq3A_0 = arith.cmpi eq, %arg0, %eq3A : i32
    %convert_element_type3A = arith.extui %eq3A_0 : i1 to i32
    %cond3A = arith.constant 0 : i32
    %cond3A_1 = arith.cmpi ne, %convert_element_type3A, %cond3A : i32
    scf.if %cond3A_1 {
      %broadcast_in_dim3A_59 = arith.constant 0.000000e+00 : f32
      %broadcast_in_dim3A_60 = vector.broadcast %broadcast_in_dim3A_59 : f32 to vector<64x1xf32>
      %swap3A_61 = arith.constant 0 : index
      %swap3A_62 = arith.constant 0 : index
      %swap3A_63 = vector.load %arg6[%swap3A_61, %swap3A_62] : memref<64x1xf32, #tpu.memory_space<vmem>>, vector<64x1xf32>
      tpu.vector_store %arg6[%swap3A_61, %swap3A_62], %broadcast_in_dim3A_60 {strides = array<i32>} : memref<64x1xf32, #tpu.memory_space<vmem>>, vector<64x1xf32>,
    } else {
    }
    %get3A = arith.constant 0 : index
    %get3A_2 = arith.constant 0 : index
    %get3A_3 = arith.constant 0 : index
    %get3A_4 = vector.load %arg1[%get3A, %get3A_2, %get3A_3] : memref<1x1x256xi32, #tpu.memory_space<vmem>>, vector<1x1x256xi32>
    %get3A_5 = vector.shape_cast %get3A_4 : vector<1x1x256xi32> to vector<1x256xi32>
    %get3A_6 = arith.constant 0 : index
    %get3A_7 = arith.constant 0 : index
    %get3A_8 = arith.constant 0 : index
    %get3A_9 = vector.load %arg2[%get3A_6, %get3A_7, %get3A_8] : memref<1x1x256xf32, #tpu.memory_space<vmem>>, vector<1x1x256xf32>
    %get3A_10 = vector.shape_cast %get3A_9 : vector<1x1x256xf32> to vector<1x256xf32>
    %iota3A = tpu.iota {dimensions = array<i32: 0>} : vector<64x256xi32>
    %eq3A_11 = vector.broadcast %get3A_5 : vector<1x256xi32> to vector<64x256xi32>
    %eq3A_12 = arith.cmpi eq, %iota3A, %eq3A_11 : vector<64x256xi32>
    %convert_element_type3A_13 = arith.extui %eq3A_12 : vector<64x256xi1> to vector<64x256xi32>
    %convert_element_type3A_14 = arith.sitofp %convert_element_type3A_13 : vector<64x256xi32> to vector<64x256xf32>
    %iota3A_15 = tpu.iota {dimensions = array<i32: 0>} : vector<256x256xi32>
    %iota3A_16 = tpu.iota {dimensions = array<i32: 1>} : vector<256x256xi32>
    %lt3A = arith.cmpi slt, %iota3A_15, %iota3A_16 : vector<256x256xi32>
    %convert_element_type3A_17 = arith.extui %lt3A : vector<256x256xi1> to vector<256x256xi32>
    %convert_element_type3A_18 = arith.sitofp %convert_element_type3A_17 : vector<256x256xi32> to vector<256x256xf32>
    %dot_general3A = arith.constant dense<0.000000e+00> : vector<64x256xf32>
    %dot_general3A_19 = tpu.matmul %convert_element_type3A_14, %convert_element_type3A_18, %dot_general3A {dimension_numbers = #tpu.dot_dimension_numbers<[1], [0], [0], [1], [0, 0, 1, 1], [], []>, transpose_lhs_hint = false} : vector<64x256xf32>, vector<256x256xf32>, vector<64x256xf32> -> vector<64x256xf32>
    %get3A_20 = arith.constant 0 : index
    %get3A_21 = arith.constant 0 : index
    %get3A_22 = vector.load %arg6[%get3A_20, %get3A_21] : memref<64x1xf32, #tpu.memory_space<vmem>>, vector<64x1xf32>
    %add3A = vector.broadcast %get3A_22 : vector<64x1xf32> to vector<64x256xf32>
    %add3A_23 = arith.addf %add3A, %dot_general3A_19 : vector<64x256xf32>
    %mul3A = arith.mulf %convert_element_type3A_14, %add3A_23 : vector<64x256xf32>
    %reduce_sum3A = arith.constant dense<0.000000e+00> : vector<256xf32>
    %reduce_sum3A_24 = vector.multi_reduction <add>, %mul3A, %reduce_sum3A [0] : vector<64x256xf32> to vector<256xf32>
    %broadcast_in_dim3A = vector.shape_cast %reduce_sum3A_24 : vector<256xf32> to vector<1x256xf32>
    %get3A_25 = arith.constant 0 : index
    %get3A_26 = arith.constant 0 : index
    %get3A_27 = vector.load %arg6[%get3A_25, %get3A_26] : memref<64x1xf32, #tpu.memory_space<vmem>>, vector<64x1xf32>
    %reduce_sum3A_28 = arith.constant dense<0.000000e+00> : vector<64xf32>
    %reduce_sum3A_29 = vector.multi_reduction <add>, %convert_element_type3A_14, %reduce_sum3A_28 [1] : vector<64x256xf32> to vector<64xf32>
    %broadcast_in_dim3A_30 = vector.shape_cast %reduce_sum3A_29 : vector<64xf32> to vector<64x1xf32>
    %add3A_31 = arith.addf %get3A_27, %broadcast_in_dim3A_30 : vector<64x1xf32>
    %swap3A = arith.constant 0 : index
    %swap3A_32 = arith.constant 0 : index
    %swap3A_33 = vector.load %arg6[%swap3A, %swap3A_32] : memref<64x1xf32, #tpu.memory_space<vmem>>, vector<64x1xf32>
    tpu.vector_store %arg6[%swap3A, %swap3A_32], %add3A_31 {strides = array<i32>} : memref<64x1xf32, #tpu.memory_space<vmem>>, vector<64x1xf32>,
    %mul3A_34 = vector.broadcast %get3A_10 : vector<1x256xf32> to vector<64x256xf32>
    %mul3A_35 = arith.mulf %convert_element_type3A_14, %mul3A_34 : vector<64x256xf32>
    %iota3A_36 = tpu.iota {dimensions = array<i32: 0>} : vector<160x256xi32>
    %convert_element_type3A_37 = arith.fptosi %broadcast_in_dim3A : vector<1x256xf32> to vector<1x256xi32>
    %eq3A_38 = vector.broadcast %convert_element_type3A_37 : vector<1x256xi32> to vector<160x256xi32>
    %eq3A_39 = arith.cmpi eq, %iota3A_36, %eq3A_38 : vector<160x256xi32>
    %convert_element_type3A_40 = arith.extui %eq3A_39 : vector<160x256xi1> to vector<160x256xi32>
    %convert_element_type3A_41 = arith.sitofp %convert_element_type3A_40 : vector<160x256xi32> to vector<160x256xf32>
    %broadcast_in_dim3A_42 = vector.shape_cast %mul3A_35 : vector<64x256xf32> to vector<64x1x256xf32>
    %broadcast_in_dim3A_43 = vector.shape_cast %convert_element_type3A_41 : vector<160x256xf32> to vector<1x160x256xf32>
    %mul3A_44 = vector.broadcast %broadcast_in_dim3A_42 : vector<64x1x256xf32> to vector<64x160x256xf32>
    %mul3A_45 = vector.broadcast %broadcast_in_dim3A_43 : vector<1x160x256xf32> to vector<64x160x256xf32>
    %mul3A_46 = arith.mulf %mul3A_44, %mul3A_45 : vector<64x160x256xf32>
    %swap3A_47 = arith.constant 0 : index
    %swap3A_48 = arith.constant 0 : index
    %swap3A_49 = arith.constant 0 : index
    %swap3A_50 = vector.load %arg3[%swap3A_47, %swap3A_48, %swap3A_49] : memref<64x160x256xf32, #tpu.memory_space<vmem>>, vector<64x160x256xf32>
    tpu.vector_store %arg3[%swap3A_47, %swap3A_48, %swap3A_49], %mul3A_46 {strides = array<i32>} : memref<64x160x256xf32, #tpu.memory_space<vmem>>, vector<64x160x256xf32>,
    %convert_element_type3A_51 = arith.extui %eq3A_12 : vector<64x256xi1> to vector<64x256xi8>
    %swap3A_52 = arith.constant 0 : index
    %swap3A_53 = arith.constant 0 : index
    %swap3A_54 = vector.load %arg4[%swap3A_52, %swap3A_53] : memref<64x256xi8, #tpu.memory_space<vmem>>, vector<64x256xi8>
    tpu.vector_store %arg4[%swap3A_52, %swap3A_53], %convert_element_type3A_51 {strides = array<i32>} : memref<64x256xi8, #tpu.memory_space<vmem>>, vector<64x256xi8>,
    %convert_element_type3A_55 = arith.extui %eq3A_39 : vector<160x256xi1> to vector<160x256xi8>
    %swap3A_56 = arith.constant 0 : index
    %swap3A_57 = arith.constant 0 : index
    %swap3A_58 = vector.load %arg5[%swap3A_56, %swap3A_57] : memref<160x256xi8, #tpu.memory_space<vmem>>, vector<160x256xi8>
    tpu.vector_store %arg5[%swap3A_56, %swap3A_57], %convert_element_type3A_55 {strides = array<i32>} : memref<160x256xi8, #tpu.memory_space<vmem>>, vector<160x256xi8>,
    return
  }
  func.func @transform_0(%arg0: i32) -> (i32, i32, i32) {
    %c0_i32 = arith.constant 0 : i32
    %c0_i32_0 = arith.constant 0 : i32
    %c0_i32_1 = arith.constant 0 : i32
    return %arg0, %c0_i32, %c0_i32_0 : i32, i32, i32
  }
  func.func @transform_1(%arg0: i32) -> (i32, i32, i32) {
    %c0_i32 = arith.constant 0 : i32
    %c0_i32_0 = arith.constant 0 : i32
    %c0_i32_1 = arith.constant 0 : i32
    return %arg0, %c0_i32, %c0_i32_0 : i32, i32, i32
  }
  func.func @transform_2(%arg0: i32) -> (i32, i32, i32) {
    %c0_i32 = arith.constant 0 : i32
    %c0_i32_0 = arith.constant 0 : i32
    %c0_i32_1 = arith.constant 0 : i32
    return %c0_i32, %c0_i32_0, %arg0 : i32, i32, i32
  }
  func.func @transform_3(%arg0: i32) -> (i32, i32) {
    %c0_i32 = arith.constant 0 : i32
    %c0_i32_0 = arith.constant 0 : i32
    return %c0_i32, %arg0 : i32, i32
  }
  func.func @transform_4(%arg0: i32) -> (i32, i32) {
    %c0_i32 = arith.constant 0 : i32
    %c0_i32_0 = arith.constant 0 : i32
    return %c0_i32, %arg0 : i32, i32
  }
}

</mosaic_0001>

<sc_bundles>
// kernel: kernel.4.cloned.1.call-start
scs
__scs_entry_jumppad:
0x0: {  	(pc) =	sbr.rel $0x88, $3  }
0x1: {  	(tag) =	ssettag $0x0;
	lr =	simm.s32 $0x1  }
0x2: {  	[smem:$0x3FA0] =	sst lr;
	_ =	strace $0xD0000000  }
0x3: {  	_ = 	snop  }
0x4: {  	_ = 	snop  }
0x5: {  	_ = 	snop  }
0x6: {  	_ = 	snop  }
0x7: {  	_ = 	snop  }
__scs_overlays_trampoline_lowered:
0x8: {  	[smem:$0x3FAF] =	sst s0  }
0x9: {  	[smem:$0x3FB0] =	sst s1  }
0xa: {  	[smem:$0x3FB1] =	sst s2  }
0xb: {  	[smem:$0x3FB2] =	sst s3  }
0xc: {  	[smem:$0x3FB3] =	sst s4  }
0xd: {  	[smem:$0x3FB4] =	sst s5  }
0xe: {  	[smem:$0x3FB5] =	sst s6  }
0xf: {  	[smem:$0x3FB6] =	sst s7  }
0x10: {  	[smem:$0x3FB7] =	sst s8  }
0x11: {  	[smem:$0x3FB8] =	sst s9;
	s0 =	simm.s32 @!p0 $0x0  }
0x12: {  	s1 =	sld [smem:$0x3F9E];
	s0 =	simm.s32 @p0 $0x1  }
0x13: {  	[smem:$0x3FB9] =	sst s0;
	s0 =	simm.s32 @!p1 $0x0  }
0x14: {  	s2 =	sld [smem:$0x3F9D];
	s0 =	simm.s32 @p1 $0x1  }
0x15: {  	[smem:$0x3FBA] =	sst s0;
	s0 =	simm.s32 @!p2 $0x0  }
0x16: {  	s3 =	sld [smem:$0x3FDB];
	s0 =	simm.s32 @p2 $0x1  }
0x17: {  	s4 =	simm.s32 $0x1BF5;
	[smem:$0x3FBC] =	sst s0  }
0x18: {  	s0 =	sld [smem:$0x3F9F];
	_ =	swait.ge [sflag:s4], $0x0  }
0x19: {  	s7 =	sld [smem:$0x3FA0]  }
0x1a: {  	s8 =	sadd.s32 $0xFFFFE003, lr  }
0x1b: {  	s9 =	sadd.s32 $0xFFFFFEF7, lr;
	s5 =	simm.s32 $0xFFFFFFFF;
	p2 =	slt.u32 s8, $0xFFFFF086  }
0x1c: {  	p1 =	slt.u32 s9, $0xF7A;
	s5 =	simm.s32 @!p2 $0x0  }
0x1d: {  	s5 =	simm.s32 @p1 $0x1;
	p0 =	seq.s32 s7, s2  }
0x1e: {  	s7 =	smul.u32 @!p0 $0xF7A, s2;
	p2 =	seq.s32 @!p0 s5, $0x0  }
0x1f: {  	s9 =	smul.u32 $0xF7A, s1;
	s8 =	simm.s32 @!p0 $0x1BF5;
	p2 =	por !p2, p0  }
0x20: {  	[sflag:s8] =	ssyncset.s32 @!p0 $0xFFFFF086;
	s6 =	sadd.s32 @!p0 s3, s7;
	s7 =	simm.s32 @!p0 $0x108  }
0x21: {  	s3 =	sadd.s32 s3, s9;
	s6 =	sadd.s32 @!p0 $0x88, s6;
	s7 =	simm.s32 @p2 $0x1082  }
0x22: {  	[simem:s7], [sflag:s8] =	dma.local @!p0 [hbm:s6], $0xF7A  }
0x23: {  	s9 =	sor.u32 $0xD0000000, s2;
	s6 =	simm.s32 $0x108;
	_ =	swait.ge @!p0 [sflag:s8], $0x0  }
0x24: {  	s3 =	sadd.s32 $0x88, s3;
	s6 =	simm.s32 @!p1 $0x1082;
	[sflag:s4] =	ssyncset.s32 $0xFFFFF086  }
0x25: {  	[simem:s6], [sflag:s4] =	dma.local [hbm:s3], $0xF7A  }
0x26: {  	[smem:$0x3FA0] =	sst s1;
	(tag) =	ssettag s2;
	_ =	strace s9  }
0x27: {  	s1 =	sld [smem:$0x3FB0]  }
0x28: {  	s2 =	sld [smem:$0x3FB1]  }
0x29: {  	s4 =	sld [smem:$0x3FB3]  }
0x2a: {  	p0 =	seq.s32 s5, $0x0;
	s5 =	sld [smem:$0x3FB4]  }
0x2b: {  	s6 =	sld [smem:$0x3FB5]  }
0x2c: {  	s7 =	sld [smem:$0x3FB6]  }
0x2d: {  	s3 =	simm.s32 $0x108;
	s8 =	sld [smem:$0x3FB7]  }
0x2e: {  	s3 =	simm.s32 @!p0 $0x1082;
	s9 =	sld [smem:$0x3FB8]  }
0x2f: {  	lr =	sadd.s32 s0, s3;
	s0 =	sld [smem:$0x3FAF]  }
0x30: {  	s3 =	sld [smem:$0x3FB2]  }
0x31: {  	[smem:$0x3FBB] =	sst s10  }
0x32: {  	s10 =	sld [smem:$0x3FB9];
	_ =	sdelay $0x3  }
0x33: {  	p0 =	seq.s32 s10, $0x1;
	s10 =	sld [smem:$0x3FBB];
	_ =	sdelay $0x3  }
0x34: {  	[smem:$0x3FBB] =	sst s10  }
0x35: {  	s10 =	sld [smem:$0x3FBA];
	_ =	sdelay $0x3  }
0x36: {  	p1 =	seq.s32 s10, $0x1;
	s10 =	sld [smem:$0x3FBB];
	_ =	sdelay $0x3  }
0x37: {  	[smem:$0x3FBB] =	sst s10  }
0x38: {  	s10 =	sld [smem:$0x3FBC]  }
0x39: {  	_ = 	snop;
	(pc) =	sbr.ind lr, $3  }
0x3a: {  	_ = 	snop  }
0x3b: {  	_ = 	snop  }
0x3c: {  	p2 =	seq.s32 s10, $0x1;
	s10 =	sld [smem:$0x3FBB]  }
0x3d: {  	_ =	shalt  }
0x3e: {  	_ =	shalt  }
0x3f: {  	_ =	shalt  }
0x40: {  	_ =	shalt  }
0x41: {  	_ =	shalt  }
0x42: {  	_ =	shalt  }
0x43: {  	_ =	shalt  }
0x44: {  	_ =	shalt  }
0x45: {  	_ =	shalt  }
0x46: {  	_ =	shalt  }
0x47: {  	_ =	shalt  }
0x48: {  	_ =	shalt  }
0x49: {  	_ =	shalt  }
0x4a: {  	_ =	shalt  }
0x4b: {  	_ =	shalt  }
0x4c: {  	_ =	shalt  }
0x4d: {  	_ =	shalt  }
0x4e: {  	_ =	shalt  }
0x4f: {  	_ =	shalt  }
0x50: {  	_ =	shalt  }
0x51: {  	_ =	shalt  }
0x52: {  	_ =	shalt  }
0x53: {  	_ =	shalt  }
0x54: {  	_ =	shalt  }
0x55: {  	_ =	shalt  }
0x56: {  	_ =	shalt  }
0x57: {  	_ =	shalt  }
0x58: {  	_ =	shalt  }
0x59: {  	_ =	shalt  }
0x5a: {  	_ =	shalt  }
0x5b: {  	_ =	shalt  }
0x5c: {  	_ =	shalt  }
0x5d: {  	_ =	shalt  }
0x5e: {  	_ =	shalt  }
0x5f: {  	_ =	shalt  }
0x60: {  	_ =	shalt  }
0x61: {  	_ =	shalt  }
0x62: {  	_ =	shalt  }
0x63: {  	_ =	shalt  }
0x64: {  	_ =	shalt  }
0x65: {  	_ =	shalt  }
0x66: {  	_ =	shalt  }
0x67: {  	_ =	shalt  }
0x68: {  	_ =	shalt  }
0x69: {  	_ =	shalt  }
0x6a: {  	_ =	shalt  }
0x6b: {  	_ =	shalt  }
0x6c: {  	_ =	shalt  }
0x6d: {  	_ =	shalt  }
0x6e: {  	_ =	shalt  }
0x6f: {  	_ =	shalt  }
0x70: {  	_ =	shalt  }
0x71: {  	_ =	shalt  }
0x72: {  	_ =	shalt  }
0x73: {  	_ =	shalt  }
0x74: {  	_ =	shalt  }
0x75: {  	_ =	shalt  }
0x76: {  	_ =	shalt  }
0x77: {  	_ =	shalt  }
0x78: {  	_ =	shalt  }
0x79: {  	_ =	shalt  }
0x7a: {  	_ =	shalt  }
0x7b: {  	_ =	shalt  }
0x7c: {  	_ =	shalt  }
0x7d: {  	_ =	shalt  }
0x7e: {  	_ =	shalt  }
0x7f: {  	_ =	shalt  }
0x80: {  	_ =	shalt  }
0x81: {  	_ =	shalt  }
0x82: {  	_ =	shalt  }
0x83: {  	_ =	shalt  }
0x84: {  	_ =	shalt  }
0x85: {  	_ =	shalt  }
0x86: {  	_ =	shalt  }
0x87: {  	_ =	shalt  }
.Lfunc_end0:
.L_simem_size_0:
called_computation_lowered:
.L_overlay_start_0:
0x88: {  	s2 =	sld [smem:$0x3FD9]  }
0x89: {  	s3 =	sld [smem:$0x3FFE];
	_ =	sdelay $0x1  }
0x8a: {  	s1 =	srdreg.scid  }
0x8b: {  	s0 =	sand.u32 $0x1, s1  }
0x8c: {  	s14 =	sshll.u32 s0, $0xA;
	s2 =	sadd.s32 s3, s2  }
0x8d: {  	s2 =	sadd.s32 s2, s14  }
0x8e: {  	[smem:$0x3FC7] =	sst s2  }
0x8f: {  	_ = 	snop  }
0x90: {  	s2 =	sld [smem:$0x3FD0];
	_ =	sdelay $0x2  }
0x91: {  	s15 =	simm.s32 $0xA;
	s4 =	simm.s32 $0x10  }
0x92: {  	[smem:s4], [sflag:s15] =	dma.local [hbm:s2], $0x1  }
0x93: {  	_ =	swait.eq [sflag:s15], $0x1  }
0x94: {  	[sflag:s15] =	ssyncset.done $0x0  }
0x95: {  	s16 =	sld [smem:$0x10];
	[sflag:s15] =	ssyncadd.s32 $0xFFFFFFFF  }
0x96: {  	s17 =	sld [smem:$0x11];
	(tm) =	ssettm $0x1  }
0x97: {  	s18 =	sld [smem:$0x3FFB];
	_ =	sdelay $0x3  }
0x98: {  	_ =	strace s18  }
0x99: {  	s4 =	sld [smem:$0x3FFC];
	_ =	sdelay $0x3  }
0x9a: {  	_ =	strace s4  }
0x9b: {  	s4 =	sld [smem:$0x3FFD];
	_ =	sdelay $0x3  }
0x9c: {  	_ =	strace s4  }
0x9d: {  	_ =	strace $0x8FFFFFFF  }
0x9e: {  	s19 =	sld [smem:$0x3FDB];
	_ =	sdelay $0x1  }
0x9f: {  	s5 =	simm.s32 $_scs_section_size  }
0xa0: {  	s6 =	simm.s32 $_size__tile_overlayer_lowered;
	s7 =	simm.s32 $_tile_overlayer_lowered  }
0xa1: {  	s22 =	simm.s32 $0x1BFF;
	s21 =	sshll.u32 s7, $0x1;
	s4 =	sadd.s32 s5, s19  }
0xa2: {  	s8 =	simm.s32 $0x0;
	s20 =	sshll.u32 s6, $0x1;
	s6 =	sadd.s32 s21, s4  }
0xa3: {  	[timem:s8], [sflag:s22] =	dma.local [hbm:s6], s20  }
0xa4: {  	_ =	swait.ge [sflag:s22], s20  }
0xa5: {  	s5 =	ssub.s32 $0x0, s20;
	[sflag:s22] =	ssyncset.done $0x0  }
0xa6: {  	[sflag:s22] =	ssyncadd.s32 s5;
	_ =	sdelay $0x1  }
0xa7: {  	s23 =	simm.s32 $0x1B8B  }
0xa8: {  	_ =	swait.ge [sflag:s23], $0x1  }
0xa9: {  	[sflag:s23] =	ssyncset.done $0x0  }
0xaa: {  	s25 =	simm.s32 $0x1B8E;
	s24 =	sld [smem:$0x3FFE];
	[sflag:s23] =	ssyncadd.s32 $0xFFFFFFFF  }
0xab: {  	s26 =	simm.s32 $execute0_lowered;
	[smem:$0x3FD2] =	sst s25  }
0xac: {  	s6 =	sshll.u32 s26, $0x1;
	_ =	strace $0x80000046;
	[dreg:$0x1] =	wrdreg $0xFFFFFFFF  }
0xad: {  	s28 =	simm.s32 $_size_execute0_lowered;
	s4 =	sadd.s32 s4, s6;
	[dreg:$0x0] =	wrdreg $0x0  }
0xae: {  	s6 =	sshll.u32 s28, $0x1;
	[dreg:$0x2] =	wrdreg s4  }
0xaf: {  	[dreg:$0x3] =	wrdreg s6  }
0xb0: {  	[dreg:$0x4] =	wrdreg $0xC0  }
0xb1: {  	_ =	task [dreg:s8], $0x5FFFF  }
0xb2: {  	[dreg:$0x1] =	wrdreg $0xFFFFFFFF  }
0xb3: {  	[dreg:$0x0] =	wrdreg $0x60  }
0xb4: {  	[dreg:$0x2] =	wrdreg s17  }
0xb5: {  	[dreg:$0x3] =	wrdreg s16  }
0xb6: {  	[dreg:$0x4] =	wrdreg s24  }
0xb7: {  	[dreg:$0x5] =	wrdreg $0x9  }
0xb8: {  	_ =	task.clear_ibuf [dreg:s8], $0x6FFFF;
	_ =	strace $0x90000046  }
0xb9: {  	s29 =	simm.s32 $0x9;
	_ =	strace $0x80000048  }
0xba: {  	_ =	swait.ge [sflag:s29], $0x1  }
0xbb: {  	[sflag:s29] =	ssyncadd.s32 $0xFFFFFFFF  }
0xbc: {  	_ =	strace $0x90000048  }
0xbd: {  	_ =	sfence  }
0xbe: {  	s30 =	sld [smem:$0x0];
	_ =	sdelay $0x2  }
0xbf: {  	s31 =	sshll.u32 s1, $0xD;
	s1 =	sshrl.u32 s1, $0x2  }
0xc0: {  	s3 =	sand.u32 $0x4000, s31;
	s1 =	sadd.s32 s1, s30  }
0xc1: {  	s0 =	sor.u32 s3, s0;
	s1 =	sshll.u32 s1, $0x11  }
0xc2: {  	s0 =	sor.u32 s1, s0  }
0xc3: {  	s0 =	sadd.s32 $0x8F2B, s0  }
0xc4: {  	[sflag:s0] =	ssyncadd.remote.s32 $0x1  }
0xc5: {  	_ =	sfence.sel $0xFFFF  }
0xc6: {  	[dreg:$0x0] =	wrdreg $0xFFFFFFFF;
	(pc) =	sbr.abs _section_cstart, $3  }
0xc7: {  	[dreg:$0x1] =	wrdreg $0xFFFFFFFF  }
0xc8: {  	_ =	task.clear_ibuf [dreg:s8], $0x2FFFF;
	_ =	strace $0x9FFFFFFF  }
0xc9: {  	(tm) =	ssettm $0x7FFFFFFF  }
tec
execute0_lowered:
.L_overlay_start_1:
0x0: {  	(tag) =	ssettag $0x1  }
0x1: {  	v0 =	vimm.s32 $0xFEDCBA98;
	v1 =	vimm.s32 $0x76543210  }
0x2: {  	v2 =	vimm.s32 $0xBA98FEDC;
	v3 =	vimm.s32 $0x32107654;
	v4 =	vimm.s32 $0xDCFE98BA  }
0x3: {  	v5 =	vimm.s32 $0x54761032;
	v6 =	vimm.s32 $0xEFCDAB89;
	v7 =	vimm.s32 $0x67452301  }
0x4: {  	v0 =	vunpack.c.l.s4.s8 v0;
	v1 =	vunpack.c.l.s4.s8 v1;
	v2 =	vunpack.c.l.s4.s8 v2  }
0x5: {  	v3 =	vunpack.c.l.s4.s8 v3;
	v4 =	vunpack.c.l.s4.s8 v4;
	v5 =	vunpack.c.l.s4.s8 v5  }
0x6: {  	v6 =	vunpack.c.l.s4.s8 v6;
	v7 =	vunpack.c.l.s4.s8 v7;
	v0 =	vunpack.c.0.s8.s32 v0  }
0x7: {  	v2 =	vunpack.c.0.s8.s32 v2;
	v3 =	vunpack.c.0.s8.s32 v3;
	v4 =	vunpack.c.0.s8.s32 v4  }
0x8: {  	v5 =	vunpack.c.0.s8.s32 v5;
	v6 =	vunpack.c.0.s8.s32 v6;
	v7 =	vunpack.c.0.s8.s32 v7  }
0x9: {  	v1 =	vunpack.c.0.s8.s32 v1;
	v2 =	vcombine.low v3, v2  }
0xa: {  	v0 =	vand.u32 $0xF, v0;
	v3 =	vcombine.low v5, v4;
	v4 =	vcombine.low v7, v6  }
0xb: {  	v0 =	vcombine.low v0, v1;
	v1 =	vand.u32 $0xF, v2  }
0xc: {  	s3 =	rddreg [dreg:$0x0];
	v2 =	vand.u32 $0xF, v3;
	v3 =	vand.u32 $0xF, v4;
	v4 =	vlaneseq.u32  }
0xd: {  	s4 =	rddreg [dreg:$0x1];
	vm9 =	vmmov $0x1ff;
	v37 =	vor.u32 $0x30, v4  }
0xe: {  	s5 =	rddreg [dreg:$0x2];
	s2 =	simm.s32 $0x0;
	v6 =	vor.u32 $0x20, v4;
	v7 =	vor.u32 $0x10, v4;
	v4 =	vimm.s32 $0x0  }
0xf: {  	[smem:$0x7FF] =	sst s2;
	v4 =	vsel vm9, $0xFFFFFFFF, v4  }
0x10: {  	s0 =	rddreg [dreg:$0x3];
	vm5 =	vmmov $0x1f;
	_ =	strace $0x80000047;
	[tilespmem:$0x1FFB0] =	vst v4;
	v4 =	vimm.s32 $0x0  }
0x11: {  	v4 =	vsel vm5, $0xFFFFFFFF, v4  }
0x12: {  	s6 =	srdreg.scid;
	s1 =	stileid.u32;
	vm13 =	vmmov $0x1fff;
	[tilespmem:$0x1FFC0] =	vst v4;
	v4 =	vimm.s32 $0x0  }
0x13: {  	vm1 =	vmmov $0x1;
	vm2 =	vmmov $0x3;
	s6 =	sand.u32 $0x1, s6;
	s7 =	sshll.u32 s1, $0x1;
	v4 =	vsel vm13, $0xFFFFFFFF, v4  }
0x14: {  	vm3 =	vmmov $0x7;
	vm0 =	vmmov $0x3fff;
	s10 =	simm.s32 $0x0;
	s7 =	sor.u32 s6, s7;
	s6 =	ssub.s32 $0x2, s6;
	[tilespmem:$0x1FFD0] =	vst v4;
	v4 =	vimm.s32 $0x0  }
0x15: {  	vm4 =	vmmov $0xf;
	vm6 =	vmmov $0x3f;
	s8 =	sshll.u32 s7, $0x5;
	s9 =	sshrl.u32 s6, $0x1;
	s7 =	sshll.u32 s7, $0xB;
	v4 =	vsel vm0, $0xFFFFFFFF, v4  }
0x16: {  	vm7 =	vmmov $0x7f;
	vm8 =	vmmov $0xff;
	s5 =	sadd.s32 s8, s5;
	s6 =	ssub.s32 s6, s9;
	s3 =	sadd.s32 s3, s7;
	[tilespmem:$0x1FFE0] =	vst v4;
	v4 =	vimm.s32 $0x0  }
0x17: {  	vm10 =	vmmov $0x3ff;
	vm11 =	vmmov $0x7ff;
	s4 =	sadd.s32 s4, s8;
	s7 =	simm.s32 $0x1;
	s8 =	simm.s32 $0x4000;
	v4 =	vsel vm1, $0xFFFFFFFF, v4  }
0x18: {  	vm12 =	vmmov $0xfff;
	vm14 =	vmmov $0x7fff;
	v29 =	vlaneseq.u32;
	s9 =	simm.s32 $0x4100;
	s5 =	sadd.s32 $0xE00, s5;
	s6 =	smax.u32 s6, $0x1;
	[tilespmem:$0x1FFF0] =	vst v4  }
.LBB2_1:
0x19: {  	[tilespmem:s2], [sflag:$0x1] =	stream.linear.gather [hbm4b:s3+s2], $0x4000, $0x38;
	[tilespmem:$0x4200] =	vst v63  }
0x1a: {  	_ =	swait.ge [sflag:s7], $0x4000  }
0x1b: {  	[sflag:s7] =	ssyncset.done $0x0  }
0x1c: {  	s11 =	simm.s32 $0x200;
	s12 =	simm.s32 $0x0;
	[sflag:s7] =	ssyncadd.s32 $0xFFFFC000  }
.LBB2_2:
0x1d: {  	v8 =	vld [tilespmem:s11+$0xFFFFFE00]  }
0x1e: {  	v34 =	vld [tilespmem:s11+$0xFFFFFE10]  }
0x1f: {  	v9 =	vld [tilespmem:s11+$0xFFFFFE20]  }
0x20: {  	v10 =	vld [tilespmem:s11+$0xFFFFFE30];
	_ =	sdelay $0x4  }
0x21: {  	v4 =	vmax.f32 v8, v34;
	v5 =	vmax.f32 v9, v10  }
0x22: {  	v4 =	vmax.f32 v4, v5  }
0x23: {  	v5 =	vperm.xlane v4, v0;
	_ =	sdelay $0x1  }
0x24: {  	v4 =	vmax.f32 v4, v5  }
0x25: {  	v5 =	vperm.xlane v4, v1;
	_ =	sdelay $0x1  }
0x26: {  	v4 =	vmax.f32 v4, v5  }
0x27: {  	v5 =	vperm.xlane v4, v2;
	_ =	sdelay $0x1  }
0x28: {  	v4 =	vmax.f32 v4, v5  }
0x29: {  	v5 =	vperm.xlane v4, v3;
	_ =	sdelay $0x1  }
0x2a: {  	v22 =	vmax.f32 v4, v5  }
0x2b: {  	v4 =	vsub.f32 v8, v22  }
0x2c: {  	v5 =	vsub.f32 v34, v22  }
0x2d: {  	v4 =	vmul.f32 $1.442695020e+00, v4  }
0x2e: {  	[tilespmem:$0x1FE40] =	vst v8;
	v8 =	vsub.f32 v9, v22;
	v5 =	vmul.f32 $1.442695020e+00, v5  }
0x2f: {  	(erf) = vpow2.f32 v4  }
0x30: {  	v4 =	vmul.f32 $1.442695020e+00, v8;
	(erf) = vpow2.f32 v5;
	v5 =	vsub.f32 v10, v22;
	_ =	sdelay $0x1  }
0x31: {  	(erf) = vpow2.f32 v4;
	v4 =	vmul.f32 $1.442695020e+00, v5;
	_ =	sdelay $0x1  }
0x32: {  	(erf) = vpow2.f32 v4;
	_ =	sdelay $0x2  }
0x33: {  	v13 =	vld [tilespmem:s11+$0xFFFFFE40]  }
0x34: {  	v12 =	vld [tilespmem:s11+$0xFFFFFE50];
	v4 =	vpop (erf)  }
0x35: {  	v35 =	vld [tilespmem:s11+$0xFFFFFE60];
	v5 =	vpop (erf)  }
0x36: {  	v36 =	vld [tilespmem:s11+$0xFFFFFE70];
	v4 =	vadd.f32 v5, v4  }
0x37: {  	v5 =	vpop (erf)  }
0x38: {  	v4 =	vadd.f32 v4, v5  }
0x39: {  	v5 =	vpop (erf)  }
0x3a: {  	v4 =	vadd.f32 v4, v5  }
0x3b: {  	v8 =	vmax.f32 v35, v36;
	v5 =	vmax.f32 v13, v12  }
0x3c: {  	v5 =	vmax.f32 v5, v8;
	v39 =	vperm.xlane v4, v0  }
0x3d: {  	v8 =	vperm.xlane v5, v0  }
0x3e: {  	v4 =	vadd.f32 v4, v39  }
0x3f: {  	v5 =	vmax.f32 v5, v8  }
0x40: {  	v40 =	vperm.xlane v5, v1;
	v8 =	vperm.xlane v4, v1;
	_ =	sdelay $0x1  }
0x41: {  	v5 =	vmax.f32 v5, v40;
	v4 =	vadd.f32 v4, v8  }
0x42: {  	v8 =	vperm.xlane v5, v2  }
0x43: {  	v41 =	vperm.xlane v4, v2  }
0x44: {  	v5 =	vmax.f32 v5, v8  }
0x45: {  	v8 =	vperm.xlane v5, v3;
	v4 =	vadd.f32 v4, v41;
	_ =	sdelay $0x1  }
0x46: {  	[tilespmem:$0x1FE30] =	vst v9;
	v28 =	vmax.f32 v5, v8;
	v9 =	vperm.xlane v4, v3  }
0x47: {  	v5 =	vsub.f32 v13, v28  }
0x48: {  	v8 =	vsub.f32 v12, v28;
	v4 =	vadd.f32 v4, v9  }
0x49: {  	v11 =	vmov v35;
	v5 =	vmul.f32 $1.442695020e+00, v5  }
0x4a: {  	(erf) = vrcp.f32 v4;
	v4 =	vmul.f32 $1.442695020e+00, v8;
	v8 =	vsub.f32 v11, v28  }
0x4b: {  	v38 =	vmov v36;
	(erf) = vpow2.f32 v5  }
0x4c: {  	v5 =	vsub.f32 v38, v28;
	(erf) = vpow2.f32 v4;
	v4 =	vmul.f32 $1.442695020e+00, v8;
	_ =	sdelay $0x1  }
0x4d: {  	(erf) = vpow2.f32 v4;
	v4 =	vmul.f32 $1.442695020e+00, v5;
	_ =	sdelay $0x1  }
0x4e: {  	(erf) = vpow2.f32 v4;
	_ =	sdelay $0x2  }
0x4f: {  	v42 =	vld [tilespmem:s11+$0xFFFFFE80];
	v4 =	vpop (erf)  }
0x50: {  	v43 =	vld [tilespmem:s11+$0xFFFFFE90];
	[tilespmem:$0x1FEF0] =	vst v4;
	v4 =	vpop (erf)  }
0x51: {  	v44 =	vld [tilespmem:s11+$0xFFFFFEA0];
	v5 =	vpop (erf)  }
0x52: {  	v45 =	vld [tilespmem:s11+$0xFFFFFEB0];
	v4 =	vadd.f32 v5, v4  }
0x53: {  	v5 =	vpop (erf)  }
0x54: {  	v4 =	vadd.f32 v4, v5  }
0x55: {  	v5 =	vpop (erf)  }
0x56: {  	v4 =	vadd.f32 v4, v5  }
0x57: {  	v8 =	vmax.f32 v44, v45;
	v5 =	vmax.f32 v42, v43  }
0x58: {  	v5 =	vmax.f32 v5, v8;
	v48 =	vperm.xlane v4, v0  }
0x59: {  	v8 =	vperm.xlane v5, v0  }
0x5a: {  	v4 =	vadd.f32 v4, v48  }
0x5b: {  	v5 =	vmax.f32 v5, v8  }
0x5c: {  	v49 =	vperm.xlane v5, v1;
	v8 =	vperm.xlane v4, v1;
	_ =	sdelay $0x1  }
0x5d: {  	v5 =	vmax.f32 v5, v49;
	v4 =	vadd.f32 v4, v8  }
0x5e: {  	v8 =	vperm.xlane v5, v2  }
0x5f: {  	v50 =	vperm.xlane v4, v2  }
0x60: {  	v5 =	vmax.f32 v5, v8  }
0x61: {  	v8 =	vperm.xlane v5, v3;
	v4 =	vadd.f32 v4, v50;
	_ =	sdelay $0x1  }
0x62: {  	v38 =	vmax.f32 v5, v8;
	v9 =	vperm.xlane v4, v3  }
0x63: {  	v5 =	vsub.f32 v42, v38  }
0x64: {  	v8 =	vsub.f32 v43, v38;
	v4 =	vadd.f32 v4, v9  }
0x65: {  	v46 =	vmov v44;
	v5 =	vmul.f32 $1.442695020e+00, v5  }
0x66: {  	(erf) = vrcp.f32 v4;
	v4 =	vmul.f32 $1.442695020e+00, v8;
	v8 =	vsub.f32 v46, v38  }
0x67: {  	v47 =	vmov v45;
	(erf) = vpow2.f32 v5  }
0x68: {  	v5 =	vsub.f32 v47, v38;
	(erf) = vpow2.f32 v4;
	v4 =	vmul.f32 $1.442695020e+00, v8;
	_ =	sdelay $0x1  }
0x69: {  	(erf) = vpow2.f32 v4;
	v4 =	vmul.f32 $1.442695020e+00, v5;
	_ =	sdelay $0x1  }
0x6a: {  	(erf) = vpow2.f32 v4;
	_ =	sdelay $0x2  }
0x6b: {  	v31 =	vld [tilespmem:s11+$0xFFFFFEC0];
	v4 =	vpop (erf)  }
0x6c: {  	v51 =	vld [tilespmem:s11+$0xFFFFFED0];
	[tilespmem:$0x1FF00] =	vst v4;
	v4 =	vpop (erf)  }
0x6d: {  	v52 =	vld [tilespmem:s11+$0xFFFFFEF0];
	v5 =	vpop (erf)  }
0x6e: {  	[tilespmem:$0x1FE70] =	vst v35;
	v35 =	vld [tilespmem:s11+$0xFFFFFEE0];
	v4 =	vadd.f32 v5, v4  }
0x6f: {  	v5 =	vpop (erf)  }
0x70: {  	v4 =	vadd.f32 v4, v5  }
0x71: {  	v5 =	vpop (erf)  }
0x72: {  	v4 =	vadd.f32 v4, v5  }
0x73: {  	v8 =	vmax.f32 v35, v52;
	v5 =	vmax.f32 v31, v51  }
0x74: {  	v5 =	vmax.f32 v5, v8;
	v53 =	vperm.xlane v4, v0  }
0x75: {  	v8 =	vperm.xlane v5, v0  }
0x76: {  	v4 =	vadd.f32 v4, v53  }
0x77: {  	v5 =	vmax.f32 v5, v8  }
0x78: {  	v54 =	vperm.xlane v5, v1;
	v8 =	vperm.xlane v4, v1;
	_ =	sdelay $0x1  }
0x79: {  	v5 =	vmax.f32 v5, v54;
	v4 =	vadd.f32 v4, v8  }
0x7a: {  	v8 =	vperm.xlane v5, v2  }
0x7b: {  	v55 =	vperm.xlane v4, v2  }
0x7c: {  	v5 =	vmax.f32 v5, v8  }
0x7d: {  	v8 =	vperm.xlane v5, v3;
	v4 =	vadd.f32 v4, v55;
	_ =	sdelay $0x1  }
0x7e: {  	[tilespmem:$0x1FEA0] =	vst v43;
	v43 =	vmax.f32 v5, v8;
	v9 =	vperm.xlane v4, v3  }
0x7f: {  	v5 =	vsub.f32 v31, v43  }
0x80: {  	v8 =	vsub.f32 v51, v43;
	v4 =	vadd.f32 v4, v9  }
0x81: {  	v5 =	vmul.f32 $1.442695020e+00, v5  }
0x82: {  	(erf) = vrcp.f32 v4;
	v4 =	vmul.f32 $1.442695020e+00, v8;
	v8 =	vsub.f32 v35, v43  }
0x83: {  	(erf) = vpow2.f32 v5  }
0x84: {  	v5 =	vsub.f32 v52, v43;
	(erf) = vpow2.f32 v4;
	v4 =	vmul.f32 $1.442695020e+00, v8;
	_ =	sdelay $0x1  }
0x85: {  	(erf) = vpow2.f32 v4;
	v4 =	vmul.f32 $1.442695020e+00, v5;
	_ =	sdelay $0x1  }
0x86: {  	(erf) = vpow2.f32 v4;
	_ =	sdelay $0x1  }
0x87: {  	[tilespmem:$0x1FEB0] =	vst v44  }
0x88: {  	[tilespmem:$0x1FEC0] =	vst v45;
	v44 =	vld [tilespmem:s11+$0xFFFFFF00];
	v4 =	vpop (erf)  }
0x89: {  	v45 =	vld [tilespmem:s11+$0xFFFFFF20];
	[tilespmem:$0x1FF10] =	vst v4;
	v4 =	vpop (erf)  }
0x8a: {  	[tilespmem:$0x1FE90] =	vst v42;
	v42 =	vld [tilespmem:s11+$0xFFFFFF30];
	v5 =	vpop (erf)  }
0x8b: {  	v46 =	vld [tilespmem:s11+$0xFFFFFF10];
	v4 =	vadd.f32 v5, v4  }
0x8c: {  	v5 =	vpop (erf)  }
0x8d: {  	v4 =	vadd.f32 v4, v5  }
0x8e: {  	v5 =	vpop (erf)  }
0x8f: {  	v4 =	vadd.f32 v4, v5  }
0x90: {  	v8 =	vmax.f32 v45, v42;
	v5 =	vmax.f32 v44, v46  }
0x91: {  	v5 =	vmax.f32 v5, v8;
	v56 =	vperm.xlane v4, v0  }
0x92: {  	v8 =	vperm.xlane v5, v0  }
0x93: {  	v4 =	vadd.f32 v4, v56  }
0x94: {  	v5 =	vmax.f32 v5, v8  }
0x95: {  	v57 =	vperm.xlane v5, v1;
	v8 =	vperm.xlane v4, v1;
	_ =	sdelay $0x1  }
0x96: {  	v5 =	vmax.f32 v5, v57;
	v4 =	vadd.f32 v4, v8  }
0x97: {  	v8 =	vperm.xlane v5, v2  }
0x98: {  	v58 =	vperm.xlane v4, v2  }
0x99: {  	v5 =	vmax.f32 v5, v8  }
0x9a: {  	v8 =	vperm.xlane v5, v3;
	v4 =	vadd.f32 v4, v58;
	_ =	sdelay $0x1  }
0x9b: {  	v55 =	vmax.f32 v5, v8;
	v9 =	vperm.xlane v4, v3  }
0x9c: {  	v5 =	vsub.f32 v44, v55  }
0x9d: {  	v8 =	vsub.f32 v46, v55;
	v4 =	vadd.f32 v4, v9  }
0x9e: {  	v5 =	vmul.f32 $1.442695020e+00, v5  }
0x9f: {  	(erf) = vrcp.f32 v4;
	v4 =	vmul.f32 $1.442695020e+00, v8;
	v8 =	vsub.f32 v45, v55  }
0xa0: {  	(erf) = vpow2.f32 v5  }
0xa1: {  	v5 =	vsub.f32 v42, v55;
	(erf) = vpow2.f32 v4;
	v4 =	vmul.f32 $1.442695020e+00, v8;
	_ =	sdelay $0x1  }
0xa2: {  	(erf) = vpow2.f32 v4;
	v4 =	vmul.f32 $1.442695020e+00, v5;
	_ =	sdelay $0x1  }
0xa3: {  	(erf) = vpow2.f32 v4;
	_ =	sdelay $0x2  }
0xa4: {  	[tilespmem:$0x1FE80] =	vst v36;
	v36 =	vld [tilespmem:s11+$0xFFFFFF60];
	v4 =	vpop (erf)  }
0xa5: {  	v39 =	vld [tilespmem:s11+$0xFFFFFF50];
	[tilespmem:$0x1FF20] =	vst v4;
	v4 =	vpop (erf)  }
0xa6: {  	v40 =	vld [tilespmem:s11+$0xFFFFFF40];
	v5 =	vpop (erf)  }
0xa7: {  	v41 =	vld [tilespmem:s11+$0xFFFFFF70];
	v4 =	vadd.f32 v5, v4  }
0xa8: {  	v5 =	vpop (erf)  }
0xa9: {  	v4 =	vadd.f32 v4, v5  }
0xaa: {  	v5 =	vpop (erf)  }
0xab: {  	v4 =	vadd.f32 v4, v5  }
0xac: {  	v8 =	vmax.f32 v36, v41;
	v5 =	vmax.f32 v40, v39  }
0xad: {  	v5 =	vmax.f32 v5, v8;
	v59 =	vperm.xlane v4, v0  }
0xae: {  	v8 =	vperm.xlane v5, v0  }
0xaf: {  	v4 =	vadd.f32 v4, v59  }
0xb0: {  	v5 =	vmax.f32 v5, v8  }
0xb1: {  	v60 =	vperm.xlane v5, v1;
	v8 =	vperm.xlane v4, v1;
	_ =	sdelay $0x1  }
0xb2: {  	v5 =	vmax.f32 v5, v60;
	v4 =	vadd.f32 v4, v8  }
0xb3: {  	v8 =	vperm.xlane v5, v2  }
0xb4: {  	v61 =	vperm.xlane v4, v2  }
0xb5: {  	v5 =	vmax.f32 v5, v8  }
0xb6: {  	v8 =	vperm.xlane v5, v3;
	v4 =	vadd.f32 v4, v61;
	_ =	sdelay $0x1  }
0xb7: {  	v49 =	vmax.f32 v5, v8;
	v9 =	vperm.xlane v4, v3  }
0xb8: {  	v5 =	vsub.f32 v40, v49  }
0xb9: {  	v8 =	vsub.f32 v39, v49;
	v4 =	vadd.f32 v4, v9  }
0xba: {  	v5 =	vmul.f32 $1.442695020e+00, v5  }
0xbb: {  	(erf) = vrcp.f32 v4;
	v4 =	vmul.f32 $1.442695020e+00, v8;
	v8 =	vsub.f32 v36, v49  }
0xbc: {  	(erf) = vpow2.f32 v5  }
0xbd: {  	v5 =	vsub.f32 v41, v49;
	(erf) = vpow2.f32 v4;
	v4 =	vmul.f32 $1.442695020e+00, v8;
	_ =	sdelay $0x1  }
0xbe: {  	(erf) = vpow2.f32 v4;
	v4 =	vmul.f32 $1.442695020e+00, v5;
	_ =	sdelay $0x1  }
0xbf: {  	(erf) = vpow2.f32 v4;
	_ =	sdelay $0x2  }
0xc0: {  	v48 =	vld [tilespmem:s11+$0xFFFFFF80];
	v4 =	vpop (erf)  }
0xc1: {  	v50 =	vld [tilespmem:s11+$0xFFFFFF90];
	[tilespmem:$0x1FF30] =	vst v4;
	v4 =	vpop (erf)  }
0xc2: {  	v56 =	vld [tilespmem:s11+$0xFFFFFFA0];
	v5 =	vpop (erf)  }
0xc3: {  	v57 =	vld [tilespmem:s11+$0xFFFFFFB0];
	v4 =	vadd.f32 v5, v4  }
0xc4: {  	v5 =	vpop (erf)  }
0xc5: {  	v4 =	vadd.f32 v4, v5  }
0xc6: {  	v5 =	vpop (erf)  }
0xc7: {  	v4 =	vadd.f32 v4, v5  }
0xc8: {  	v8 =	vmax.f32 v56, v57;
	v5 =	vmax.f32 v48, v50  }
0xc9: {  	v5 =	vmax.f32 v5, v8;
	v62 =	vperm.xlane v4, v0  }
0xca: {  	v8 =	vperm.xlane v5, v0  }
0xcb: {  	v4 =	vadd.f32 v4, v62  }
0xcc: {  	v5 =	vmax.f32 v5, v8  }
0xcd: {  	v63 =	vperm.xlane v5, v1;
	v8 =	vperm.xlane v4, v1;
	_ =	sdelay $0x1  }
0xce: {  	v5 =	vmax.f32 v5, v63;
	v4 =	vadd.f32 v4, v8  }
0xcf: {  	v8 =	vperm.xlane v5, v2  }
0xd0: {  	[tilespmem:$0x1FE60] =	vst v12;
	v12 =	vperm.xlane v4, v2  }
0xd1: {  	v5 =	vmax.f32 v5, v8  }
0xd2: {  	v8 =	vperm.xlane v5, v3;
	v4 =	vadd.f32 v4, v12;
	_ =	sdelay $0x1  }
0xd3: {  	v8 =	vmax.f32 v5, v8;
	v9 =	vperm.xlane v4, v3  }
0xd4: {  	v5 =	vsub.f32 v48, v8  }
0xd5: {  	[tilespmem:$0x1FE50] =	vst v13;
	v13 =	vsub.f32 v50, v8;
	v4 =	vadd.f32 v4, v9  }
0xd6: {  	v5 =	vmul.f32 $1.442695020e+00, v5  }
0xd7: {  	v14 =	vsub.f32 v56, v8;
	(erf) = vrcp.f32 v4;
	v4 =	vmul.f32 $1.442695020e+00, v13  }
0xd8: {  	(erf) = vpow2.f32 v5  }
0xd9: {  	v5 =	vsub.f32 v57, v8;
	(erf) = vpow2.f32 v4;
	v4 =	vmul.f32 $1.442695020e+00, v14;
	_ =	sdelay $0x1  }
0xda: {  	(erf) = vpow2.f32 v4;
	v4 =	vmul.f32 $1.442695020e+00, v5;
	_ =	sdelay $0x1  }
0xdb: {  	(erf) = vpow2.f32 v4;
	_ =	sdelay $0x2  }
0xdc: {  	v47 =	vld [tilespmem:s11+$0xFFFFFFC0];
	v4 =	vpop (erf)  }
0xdd: {  	v53 =	vld [tilespmem:s11+$0xFFFFFFF0];
	[tilespmem:$0x1FF40] =	vst v4;
	v4 =	vpop (erf)  }
0xde: {  	[tilespmem:$0x1FED0] =	vst v51;
	v51 =	vld [tilespmem:s11+$0xFFFFFFD0];
	v5 =	vpop (erf)  }
0xdf: {  	[tilespmem:$0x1FEE0] =	vst v52;
	v52 =	vld [tilespmem:s11+$0xFFFFFFE0];
	v4 =	vadd.f32 v5, v4  }
0xe0: {  	v5 =	vpop (erf)  }
0xe1: {  	v4 =	vadd.f32 v4, v5  }
0xe2: {  	v5 =	vpop (erf)  }
0xe3: {  	v4 =	vadd.f32 v4, v5  }
0xe4: {  	v15 =	vmax.f32 v52, v53;
	v5 =	vmax.f32 v47, v51  }
0xe5: {  	v5 =	vmax.f32 v5, v15;
	v16 =	vperm.xlane v4, v0  }
0xe6: {  	v9 =	vperm.xlane v5, v0  }
0xe7: {  	v4 =	vadd.f32 v4, v16  }
0xe8: {  	v5 =	vmax.f32 v5, v9  }
0xe9: {  	v18 =	vperm.xlane v5, v1;
	v17 =	vperm.xlane v4, v1;
	_ =	sdelay $0x1  }
0xea: {  	v5 =	vmax.f32 v5, v18;
	v4 =	vadd.f32 v4, v17  }
0xeb: {  	v19 =	vperm.xlane v5, v2  }
0xec: {  	v20 =	vperm.xlane v4, v2  }
0xed: {  	v5 =	vmax.f32 v5, v19  }
0xee: {  	v9 =	vperm.xlane v5, v3;
	v4 =	vadd.f32 v4, v20;
	_ =	sdelay $0x1  }
0xef: {  	[tilespmem:$0x1FE20] =	vst v10;
	v62 =	vmax.f32 v5, v9;
	v10 =	vperm.xlane v4, v3  }
0xf0: {  	v5 =	vsub.f32 v47, v62  }
0xf1: {  	v9 =	vsub.f32 v51, v62;
	v4 =	vadd.f32 v4, v10  }
0xf2: {  	v5 =	vmul.f32 $1.442695020e+00, v5  }
0xf3: {  	v21 =	vsub.f32 v52, v62;
	(erf) = vrcp.f32 v4;
	v4 =	vmul.f32 $1.442695020e+00, v9  }
0xf4: {  	(erf) = vpow2.f32 v5  }
0xf5: {  	v5 =	vsub.f32 v53, v62;
	(erf) = vpow2.f32 v4;
	v4 =	vmul.f32 $1.442695020e+00, v21;
	_ =	sdelay $0x1  }
0xf6: {  	(erf) = vpow2.f32 v4;
	v4 =	vmul.f32 $1.442695020e+00, v5;
	_ =	sdelay $0x1  }
0xf7: {  	(erf) = vpow2.f32 v4;
	_ =	sdelay $0x2  }
0xf8: {  	v54 =	vld [tilespmem:s11+$0x10];
	v4 =	vpop (erf)  }
0xf9: {  	v60 =	vld [tilespmem:s11+$0x0];
	[tilespmem:$0x1FF50] =	vst v4;
	v4 =	vpop (erf)  }
0xfa: {  	v61 =	vld [tilespmem:s11+$0x20];
	v5 =	vpop (erf)  }
0xfb: {  	v63 =	vld [tilespmem:s11+$0x30];
	v4 =	vadd.f32 v5, v4  }
0xfc: {  	v5 =	vpop (erf)  }
0xfd: {  	v4 =	vadd.f32 v4, v5  }
0xfe: {  	v5 =	vpop (erf)  }
0xff: {  	v4 =	vadd.f32 v4, v5  }
0x100: {  	v23 =	vmax.f32 v61, v63;
	v5 =	vmax.f32 v60, v54  }
0x101: {  	v5 =	vmax.f32 v5, v23;
	v24 =	vperm.xlane v4, v0  }
0x102: {  	v9 =	vperm.xlane v5, v0  }
0x103: {  	v4 =	vadd.f32 v4, v24  }
0x104: {  	v5 =	vmax.f32 v5, v9  }
0x105: {  	v26 =	vperm.xlane v5, v1;
	v25 =	vperm.xlane v4, v1;
	_ =	sdelay $0x1  }
0x106: {  	v5 =	vmax.f32 v5, v26;
	v4 =	vadd.f32 v4, v25  }
0x107: {  	v32 =	vperm.xlane v5, v2  }
0x108: {  	v33 =	vperm.xlane v4, v2  }
0x109: {  	v5 =	vmax.f32 v5, v32  }
0x10a: {  	v9 =	vperm.xlane v5, v3;
	v4 =	vadd.f32 v4, v33;
	_ =	sdelay $0x1  }
0x10b: {  	v10 =	vmax.f32 v5, v9;
	v58 =	vperm.xlane v4, v3  }
0x10c: {  	v5 =	vsub.f32 v60, v10  }
0x10d: {  	v9 =	vsub.f32 v54, v10;
	v4 =	vadd.f32 v4, v58  }
0x10e: {  	v5 =	vmul.f32 $1.442695020e+00, v5  }
0x10f: {  	v59 =	vsub.f32 v61, v10;
	(erf) = vrcp.f32 v4;
	v4 =	vmul.f32 $1.442695020e+00, v9  }
0x110: {  	(erf) = vpow2.f32 v5  }
0x111: {  	v5 =	vsub.f32 v63, v10;
	(erf) = vpow2.f32 v4;
	v4 =	vmul.f32 $1.442695020e+00, v59;
	_ =	sdelay $0x1  }
0x112: {  	(erf) = vpow2.f32 v4;
	v4 =	vmul.f32 $1.442695020e+00, v5;
	_ =	sdelay $0x1  }
0x113: {  	(erf) = vpow2.f32 v4;
	_ =	sdelay $0x2  }
0x114: {  	v24 =	vld [tilespmem:s11+$0x70];
	v4 =	vpop (erf)  }
0x115: {  	v25 =	vld [tilespmem:s11+$0x60];
	[tilespmem:$0x1FF60] =	vst v4;
	v4 =	vpop (erf)  }
0x116: {  	v58 =	vld [tilespmem:s11+$0x40];
	v5 =	vpop (erf)  }
0x117: {  	v59 =	vld [tilespmem:s11+$0x50];
	v4 =	vadd.f32 v5, v4  }
0x118: {  	v5 =	vpop (erf)  }
0x119: {  	v4 =	vadd.f32 v4, v5  }
0x11a: {  	v5 =	vpop (erf)  }
0x11b: {  	v4 =	vadd.f32 v4, v5  }
0x11c: {  	v12 =	vmax.f32 v25, v24;
	v5 =	vmax.f32 v58, v59  }
0x11d: {  	v5 =	vmax.f32 v5, v12;
	v13 =	vperm.xlane v4, v0  }
0x11e: {  	v9 =	vperm.xlane v5, v0  }
0x11f: {  	v4 =	vadd.f32 v4, v13  }
0x120: {  	v5 =	vmax.f32 v5, v9  }
0x121: {  	v15 =	vperm.xlane v5, v1;
	v14 =	vperm.xlane v4, v1;
	_ =	sdelay $0x1  }
0x122: {  	v5 =	vmax.f32 v5, v15;
	v4 =	vadd.f32 v4, v14  }
0x123: {  	v16 =	vperm.xlane v5, v2  }
0x124: {  	v17 =	vperm.xlane v4, v2  }
0x125: {  	v5 =	vmax.f32 v5, v16  }
0x126: {  	v9 =	vperm.xlane v5, v3;
	v4 =	vadd.f32 v4, v17;
	_ =	sdelay $0x1  }
0x127: {  	v12 =	vmax.f32 v5, v9;
	v11 =	vperm.xlane v4, v3  }
0x128: {  	v5 =	vsub.f32 v58, v12  }
0x129: {  	v9 =	vsub.f32 v59, v12;
	v4 =	vadd.f32 v4, v11  }
0x12a: {  	v5 =	vmul.f32 $1.442695020e+00, v5  }
0x12b: {  	v18 =	vsub.f32 v25, v12;
	(erf) = vrcp.f32 v4;
	v4 =	vmul.f32 $1.442695020e+00, v9  }
0x12c: {  	(erf) = vpow2.f32 v5  }
0x12d: {  	v5 =	vsub.f32 v24, v12;
	(erf) = vpow2.f32 v4;
	v4 =	vmul.f32 $1.442695020e+00, v18;
	_ =	sdelay $0x1  }
0x12e: {  	(erf) = vpow2.f32 v4;
	v4 =	vmul.f32 $1.442695020e+00, v5;
	_ =	sdelay $0x1  }
0x12f: {  	(erf) = vpow2.f32 v4;
	_ =	sdelay $0x2  }
0x130: {  	v20 =	vld [tilespmem:s11+$0x90];
	v4 =	vpop (erf)  }
0x131: {  	v21 =	vld [tilespmem:s11+$0x80];
	[tilespmem:$0x1FF70] =	vst v4;
	v4 =	vpop (erf)  }
0x132: {  	v16 =	vld [tilespmem:s11+$0xB0];
	v5 =	vpop (erf)  }
0x133: {  	v18 =	vld [tilespmem:s11+$0xA0];
	v4 =	vadd.f32 v5, v4  }
0x134: {  	v5 =	vpop (erf)  }
0x135: {  	v4 =	vadd.f32 v4, v5  }
0x136: {  	v5 =	vpop (erf)  }
0x137: {  	v4 =	vadd.f32 v4, v5  }
0x138: {  	v19 =	vmax.f32 v18, v16;
	v5 =	vmax.f32 v21, v20  }
0x139: {  	v5 =	vmax.f32 v5, v19;
	v23 =	vperm.xlane v4, v0  }
0x13a: {  	v26 =	vperm.xlane v5, v0  }
0x13b: {  	v4 =	vadd.f32 v4, v23  }
0x13c: {  	v5 =	vmax.f32 v5, v26  }
0x13d: {  	v11 =	vperm.xlane v5, v1;
	v9 =	vperm.xlane v4, v1;
	_ =	sdelay $0x1  }
0x13e: {  	v5 =	vmax.f32 v5, v11;
	v4 =	vadd.f32 v4, v9  }
0x13f: {  	v32 =	vperm.xlane v5, v2  }
0x140: {  	v33 =	vperm.xlane v4, v2  }
0x141: {  	v5 =	vmax.f32 v5, v32  }
0x142: {  	v13 =	vadd.f32 v4, v33;
	v4 =	vperm.xlane v5, v3;
	_ =	sdelay $0x1  }
0x143: {  	v4 =	vmax.f32 v5, v4;
	v5 =	vperm.xlane v13, v3  }
0x144: {  	v14 =	vsub.f32 v21, v4  }
0x145: {  	v15 =	vsub.f32 v20, v4;
	v5 =	vadd.f32 v13, v5  }
0x146: {  	v11 =	vmul.f32 $1.442695020e+00, v14  }
0x147: {  	v17 =	vsub.f32 v18, v4;
	(erf) = vrcp.f32 v5;
	v5 =	vmul.f32 $1.442695020e+00, v15  }
0x148: {  	(erf) = vpow2.f32 v11  }
0x149: {  	v19 =	vsub.f32 v16, v4;
	(erf) = vpow2.f32 v5;
	v5 =	vmul.f32 $1.442695020e+00, v17;
	_ =	sdelay $0x1  }
0x14a: {  	(erf) = vpow2.f32 v5;
	v5 =	vmul.f32 $1.442695020e+00, v19;
	_ =	sdelay $0x1  }
0x14b: {  	(erf) = vpow2.f32 v5;
	_ =	sdelay $0x2  }
0x14c: {  	v27 =	vld [tilespmem:s11+$0xE0];
	v5 =	vpop (erf)  }
0x14d: {  	v15 =	vld [tilespmem:s11+$0xF0];
	[tilespmem:$0x1FF80] =	vst v5;
	v5 =	vpop (erf)  }
0x14e: {  	v17 =	vld [tilespmem:s11+$0xD0];
	v23 =	vpop (erf)  }
0x14f: {  	v19 =	vld [tilespmem:s11+$0xC0];
	v5 =	vadd.f32 v23, v5  }
0x150: {  	v32 =	vpop (erf)  }
0x151: {  	v5 =	vadd.f32 v5, v32  }
0x152: {  	v33 =	vpop (erf)  }
0x153: {  	v5 =	vadd.f32 v5, v33  }
0x154: {  	v14 =	vmax.f32 v27, v15;
	v13 =	vmax.f32 v19, v17  }
0x155: {  	v9 =	vmax.f32 v13, v14;
	v23 =	vperm.xlane v5, v0  }
0x156: {  	v26 =	vperm.xlane v9, v0  }
0x157: {  	v5 =	vadd.f32 v5, v23  }
0x158: {  	v9 =	vmax.f32 v9, v26  }
0x159: {  	v13 =	vperm.xlane v9, v1;
	v11 =	vperm.xlane v5, v1;
	_ =	sdelay $0x1  }
0x15a: {  	v9 =	vmax.f32 v9, v13;
	v5 =	vadd.f32 v5, v11  }
0x15b: {  	v32 =	vperm.xlane v9, v2  }
0x15c: {  	v33 =	vperm.xlane v5, v2  }
0x15d: {  	v9 =	vmax.f32 v9, v32  }
0x15e: {  	v23 =	vadd.f32 v5, v33;
	v5 =	vperm.xlane v9, v3;
	_ =	sdelay $0x1  }
0x15f: {  	v5 =	vmax.f32 v9, v5;
	v26 =	vperm.xlane v23, v3  }
0x160: {  	v32 =	vsub.f32 v19, v5  }
0x161: {  	v33 =	vsub.f32 v17, v5;
	v9 =	vadd.f32 v23, v26  }
0x162: {  	v13 =	vmul.f32 $1.442695020e+00, v32  }
0x163: {  	v26 =	vsub.f32 v27, v5;
	v23 =	vmul.f32 $1.442695020e+00, v33;
	(erf) = vrcp.f32 v9  }
0x164: {  	(erf) = vpow2.f32 v13  }
0x165: {  	v33 =	vsub.f32 v15, v5;
	v32 =	vmul.f32 $1.442695020e+00, v26;
	(erf) = vpow2.f32 v23;
	_ =	sdelay $0x1  }
0x166: {  	v13 =	vmul.f32 $1.442695020e+00, v33;
	(erf) = vpow2.f32 v32;
	_ =	sdelay $0x1  }
0x167: {  	(erf) = vpow2.f32 v13;
	_ =	sdelay $0x2  }
0x168: {  	v14 =	vpop (erf)  }
0x169: {  	v23 =	vpop (erf)  }
0x16a: {  	v26 =	vpop (erf)  }
0x16b: {  	v11 =	vld [tilespmem:s11+$0x120];
	v9 =	vadd.f32 v26, v23  }
0x16c: {  	v13 =	vld [tilespmem:s11+$0x110];
	v32 =	vpop (erf)  }
0x16d: {  	[tilespmem:$0x1FF90] =	vst v14;
	v14 =	vld [tilespmem:s11+$0x100];
	v23 =	vadd.f32 v9, v32  }
0x16e: {  	v26 =	vpop (erf);
	v9 =	vld [tilespmem:s11+$0x130]  }
0x16f: {  	v23 =	vadd.f32 v23, v26;
	_ =	sdelay $0x1  }
0x170: {  	v26 =	vperm.xlane v23, v0;
	_ =	sdelay $0x1  }
0x171: {  	v33 =	vmax.f32 v14, v13;
	v30 =	vmax.f32 v11, v9;
	v23 =	vadd.f32 v23, v26  }
0x172: {  	v26 =	vmax.f32 v33, v30;
	v33 =	vld [tilespmem:$0x1FE20]  }
0x173: {  	v30 =	vperm.xlane v23, v1;
	_ =	sdelay $0x1  }
0x174: {  	v23 =	vadd.f32 v23, v30;
	v30 =	vld [tilespmem:$0x1FE30];
	_ =	sdelay $0x1  }
0x175: {  	vm15 =	veq.f32 v33, v22;
	v33 =	vld [tilespmem:$0x1FE40]  }
0x176: {  	v32 =	vperm.xlane v26, v0;
	_ =	sdelay $0x1  }
0x177: {  	v26 =	vmax.f32 v26, v32;
	vm0 =	veq.f32 v30, v22;
	v30 =	vnsel vm15, $0x40, v37  }
0x178: {  	v32 =	vperm.xlane v26, v1;
	vm15 =	veq.f32 v34, v22;
	v30 =	vsel vm0, v6, v30  }
0x179: {  	vm0 =	veq.f32 v33, v22;
	v33 =	vsel vm15, v7, v30  }
0x17a: {  	v22 =	vmax.f32 v26, v32;
	v26 =	vsel vm0, v29, v33;
	v33 =	vld [tilespmem:$0x1FE60];
	_ =	sdelay $0x4  }
0x17b: {  	vm15 =	veq.f32 v33, v28;
	v33 =	vld [tilespmem:$0x1FE70];
	_ =	sdelay $0x3  }
0x17c: {  	v32 =	vld [tilespmem:$0x1FE50]  }
0x17d: {  	vm1 =	veq.f32 v33, v28;
	v33 =	vld [tilespmem:$0x1FE80];
	_ =	sdelay $0x1  }
0x17e: {  	v34 =	vperm.xlane v23, v2  }
0x17f: {  	vm13 =	vmmov vm6  }
0x180: {  	vm6 =	vmmov vm7;
	vm7 =	vmmov vm3;
	v23 =	vadd.f32 v23, v34  }
0x181: {  	v30 =	vperm.xlane v22, v2;
	vm0 =	veq.f32 v32, v28;
	vm3 =	veq.f32 v33, v28;
	v28 =	vld [tilespmem:$0x1FE90];
	_ =	sdelay $0x1  }
0x182: {  	v22 =	vmax.f32 v22, v30;
	v30 =	vperm.xlane v23, v3;
	v32 =	vperm.xlane v26, v0;
	v33 =	vld [tilespmem:$0x1FEA0]  }
0x183: {  	v34 =	vperm.xlane v22, v3  }
0x184: {  	vm9 =	vmmov vm2;
	v23 =	vadd.f32 v23, v30;
	vm2 =	vlt.s32 v26, v32  }
0x185: {  	v26 =	vsel vm2, v26, v32;
	vm2 =	veq.f32 v28, v38;
	v28 =	vmax.f32 v22, v34  }
0x186: {  	v34 =	vnsel vm3, $0x40, v37;
	v30 =	vsub.f32 v14, v28;
	v32 =	vsub.f32 v13, v28  }
0x187: {  	(erf) = vrcp.f32 v23;
	v22 =	vsel vm1, v6, v34;
	vm1 =	veq.f32 v33, v38;
	v33 =	vld [tilespmem:$0x1FEC0]  }
0x188: {  	v23 =	vmul.f32 $1.442695020e+00, v30;
	v30 =	vmul.f32 $1.442695020e+00, v32;
	v32 =	vld [tilespmem:$0x1FEB0];
	_ =	sdelay $0x1  }
0x189: {  	vm5 =	vmmov vm12;
	v22 =	vsel vm15, v7, v22  }
0x18a: {  	vm12 =	vmmov vm8;
	vm8 =	vmmov vm4;
	v22 =	vsel vm0, v29, v22  }
0x18b: {  	v34 =	vperm.xlane v22, v0;
	(erf) = vpow2.f32 v23;
	vm3 =	veq.f32 v33, v38  }
0x18c: {  	(erf) = vpow2.f32 v30;
	vm0 =	veq.f32 v32, v38;
	v38 =	vsub.f32 v11, v28  }
0x18d: {  	vm4 =	vlt.s32 v22, v34;
	v30 =	vnsel vm3, $0x40, v37;
	v32 =	vperm.xlane v26, v1  }
0x18e: {  	v33 =	vsub.f32 v9, v28;
	v30 =	vsel vm0, v6, v30;
	v23 =	vmul.f32 $1.442695020e+00, v38  }
0x18f: {  	v22 =	vsel vm4, v22, v34;
	vm15 =	vlt.s32 v26, v32;
	v34 =	vsel vm1, v7, v30  }
0x190: {  	v30 =	vmul.f32 $1.442695020e+00, v33;
	v26 =	vsel vm15, v26, v32;
	(erf) = vpow2.f32 v23  }
0x191: {  	v23 =	vsel vm2, v29, v34;
	v32 =	vperm.xlane v26, v2;
	v34 =	vperm.xlane v22, v1  }
0x192: {  	(erf) = vpow2.f32 v30;
	v30 =	vperm.xlane v23, v0  }
0x193: {  	v38 =	vld [tilespmem:$0x1FEE0];
	vm0 =	vlt.s32 v26, v32  }
0x194: {  	vm1 =	vlt.s32 v22, v34;
	v26 =	vsel vm0, v26, v32;
	vm0 =	vlt.s32 v23, v30  }
0x195: {  	v32 =	vsel vm1, v22, v34;
	v34 =	vsel vm0, v23, v30;
	v30 =	vld [tilespmem:$0x1FED0]  }
0x196: {  	v23 =	vperm.xlane v26, v3  }
0x197: {  	vm2 =	veq.f32 v35, v43;
	v35 =	vperm.xlane v32, v2  }
0x198: {  	v33 =	vpop (erf);
	vm3 =	veq.f32 v38, v43;
	v38 =	vperm.xlane v34, v1;
	vm4 =	vlt.s32 v26, v23  }
0x199: {  	[tilespmem:$0x1FFA0] =	vst v33;
	v33 =	vld [tilespmem:s11+$0x160];
	vm0 =	veq.f32 v31, v43;
	v31 =	vpop (erf);
	v23 =	vsel vm4, v26, v23;
	vm4 =	vlt.s32 v32, v35  }
0x19a: {  	v22 =	vld [tilespmem:s11+$0x140];
	v32 =	vsel vm4, v32, v35;
	vm4 =	vlt.s32 v34, v38;
	vm1 =	veq.f32 v30, v43;
	v43 =	vpop (erf)  }
0x19b: {  	v35 =	vnsel vm3, $0x40, v37;
	vm3 =	veq.f32 v46, v55;
	v30 =	vld [tilespmem:s11+$0x150];
	v26 =	vadd.f32 v43, v31  }
0x19c: {  	v34 =	vsel vm4, v34, v38;
	vm4 =	vmmov vm8;
	vm8 =	vmmov vm12;
	v31 =	vld [tilespmem:s11+$0x170];
	v43 =	vpop (erf)  }
0x19d: {  	vm12 =	vmmov vm5;
	v35 =	vsel vm2, v6, v35;
	v26 =	vadd.f32 v26, v43  }
0x19e: {  	vm2 =	veq.f32 v44, v55;
	v35 =	vsel vm1, v7, v35;
	vm1 =	veq.f32 v45, v55;
	v46 =	vpop (erf)  }
0x19f: {  	v35 =	vsel vm0, v29, v35;
	vm0 =	veq.f32 v42, v55;
	v26 =	vadd.f32 v26, v46  }
0x1a0: {  	v44 =	vperm.xlane v34, v2;
	v55 =	vmax.f32 v22, v30;
	v46 =	vnsel vm0, $0x40, v37  }
0x1a1: {  	v45 =	vmax.f32 v33, v31;
	v43 =	vsel vm1, v6, v46;
	v42 =	vperm.xlane v26, v0  }
0x1a2: {  	vm0 =	vlt.s32 v34, v44;
	v38 =	vmax.f32 v55, v45;
	v46 =	vsel vm3, v7, v43  }
0x1a3: {  	v43 =	vperm.xlane v35, v0;
	v55 =	vperm.xlane v38, v0;
	v26 =	vadd.f32 v26, v42  }
0x1a4: {  	v34 =	vsel vm0, v34, v44;
	vm3 =	vmmov vm7;
	v42 =	vsel vm2, v29, v46  }
0x1a5: {  	vm1 =	vlt.s32 v35, v43;
	v38 =	vmax.f32 v38, v55;
	v55 =	vperm.xlane v26, v1  }
0x1a6: {  	v45 =	vperm.xlane v42, v0;
	v35 =	vsel vm1, v35, v43;
	v43 =	vperm.xlane v38, v1  }
0x1a7: {  	vm7 =	vmmov vm6;
	v44 =	vadd.f32 v26, v55;
	v55 =	vperm.xlane v32, v3  }
0x1a8: {  	vm6 =	vmmov vm13;
	vm0 =	vlt.s32 v42, v45;
	v38 =	vmax.f32 v38, v43  }
0x1a9: {  	v42 =	vsel vm0, v42, v45;
	v46 =	vperm.xlane v38, v2;
	vm0 =	vlt.s32 v32, v55  }
0x1aa: {  	v43 =	vperm.xlane v34, v3;
	v45 =	vperm.xlane v44, v2;
	v26 =	vsel vm0, v32, v55  }
0x1ab: {  	v55 =	vperm.xlane v35, v1;
	v32 =	vperm.xlane v42, v1;
	v38 =	vmax.f32 v38, v46  }
0x1ac: {  	vm0 =	vlt.s32 v34, v43;
	v44 =	vadd.f32 v44, v45;
	v46 =	vperm.xlane v38, v3  }
0x1ad: {  	v45 =	vsel vm0, v34, v43;
	vm1 =	vlt.s32 v35, v55;
	vm2 =	vlt.s32 v42, v32  }
0x1ae: {  	vm0 =	veq.f32 v40, v49;
	v34 =	vsel vm1, v35, v55;
	v32 =	vsel vm2, v42, v32  }
0x1af: {  	v55 =	vperm.xlane v44, v3;
	v35 =	vmax.f32 v38, v46;
	vm1 =	veq.f32 v39, v49  }
0x1b0: {  	vm2 =	veq.f32 v41, v49;
	v38 =	vperm.xlane v34, v2;
	v46 =	vsub.f32 v22, v35  }
0x1b1: {  	v42 =	vnsel vm2, $0x40, v37;
	v40 =	vadd.f32 v44, v55;
	v55 =	vsub.f32 v30, v35  }
0x1b2: {  	vm2 =	veq.f32 v36, v49;
	v41 =	vperm.xlane v32, v2;
	v46 =	vmul.f32 $1.442695020e+00, v46  }
0x1b3: {  	(erf) = vrcp.f32 v40;
	v49 =	vmul.f32 $1.442695020e+00, v55;
	v55 =	vsub.f32 v33, v35  }
0x1b4: {  	v42 =	vsel vm2, v6, v42;
	vm2 =	veq.f32 v57, v8;
	(erf) = vpow2.f32 v46  }
0x1b5: {  	v46 =	vsub.f32 v31, v35;
	(erf) = vpow2.f32 v49;
	v36 =	vmul.f32 $1.442695020e+00, v55  }
0x1b6: {  	v49 =	vsel vm1, v7, v42;
	vm1 =	veq.f32 v56, v8;
	v55 =	vnsel vm2, $0x40, v37  }
0x1b7: {  	vm2 =	veq.f32 v53, v62;
	v56 =	vmul.f32 $1.442695020e+00, v46;
	v57 =	vsel vm0, v29, v49  }
0x1b8: {  	vm0 =	veq.f32 v50, v8;
	v49 =	vsel vm1, v6, v55;
	vm1 =	veq.f32 v48, v8  }
0x1b9: {  	(erf) = vpow2.f32 v36;
	v8 =	vsel vm0, v7, v49;
	vm0 =	vlt.s32 v34, v38  }
0x1ba: {  	v50 =	vperm.xlane v57, v0;
	(erf) = vpow2.f32 v56;
	v55 =	vsel vm1, v29, v8  }
0x1bb: {  	v34 =	vsel vm0, v34, v38;
	vm0 =	vlt.s32 v32, v41;
	v56 =	vperm.xlane v55, v0  }
0x1bc: {  	v40 =	vld [tilespmem:s11+$0x1A0];
	v44 =	vperm.xlane v34, v3;
	v32 =	vsel vm0, v32, v41;
	vm0 =	vlt.s32 v57, v50  }
0x1bd: {  	v36 =	vld [tilespmem:s11+$0x180];
	v46 =	vperm.xlane v32, v3;
	v48 =	vsel vm0, v57, v50;
	vm0 =	vlt.s32 v55, v56  }
0x1be: {  	v38 =	vld [tilespmem:s11+$0x190];
	vm1 =	vlt.s32 v34, v44;
	v49 =	vperm.xlane v48, v1;
	v8 =	vpop (erf);
	v42 =	vsel vm0, v55, v56  }
0x1bf: {  	v41 =	vld [tilespmem:s11+$0x1B0];
	vm0 =	vlt.s32 v32, v46;
	v39 =	vsel vm1, v34, v44;
	v57 =	vpop (erf);
	v43 =	vperm.xlane v42, v1  }
0x1c0: {  	vm1 =	veq.f32 v52, v62;
	v34 =	vsel vm0, v32, v46;
	vm0 =	vlt.s32 v48, v49;
	v55 =	vpop (erf)  }
0x1c1: {  	v44 =	vsel vm0, v48, v49;
	v56 =	vadd.f32 v55, v57;
	vm0 =	vlt.s32 v42, v43  }
0x1c2: {  	v46 =	vperm.xlane v44, v2;
	v55 =	vnsel vm2, $0x40, v37;
	vm2 =	veq.f32 v63, v10;
	v57 =	vpop (erf)  }
0x1c3: {  	v42 =	vsel vm0, v42, v43;
	vm0 =	veq.f32 v51, v62;
	v32 =	vadd.f32 v56, v57  }
0x1c4: {  	v43 =	vsel vm1, v6, v55;
	v51 =	vpop (erf);
	v56 =	vmax.f32 v36, v38;
	v57 =	vmax.f32 v40, v41  }
0x1c5: {  	vm1 =	veq.f32 v47, v62;
	v48 =	vmax.f32 v56, v57;
	v32 =	vadd.f32 v32, v51  }
0x1c6: {  	v43 =	vsel vm0, v7, v43;
	v55 =	vperm.xlane v42, v2;
	v53 =	vperm.xlane v48, v0  }
0x1c7: {  	vm0 =	vlt.s32 v44, v46;
	v43 =	vsel vm1, v29, v43;
	v52 =	vperm.xlane v32, v0  }
0x1c8: {  	v46 =	vsel vm0, v44, v46;
	v56 =	vperm.xlane v43, v0;
	v47 =	vmax.f32 v48, v53  }
0x1c9: {  	vm1 =	vlt.s32 v42, v55;
	v62 =	vperm.xlane v47, v1;
	v32 =	vadd.f32 v32, v52  }
0x1ca: {  	v42 =	vsel vm1, v42, v55;
	vm1 =	veq.f32 v61, v10;
	vm0 =	vlt.s32 v43, v56  }
0x1cb: {  	v48 =	vperm.xlane v42, v3;
	v53 =	vmax.f32 v47, v62;
	v57 =	vperm.xlane v32, v1  }
0x1cc: {  	v43 =	vsel vm0, v43, v56;
	v47 =	vperm.xlane v46, v3;
	v55 =	vperm.xlane v53, v2  }
0x1cd: {  	vm0 =	veq.f32 v60, v10;
	v61 =	vperm.xlane v43, v1;
	v32 =	vadd.f32 v32, v57  }
0x1ce: {  	v57 =	vnsel vm2, $0x40, v37;
	vm2 =	vlt.s32 v46, v47;
	v44 =	vmax.f32 v53, v55  }
0x1cf: {  	v60 =	vperm.xlane v44, v3;
	v50 =	vsel vm1, v6, v57;
	vm1 =	veq.f32 v54, v10  }
0x1d0: {  	v56 =	vperm.xlane v32, v2;
	v50 =	vsel vm1, v7, v50;
	vm1 =	vlt.s32 v42, v48  }
0x1d1: {  	v44 =	vmax.f32 v44, v60;
	v49 =	vsel vm0, v29, v50;
	vm0 =	vlt.s32 v43, v61  }
0x1d2: {  	v42 =	vsel vm1, v42, v48;
	vm1 =	veq.f32 v25, v12;
	v32 =	vadd.f32 v32, v56  }
0x1d3: {  	v63 =	vsub.f32 v36, v44;
	v56 =	vsub.f32 v38, v44;
	v57 =	vperm.xlane v49, v0  }
0x1d4: {  	v10 =	vsel vm0, v43, v61;
	v55 =	vsub.f32 v41, v44;
	v62 =	vperm.xlane v32, v3  }
0x1d5: {  	v60 =	vmul.f32 $1.442695020e+00, v63;
	v63 =	vperm.xlane v10, v2;
	vm0 =	vlt.s32 v49, v57  }
0x1d6: {  	v43 =	vsel vm2, v46, v47;
	v61 =	vmul.f32 $1.442695020e+00, v56;
	v56 =	vsel vm0, v49, v57  }
0x1d7: {  	v32 =	vadd.f32 v32, v62;
	v62 =	vsub.f32 v40, v44;
	vm0 =	vlt.s32 v10, v63  }
0x1d8: {  	vm2 =	veq.f32 v58, v12;
	v57 =	vmul.f32 $1.442695020e+00, v55;
	v47 =	vsel vm0, v10, v63  }
0x1d9: {  	vm0 =	veq.f32 v24, v12;
	(erf) = vrcp.f32 v32;
	v54 =	vmul.f32 $1.442695020e+00, v62  }
0x1da: {  	v24 =	vnsel vm0, $0x40, v37;
	vm0 =	veq.f32 v59, v12;
	(erf) = vpow2.f32 v60  }
0x1db: {  	v60 =	vperm.xlane v56, v1;
	v24 =	vsel vm1, v6, v24;
	(erf) = vpow2.f32 v61  }
0x1dc: {  	v12 =	vld [tilespmem:s11+$0x1C0];
	v61 =	vperm.xlane v47, v3;
	v62 =	vsel vm0, v7, v24;
	vm0 =	veq.f32 v16, v4  }
0x1dd: {  	v16 =	vld [tilespmem:s11+$0x1D0];
	(erf) = vpow2.f32 v54;
	vm1 =	vlt.s32 v56, v60;
	v52 =	vsel vm2, v29, v62  }
0x1de: {  	v54 =	vnsel vm0, $0x40, v37;
	vm2 =	veq.f32 v20, v4;
	v53 =	vperm.xlane v52, v0  }
0x1df: {  	(erf) = vpow2.f32 v57;
	v63 =	vsel vm1, v56, v60;
	vm1 =	veq.f32 v18, v4  }
0x1e0: {  	vm0 =	vlt.s32 v47, v61;
	v56 =	vsel vm1, v6, v54;
	vm1 =	vlt.s32 v52, v53  }
0x1e1: {  	v46 =	vperm.xlane v63, v2;
	v32 =	vsel vm1, v52, v53;
	vm1 =	veq.f32 v21, v4  }
0x1e2: {  	v4 =	vsel vm2, v7, v56;
	vm2 =	veq.f32 v27, v5;
	v27 =	vmax.f32 v12, v16;
	v10 =	vpop (erf)  }
0x1e3: {  	v59 =	vperm.xlane v32, v1;
	v48 =	vsel vm1, v29, v4;
	v4 =	vsel vm0, v47, v61;
	v55 =	vpop (erf)  }
0x1e4: {  	vm0 =	vlt.s32 v63, v46;
	vm1 =	veq.f32 v17, v5;
	v61 =	vperm.xlane v48, v0;
	v57 =	vpop (erf)  }
0x1e5: {  	v24 =	vsel vm0, v63, v46;
	vm0 =	vlt.s32 v32, v59;
	v18 =	vadd.f32 v57, v55  }
0x1e6: {  	v20 =	vld [tilespmem:s11+$0x1F0];
	v49 =	vperm.xlane v24, v3;
	v21 =	vsel vm0, v32, v59;
	vm0 =	vlt.s32 v48, v61;
	v58 =	vpop (erf)  }
0x1e7: {  	v25 =	vsel vm0, v48, v61;
	vm0 =	veq.f32 v15, v5;
	v60 =	vadd.f32 v18, v58;
	v18 =	vld [tilespmem:s11+$0x1E0]  }
0x1e8: {  	v53 =	vperm.xlane v21, v2;
	v51 =	vnsel vm0, $0x40, v37;
	vm0 =	vlt.s32 v24, v49  }
0x1e9: {  	v62 =	vpop (erf);
	v54 =	vperm.xlane v25, v1;
	v17 =	vsel vm2, v6, v51;
	vm2 =	veq.f32 v19, v5  }
0x1ea: {  	v24 =	vsel vm0, v24, v49;
	v17 =	vsel vm1, v7, v17;
	v63 =	vadd.f32 v60, v62  }
0x1eb: {  	vm1 =	vlt.s32 v21, v53;
	vm0 =	vlt.s32 v25, v54;
	v17 =	vsel vm2, v29, v17  }
0x1ec: {  	v21 =	vsel vm1, v21, v53;
	v50 =	vperm.xlane v63, v0;
	v52 =	vmax.f32 v18, v20  }
0x1ed: {  	v19 =	vsel vm0, v25, v54;
	vm0 =	veq.f32 v9, v28;
	v27 =	vmax.f32 v27, v52  }
0x1ee: {  	vm2 =	veq.f32 v14, v28;
	v15 =	vadd.f32 v63, v50;
	v46 =	vperm.xlane v27, v0  }
0x1ef: {  	v55 =	vperm.xlane v17, v0;
	v58 =	vperm.xlane v19, v2;
	v59 =	vnsel vm0, $0x40, v37  }
0x1f0: {  	v47 =	vperm.xlane v21, v3;
	v5 =	vperm.xlane v15, v1;
	v27 =	vmax.f32 v27, v46  }
0x1f1: {  	vm1 =	vlt.s32 v17, v55;
	vm0 =	vlt.s32 v19, v58;
	v56 =	vperm.xlane v27, v1  }
0x1f2: {  	v17 =	vsel vm1, v17, v55;
	vm1 =	veq.f32 v11, v28;
	v5 =	vadd.f32 v15, v5  }
0x1f3: {  	v9 =	vsel vm0, v19, v58;
	v11 =	vsel vm1, v6, v59;
	v15 =	vmax.f32 v27, v56  }
0x1f4: {  	vm1 =	veq.f32 v13, v28;
	v27 =	vperm.xlane v5, v2;
	v57 =	vperm.xlane v15, v2  }
0x1f5: {  	v58 =	vld [tilespmem:$0x1FFD0];
	v61 =	vperm.xlane v17, v1;
	v51 =	vperm.xlane v9, v3;
	v11 =	vsel vm1, v7, v11  }
0x1f6: {  	v59 =	vld [tilespmem:$0x1FFC0];
	vm1 =	veq.f32 v31, v35;
	v5 =	vadd.f32 v5, v27;
	v15 =	vmax.f32 v15, v57  }
0x1f7: {  	v11 =	vsel vm2, v29, v11;
	vm0 =	vlt.s32 v17, v61;
	v60 =	vperm.xlane v15, v3  }
0x1f8: {  	vm2 =	vlt.s32 v21, v47;
	v14 =	vsel vm0, v17, v61;
	v62 =	vperm.xlane v5, v3  }
0x1f9: {  	v63 =	vperm.xlane v11, v0;
	v48 =	vperm.xlane v14, v2;
	v13 =	vmax.f32 v15, v60  }
0x1fa: {  	vm13 =	vnez.u8 v58;
	v5 =	vadd.f32 v5, v62;
	v25 =	vsub.f32 v12, v13  }
0x1fb: {  	vm0 =	vlt.s32 v11, v63;
	vm5 =	vnez.u8 v59;
	v32 =	vsub.f32 v16, v13  }
0x1fc: {  	v46 =	vsub.f32 v18, v13;
	(erf) = vrcp.f32 v5;
	v5 =	vmul.f32 $1.442695020e+00, v25  }
0x1fd: {  	v11 =	vsel vm0, v11, v63;
	vm0 =	veq.f32 v33, v35;
	v17 =	vmul.f32 $1.442695020e+00, v32  }
0x1fe: {  	v49 =	vsub.f32 v20, v13;
	(erf) = vpow2.f32 v5;
	v5 =	vmul.f32 $1.442695020e+00, v46  }
0x1ff: {  	v50 =	vperm.xlane v11, v1;
	v15 =	vsel vm2, v21, v47;
	(erf) = vpow2.f32 v17  }
0x200: {  	v17 =	vmul.f32 $1.442695020e+00, v49;
	(erf) = vpow2.f32 v5;
	v5 =	vnsel vm1, $0x40, v37  }
0x201: {  	vm1 =	vlt.s32 v14, v48;
	v5 =	vsel vm0, v6, v5;
	vm0 =	veq.f32 v30, v35  }
0x202: {  	(erf) = vpow2.f32 v17;
	v5 =	vsel vm0, v7, v5;
	vm0 =	veq.f32 v22, v35  }
0x203: {  	v60 =	vld [tilespmem:$0x1FFB0];
	v14 =	vsel vm1, v14, v48;
	vm1 =	vlt.s32 v9, v51;
	v5 =	vsel vm0, v29, v5  }
0x204: {  	v19 =	vperm.xlane v14, v3;
	vm0 =	vlt.s32 v11, v50;
	v27 =	vperm.xlane v5, v0  }
0x205: {  	v9 =	vsel vm1, v9, v51;
	vm1 =	veq.f32 v41, v44;
	v11 =	vsel vm0, v11, v50  }
0x206: {  	vm0 =	vlt.s32 v14, v19;
	v25 =	vperm.xlane v11, v2;
	vm2 =	vlt.s32 v5, v27  }
0x207: {  	v56 =	vnsel vm1, $0x40, v37;
	v28 =	vpop (erf);
	v14 =	vsel vm0, v14, v19;
	v5 =	vsel vm2, v5, v27  }
0x208: {  	v57 =	vld [tilespmem:$0x1FFF0];
	v52 =	vpop (erf);
	vm2 =	vmmov vm9;
	vm0 =	vlt.s32 v11, v25;
	vm9 =	vnez.u8 v60  }
0x209: {  	v53 =	vpop (erf);
	v54 =	vperm.xlane v5, v1;
	v11 =	vsel vm0, v11, v25;
	vm0 =	veq.f32 v40, v44  }
0x20a: {  	v17 =	vadd.f32 v53, v52;
	v61 =	vsel vm0, v6, v56;
	vm0 =	veq.f32 v38, v44  }
0x20b: {  	v63 =	vld [tilespmem:$0x1FEF0];
	v55 =	vpop (erf);
	v53 =	vperm.xlane v11, v3;
	vm1 =	vlt.s32 v5, v54;
	v19 =	vsel vm0, v7, v61  }
0x20c: {  	v25 =	vld [tilespmem:$0x1FF00];
	vm0 =	veq.f32 v36, v44;
	v17 =	vadd.f32 v17, v55;
	v5 =	vsel vm1, v5, v54  }
0x20d: {  	v62 =	vpop (erf);
	vm1 =	vnez.u8 v57;
	v19 =	vsel vm0, v29, v19;
	vm0 =	veq.f32 v20, v13  }
0x20e: {  	v23 =	vsel vm1, v23, v26;
	v26 =	vld [tilespmem:$0x1FF10];
	v20 =	vnsel vm0, $0x40, v37;
	v17 =	vadd.f32 v17, v62  }
0x20f: {  	vm0 =	veq.f32 v18, v13;
	v55 =	vperm.xlane v5, v2;
	v23 =	vsel vm2, v23, v45  }
0x210: {  	v33 =	vld [tilespmem:$0x1FF20];
	v20 =	vsel vm0, v6, v20;
	vm0 =	veq.f32 v16, v13;
	v32 =	vperm.xlane v17, v0  }
0x211: {  	v36 =	vld [tilespmem:$0x1FF30];
	v21 =	vsel vm1, v63, v25;
	v23 =	vsel vm3, v23, v39;
	v20 =	vsel vm0, v7, v20  }
0x212: {  	v40 =	vld [tilespmem:$0x1FF40];
	vm0 =	veq.f32 v12, v13;
	v35 =	vsel vm4, v23, v34;
	v17 =	vadd.f32 v17, v32  }
0x213: {  	v44 =	vld [tilespmem:$0x1FF50];
	v39 =	vsel vm5, v35, v43;
	v43 =	vperm.xlane v19, v0;
	v21 =	vsel vm2, v21, v26  }
0x214: {  	v12 =	vsel vm6, v39, v42;
	v42 =	vlaneseq.u32;
	v38 =	vperm.xlane v17, v1  }
0x215: {  	v21 =	vsel vm3, v21, v33;
	v4 =	vsel vm7, v12, v4;
	v45 =	vsel vm0, v42, v20  }
0x216: {  	v47 =	vld [tilespmem:$0x1FF60];
	vm0 =	vlt.s32 v19, v43;
	v16 =	vsel vm4, v21, v36;
	v41 =	vadd.f32 v17, v38  }
0x217: {  	v48 =	vld [tilespmem:$0x1FF70];
	v18 =	vperm.xlane v45, v0;
	v4 =	vsel vm8, v4, v24;
	v13 =	vsel vm5, v16, v40  }
0x218: {  	v51 =	vld [tilespmem:$0x1FF80];
	v4 =	vsel vm9, v4, v15;
	v13 =	vsel vm6, v13, v44;
	v46 =	vperm.xlane v41, v2  }
0x219: {  	v17 =	vsel vm0, v19, v43;
	vm0 =	vlt.s32 v45, v18;
	v4 =	vsel vm10, v4, v9  }
0x21a: {  	v54 =	vld [tilespmem:$0x1FF90];
	v19 =	vperm.xlane v17, v1;
	v12 =	vsel vm0, v45, v18;
	v16 =	vadd.f32 v41, v46  }
0x21b: {  	v13 =	vsel vm7, v13, v47;
	v4 =	vsel vm11, v4, v14;
	v49 =	vperm.xlane v12, v1  }
0x21c: {  	v59 =	vld [tilespmem:$0x1FFA0];
	v13 =	vsel vm8, v13, v48;
	vm0 =	vlt.s32 v17, v19;
	v50 =	vperm.xlane v16, v3  }
0x21d: {  	v13 =	vsel vm9, v13, v51;
	v52 =	vsel vm0, v17, v19;
	vm0 =	vlt.s32 v12, v49  }
0x21e: {  	v12 =	vsel vm0, v12, v49;
	vm0 =	vlt.s32 v11, v53;
	v16 =	vadd.f32 v16, v50  }
0x21f: {  	v13 =	vsel vm10, v13, v54;
	v56 =	vperm.xlane v52, v2;
	v11 =	vsel vm0, v11, v53  }
0x220: {  	vm0 =	vlt.s32 v5, v55;
	v57 =	vperm.xlane v12, v2;
	(erf) = vrcp.f32 v16  }
0x221: {  	v13 =	vsel vm11, v13, v59;
	v5 =	vsel vm0, v5, v55;
	vm0 =	vlt.s32 v52, v56  }
0x222: {  	v63 =	vld [tilespmem:$0x1FFE0];
	v9 =	vsel vm0, v52, v56;
	v58 =	vperm.xlane v5, v3;
	vm0 =	vlt.s32 v12, v57  }
0x223: {  	v8 =	vsel vm12, v13, v8;
	v12 =	vsel vm0, v12, v57;
	v60 =	vperm.xlane v9, v3  }
0x224: {  	v4 =	vsel vm12, v4, v11;
	vm0 =	vlt.s32 v5, v58;
	v61 =	vperm.xlane v12, v3  }
0x225: {  	v8 =	vsel vm13, v8, v10;
	v5 =	vsel vm0, v5, v58;
	vm0 =	vlt.s32 v9, v60  }
0x226: {  	p0 =	sne.s32 s12, $0x3C0;
	v4 =	vsel vm13, v4, v5;
	v5 =	vsel vm0, v9, v60;
	vm0 =	vlt.s32 v12, v61  }
.Ltmp0:
0x227: {  	v62 =	vsel vm0, v12, v61;
	vm0 =	vnez.u8 v63;
	(pc) =	sbr.rel @p0 .LBB2_2-.Ltmp0, $4  }
0x228: {  	v4 =	vsel vm0, v4, v5  }
0x229: {  	s13 =	sshra.s32 s12, $0x2;
	v5 =	vsel vm0, v8, v28;
	v4 =	vsel vm14, v4, v62;
	v8 =	vpop (erf)  }
0x22a: {  	[tilespmem:s13+$0x4000] =	vst v4;
	v5 =	vsel vm14, v5, v8  }
0x22b: {  	s12 =	sadd.s32 $0x40, s12;
	s11 =	sadd.s32 $0x400, s11;
	[tilespmem:s13+$0x4100] =	vst v5  }
0x22c: {  	[hbm4b:s4+s2] =	stream.linear.scatter [tilespmem:s8], [sflag:$0x1], $0x100, $0x38;
	[tilespmem:$0x4200] =	vst v63  }
0x22d: {  	s10 =	sadd.s32 $0x1, s10;
	_ =	swait.ge [sflag:s7], $0x100  }
0x22e: {  	p0 =	sne.s32 s10, s6;
	[sflag:s7] =	ssyncset.done $0x0  }
.Ltmp1:
0x22f: {  	[sflag:s7] =	ssyncadd.s32 $0xFFFFFF00;
	(pc) =	sbr.rel @p0 .LBB2_1-.Ltmp1, $4  }
0x230: {  	[hbm4b:s5+s2] =	stream.linear.scatter [tilespmem:s9], [sflag:$0x1], $0x100, $0x38;
	[tilespmem:$0x4200] =	vst v63  }
0x231: {  	_ =	swait.ge [sflag:s7], $0x100  }
0x232: {  	[sflag:s7] =	ssyncset.done $0x0  }
0x233: {  	[sflag:s7] =	ssyncadd.s32 $0xFFFFFF00  }
0x234: {  	_ =	sfence.sel $0x180000  }
0x235: {  	[bflag:$0x0] =	sbarrier.arrive $0xFFFF  }
0x236: {  	p0 =	sne.s32 s1, $0x0;
	_ =	strace $0x90000047  }
0x237: {  	s0 =	sadd.s32 @!p0 $0x100000, s0;
	[bflag:$0x2] =	sbarrier.arrive $0xFFFF  }
0x238: {  	[sflag:s0] =	ssyncadd.tile.s32 @!p0 $0x1;
	_ =	shalt  }
.Lfunc_end2:
_tile_overlayer_lowered:
.L_overlay_start_2:
0x239: {  	(tag) =	ssettag $0x2  }
0x23a: {  	s0 =	rddreg [dreg:$0x0];
	s2 =	stileid.u32  }
0x23b: {  	s1 =	rddreg [dreg:$0x1];
	p0 =	sne.s32 s2, $0x0  }
0x23c: {  	s3 =	rddreg [dreg:$0x2];
	[bflag:$0x3] =	sbarrier.arrive $0xFFFF;
	s2 =	simm.s32 @!p0 $0x1C01  }
0x23d: {  	[timem:s3], [sflag:s2] =	dma.local @!p0 [hbm:s0], s1  }
0x23e: {  	s0 =	simm.s32 @!p0 $0x1  }
0x23f: {  	_ =	swait.ge @!p0 [sflag:s0], s1  }
0x240: {  	s1 =	ssub.s32 @!p0 $0x0, s1;
	[sflag:s0] =	ssyncset.done @!p0 $0x0  }
0x241: {  	[sflag:s0] =	ssyncadd.s32 @!p0 s1  }
0x242: {  	[bflag:$0x3] =	sbarrier.arrive $0xFFFF  }
0x243: {  	_ =	shalt  }

</sc_bundles>
